<compile_context>
chip_gen: v7x
topology: tpu7x:2x2x1
jax: 0.10.2.dev20260603
libtpu: 0.0.44.dev20260713+nightly
codegen_flags: <defaults>
</compile_context>

<pallas_src>
import functools

import jax
import jax.numpy as jnp
from jax import lax
from jax.experimental import pallas as pl
from jax.experimental.pallas import tpu as pltpu
from jax.experimental.pallas import tpu_sc as plsc

N = 10000
NP = 10240
HID = 128
E = 320000
CH = 128
PT0 = 80
PT1 = 80
PH = 16
TCH = 16 * (PT0 + PT1)
EPAD = TCH * CH
NTRASH = 240
RPS = NP // 16
BLK = 1024
F32 = jnp.float32
HIGH = lax.Precision.HIGHEST

@functools.cache
def _mesh():
    return plsc.VectorSubcoreMesh(core_axis_name="c", subcore_axis_name="s",
                                  num_cores=2, num_subcores=16)



def _edge_partition():
    cid = lax.axis_index("c")
    sid = lax.axis_index("s")
    ptc = jnp.where(cid == 0, PT0, PT1)
    nph = ptc // PH
    cbase = cid * (16 * PT0) + sid * ptc
    return cid, sid, cbase, nph


def _deg_body(dst_hbm, out_hbm, didx, ones, zb, dsh):
    cid, sid, cbase, nph = _edge_partition()

    def init_ones(i, c):
        ones[pl.ds(i * 16, 16)] = jnp.ones((16,), F32)
        return c

    lax.fori_loop(0, CH // 16, init_ones, 0)

    def init_zb(i, c):
        zb[pl.ds(i * 16, 16)] = jnp.zeros((16,), F32)
        return c

    lax.fori_loop(0, RPS // 16, init_zb, 0)
    pltpu.sync_copy(zb, dsh.at[pl.ds(sid * RPS, RPS)])
    plsc.subcore_barrier()

    def phase(p, c):
        pltpu.sync_copy(dst_hbm.at[pl.ds(cbase + p * PH, PH)], didx)

        def chunk(g, c2):
            pltpu.sync_copy(ones, dsh.at[didx.at[g]], add=True)
            return c2

        lax.fori_loop(0, PH, chunk, 0)
        return c

    lax.fori_loop(0, nph, phase, 0)
    plsc.subcore_barrier()
    pltpu.sync_copy(dsh.at[pl.ds(sid * RPS, RPS)],
                    out_hbm.at[pl.ds(cid * NP + sid * RPS, RPS)])


@functools.cache
def _deg_kernel():
    return pl.kernel(
        _deg_body,
        out_type=jax.ShapeDtypeStruct((2 * NP,), F32),
        mesh=_mesh(),
        scratch_types=[
            pltpu.VMEM((PH, CH), jnp.int32),
            pltpu.VMEM((CH,), F32),
            pltpu.VMEM((RPS,), F32),
            pltpu.VMEM_SHARED((NP,), F32),
        ],
    )


def _sc_degree(dstp):
    return _deg_kernel()(dstp)


def _scat_body(y_hbm, src_hbm, dst_hbm, out_hbm,
               sidx, didx, rows0, rows1, zsh, sem0, sem1):
    cid, sid, cbase, nph = _edge_partition()

    def zrow(i, c):
        rows0[i // 8, pl.ds((i % 8) * 16, 16)] = jnp.zeros((16,), F32)
        return c

    lax.fori_loop(0, CH * 8, zrow, 0)

    def zcopy(k, c):
        pltpu.sync_copy(rows0, zsh.at[pl.ds(sid * RPS + k * CH, CH)])
        return c

    lax.fori_loop(0, RPS // CH, zcopy, 0)
    plsc.subcore_barrier()

    npair = PH // 2

    def phase(p, c):
        pltpu.sync_copy(src_hbm.at[pl.ds(cbase + p * PH, PH)], sidx)
        pltpu.sync_copy(dst_hbm.at[pl.ds(cbase + p * PH, PH)], didx)
        pltpu.async_copy(y_hbm.at[sidx.at[0]], rows0, sem0)

        def pair(g2, c2):
            g0 = 2 * g2
            pltpu.async_copy(y_hbm.at[sidx.at[g0 + 1]], rows1, sem1)
            pltpu.make_async_copy(y_hbm.at[pl.ds(0, CH)], rows0, sem0).wait()
            pltpu.sync_copy(rows0, zsh.at[didx.at[g0]], add=True)

            @pl.when(g2 != npair - 1)
            def _():
                pltpu.async_copy(y_hbm.at[sidx.at[g0 + 2]], rows0, sem0)

            pltpu.make_async_copy(y_hbm.at[pl.ds(0, CH)], rows1, sem1).wait()
            pltpu.sync_copy(rows1, zsh.at[didx.at[g0 + 1]], add=True)
            return c2

        lax.fori_loop(0, npair, pair, 0)
        return c

    lax.fori_loop(0, nph, phase, 0)
    plsc.subcore_barrier()
    pltpu.sync_copy(zsh.at[pl.ds(sid * RPS, RPS)],
                    out_hbm.at[pl.ds(cid * NP + sid * RPS, RPS)])


@functools.cache
def _scat_kernel():
    return pl.kernel(
        _scat_body,
        out_type=jax.ShapeDtypeStruct((2 * NP, HID), F32),
        mesh=_mesh(),
        scratch_types=[
            pltpu.VMEM((PH, CH), jnp.int32),
            pltpu.VMEM((PH, CH), jnp.int32),
            pltpu.VMEM((CH, HID), F32),
            pltpu.VMEM((CH, HID), F32),
            pltpu.VMEM_SHARED((NP, HID), F32),
            pltpu.SemaphoreType.DMA,
            pltpu.SemaphoreType.DMA,
        ],
    )


def _sc_scatter(y, srcp, dstp):
    return _scat_kernel()(y, srcp, dstp)



def _prep_body(deg_ref, nt_ref, emb_ref, w_ref, y_ref, dinv_ref):
    deg = deg_ref[0, :] + deg_ref[1, :] + 1.0
    dinv = lax.rsqrt(deg)
    table = jnp.dot(emb_ref[...], w_ref[...])
    nt = nt_ref[...]
    oh = (nt[:, None] == lax.broadcasted_iota(jnp.int32, (BLK, 4), 1)).astype(F32)
    x = jnp.dot(oh, table, precision=HIGH)
    y_ref[...] = x * dinv[:, None]
    dinv_ref[...] = dinv


def _tc_prep(deg2, ntp, node_emb, w1):
    return pl.pallas_call(
        _prep_body,
        grid=(NP // BLK,),
        in_specs=[
            pl.BlockSpec((2, BLK), lambda i: (0, i)),
            pl.BlockSpec((BLK,), lambda i: (i,)),
            pl.BlockSpec((4, HID), lambda i: (0, 0)),
            pl.BlockSpec((HID, HID), lambda i: (0, 0)),
        ],
        out_specs=[
            pl.BlockSpec((BLK, HID), lambda i: (i, 0)),
            pl.BlockSpec((BLK,), lambda i: (i,)),
        ],
        out_shape=[
            jax.ShapeDtypeStruct((NP, HID), F32),
            jax.ShapeDtypeStruct((NP,), F32),
        ],
    )(deg2, ntp, node_emb, w1)


def _mid_body(z0_ref, z1_ref, y_ref, dinv_ref, b_ref, w_ref, yn_ref):
    dv = dinv_ref[...]
    x = jnp.maximum(
        dv[:, None] * (z0_ref[...] + z1_ref[...] + y_ref[...])
        + b_ref[...][None, :], 0.0)
    yn_ref[...] = jnp.dot(x, w_ref[...]) * dv[:, None]


def _tc_mid(z0, z1, y, dinv, b, w_next):
    return pl.pallas_call(
        _mid_body,
        grid=(NP // BLK,),
        in_specs=[
            pl.BlockSpec((BLK, HID), lambda i: (i, 0)),
            pl.BlockSpec((BLK, HID), lambda i: (i, 0)),
            pl.BlockSpec((BLK, HID), lambda i: (i, 0)),
            pl.BlockSpec((BLK,), lambda i: (i,)),
            pl.BlockSpec((HID,), lambda i: (0,)),
            pl.BlockSpec((HID, HID), lambda i: (0, 0)),
        ],
        out_specs=pl.BlockSpec((BLK, HID), lambda i: (i, 0)),
        out_shape=jax.ShapeDtypeStruct((NP, HID), F32),
    )(z0, z1, y, dinv, b, w_next)


def _head_body(z0s_ref, z1s_ref, ys_ref, dvs_ref,
               z0d_ref, z1d_ref, yd_ref, dvd_ref,
               b3_ref, wh1_ref, bh1_ref, wh2_ref, bh2_ref, out_ref):
    b3 = b3_ref[...][None, :]
    xs = jnp.maximum(
        dvs_ref[...][:, None] * (z0s_ref[...] + z1s_ref[...] + ys_ref[...]) + b3,
        0.0)
    xd = jnp.maximum(
        dvd_ref[...][:, None] * (z0d_ref[...] + z1d_ref[...] + yd_ref[...]) + b3,
        0.0)
    h = jnp.maximum(
        jnp.dot(xs, wh1_ref[0:HID, :])
        + jnp.dot(xd, wh1_ref[HID:2 * HID, :])
        + bh1_ref[...][None, :], 0.0)
    out_ref[...] = jnp.dot(h, wh2_ref[...]) + bh2_ref[...][None, :]


def _tc_head(bs, z0, z1, y, dinv, b3, wh1, bh1, wh2, bh2):
    return pl.pallas_call(
        _head_body,
        out_shape=jax.ShapeDtypeStruct((bs, 1), F32),
    )(z0[:bs], z1[:bs], y[:bs], dinv[:bs],
      z0[bs:2 * bs], z1[bs:2 * bs], y[bs:2 * bs], dinv[bs:2 * bs],
      b3, wh1, bh1, wh2, bh2)



def kernel(node_type, edge_type, edge_index, edge_label, node_emb, edge_emb,
           W1, b1, W2, b2, W3, b3, Wh1, bh1, Wh2, bh2):
    del edge_type, edge_emb
    src = edge_index[0].astype(jnp.int32)
    dst = edge_index[1].astype(jnp.int32)
    pad_src = jnp.arange(EPAD - E, dtype=jnp.int32) % N
    srcp = jnp.concatenate([src, pad_src]).reshape(TCH, CH)
    pad_dst = N + (jnp.arange(EPAD - E, dtype=jnp.int32) % NTRASH)
    dstp = jnp.concatenate([dst, pad_dst]).reshape(TCH, CH)
    ntp = jnp.pad(node_type.astype(jnp.int32), (0, NP - N))

    deg2 = _sc_degree(dstp).reshape(2, NP)
    y1, dinv = _tc_prep(deg2, ntp, node_emb, W1)

    z = _sc_scatter(y1, srcp, dstp)
    y2 = _tc_mid(z[:NP], z[NP:], y1, dinv, b1, W2)
    z = _sc_scatter(y2, srcp, dstp)
    y3 = _tc_mid(z[:NP], z[NP:], y2, dinv, b2, W3)
    z = _sc_scatter(y3, srcp, dstp)

    bs = edge_label.shape[0]
    pred = _tc_head(bs, z[:NP], z[NP:], y3, dinv, b3, Wh1, bh1, Wh2, bh2)
    return (pred, edge_label)

# --- scband reference (transcript-rebuilt; emitter-appended) ---
"""Pipeline reference for scband-graph-head-31997506355645 (READ-ONLY COPY).

The authoritative reference and input builder live on the scoring server;
editing this copy changes nothing except your own understanding.
"""

import jax, jax.numpy as jnp
import numpy as np

N_NODES = 10000
N_EDGES = 320000
HID = 128
B_LABEL = 4096


def setup_inputs(seed: int = 0) -> dict:
    key = jax.random.key(seed)
    ks = jax.random.split(key, 16)
    node_type = jax.random.randint(ks[0], (N_NODES,), 0, 4)
    edge_type = jax.random.randint(ks[1], (N_EDGES,), 0, 4)
    edge_index = jax.random.randint(ks[2], (2, N_EDGES), 0, N_NODES)
    edge_label = jax.random.uniform(ks[3], (B_LABEL,), dtype=jnp.float32)
    node_emb = jax.random.normal(ks[4], (4, HID), dtype=jnp.float32) * 0.02
    edge_emb = jax.random.normal(ks[5], (4, HID), dtype=jnp.float32) * 0.02
    W1 = jax.random.normal(ks[6], (HID, HID), dtype=jnp.float32) * (1.0 / np.sqrt(HID))
    b1 = jnp.zeros((HID,), dtype=jnp.float32)
    W2 = jax.random.normal(ks[7], (HID, HID), dtype=jnp.float32) * (1.0 / np.sqrt(HID))
    b2 = jnp.zeros((HID,), dtype=jnp.float32)
    W3 = jax.random.normal(ks[8], (HID, HID), dtype=jnp.float32) * (1.0 / np.sqrt(HID))
    b3 = jnp.zeros((HID,), dtype=jnp.float32)
    Wh1 = jax.random.normal(ks[9], (2 * HID, HID), dtype=jnp.float32) * (1.0 / np.sqrt(2 * HID))
    bh1 = jnp.zeros((HID,), dtype=jnp.float32)
    Wh2 = jax.random.normal(ks[10], (HID, 1), dtype=jnp.float32) * (1.0 / np.sqrt(HID))
    bh2 = jnp.zeros((1,), dtype=jnp.float32)
    return {"node_type": node_type, "edge_type": edge_type, "edge_index": edge_index,
            "edge_label": edge_label, "node_emb": node_emb, "edge_emb": edge_emb,
            "W1": W1, "b1": b1, "W2": W2, "b2": b2, "W3": W3, "b3": b3,
            "Wh1": Wh1, "bh1": bh1, "Wh2": Wh2, "bh2": bh2}


def gcn_conv(x, edge_index, W, b):
    # PyG GCNConv: add self-loops, symmetric normalization D^-1/2 A D^-1/2, then linear + bias.
    n = x.shape[0]
    loop = jnp.arange(n, dtype=edge_index.dtype)
    src = jnp.concatenate([edge_index[0], loop])
    dst = jnp.concatenate([edge_index[1], loop])
    deg = jnp.zeros((n,), dtype=x.dtype).at[dst].add(1.0)
    dinv = jnp.where(deg > 0, deg ** -0.5, 0.0)
    norm = dinv[src] * dinv[dst]
    xw = x @ W
    msg = jnp.take(xw, src, axis=0) * norm[:, None]
    out = jnp.zeros_like(xw).at[dst].add(msg)
    return out + b


def reference(node_type, edge_type, edge_index, edge_label, node_emb, edge_emb,
              W1, b1, W2, b2, W3, b3, Wh1, bh1, Wh2, bh2):
    x = jnp.take(node_emb, node_type, axis=0)
    xe = jnp.take(edge_emb, edge_type, axis=0)  # computed as in original forward; unused for model='gcn'
    for W, b in ((W1, b1), (W2, b2), (W3, b3)):
        x = gcn_conv(x, edge_index, W, b)
        x = jax.nn.relu(x)
    bs = edge_label.shape[0]
    src_emb = x[:bs, :]
    dst_emb = x[bs:2 * bs, :]
    graph_emb = jnp.concatenate([src_emb, dst_emb], axis=1)  # src_dst_agg='concat'
    h = jax.nn.relu(graph_emb @ Wh1 + bh1)
    pred = h @ Wh2 + bh2
    return (pred, edge_label)

if __name__ == "__main__":
    import jax
    _d = setup_inputs()
    print(jax.jit(kernel)(*tuple(_d.values())))

</pallas_src>

<mosaic_0001>
#map = affine_map<(d0, d1) -> (0, 0)>
#map1 = affine_map<(d0, d1) -> (0)>
module attributes {stable_mosaic.version = 14 : i64} {
  func.func @_deg_body(%arg0: i32, %arg1: i32, %arg2: memref<2560x128xi32, #tpu.memory_space<hbm>>, %arg3: memref<20480xf32, #tpu.memory_space<hbm>>, %arg4: memref<16x128xi32, #tpu.memory_space<vmem>>, %arg5: memref<128xf32, #tpu.memory_space<vmem>>, %arg6: memref<640xf32, #tpu.memory_space<vmem>>, %arg7: memref<10240xf32, #tpu.memory_space<vmem_shared>>) attributes {dimension_semantics = [#tpu.dimension_semantics<core_parallel>, #tpu.dimension_semantics<subcore_parallel>], iteration_bounds = array<i64: 2, 16>, scalar_prefetch = 0 : i64, scratch_operands = 4 : i64, tpu.core_type = #tpu.core_type<sc_vector_subcore>, window_params = [{transform_indices = #map}, {transform_indices = #map1}]} {
    %eq3A = arith.constant 0 : i32
    %eq3A_0 = arith.cmpi eq, %arg0, %eq3A : i32
    %jit3A = arith.constant 80 : i32
    %jit3A_1 = arith.constant 80 : i32
    %select_n3A = arith.select %eq3A_0, %jit3A, %jit3A_1 : i32
    %jit3A_2 = arith.constant 16 : i32
    %div3A = arith.divsi %select_n3A, %jit3A_2 : i32
    %sign3A = arith.constant 0 : i32
    %sign3A_3 = arith.cmpi sgt, %select_n3A, %sign3A : i32
    %sign3A_4 = arith.extui %sign3A_3 : i1 to i32
    %sign3A_5 = arith.constant 0 : i32
    %sign3A_6 = arith.cmpi slt, %select_n3A, %sign3A_5 : i32
    %sign3A_7 = arith.extui %sign3A_6 : i1 to i32
    %sign3A_8 = arith.subi %sign3A_4, %sign3A_7 : i32
    %sign3A_9 = arith.constant 0 : i32
    %sign3A_10 = arith.cmpi sgt, %jit3A_2, %sign3A_9 : i32
    %sign3A_11 = arith.extui %sign3A_10 : i1 to i32
    %sign3A_12 = arith.constant 0 : i32
    %sign3A_13 = arith.cmpi slt, %jit3A_2, %sign3A_12 : i32
    %sign3A_14 = arith.extui %sign3A_13 : i1 to i32
    %sign3A_15 = arith.subi %sign3A_11, %sign3A_14 : i32
    %ne3A = arith.cmpi ne, %sign3A_8, %sign3A_15 : i32
    %rem3A = arith.remsi %select_n3A, %jit3A_2 : i32
    %ne3A_16 = arith.constant 0 : i32
    %ne3A_17 = arith.cmpi ne, %rem3A, %ne3A_16 : i32
    %and3A = arith.andi %ne3A, %ne3A_17 : i1
    %sub3A = arith.constant 1 : i32
    %sub3A_18 = arith.subi %div3A, %sub3A : i32
    %select_n3A_19 = arith.select %and3A, %sub3A_18, %div3A : i32
    %mul3A = arith.constant 1280 : i32
    %mul3A_20 = arith.muli %arg0, %mul3A : i32
    %mul3A_21 = arith.muli %arg1, %select_n3A : i32
    %add3A = arith.addi %mul3A_20, %mul3A_21 : i32
    %scan3A = arith.constant 0 : i32
    %scan3A_22 = arith.constant 0 : i32
    %scan3A_23 = arith.constant 8 : i32
    %scan3A_24 = arith.addi %scan3A_22, %scan3A_23 : i32
    %scan3A_25 = arith.constant 1 : i32
    scf.for %scan3A_52 = %scan3A_22 to %scan3A_24 step %scan3A_25  : i32 {
      %broadcast_in_dim3A = arith.constant 1.000000e+00 : f32
      %broadcast_in_dim3A_53 = vector.broadcast %broadcast_in_dim3A : f32 to vector<16xf32>
      %mul3A_54 = arith.constant 16 : i32
      %mul3A_55 = arith.muli %scan3A_52, %mul3A_54 : i32
      %swap3A = arith.index_cast %mul3A_55 : i32 to index
      %swap3A_56 = tpu.vector_load %arg5[%swap3A] {strides = array<i32>} : memref<128xf32, #tpu.memory_space<vmem>>, vector<16xf32>,
      %swap3A_57 = vector.shape_cast %swap3A_56 : vector<16xf32> to vector<16xf32>
      %swap3A_58 = vector.shape_cast %broadcast_in_dim3A_53 : vector<16xf32> to vector<16xf32>
      tpu.vector_store %arg5[%swap3A], %swap3A_58 {strides = array<i32>} : memref<128xf32, #tpu.memory_space<vmem>>, vector<16xf32>,
    }
    %scan3A_26 = arith.constant 8 : i32
    %scan3A_27 = arith.constant 0 : i32
    %scan3A_28 = arith.constant 0 : i32
    %scan3A_29 = arith.constant 40 : i32
    %scan3A_30 = arith.addi %scan3A_28, %scan3A_29 : i32
    %scan3A_31 = arith.constant 1 : i32
    scf.for %scan3A_52 = %scan3A_28 to %scan3A_30 step %scan3A_31  : i32 {
      %broadcast_in_dim3A = arith.constant 0.000000e+00 : f32
      %broadcast_in_dim3A_53 = vector.broadcast %broadcast_in_dim3A : f32 to vector<16xf32>
      %mul3A_54 = arith.constant 16 : i32
      %mul3A_55 = arith.muli %scan3A_52, %mul3A_54 : i32
      %swap3A = arith.index_cast %mul3A_55 : i32 to index
      %swap3A_56 = tpu.vector_load %arg6[%swap3A] {strides = array<i32>} : memref<640xf32, #tpu.memory_space<vmem>>, vector<16xf32>,
      %swap3A_57 = vector.shape_cast %swap3A_56 : vector<16xf32> to vector<16xf32>
      %swap3A_58 = vector.shape_cast %broadcast_in_dim3A_53 : vector<16xf32> to vector<16xf32>
      tpu.vector_store %arg6[%swap3A], %swap3A_58 {strides = array<i32>} : memref<640xf32, #tpu.memory_space<vmem>>, vector<16xf32>,
    }
    %scan3A_32 = arith.constant 40 : i32
    %mul3A_33 = arith.constant 640 : i32
    %mul3A_34 = arith.muli %arg1, %mul3A_33 : i32
    "tpu.region"() ({
      %run_scoped3A = tpu.sem_alloc : memref<!tpu.dma_semaphore, #tpu.memory_space<semaphore_mem>>
      %dma_start3A = tpu.memref_slice %arg7[%mul3A_34] : memref<10240xf32, #tpu.memory_space<vmem_shared>> -> memref<640xf32, #tpu.memory_space<vmem_shared>>
      %dma_start3A_52 = tpu.memref_slice %arg7[%mul3A_34] : memref<10240xf32, #tpu.memory_space<vmem_shared>> -> memref<640xf32, #tpu.memory_space<vmem_shared>>
      tpu.enqueue_dma source(%arg6 : memref<640xf32, #tpu.memory_space<vmem>>) target(%dma_start3A_52 : memref<640xf32, #tpu.memory_space<vmem_shared>>) target_semaphore(%run_scoped3A : memref<!tpu.dma_semaphore, #tpu.memory_space<semaphore_mem>>)
      %dma_wait3A = tpu.memref_slice %arg7[%mul3A_34] : memref<10240xf32, #tpu.memory_space<vmem_shared>> -> memref<640xf32, #tpu.memory_space<vmem_shared>>
      %dma_wait3A_53 = tpu.memref_slice %arg7[%mul3A_34] : memref<10240xf32, #tpu.memory_space<vmem_shared>> -> memref<640xf32, #tpu.memory_space<vmem_shared>>
      tpu.wait_dma2 semaphore(%run_scoped3A : memref<!tpu.dma_semaphore, #tpu.memory_space<semaphore_mem>>) src(%arg6 : memref<640xf32, #tpu.memory_space<vmem>>) dst(%dma_wait3A_53 : memref<640xf32, #tpu.memory_space<vmem_shared>>)
      tpu.yield
    }) : () -> ()
    %barrier3A = arith.constant 0 : index
    tpu.barrier barrier_id(%barrier3A)
    %while3A = arith.constant 0 : i32
    %while3A_35 = arith.constant 0 : i32
    %while3A_36 = arith.subi %select_n3A_19, %while3A_35 : i32
    %while3A_37 = arith.addi %while3A_35, %while3A_36 : i32
    %while3A_38 = arith.constant 1 : i32
    %while3A_39 = arith.divsi %while3A_36, %while3A_38 : i32
    %while3A_40 = arith.muli %while3A_39, %while3A_38 : i32
    %while3A_41 = arith.addi %while3A_35, %while3A_40 : i32
    %while3A_42 = arith.constant 1 : i32
    scf.for %while3A_52 = %while3A_35 to %while3A_41 step %while3A_42  : i32 {
      %mul3A_53 = arith.constant 16 : i32
      %mul3A_54 = arith.muli %while3A_52, %mul3A_53 : i32
      %add3A_55 = arith.addi %add3A, %mul3A_54 : i32
      "tpu.region"() ({
        %run_scoped3A = tpu.sem_alloc : memref<!tpu.dma_semaphore, #tpu.memory_space<semaphore_mem>>
        %dma_start3A = arith.constant 0 : i32
        %dma_start3A_62 = tpu.memref_slice %arg2[%add3A_55, %dma_start3A] : memref<2560x128xi32, #tpu.memory_space<hbm>> -> memref<16x128xi32, #tpu.memory_space<hbm>>
        %dma_start3A_63 = arith.constant 0 : i32
        %dma_start3A_64 = tpu.memref_slice %arg2[%add3A_55, %dma_start3A_63] : memref<2560x128xi32, #tpu.memory_space<hbm>> -> memref<16x128xi32, #tpu.memory_space<hbm>>
        tpu.enqueue_dma source(%dma_start3A_64 : memref<16x128xi32, #tpu.memory_space<hbm>>) target(%arg4 : memref<16x128xi32, #tpu.memory_space<vmem>>) target_semaphore(%run_scoped3A : memref<!tpu.dma_semaphore, #tpu.memory_space<semaphore_mem>>)
        %dma_wait3A = arith.constant 0 : i32
        %dma_wait3A_65 = tpu.memref_slice %arg2[%add3A_55, %dma_wait3A] : memref<2560x128xi32, #tpu.memory_space<hbm>> -> memref<16x128xi32, #tpu.memory_space<hbm>>
        %dma_wait3A_66 = arith.constant 0 : i32
        %dma_wait3A_67 = tpu.memref_slice %arg2[%add3A_55, %dma_wait3A_66] : memref<2560x128xi32, #tpu.memory_space<hbm>> -> memref<16x128xi32, #tpu.memory_space<hbm>>
        tpu.wait_dma2 semaphore(%run_scoped3A : memref<!tpu.dma_semaphore, #tpu.memory_space<semaphore_mem>>) src(%dma_wait3A_67 : memref<16x128xi32, #tpu.memory_space<hbm>>) dst(%arg4 : memref<16x128xi32, #tpu.memory_space<vmem>>)
        tpu.yield
      }) : () -> ()
      %scan3A_56 = arith.constant 0 : i32
      %scan3A_57 = arith.constant 0 : i32
      %scan3A_58 = arith.constant 16 : i32
      %scan3A_59 = arith.addi %scan3A_57, %scan3A_58 : i32
      %scan3A_60 = arith.constant 1 : i32
      scf.for %scan3A_62 = %scan3A_57 to %scan3A_59 step %scan3A_60  : i32 {
        "tpu.region"() ({
          %run_scoped3A = tpu.sem_alloc : memref<!tpu.dma_semaphore, #tpu.memory_space<semaphore_mem>>
          %dma_start3A = arith.constant 0 : i32
          %dma_start3A_63 = tpu.memref_slice %arg4[%scan3A_62, %dma_start3A] : memref<16x128xi32, #tpu.memory_space<vmem>> -> memref<1x128xi32, #tpu.memory_space<vmem>>
          %dma_start3A_64 = tpu.memref_squeeze %dma_start3A_63 : memref<1x128xi32, #tpu.memory_space<vmem>> -> memref<128xi32, #tpu.memory_space<vmem>>
          %dma_start3A_65 = arith.constant 0 : i32
          %dma_start3A_66 = tpu.memref_slice %arg7[%dma_start3A_65] : memref<10240xf32, #tpu.memory_space<vmem_shared>> -> memref<10240xf32, #tpu.memory_space<vmem_shared>>
          tpu.enqueue_indirect_dma source(%arg5 : memref<128xf32, #tpu.memory_space<vmem>>) target(%dma_start3A_66 : memref<10240xf32, #tpu.memory_space<vmem_shared>>) offsets(%dma_start3A_64 : memref<128xi32, #tpu.memory_space<vmem>>) semaphore(%run_scoped3A : memref<!tpu.dma_semaphore, #tpu.memory_space<semaphore_mem>>) {add = true}
          %dma_wait3A = arith.constant 0 : i32
          %dma_wait3A_67 = tpu.memref_slice %arg4[%scan3A_62, %dma_wait3A] : memref<16x128xi32, #tpu.memory_space<vmem>> -> memref<1x128xi32, #tpu.memory_space<vmem>>
          %dma_wait3A_68 = tpu.memref_squeeze %dma_wait3A_67 : memref<1x128xi32, #tpu.memory_space<vmem>> -> memref<128xi32, #tpu.memory_space<vmem>>
          %dma_wait3A_69 = arith.constant 0 : i32
          %dma_wait3A_70 = tpu.memref_slice %arg7[%dma_wait3A_69] : memref<10240xf32, #tpu.memory_space<vmem_shared>> -> memref<10240xf32, #tpu.memory_space<vmem_shared>>
          tpu.wait_indirect_dma semaphore(%run_scoped3A : memref<!tpu.dma_semaphore, #tpu.memory_space<semaphore_mem>>) src(%arg5 : memref<128xf32, #tpu.memory_space<vmem>>) dst(%dma_wait3A_70 : memref<10240xf32, #tpu.memory_space<vmem_shared>>)
          tpu.yield
        }) : () -> ()
      }
      %scan3A_61 = arith.constant 16 : i32
    }
    %while3A_43 = arith.constant 1 : i32
    scf.for %while3A_52 = %while3A_41 to %while3A_37 step %while3A_43  : i32 {
      %mul3A_53 = arith.constant 16 : i32
      %mul3A_54 = arith.muli %while3A_52, %mul3A_53 : i32
      %add3A_55 = arith.addi %add3A, %mul3A_54 : i32
      "tpu.region"() ({
        %run_scoped3A = tpu.sem_alloc : memref<!tpu.dma_semaphore, #tpu.memory_space<semaphore_mem>>
        %dma_start3A = arith.constant 0 : i32
        %dma_start3A_62 = tpu.memref_slice %arg2[%add3A_55, %dma_start3A] : memref<2560x128xi32, #tpu.memory_space<hbm>> -> memref<16x128xi32, #tpu.memory_space<hbm>>
        %dma_start3A_63 = arith.constant 0 : i32
        %dma_start3A_64 = tpu.memref_slice %arg2[%add3A_55, %dma_start3A_63] : memref<2560x128xi32, #tpu.memory_space<hbm>> -> memref<16x128xi32, #tpu.memory_space<hbm>>
        tpu.enqueue_dma source(%dma_start3A_64 : memref<16x128xi32, #tpu.memory_space<hbm>>) target(%arg4 : memref<16x128xi32, #tpu.memory_space<vmem>>) target_semaphore(%run_scoped3A : memref<!tpu.dma_semaphore, #tpu.memory_space<semaphore_mem>>)
        %dma_wait3A = arith.constant 0 : i32
        %dma_wait3A_65 = tpu.memref_slice %arg2[%add3A_55, %dma_wait3A] : memref<2560x128xi32, #tpu.memory_space<hbm>> -> memref<16x128xi32, #tpu.memory_space<hbm>>
        %dma_wait3A_66 = arith.constant 0 : i32
        %dma_wait3A_67 = tpu.memref_slice %arg2[%add3A_55, %dma_wait3A_66] : memref<2560x128xi32, #tpu.memory_space<hbm>> -> memref<16x128xi32, #tpu.memory_space<hbm>>
        tpu.wait_dma2 semaphore(%run_scoped3A : memref<!tpu.dma_semaphore, #tpu.memory_space<semaphore_mem>>) src(%dma_wait3A_67 : memref<16x128xi32, #tpu.memory_space<hbm>>) dst(%arg4 : memref<16x128xi32, #tpu.memory_space<vmem>>)
        tpu.yield
      }) : () -> ()
      %scan3A_56 = arith.constant 0 : i32
      %scan3A_57 = arith.constant 0 : i32
      %scan3A_58 = arith.constant 16 : i32
      %scan3A_59 = arith.addi %scan3A_57, %scan3A_58 : i32
      %scan3A_60 = arith.constant 1 : i32
      scf.for %scan3A_62 = %scan3A_57 to %scan3A_59 step %scan3A_60  : i32 {
        "tpu.region"() ({
          %run_scoped3A = tpu.sem_alloc : memref<!tpu.dma_semaphore, #tpu.memory_space<semaphore_mem>>
          %dma_start3A = arith.constant 0 : i32
          %dma_start3A_63 = tpu.memref_slice %arg4[%scan3A_62, %dma_start3A] : memref<16x128xi32, #tpu.memory_space<vmem>> -> memref<1x128xi32, #tpu.memory_space<vmem>>
          %dma_start3A_64 = tpu.memref_squeeze %dma_start3A_63 : memref<1x128xi32, #tpu.memory_space<vmem>> -> memref<128xi32, #tpu.memory_space<vmem>>
          %dma_start3A_65 = arith.constant 0 : i32
          %dma_start3A_66 = tpu.memref_slice %arg7[%dma_start3A_65] : memref<10240xf32, #tpu.memory_space<vmem_shared>> -> memref<10240xf32, #tpu.memory_space<vmem_shared>>
          tpu.enqueue_indirect_dma source(%arg5 : memref<128xf32, #tpu.memory_space<vmem>>) target(%dma_start3A_66 : memref<10240xf32, #tpu.memory_space<vmem_shared>>) offsets(%dma_start3A_64 : memref<128xi32, #tpu.memory_space<vmem>>) semaphore(%run_scoped3A : memref<!tpu.dma_semaphore, #tpu.memory_space<semaphore_mem>>) {add = true}
          %dma_wait3A = arith.constant 0 : i32
          %dma_wait3A_67 = tpu.memref_slice %arg4[%scan3A_62, %dma_wait3A] : memref<16x128xi32, #tpu.memory_space<vmem>> -> memref<1x128xi32, #tpu.memory_space<vmem>>
          %dma_wait3A_68 = tpu.memref_squeeze %dma_wait3A_67 : memref<1x128xi32, #tpu.memory_space<vmem>> -> memref<128xi32, #tpu.memory_space<vmem>>
          %dma_wait3A_69 = arith.constant 0 : i32
          %dma_wait3A_70 = tpu.memref_slice %arg7[%dma_wait3A_69] : memref<10240xf32, #tpu.memory_space<vmem_shared>> -> memref<10240xf32, #tpu.memory_space<vmem_shared>>
          tpu.wait_indirect_dma semaphore(%run_scoped3A : memref<!tpu.dma_semaphore, #tpu.memory_space<semaphore_mem>>) src(%arg5 : memref<128xf32, #tpu.memory_space<vmem>>) dst(%dma_wait3A_70 : memref<10240xf32, #tpu.memory_space<vmem_shared>>)
          tpu.yield
        }) : () -> ()
      }
      %scan3A_61 = arith.constant 16 : i32
    }
    %barrier3A_44 = arith.constant 0 : index
    tpu.barrier barrier_id(%barrier3A_44)
    %mul3A_45 = arith.constant 640 : i32
    %mul3A_46 = arith.muli %arg1, %mul3A_45 : i32
    %mul3A_47 = arith.constant 10240 : i32
    %mul3A_48 = arith.muli %arg0, %mul3A_47 : i32
    %mul3A_49 = arith.constant 640 : i32
    %mul3A_50 = arith.muli %arg1, %mul3A_49 : i32
    %add3A_51 = arith.addi %mul3A_48, %mul3A_50 : i32
    "tpu.region"() ({
      %run_scoped3A = tpu.sem_alloc : memref<!tpu.dma_semaphore, #tpu.memory_space<semaphore_mem>>
      %dma_start3A = tpu.memref_slice %arg3[%add3A_51] : memref<20480xf32, #tpu.memory_space<hbm>> -> memref<640xf32, #tpu.memory_space<hbm>>
      %dma_start3A_52 = tpu.memref_slice %arg7[%mul3A_46] : memref<10240xf32, #tpu.memory_space<vmem_shared>> -> memref<640xf32, #tpu.memory_space<vmem_shared>>
      tpu.enqueue_dma source(%dma_start3A_52 : memref<640xf32, #tpu.memory_space<vmem_shared>>) target(%dma_start3A : memref<640xf32, #tpu.memory_space<hbm>>) target_semaphore(%run_scoped3A : memref<!tpu.dma_semaphore, #tpu.memory_space<semaphore_mem>>)
      %dma_wait3A = tpu.memref_slice %arg3[%add3A_51] : memref<20480xf32, #tpu.memory_space<hbm>> -> memref<640xf32, #tpu.memory_space<hbm>>
      %dma_wait3A_53 = tpu.memref_slice %arg7[%mul3A_46] : memref<10240xf32, #tpu.memory_space<vmem_shared>> -> memref<640xf32, #tpu.memory_space<vmem_shared>>
      tpu.wait_dma2 semaphore(%run_scoped3A : memref<!tpu.dma_semaphore, #tpu.memory_space<semaphore_mem>>) src(%dma_wait3A_53 : memref<640xf32, #tpu.memory_space<vmem_shared>>) dst(%dma_wait3A : memref<640xf32, #tpu.memory_space<hbm>>)
      tpu.yield
    }) : () -> ()
    return
  }
}

#map = affine_map<(d0, d1) -> (0, 0)>
module attributes {stable_mosaic.version = 14 : i64} {
  func.func @_scat_body(%arg0: i32, %arg1: i32, %arg2: memref<10240x128xf32, #tpu.memory_space<hbm>>, %arg3: memref<2560x128xi32, #tpu.memory_space<hbm>>, %arg4: memref<2560x128xi32, #tpu.memory_space<hbm>>, %arg5: memref<20480x128xf32, #tpu.memory_space<hbm>>, %arg6: memref<16x128xi32, #tpu.memory_space<vmem>>, %arg7: memref<16x128xi32, #tpu.memory_space<vmem>>, %arg8: memref<128x128xf32, #tpu.memory_space<vmem>>, %arg9: memref<128x128xf32, #tpu.memory_space<vmem>>, %arg10: memref<10240x128xf32, #tpu.memory_space<vmem_shared>>, %arg11: memref<!tpu.dma_semaphore, #tpu.memory_space<semaphore_mem>>, %arg12: memref<!tpu.dma_semaphore, #tpu.memory_space<semaphore_mem>>) attributes {dimension_semantics = [#tpu.dimension_semantics<core_parallel>, #tpu.dimension_semantics<subcore_parallel>], iteration_bounds = array<i64: 2, 16>, scalar_prefetch = 0 : i64, scratch_operands = 7 : i64, tpu.core_type = #tpu.core_type<sc_vector_subcore>, window_params = [{transform_indices = #map}, {transform_indices = #map}, {transform_indices = #map}, {transform_indices = #map}]} {
    %eq3A = arith.constant 0 : i32
    %eq3A_0 = arith.cmpi eq, %arg0, %eq3A : i32
    %jit3A = arith.constant 80 : i32
    %jit3A_1 = arith.constant 80 : i32
    %select_n3A = arith.select %eq3A_0, %jit3A, %jit3A_1 : i32
    %jit3A_2 = arith.constant 16 : i32
    %div3A = arith.divsi %select_n3A, %jit3A_2 : i32
    %sign3A = arith.constant 0 : i32
    %sign3A_3 = arith.cmpi sgt, %select_n3A, %sign3A : i32
    %sign3A_4 = arith.extui %sign3A_3 : i1 to i32
    %sign3A_5 = arith.constant 0 : i32
    %sign3A_6 = arith.cmpi slt, %select_n3A, %sign3A_5 : i32
    %sign3A_7 = arith.extui %sign3A_6 : i1 to i32
    %sign3A_8 = arith.subi %sign3A_4, %sign3A_7 : i32
    %sign3A_9 = arith.constant 0 : i32
    %sign3A_10 = arith.cmpi sgt, %jit3A_2, %sign3A_9 : i32
    %sign3A_11 = arith.extui %sign3A_10 : i1 to i32
    %sign3A_12 = arith.constant 0 : i32
    %sign3A_13 = arith.cmpi slt, %jit3A_2, %sign3A_12 : i32
    %sign3A_14 = arith.extui %sign3A_13 : i1 to i32
    %sign3A_15 = arith.subi %sign3A_11, %sign3A_14 : i32
    %ne3A = arith.cmpi ne, %sign3A_8, %sign3A_15 : i32
    %rem3A = arith.remsi %select_n3A, %jit3A_2 : i32
    %ne3A_16 = arith.constant 0 : i32
    %ne3A_17 = arith.cmpi ne, %rem3A, %ne3A_16 : i32
    %and3A = arith.andi %ne3A, %ne3A_17 : i1
    %sub3A = arith.constant 1 : i32
    %sub3A_18 = arith.subi %div3A, %sub3A : i32
    %select_n3A_19 = arith.select %and3A, %sub3A_18, %div3A : i32
    %mul3A = arith.constant 1280 : i32
    %mul3A_20 = arith.muli %arg0, %mul3A : i32
    %mul3A_21 = arith.muli %arg1, %select_n3A : i32
    %add3A = arith.addi %mul3A_20, %mul3A_21 : i32
    %scan3A = arith.constant 0 : i32
    %scan3A_22 = arith.constant 0 : i32
    %scan3A_23 = arith.constant 1024 : i32
    %scan3A_24 = arith.addi %scan3A_22, %scan3A_23 : i32
    %scan3A_25 = arith.constant 1 : i32
    scf.for %scan3A_50 = %scan3A_22 to %scan3A_24 step %scan3A_25  : i32 {
      %broadcast_in_dim3A = arith.constant 0.000000e+00 : f32
      %broadcast_in_dim3A_51 = vector.broadcast %broadcast_in_dim3A : f32 to vector<16xf32>
      %jit3A_52 = arith.constant 8 : i32
      %div3A_53 = arith.divsi %scan3A_50, %jit3A_52 : i32
      %sign3A_54 = arith.constant 0 : i32
      %sign3A_55 = arith.cmpi sgt, %scan3A_50, %sign3A_54 : i32
      %sign3A_56 = arith.extui %sign3A_55 : i1 to i32
      %sign3A_57 = arith.constant 0 : i32
      %sign3A_58 = arith.cmpi slt, %scan3A_50, %sign3A_57 : i32
      %sign3A_59 = arith.extui %sign3A_58 : i1 to i32
      %sign3A_60 = arith.subi %sign3A_56, %sign3A_59 : i32
      %sign3A_61 = arith.constant 0 : i32
      %sign3A_62 = arith.cmpi sgt, %jit3A_52, %sign3A_61 : i32
      %sign3A_63 = arith.extui %sign3A_62 : i1 to i32
      %sign3A_64 = arith.constant 0 : i32
      %sign3A_65 = arith.cmpi slt, %jit3A_52, %sign3A_64 : i32
      %sign3A_66 = arith.extui %sign3A_65 : i1 to i32
      %sign3A_67 = arith.subi %sign3A_63, %sign3A_66 : i32
      %ne3A_68 = arith.cmpi ne, %sign3A_60, %sign3A_67 : i32
      %rem3A_69 = arith.remsi %scan3A_50, %jit3A_52 : i32
      %ne3A_70 = arith.constant 0 : i32
      %ne3A_71 = arith.cmpi ne, %rem3A_69, %ne3A_70 : i32
      %and3A_72 = arith.andi %ne3A_68, %ne3A_71 : i1
      %sub3A_73 = arith.constant 1 : i32
      %sub3A_74 = arith.subi %div3A_53, %sub3A_73 : i32
      %select_n3A_75 = arith.select %and3A_72, %sub3A_74, %div3A_53 : i32
      %jit3A_76 = arith.constant 8 : i32
      %eq3A_77 = arith.constant 0 : i32
      %eq3A_78 = arith.cmpi eq, %jit3A_76, %eq3A_77 : i32
      %jit3A_79 = arith.constant 1 : i32
      %select_n3A_80 = arith.select %eq3A_78, %jit3A_79, %jit3A_76 : i32
      %rem3A_81 = arith.remsi %scan3A_50, %select_n3A_80 : i32
      %ne3A_82 = arith.constant 0 : i32
      %ne3A_83 = arith.cmpi ne, %rem3A_81, %ne3A_82 : i32
      %lt3A = arith.constant 0 : i32
      %lt3A_84 = arith.cmpi slt, %rem3A_81, %lt3A : i32
      %lt3A_85 = arith.constant 0 : i32
      %lt3A_86 = arith.cmpi slt, %select_n3A_80, %lt3A_85 : i32
      %ne3A_87 = arith.xori %lt3A_84, %lt3A_86 : i1
      %and3A_88 = arith.andi %ne3A_87, %ne3A_83 : i1
      %add3A_89 = arith.addi %rem3A_81, %select_n3A_80 : i32
      %select_n3A_90 = arith.select %and3A_88, %add3A_89, %rem3A_81 : i32
      %mul3A_91 = arith.constant 16 : i32
      %mul3A_92 = arith.muli %select_n3A_90, %mul3A_91 : i32
      %swap3A = arith.index_cast %select_n3A_75 : i32 to index
      %swap3A_93 = arith.index_cast %mul3A_92 : i32 to index
      %swap3A_94 = tpu.vector_load %arg8[%swap3A, %swap3A_93] {strides = array<i32>} : memref<128x128xf32, #tpu.memory_space<vmem>>, vector<1x16xf32>,
      %swap3A_95 = vector.shape_cast %swap3A_94 : vector<1x16xf32> to vector<16xf32>
      %swap3A_96 = vector.shape_cast %broadcast_in_dim3A_51 : vector<16xf32> to vector<1x16xf32>
      tpu.vector_store %arg8[%swap3A, %swap3A_93], %swap3A_96 {strides = array<i32>} : memref<128x128xf32, #tpu.memory_space<vmem>>, vector<1x16xf32>,
    }
    %scan3A_26 = arith.constant 1024 : i32
    %scan3A_27 = arith.constant 0 : i32
    %scan3A_28 = arith.constant 0 : i32
    %scan3A_29 = arith.constant 5 : i32
    %scan3A_30 = arith.addi %scan3A_28, %scan3A_29 : i32
    %scan3A_31 = arith.constant 1 : i32
    scf.for %scan3A_50 = %scan3A_28 to %scan3A_30 step %scan3A_31  : i32 {
      %mul3A_51 = arith.constant 640 : i32
      %mul3A_52 = arith.muli %arg1, %mul3A_51 : i32
      %mul3A_53 = arith.constant 128 : i32
      %mul3A_54 = arith.muli %scan3A_50, %mul3A_53 : i32
      %add3A_55 = arith.addi %mul3A_52, %mul3A_54 : i32
      "tpu.region"() ({
        %run_scoped3A = tpu.sem_alloc : memref<!tpu.dma_semaphore, #tpu.memory_space<semaphore_mem>>
        %dma_start3A = arith.constant 0 : i32
        %dma_start3A_56 = tpu.memref_slice %arg10[%add3A_55, %dma_start3A] : memref<10240x128xf32, #tpu.memory_space<vmem_shared>> -> memref<128x128xf32, #tpu.memory_space<vmem_shared>>
        %dma_start3A_57 = arith.constant 0 : i32
        %dma_start3A_58 = tpu.memref_slice %arg10[%add3A_55, %dma_start3A_57] : memref<10240x128xf32, #tpu.memory_space<vmem_shared>> -> memref<128x128xf32, #tpu.memory_space<vmem_shared>>
        tpu.enqueue_dma source(%arg8 : memref<128x128xf32, #tpu.memory_space<vmem>>) target(%dma_start3A_58 : memref<128x128xf32, #tpu.memory_space<vmem_shared>>) target_semaphore(%run_scoped3A : memref<!tpu.dma_semaphore, #tpu.memory_space<semaphore_mem>>)
        %dma_wait3A = arith.constant 0 : i32
        %dma_wait3A_59 = tpu.memref_slice %arg10[%add3A_55, %dma_wait3A] : memref<10240x128xf32, #tpu.memory_space<vmem_shared>> -> memref<128x128xf32, #tpu.memory_space<vmem_shared>>
        %dma_wait3A_60 = arith.constant 0 : i32
        %dma_wait3A_61 = tpu.memref_slice %arg10[%add3A_55, %dma_wait3A_60] : memref<10240x128xf32, #tpu.memory_space<vmem_shared>> -> memref<128x128xf32, #tpu.memory_space<vmem_shared>>
        tpu.wait_dma2 semaphore(%run_scoped3A : memref<!tpu.dma_semaphore, #tpu.memory_space<semaphore_mem>>) src(%arg8 : memref<128x128xf32, #tpu.memory_space<vmem>>) dst(%dma_wait3A_61 : memref<128x128xf32, #tpu.memory_space<vmem_shared>>)
        tpu.yield
      }) : () -> ()
    }
    %scan3A_32 = arith.constant 5 : i32
    %barrier3A = arith.constant 0 : index
    tpu.barrier barrier_id(%barrier3A)
    %while3A = arith.constant 0 : i32
    %while3A_33 = arith.constant 0 : i32
    %while3A_34 = arith.subi %select_n3A_19, %while3A_33 : i32
    %while3A_35 = arith.addi %while3A_33, %while3A_34 : i32
    %while3A_36 = arith.constant 1 : i32
    %while3A_37 = arith.divsi %while3A_34, %while3A_36 : i32
    %while3A_38 = arith.muli %while3A_37, %while3A_36 : i32
    %while3A_39 = arith.addi %while3A_33, %while3A_38 : i32
    %while3A_40 = arith.constant 1 : i32
    scf.for %while3A_50 = %while3A_33 to %while3A_39 step %while3A_40  : i32 {
      %mul3A_51 = arith.constant 16 : i32
      %mul3A_52 = arith.muli %while3A_50, %mul3A_51 : i32
      %add3A_53 = arith.addi %add3A, %mul3A_52 : i32
      "tpu.region"() ({
        %run_scoped3A = tpu.sem_alloc : memref<!tpu.dma_semaphore, #tpu.memory_space<semaphore_mem>>
        %dma_start3A_69 = arith.constant 0 : i32
        %dma_start3A_70 = tpu.memref_slice %arg3[%add3A_53, %dma_start3A_69] : memref<2560x128xi32, #tpu.memory_space<hbm>> -> memref<16x128xi32, #tpu.memory_space<hbm>>
        %dma_start3A_71 = arith.constant 0 : i32
        %dma_start3A_72 = tpu.memref_slice %arg3[%add3A_53, %dma_start3A_71] : memref<2560x128xi32, #tpu.memory_space<hbm>> -> memref<16x128xi32, #tpu.memory_space<hbm>>
        tpu.enqueue_dma source(%dma_start3A_72 : memref<16x128xi32, #tpu.memory_space<hbm>>) target(%arg6 : memref<16x128xi32, #tpu.memory_space<vmem>>) target_semaphore(%run_scoped3A : memref<!tpu.dma_semaphore, #tpu.memory_space<semaphore_mem>>)
        %dma_wait3A = arith.constant 0 : i32
        %dma_wait3A_73 = tpu.memref_slice %arg3[%add3A_53, %dma_wait3A] : memref<2560x128xi32, #tpu.memory_space<hbm>> -> memref<16x128xi32, #tpu.memory_space<hbm>>
        %dma_wait3A_74 = arith.constant 0 : i32
        %dma_wait3A_75 = tpu.memref_slice %arg3[%add3A_53, %dma_wait3A_74] : memref<2560x128xi32, #tpu.memory_space<hbm>> -> memref<16x128xi32, #tpu.memory_space<hbm>>
        tpu.wait_dma2 semaphore(%run_scoped3A : memref<!tpu.dma_semaphore, #tpu.memory_space<semaphore_mem>>) src(%dma_wait3A_75 : memref<16x128xi32, #tpu.memory_space<hbm>>) dst(%arg6 : memref<16x128xi32, #tpu.memory_space<vmem>>)
        tpu.yield
      }) : () -> ()
      %mul3A_54 = arith.constant 16 : i32
      %mul3A_55 = arith.muli %while3A_50, %mul3A_54 : i32
      %add3A_56 = arith.addi %add3A, %mul3A_55 : i32
      "tpu.region"() ({
        %run_scoped3A = tpu.sem_alloc : memref<!tpu.dma_semaphore, #tpu.memory_space<semaphore_mem>>
        %dma_start3A_69 = arith.constant 0 : i32
        %dma_start3A_70 = tpu.memref_slice %arg4[%add3A_56, %dma_start3A_69] : memref<2560x128xi32, #tpu.memory_space<hbm>> -> memref<16x128xi32, #tpu.memory_space<hbm>>
        %dma_start3A_71 = arith.constant 0 : i32
        %dma_start3A_72 = tpu.memref_slice %arg4[%add3A_56, %dma_start3A_71] : memref<2560x128xi32, #tpu.memory_space<hbm>> -> memref<16x128xi32, #tpu.memory_space<hbm>>
        tpu.enqueue_dma source(%dma_start3A_72 : memref<16x128xi32, #tpu.memory_space<hbm>>) target(%arg7 : memref<16x128xi32, #tpu.memory_space<vmem>>) target_semaphore(%run_scoped3A : memref<!tpu.dma_semaphore, #tpu.memory_space<semaphore_mem>>)
        %dma_wait3A = arith.constant 0 : i32
        %dma_wait3A_73 = tpu.memref_slice %arg4[%add3A_56, %dma_wait3A] : memref<2560x128xi32, #tpu.memory_space<hbm>> -> memref<16x128xi32, #tpu.memory_space<hbm>>
        %dma_wait3A_74 = arith.constant 0 : i32
        %dma_wait3A_75 = tpu.memref_slice %arg4[%add3A_56, %dma_wait3A_74] : memref<2560x128xi32, #tpu.memory_space<hbm>> -> memref<16x128xi32, #tpu.memory_space<hbm>>
        tpu.wait_dma2 semaphore(%run_scoped3A : memref<!tpu.dma_semaphore, #tpu.memory_space<semaphore_mem>>) src(%dma_wait3A_75 : memref<16x128xi32, #tpu.memory_space<hbm>>) dst(%arg7 : memref<16x128xi32, #tpu.memory_space<vmem>>)
        tpu.yield
      }) : () -> ()
      %dma_start3A = arith.constant 0 : i32
      %dma_start3A_57 = arith.constant 0 : i32
      %dma_start3A_58 = tpu.memref_slice %arg6[%dma_start3A, %dma_start3A_57] : memref<16x128xi32, #tpu.memory_space<vmem>> -> memref<1x128xi32, #tpu.memory_space<vmem>>
      %dma_start3A_59 = tpu.memref_squeeze %dma_start3A_58 : memref<1x128xi32, #tpu.memory_space<vmem>> -> memref<128xi32, #tpu.memory_space<vmem>>
      %dma_start3A_60 = arith.constant 0 : i32
      %dma_start3A_61 = arith.constant 0 : i32
      %dma_start3A_62 = tpu.memref_slice %arg2[%dma_start3A_60, %dma_start3A_61] : memref<10240x128xf32, #tpu.memory_space<hbm>> -> memref<10240x128xf32, #tpu.memory_space<hbm>>
      tpu.enqueue_indirect_dma source(%dma_start3A_62 : memref<10240x128xf32, #tpu.memory_space<hbm>>) target(%arg8 : memref<128x128xf32, #tpu.memory_space<vmem>>) offsets(%dma_start3A_59 : memref<128xi32, #tpu.memory_space<vmem>>) semaphore(%arg11 : memref<!tpu.dma_semaphore, #tpu.memory_space<semaphore_mem>>)
      %scan3A_63 = arith.constant 0 : i32
      %scan3A_64 = arith.constant 0 : i32
      %scan3A_65 = arith.constant 8 : i32
      %scan3A_66 = arith.addi %scan3A_64, %scan3A_65 : i32
      %scan3A_67 = arith.constant 1 : i32
      scf.for %scan3A_69 = %scan3A_64 to %scan3A_66 step %scan3A_67  : i32 {
        %mul3A_70 = arith.constant 2 : i32
        %mul3A_71 = arith.muli %mul3A_70, %scan3A_69 : i32
        %add3A_72 = arith.constant 1 : i32
        %add3A_73 = arith.addi %mul3A_71, %add3A_72 : i32
        %dma_start3A_74 = arith.constant 0 : i32
        %dma_start3A_75 = tpu.memref_slice %arg6[%add3A_73, %dma_start3A_74] : memref<16x128xi32, #tpu.memory_space<vmem>> -> memref<1x128xi32, #tpu.memory_space<vmem>>
        %dma_start3A_76 = tpu.memref_squeeze %dma_start3A_75 : memref<1x128xi32, #tpu.memory_space<vmem>> -> memref<128xi32, #tpu.memory_space<vmem>>
        %dma_start3A_77 = arith.constant 0 : i32
        %dma_start3A_78 = arith.constant 0 : i32
        %dma_start3A_79 = tpu.memref_slice %arg2[%dma_start3A_77, %dma_start3A_78] : memref<10240x128xf32, #tpu.memory_space<hbm>> -> memref<10240x128xf32, #tpu.memory_space<hbm>>
        tpu.enqueue_indirect_dma source(%dma_start3A_79 : memref<10240x128xf32, #tpu.memory_space<hbm>>) target(%arg9 : memref<128x128xf32, #tpu.memory_space<vmem>>) offsets(%dma_start3A_76 : memref<128xi32, #tpu.memory_space<vmem>>) semaphore(%arg12 : memref<!tpu.dma_semaphore, #tpu.memory_space<semaphore_mem>>)
        %dma_wait3A = arith.constant 0 : i32
        %dma_wait3A_80 = arith.constant 0 : i32
        %dma_wait3A_81 = tpu.memref_slice %arg2[%dma_wait3A, %dma_wait3A_80] : memref<10240x128xf32, #tpu.memory_space<hbm>> -> memref<128x128xf32, #tpu.memory_space<hbm>>
        %dma_wait3A_82 = arith.constant 0 : i32
        %dma_wait3A_83 = arith.constant 0 : i32
        %dma_wait3A_84 = tpu.memref_slice %arg2[%dma_wait3A_82, %dma_wait3A_83] : memref<10240x128xf32, #tpu.memory_space<hbm>> -> memref<128x128xf32, #tpu.memory_space<hbm>>
        tpu.wait_dma2 semaphore(%arg11 : memref<!tpu.dma_semaphore, #tpu.memory_space<semaphore_mem>>) src(%dma_wait3A_84 : memref<128x128xf32, #tpu.memory_space<hbm>>) dst(%arg8 : memref<128x128xf32, #tpu.memory_space<vmem>>)
        "tpu.region"() ({
          %run_scoped3A = tpu.sem_alloc : memref<!tpu.dma_semaphore, #tpu.memory_space<semaphore_mem>>
          %dma_start3A_96 = arith.constant 0 : i32
          %dma_start3A_97 = tpu.memref_slice %arg7[%mul3A_71, %dma_start3A_96] : memref<16x128xi32, #tpu.memory_space<vmem>> -> memref<1x128xi32, #tpu.memory_space<vmem>>
          %dma_start3A_98 = tpu.memref_squeeze %dma_start3A_97 : memref<1x128xi32, #tpu.memory_space<vmem>> -> memref<128xi32, #tpu.memory_space<vmem>>
          %dma_start3A_99 = arith.constant 0 : i32
          %dma_start3A_100 = arith.constant 0 : i32
          %dma_start3A_101 = tpu.memref_slice %arg10[%dma_start3A_99, %dma_start3A_100] : memref<10240x128xf32, #tpu.memory_space<vmem_shared>> -> memref<10240x128xf32, #tpu.memory_space<vmem_shared>>
          tpu.enqueue_indirect_dma source(%arg8 : memref<128x128xf32, #tpu.memory_space<vmem>>) target(%dma_start3A_101 : memref<10240x128xf32, #tpu.memory_space<vmem_shared>>) offsets(%dma_start3A_98 : memref<128xi32, #tpu.memory_space<vmem>>) semaphore(%run_scoped3A : memref<!tpu.dma_semaphore, #tpu.memory_space<semaphore_mem>>) {add = true}
          %dma_wait3A_102 = arith.constant 0 : i32
          %dma_wait3A_103 = tpu.memref_slice %arg7[%mul3A_71, %dma_wait3A_102] : memref<16x128xi32, #tpu.memory_space<vmem>> -> memref<1x128xi32, #tpu.memory_space<vmem>>
          %dma_wait3A_104 = tpu.memref_squeeze %dma_wait3A_103 : memref<1x128xi32, #tpu.memory_space<vmem>> -> memref<128xi32, #tpu.memory_space<vmem>>
          %dma_wait3A_105 = arith.constant 0 : i32
          %dma_wait3A_106 = arith.constant 0 : i32
          %dma_wait3A_107 = tpu.memref_slice %arg10[%dma_wait3A_105, %dma_wait3A_106] : memref<10240x128xf32, #tpu.memory_space<vmem_shared>> -> memref<10240x128xf32, #tpu.memory_space<vmem_shared>>
          tpu.wait_indirect_dma semaphore(%run_scoped3A : memref<!tpu.dma_semaphore, #tpu.memory_space<semaphore_mem>>) src(%arg8 : memref<128x128xf32, #tpu.memory_space<vmem>>) dst(%dma_wait3A_107 : memref<10240x128xf32, #tpu.memory_space<vmem_shared>>)
          tpu.yield
        }) : () -> ()
        %ne3A_85 = arith.constant 7 : i32
        %ne3A_86 = arith.cmpi ne, %scan3A_69, %ne3A_85 : i32
        %convert_element_type3A = arith.extui %ne3A_86 : i1 to i32
        %cond3A = arith.constant 0 : i32
        %cond3A_87 = arith.cmpi ne, %convert_element_type3A, %cond3A : i32
        scf.if %cond3A_87 {
          %add3A_96 = arith.constant 2 : i32
          %add3A_97 = arith.addi %mul3A_71, %add3A_96 : i32
          %dma_start3A_98 = arith.constant 0 : i32
          %dma_start3A_99 = tpu.memref_slice %arg6[%add3A_97, %dma_start3A_98] : memref<16x128xi32, #tpu.memory_space<vmem>> -> memref<1x128xi32, #tpu.memory_space<vmem>>
          %dma_start3A_100 = tpu.memref_squeeze %dma_start3A_99 : memref<1x128xi32, #tpu.memory_space<vmem>> -> memref<128xi32, #tpu.memory_space<vmem>>
          %dma_start3A_101 = arith.constant 0 : i32
          %dma_start3A_102 = arith.constant 0 : i32
          %dma_start3A_103 = tpu.memref_slice %arg2[%dma_start3A_101, %dma_start3A_102] : memref<10240x128xf32, #tpu.memory_space<hbm>> -> memref<10240x128xf32, #tpu.memory_space<hbm>>
          tpu.enqueue_indirect_dma source(%dma_start3A_103 : memref<10240x128xf32, #tpu.memory_space<hbm>>) target(%arg8 : memref<128x128xf32, #tpu.memory_space<vmem>>) offsets(%dma_start3A_100 : memref<128xi32, #tpu.memory_space<vmem>>) semaphore(%arg11 : memref<!tpu.dma_semaphore, #tpu.memory_space<semaphore_mem>>)
        } else {
        }
        %dma_wait3A_88 = arith.constant 0 : i32
        %dma_wait3A_89 = arith.constant 0 : i32
        %dma_wait3A_90 = tpu.memref_slice %arg2[%dma_wait3A_88, %dma_wait3A_89] : memref<10240x128xf32, #tpu.memory_space<hbm>> -> memref<128x128xf32, #tpu.memory_space<hbm>>
        %dma_wait3A_91 = arith.constant 0 : i32
        %dma_wait3A_92 = arith.constant 0 : i32
        %dma_wait3A_93 = tpu.memref_slice %arg2[%dma_wait3A_91, %dma_wait3A_92] : memref<10240x128xf32, #tpu.memory_space<hbm>> -> memref<128x128xf32, #tpu.memory_space<hbm>>
        tpu.wait_dma2 semaphore(%arg12 : memref<!tpu.dma_semaphore, #tpu.memory_space<semaphore_mem>>) src(%dma_wait3A_93 : memref<128x128xf32, #tpu.memory_space<hbm>>) dst(%arg9 : memref<128x128xf32, #tpu.memory_space<vmem>>)
        %add3A_94 = arith.constant 1 : i32
        %add3A_95 = arith.addi %mul3A_71, %add3A_94 : i32
        "tpu.region"() ({
          %run_scoped3A = tpu.sem_alloc : memref<!tpu.dma_semaphore, #tpu.memory_space<semaphore_mem>>
          %dma_start3A_96 = arith.constant 0 : i32
          %dma_start3A_97 = tpu.memref_slice %arg7[%add3A_95, %dma_start3A_96] : memref<16x128xi32, #tpu.memory_space<vmem>> -> memref<1x128xi32, #tpu.memory_space<vmem>>
          %dma_start3A_98 = tpu.memref_squeeze %dma_start3A_97 : memref<1x128xi32, #tpu.memory_space<vmem>> -> memref<128xi32, #tpu.memory_space<vmem>>
          %dma_start3A_99 = arith.constant 0 : i32
          %dma_start3A_100 = arith.constant 0 : i32
          %dma_start3A_101 = tpu.memref_slice %arg10[%dma_start3A_99, %dma_start3A_100] : memref<10240x128xf32, #tpu.memory_space<vmem_shared>> -> memref<10240x128xf32, #tpu.memory_space<vmem_shared>>
          tpu.enqueue_indirect_dma source(%arg9 : memref<128x128xf32, #tpu.memory_space<vmem>>) target(%dma_start3A_101 : memref<10240x128xf32, #tpu.memory_space<vmem_shared>>) offsets(%dma_start3A_98 : memref<128xi32, #tpu.memory_space<vmem>>) semaphore(%run_scoped3A : memref<!tpu.dma_semaphore, #tpu.memory_space<semaphore_mem>>) {add = true}
          %dma_wait3A_102 = arith.constant 0 : i32
          %dma_wait3A_103 = tpu.memref_slice %arg7[%add3A_95, %dma_wait3A_102] : memref<16x128xi32, #tpu.memory_space<vmem>> -> memref<1x128xi32, #tpu.memory_space<vmem>>
          %dma_wait3A_104 = tpu.memref_squeeze %dma_wait3A_103 : memref<1x128xi32, #tpu.memory_space<vmem>> -> memref<128xi32, #tpu.memory_space<vmem>>
          %dma_wait3A_105 = arith.constant 0 : i32
          %dma_wait3A_106 = arith.constant 0 : i32
          %dma_wait3A_107 = tpu.memref_slice %arg10[%dma_wait3A_105, %dma_wait3A_106] : memref<10240x128xf32, #tpu.memory_space<vmem_shared>> -> memref<10240x128xf32, #tpu.memory_space<vmem_shared>>
          tpu.wait_indirect_dma semaphore(%run_scoped3A : memref<!tpu.dma_semaphore, #tpu.memory_space<semaphore_mem>>) src(%arg9 : memref<128x128xf32, #tpu.memory_space<vmem>>) dst(%dma_wait3A_107 : memref<10240x128xf32, #tpu.memory_space<vmem_shared>>)
          tpu.yield
        }) : () -> ()
      }
      %scan3A_68 = arith.constant 8 : i32
    }
    %while3A_41 = arith.constant 1 : i32
    scf.for %while3A_50 = %while3A_39 to %while3A_35 step %while3A_41  : i32 {
      %mul3A_51 = arith.constant 16 : i32
      %mul3A_52 = arith.muli %while3A_50, %mul3A_51 : i32
      %add3A_53 = arith.addi %add3A, %mul3A_52 : i32
      "tpu.region"() ({
        %run_scoped3A = tpu.sem_alloc : memref<!tpu.dma_semaphore, #tpu.memory_space<semaphore_mem>>
        %dma_start3A_69 = arith.constant 0 : i32
        %dma_start3A_70 = tpu.memref_slice %arg3[%add3A_53, %dma_start3A_69] : memref<2560x128xi32, #tpu.memory_space<hbm>> -> memref<16x128xi32, #tpu.memory_space<hbm>>
        %dma_start3A_71 = arith.constant 0 : i32
        %dma_start3A_72 = tpu.memref_slice %arg3[%add3A_53, %dma_start3A_71] : memref<2560x128xi32, #tpu.memory_space<hbm>> -> memref<16x128xi32, #tpu.memory_space<hbm>>
        tpu.enqueue_dma source(%dma_start3A_72 : memref<16x128xi32, #tpu.memory_space<hbm>>) target(%arg6 : memref<16x128xi32, #tpu.memory_space<vmem>>) target_semaphore(%run_scoped3A : memref<!tpu.dma_semaphore, #tpu.memory_space<semaphore_mem>>)
        %dma_wait3A = arith.constant 0 : i32
        %dma_wait3A_73 = tpu.memref_slice %arg3[%add3A_53, %dma_wait3A] : memref<2560x128xi32, #tpu.memory_space<hbm>> -> memref<16x128xi32, #tpu.memory_space<hbm>>
        %dma_wait3A_74 = arith.constant 0 : i32
        %dma_wait3A_75 = tpu.memref_slice %arg3[%add3A_53, %dma_wait3A_74] : memref<2560x128xi32, #tpu.memory_space<hbm>> -> memref<16x128xi32, #tpu.memory_space<hbm>>
        tpu.wait_dma2 semaphore(%run_scoped3A : memref<!tpu.dma_semaphore, #tpu.memory_space<semaphore_mem>>) src(%dma_wait3A_75 : memref<16x128xi32, #tpu.memory_space<hbm>>) dst(%arg6 : memref<16x128xi32, #tpu.memory_space<vmem>>)
        tpu.yield
      }) : () -> ()
      %mul3A_54 = arith.constant 16 : i32
      %mul3A_55 = arith.muli %while3A_50, %mul3A_54 : i32
      %add3A_56 = arith.addi %add3A, %mul3A_55 : i32
      "tpu.region"() ({
        %run_scoped3A = tpu.sem_alloc : memref<!tpu.dma_semaphore, #tpu.memory_space<semaphore_mem>>
        %dma_start3A_69 = arith.constant 0 : i32
        %dma_start3A_70 = tpu.memref_slice %arg4[%add3A_56, %dma_start3A_69] : memref<2560x128xi32, #tpu.memory_space<hbm>> -> memref<16x128xi32, #tpu.memory_space<hbm>>
        %dma_start3A_71 = arith.constant 0 : i32
        %dma_start3A_72 = tpu.memref_slice %arg4[%add3A_56, %dma_start3A_71] : memref<2560x128xi32, #tpu.memory_space<hbm>> -> memref<16x128xi32, #tpu.memory_space<hbm>>
        tpu.enqueue_dma source(%dma_start3A_72 : memref<16x128xi32, #tpu.memory_space<hbm>>) target(%arg7 : memref<16x128xi32, #tpu.memory_space<vmem>>) target_semaphore(%run_scoped3A : memref<!tpu.dma_semaphore, #tpu.memory_space<semaphore_mem>>)
        %dma_wait3A = arith.constant 0 : i32
        %dma_wait3A_73 = tpu.memref_slice %arg4[%add3A_56, %dma_wait3A] : memref<2560x128xi32, #tpu.memory_space<hbm>> -> memref<16x128xi32, #tpu.memory_space<hbm>>
        %dma_wait3A_74 = arith.constant 0 : i32
        %dma_wait3A_75 = tpu.memref_slice %arg4[%add3A_56, %dma_wait3A_74] : memref<2560x128xi32, #tpu.memory_space<hbm>> -> memref<16x128xi32, #tpu.memory_space<hbm>>
        tpu.wait_dma2 semaphore(%run_scoped3A : memref<!tpu.dma_semaphore, #tpu.memory_space<semaphore_mem>>) src(%dma_wait3A_75 : memref<16x128xi32, #tpu.memory_space<hbm>>) dst(%arg7 : memref<16x128xi32, #tpu.memory_space<vmem>>)
        tpu.yield
      }) : () -> ()
      %dma_start3A = arith.constant 0 : i32
      %dma_start3A_57 = arith.constant 0 : i32
      %dma_start3A_58 = tpu.memref_slice %arg6[%dma_start3A, %dma_start3A_57] : memref<16x128xi32, #tpu.memory_space<vmem>> -> memref<1x128xi32, #tpu.memory_space<vmem>>
      %dma_start3A_59 = tpu.memref_squeeze %dma_start3A_58 : memref<1x128xi32, #tpu.memory_space<vmem>> -> memref<128xi32, #tpu.memory_space<vmem>>
      %dma_start3A_60 = arith.constant 0 : i32
      %dma_start3A_61 = arith.constant 0 : i32
      %dma_start3A_62 = tpu.memref_slice %arg2[%dma_start3A_60, %dma_start3A_61] : memref<10240x128xf32, #tpu.memory_space<hbm>> -> memref<10240x128xf32, #tpu.memory_space<hbm>>
      tpu.enqueue_indirect_dma source(%dma_start3A_62 : memref<10240x128xf32, #tpu.memory_space<hbm>>) target(%arg8 : memref<128x128xf32, #tpu.memory_space<vmem>>) offsets(%dma_start3A_59 : memref<128xi32, #tpu.memory_space<vmem>>) semaphore(%arg11 : memref<!tpu.dma_semaphore, #tpu.memory_space<semaphore_mem>>)
      %scan3A_63 = arith.constant 0 : i32
      %scan3A_64 = arith.constant 0 : i32
      %scan3A_65 = arith.constant 8 : i32
      %scan3A_66 = arith.addi %scan3A_64, %scan3A_65 : i32
      %scan3A_67 = arith.constant 1 : i32
      scf.for %scan3A_69 = %scan3A_64 to %scan3A_66 step %scan3A_67  : i32 {
        %mul3A_70 = arith.constant 2 : i32
        %mul3A_71 = arith.muli %mul3A_70, %scan3A_69 : i32
        %add3A_72 = arith.constant 1 : i32
        %add3A_73 = arith.addi %mul3A_71, %add3A_72 : i32
        %dma_start3A_74 = arith.constant 0 : i32
        %dma_start3A_75 = tpu.memref_slice %arg6[%add3A_73, %dma_start3A_74] : memref<16x128xi32, #tpu.memory_space<vmem>> -> memref<1x128xi32, #tpu.memory_space<vmem>>
        %dma_start3A_76 = tpu.memref_squeeze %dma_start3A_75 : memref<1x128xi32, #tpu.memory_space<vmem>> -> memref<128xi32, #tpu.memory_space<vmem>>
        %dma_start3A_77 = arith.constant 0 : i32
        %dma_start3A_78 = arith.constant 0 : i32
        %dma_start3A_79 = tpu.memref_slice %arg2[%dma_start3A_77, %dma_start3A_78] : memref<10240x128xf32, #tpu.memory_space<hbm>> -> memref<10240x128xf32, #tpu.memory_space<hbm>>
        tpu.enqueue_indirect_dma source(%dma_start3A_79 : memref<10240x128xf32, #tpu.memory_space<hbm>>) target(%arg9 : memref<128x128xf32, #tpu.memory_space<vmem>>) offsets(%dma_start3A_76 : memref<128xi32, #tpu.memory_space<vmem>>) semaphore(%arg12 : memref<!tpu.dma_semaphore, #tpu.memory_space<semaphore_mem>>)
        %dma_wait3A = arith.constant 0 : i32
        %dma_wait3A_80 = arith.constant 0 : i32
        %dma_wait3A_81 = tpu.memref_slice %arg2[%dma_wait3A, %dma_wait3A_80] : memref<10240x128xf32, #tpu.memory_space<hbm>> -> memref<128x128xf32, #tpu.memory_space<hbm>>
        %dma_wait3A_82 = arith.constant 0 : i32
        %dma_wait3A_83 = arith.constant 0 : i32
        %dma_wait3A_84 = tpu.memref_slice %arg2[%dma_wait3A_82, %dma_wait3A_83] : memref<10240x128xf32, #tpu.memory_space<hbm>> -> memref<128x128xf32, #tpu.memory_space<hbm>>
        tpu.wait_dma2 semaphore(%arg11 : memref<!tpu.dma_semaphore, #tpu.memory_space<semaphore_mem>>) src(%dma_wait3A_84 : memref<128x128xf32, #tpu.memory_space<hbm>>) dst(%arg8 : memref<128x128xf32, #tpu.memory_space<vmem>>)
        "tpu.region"() ({
          %run_scoped3A = tpu.sem_alloc : memref<!tpu.dma_semaphore, #tpu.memory_space<semaphore_mem>>
          %dma_start3A_96 = arith.constant 0 : i32
          %dma_start3A_97 = tpu.memref_slice %arg7[%mul3A_71, %dma_start3A_96] : memref<16x128xi32, #tpu.memory_space<vmem>> -> memref<1x128xi32, #tpu.memory_space<vmem>>
          %dma_start3A_98 = tpu.memref_squeeze %dma_start3A_97 : memref<1x128xi32, #tpu.memory_space<vmem>> -> memref<128xi32, #tpu.memory_space<vmem>>
          %dma_start3A_99 = arith.constant 0 : i32
          %dma_start3A_100 = arith.constant 0 : i32
          %dma_start3A_101 = tpu.memref_slice %arg10[%dma_start3A_99, %dma_start3A_100] : memref<10240x128xf32, #tpu.memory_space<vmem_shared>> -> memref<10240x128xf32, #tpu.memory_space<vmem_shared>>
          tpu.enqueue_indirect_dma source(%arg8 : memref<128x128xf32, #tpu.memory_space<vmem>>) target(%dma_start3A_101 : memref<10240x128xf32, #tpu.memory_space<vmem_shared>>) offsets(%dma_start3A_98 : memref<128xi32, #tpu.memory_space<vmem>>) semaphore(%run_scoped3A : memref<!tpu.dma_semaphore, #tpu.memory_space<semaphore_mem>>) {add = true}
          %dma_wait3A_102 = arith.constant 0 : i32
          %dma_wait3A_103 = tpu.memref_slice %arg7[%mul3A_71, %dma_wait3A_102] : memref<16x128xi32, #tpu.memory_space<vmem>> -> memref<1x128xi32, #tpu.memory_space<vmem>>
          %dma_wait3A_104 = tpu.memref_squeeze %dma_wait3A_103 : memref<1x128xi32, #tpu.memory_space<vmem>> -> memref<128xi32, #tpu.memory_space<vmem>>
          %dma_wait3A_105 = arith.constant 0 : i32
          %dma_wait3A_106 = arith.constant 0 : i32
          %dma_wait3A_107 = tpu.memref_slice %arg10[%dma_wait3A_105, %dma_wait3A_106] : memref<10240x128xf32, #tpu.memory_space<vmem_shared>> -> memref<10240x128xf32, #tpu.memory_space<vmem_shared>>
          tpu.wait_indirect_dma semaphore(%run_scoped3A : memref<!tpu.dma_semaphore, #tpu.memory_space<semaphore_mem>>) src(%arg8 : memref<128x128xf32, #tpu.memory_space<vmem>>) dst(%dma_wait3A_107 : memref<10240x128xf32, #tpu.memory_space<vmem_shared>>)
          tpu.yield
        }) : () -> ()
        %ne3A_85 = arith.constant 7 : i32
        %ne3A_86 = arith.cmpi ne, %scan3A_69, %ne3A_85 : i32
        %convert_element_type3A = arith.extui %ne3A_86 : i1 to i32
        %cond3A = arith.constant 0 : i32
        %cond3A_87 = arith.cmpi ne, %convert_element_type3A, %cond3A : i32
        scf.if %cond3A_87 {
          %add3A_96 = arith.constant 2 : i32
          %add3A_97 = arith.addi %mul3A_71, %add3A_96 : i32
          %dma_start3A_98 = arith.constant 0 : i32
          %dma_start3A_99 = tpu.memref_slice %arg6[%add3A_97, %dma_start3A_98] : memref<16x128xi32, #tpu.memory_space<vmem>> -> memref<1x128xi32, #tpu.memory_space<vmem>>
          %dma_start3A_100 = tpu.memref_squeeze %dma_start3A_99 : memref<1x128xi32, #tpu.memory_space<vmem>> -> memref<128xi32, #tpu.memory_space<vmem>>
          %dma_start3A_101 = arith.constant 0 : i32
          %dma_start3A_102 = arith.constant 0 : i32
          %dma_start3A_103 = tpu.memref_slice %arg2[%dma_start3A_101, %dma_start3A_102] : memref<10240x128xf32, #tpu.memory_space<hbm>> -> memref<10240x128xf32, #tpu.memory_space<hbm>>
          tpu.enqueue_indirect_dma source(%dma_start3A_103 : memref<10240x128xf32, #tpu.memory_space<hbm>>) target(%arg8 : memref<128x128xf32, #tpu.memory_space<vmem>>) offsets(%dma_start3A_100 : memref<128xi32, #tpu.memory_space<vmem>>) semaphore(%arg11 : memref<!tpu.dma_semaphore, #tpu.memory_space<semaphore_mem>>)
        } else {
        }
        %dma_wait3A_88 = arith.constant 0 : i32
        %dma_wait3A_89 = arith.constant 0 : i32
        %dma_wait3A_90 = tpu.memref_slice %arg2[%dma_wait3A_88, %dma_wait3A_89] : memref<10240x128xf32, #tpu.memory_space<hbm>> -> memref<128x128xf32, #tpu.memory_space<hbm>>
        %dma_wait3A_91 = arith.constant 0 : i32
        %dma_wait3A_92 = arith.constant 0 : i32
        %dma_wait3A_93 = tpu.memref_slice %arg2[%dma_wait3A_91, %dma_wait3A_92] : memref<10240x128xf32, #tpu.memory_space<hbm>> -> memref<128x128xf32, #tpu.memory_space<hbm>>
        tpu.wait_dma2 semaphore(%arg12 : memref<!tpu.dma_semaphore, #tpu.memory_space<semaphore_mem>>) src(%dma_wait3A_93 : memref<128x128xf32, #tpu.memory_space<hbm>>) dst(%arg9 : memref<128x128xf32, #tpu.memory_space<vmem>>)
        %add3A_94 = arith.constant 1 : i32
        %add3A_95 = arith.addi %mul3A_71, %add3A_94 : i32
        "tpu.region"() ({
          %run_scoped3A = tpu.sem_alloc : memref<!tpu.dma_semaphore, #tpu.memory_space<semaphore_mem>>
          %dma_start3A_96 = arith.constant 0 : i32
          %dma_start3A_97 = tpu.memref_slice %arg7[%add3A_95, %dma_start3A_96] : memref<16x128xi32, #tpu.memory_space<vmem>> -> memref<1x128xi32, #tpu.memory_space<vmem>>
          %dma_start3A_98 = tpu.memref_squeeze %dma_start3A_97 : memref<1x128xi32, #tpu.memory_space<vmem>> -> memref<128xi32, #tpu.memory_space<vmem>>
          %dma_start3A_99 = arith.constant 0 : i32
          %dma_start3A_100 = arith.constant 0 : i32
          %dma_start3A_101 = tpu.memref_slice %arg10[%dma_start3A_99, %dma_start3A_100] : memref<10240x128xf32, #tpu.memory_space<vmem_shared>> -> memref<10240x128xf32, #tpu.memory_space<vmem_shared>>
          tpu.enqueue_indirect_dma source(%arg9 : memref<128x128xf32, #tpu.memory_space<vmem>>) target(%dma_start3A_101 : memref<10240x128xf32, #tpu.memory_space<vmem_shared>>) offsets(%dma_start3A_98 : memref<128xi32, #tpu.memory_space<vmem>>) semaphore(%run_scoped3A : memref<!tpu.dma_semaphore, #tpu.memory_space<semaphore_mem>>) {add = true}
          %dma_wait3A_102 = arith.constant 0 : i32
          %dma_wait3A_103 = tpu.memref_slice %arg7[%add3A_95, %dma_wait3A_102] : memref<16x128xi32, #tpu.memory_space<vmem>> -> memref<1x128xi32, #tpu.memory_space<vmem>>
          %dma_wait3A_104 = tpu.memref_squeeze %dma_wait3A_103 : memref<1x128xi32, #tpu.memory_space<vmem>> -> memref<128xi32, #tpu.memory_space<vmem>>
          %dma_wait3A_105 = arith.constant 0 : i32
          %dma_wait3A_106 = arith.constant 0 : i32
          %dma_wait3A_107 = tpu.memref_slice %arg10[%dma_wait3A_105, %dma_wait3A_106] : memref<10240x128xf32, #tpu.memory_space<vmem_shared>> -> memref<10240x128xf32, #tpu.memory_space<vmem_shared>>
          tpu.wait_indirect_dma semaphore(%run_scoped3A : memref<!tpu.dma_semaphore, #tpu.memory_space<semaphore_mem>>) src(%arg9 : memref<128x128xf32, #tpu.memory_space<vmem>>) dst(%dma_wait3A_107 : memref<10240x128xf32, #tpu.memory_space<vmem_shared>>)
          tpu.yield
        }) : () -> ()
      }
      %scan3A_68 = arith.constant 8 : i32
    }
    %barrier3A_42 = arith.constant 0 : index
    tpu.barrier barrier_id(%barrier3A_42)
    %mul3A_43 = arith.constant 640 : i32
    %mul3A_44 = arith.muli %arg1, %mul3A_43 : i32
    %mul3A_45 = arith.constant 10240 : i32
    %mul3A_46 = arith.muli %arg0, %mul3A_45 : i32
    %mul3A_47 = arith.constant 640 : i32
    %mul3A_48 = arith.muli %arg1, %mul3A_47 : i32
    %add3A_49 = arith.addi %mul3A_46, %mul3A_48 : i32
    "tpu.region"() ({
      %run_scoped3A = tpu.sem_alloc : memref<!tpu.dma_semaphore, #tpu.memory_space<semaphore_mem>>
      %dma_start3A = arith.constant 0 : i32
      %dma_start3A_50 = tpu.memref_slice %arg5[%add3A_49, %dma_start3A] : memref<20480x128xf32, #tpu.memory_space<hbm>> -> memref<640x128xf32, #tpu.memory_space<hbm>>
      %dma_start3A_51 = arith.constant 0 : i32
      %dma_start3A_52 = tpu.memref_slice %arg10[%mul3A_44, %dma_start3A_51] : memref<10240x128xf32, #tpu.memory_space<vmem_shared>> -> memref<640x128xf32, #tpu.memory_space<vmem_shared>>
      tpu.enqueue_dma source(%dma_start3A_52 : memref<640x128xf32, #tpu.memory_space<vmem_shared>>) target(%dma_start3A_50 : memref<640x128xf32, #tpu.memory_space<hbm>>) target_semaphore(%run_scoped3A : memref<!tpu.dma_semaphore, #tpu.memory_space<semaphore_mem>>)
      %dma_wait3A = arith.constant 0 : i32
      %dma_wait3A_53 = tpu.memref_slice %arg5[%add3A_49, %dma_wait3A] : memref<20480x128xf32, #tpu.memory_space<hbm>> -> memref<640x128xf32, #tpu.memory_space<hbm>>
      %dma_wait3A_54 = arith.constant 0 : i32
      %dma_wait3A_55 = tpu.memref_slice %arg10[%mul3A_44, %dma_wait3A_54] : memref<10240x128xf32, #tpu.memory_space<vmem_shared>> -> memref<640x128xf32, #tpu.memory_space<vmem_shared>>
      tpu.wait_dma2 semaphore(%run_scoped3A : memref<!tpu.dma_semaphore, #tpu.memory_space<semaphore_mem>>) src(%dma_wait3A_55 : memref<640x128xf32, #tpu.memory_space<vmem_shared>>) dst(%dma_wait3A_53 : memref<640x128xf32, #tpu.memory_space<hbm>>)
      tpu.yield
    }) : () -> ()
    return
  }
}

#map = affine_map<(d0, d1) -> (0, 0)>
module attributes {stable_mosaic.version = 14 : i64} {
  func.func @_scat_body(%arg0: i32, %arg1: i32, %arg2: memref<10240x128xf32, #tpu.memory_space<hbm>>, %arg3: memref<2560x128xi32, #tpu.memory_space<hbm>>, %arg4: memref<2560x128xi32, #tpu.memory_space<hbm>>, %arg5: memref<20480x128xf32, #tpu.memory_space<hbm>>, %arg6: memref<16x128xi32, #tpu.memory_space<vmem>>, %arg7: memref<16x128xi32, #tpu.memory_space<vmem>>, %arg8: memref<128x128xf32, #tpu.memory_space<vmem>>, %arg9: memref<128x128xf32, #tpu.memory_space<vmem>>, %arg10: memref<10240x128xf32, #tpu.memory_space<vmem_shared>>, %arg11: memref<!tpu.dma_semaphore, #tpu.memory_space<semaphore_mem>>, %arg12: memref<!tpu.dma_semaphore, #tpu.memory_space<semaphore_mem>>) attributes {dimension_semantics = [#tpu.dimension_semantics<core_parallel>, #tpu.dimension_semantics<subcore_parallel>], iteration_bounds = array<i64: 2, 16>, scalar_prefetch = 0 : i64, scratch_operands = 7 : i64, tpu.core_type = #tpu.core_type<sc_vector_subcore>, window_params = [{transform_indices = #map}, {transform_indices = #map}, {transform_indices = #map}, {transform_indices = #map}]} {
    %eq3A = arith.constant 0 : i32
    %eq3A_0 = arith.cmpi eq, %arg0, %eq3A : i32
    %jit3A = arith.constant 80 : i32
    %jit3A_1 = arith.constant 80 : i32
    %select_n3A = arith.select %eq3A_0, %jit3A, %jit3A_1 : i32
    %jit3A_2 = arith.constant 16 : i32
    %div3A = arith.divsi %select_n3A, %jit3A_2 : i32
    %sign3A = arith.constant 0 : i32
    %sign3A_3 = arith.cmpi sgt, %select_n3A, %sign3A : i32
    %sign3A_4 = arith.extui %sign3A_3 : i1 to i32
    %sign3A_5 = arith.constant 0 : i32
    %sign3A_6 = arith.cmpi slt, %select_n3A, %sign3A_5 : i32
    %sign3A_7 = arith.extui %sign3A_6 : i1 to i32
    %sign3A_8 = arith.subi %sign3A_4, %sign3A_7 : i32
    %sign3A_9 = arith.constant 0 : i32
    %sign3A_10 = arith.cmpi sgt, %jit3A_2, %sign3A_9 : i32
    %sign3A_11 = arith.extui %sign3A_10 : i1 to i32
    %sign3A_12 = arith.constant 0 : i32
    %sign3A_13 = arith.cmpi slt, %jit3A_2, %sign3A_12 : i32
    %sign3A_14 = arith.extui %sign3A_13 : i1 to i32
    %sign3A_15 = arith.subi %sign3A_11, %sign3A_14 : i32
    %ne3A = arith.cmpi ne, %sign3A_8, %sign3A_15 : i32
    %rem3A = arith.remsi %select_n3A, %jit3A_2 : i32
    %ne3A_16 = arith.constant 0 : i32
    %ne3A_17 = arith.cmpi ne, %rem3A, %ne3A_16 : i32
    %and3A = arith.andi %ne3A, %ne3A_17 : i1
    %sub3A = arith.constant 1 : i32
    %sub3A_18 = arith.subi %div3A, %sub3A : i32
    %select_n3A_19 = arith.select %and3A, %sub3A_18, %div3A : i32
    %mul3A = arith.constant 1280 : i32
    %mul3A_20 = arith.muli %arg0, %mul3A : i32
    %mul3A_21 = arith.muli %arg1, %select_n3A : i32
    %add3A = arith.addi %mul3A_20, %mul3A_21 : i32
    %scan3A = arith.constant 0 : i32
    %scan3A_22 = arith.constant 0 : i32
    %scan3A_23 = arith.constant 1024 : i32
    %scan3A_24 = arith.addi %scan3A_22, %scan3A_23 : i32
    %scan3A_25 = arith.constant 1 : i32
    scf.for %scan3A_50 = %scan3A_22 to %scan3A_24 step %scan3A_25  : i32 {
      %broadcast_in_dim3A = arith.constant 0.000000e+00 : f32
      %broadcast_in_dim3A_51 = vector.broadcast %broadcast_in_dim3A : f32 to vector<16xf32>
      %jit3A_52 = arith.constant 8 : i32
      %div3A_53 = arith.divsi %scan3A_50, %jit3A_52 : i32
      %sign3A_54 = arith.constant 0 : i32
      %sign3A_55 = arith.cmpi sgt, %scan3A_50, %sign3A_54 : i32
      %sign3A_56 = arith.extui %sign3A_55 : i1 to i32
      %sign3A_57 = arith.constant 0 : i32
      %sign3A_58 = arith.cmpi slt, %scan3A_50, %sign3A_57 : i32
      %sign3A_59 = arith.extui %sign3A_58 : i1 to i32
      %sign3A_60 = arith.subi %sign3A_56, %sign3A_59 : i32
      %sign3A_61 = arith.constant 0 : i32
      %sign3A_62 = arith.cmpi sgt, %jit3A_52, %sign3A_61 : i32
      %sign3A_63 = arith.extui %sign3A_62 : i1 to i32
      %sign3A_64 = arith.constant 0 : i32
      %sign3A_65 = arith.cmpi slt, %jit3A_52, %sign3A_64 : i32
      %sign3A_66 = arith.extui %sign3A_65 : i1 to i32
      %sign3A_67 = arith.subi %sign3A_63, %sign3A_66 : i32
      %ne3A_68 = arith.cmpi ne, %sign3A_60, %sign3A_67 : i32
      %rem3A_69 = arith.remsi %scan3A_50, %jit3A_52 : i32
      %ne3A_70 = arith.constant 0 : i32
      %ne3A_71 = arith.cmpi ne, %rem3A_69, %ne3A_70 : i32
      %and3A_72 = arith.andi %ne3A_68, %ne3A_71 : i1
      %sub3A_73 = arith.constant 1 : i32
      %sub3A_74 = arith.subi %div3A_53, %sub3A_73 : i32
      %select_n3A_75 = arith.select %and3A_72, %sub3A_74, %div3A_53 : i32
      %jit3A_76 = arith.constant 8 : i32
      %eq3A_77 = arith.constant 0 : i32
      %eq3A_78 = arith.cmpi eq, %jit3A_76, %eq3A_77 : i32
      %jit3A_79 = arith.constant 1 : i32
      %select_n3A_80 = arith.select %eq3A_78, %jit3A_79, %jit3A_76 : i32
      %rem3A_81 = arith.remsi %scan3A_50, %select_n3A_80 : i32
      %ne3A_82 = arith.constant 0 : i32
      %ne3A_83 = arith.cmpi ne, %rem3A_81, %ne3A_82 : i32
      %lt3A = arith.constant 0 : i32
      %lt3A_84 = arith.cmpi slt, %rem3A_81, %lt3A : i32
      %lt3A_85 = arith.constant 0 : i32
      %lt3A_86 = arith.cmpi slt, %select_n3A_80, %lt3A_85 : i32
      %ne3A_87 = arith.xori %lt3A_84, %lt3A_86 : i1
      %and3A_88 = arith.andi %ne3A_87, %ne3A_83 : i1
      %add3A_89 = arith.addi %rem3A_81, %select_n3A_80 : i32
      %select_n3A_90 = arith.select %and3A_88, %add3A_89, %rem3A_81 : i32
      %mul3A_91 = arith.constant 16 : i32
      %mul3A_92 = arith.muli %select_n3A_90, %mul3A_91 : i32
      %swap3A = arith.index_cast %select_n3A_75 : i32 to index
      %swap3A_93 = arith.index_cast %mul3A_92 : i32 to index
      %swap3A_94 = tpu.vector_load %arg8[%swap3A, %swap3A_93] {strides = array<i32>} : memref<128x128xf32, #tpu.memory_space<vmem>>, vector<1x16xf32>,
      %swap3A_95 = vector.shape_cast %swap3A_94 : vector<1x16xf32> to vector<16xf32>
      %swap3A_96 = vector.shape_cast %broadcast_in_dim3A_51 : vector<16xf32> to vector<1x16xf32>
      tpu.vector_store %arg8[%swap3A, %swap3A_93], %swap3A_96 {strides = array<i32>} : memref<128x128xf32, #tpu.memory_space<vmem>>, vector<1x16xf32>,
    }
    %scan3A_26 = arith.constant 1024 : i32
    %scan3A_27 = arith.constant 0 : i32
    %scan3A_28 = arith.constant 0 : i32
    %scan3A_29 = arith.constant 5 : i32
    %scan3A_30 = arith.addi %scan3A_28, %scan3A_29 : i32
    %scan3A_31 = arith.constant 1 : i32
    scf.for %scan3A_50 = %scan3A_28 to %scan3A_30 step %scan3A_31  : i32 {
      %mul3A_51 = arith.constant 640 : i32
      %mul3A_52 = arith.muli %arg1, %mul3A_51 : i32
      %mul3A_53 = arith.constant 128 : i32
      %mul3A_54 = arith.muli %scan3A_50, %mul3A_53 : i32
      %add3A_55 = arith.addi %mul3A_52, %mul3A_54 : i32
      "tpu.region"() ({
        %run_scoped3A = tpu.sem_alloc : memref<!tpu.dma_semaphore, #tpu.memory_space<semaphore_mem>>
        %dma_start3A = arith.constant 0 : i32
        %dma_start3A_56 = tpu.memref_slice %arg10[%add3A_55, %dma_start3A] : memref<10240x128xf32, #tpu.memory_space<vmem_shared>> -> memref<128x128xf32, #tpu.memory_space<vmem_shared>>
        %dma_start3A_57 = arith.constant 0 : i32
        %dma_start3A_58 = tpu.memref_slice %arg10[%add3A_55, %dma_start3A_57] : memref<10240x128xf32, #tpu.memory_space<vmem_shared>> -> memref<128x128xf32, #tpu.memory_space<vmem_shared>>
        tpu.enqueue_dma source(%arg8 : memref<128x128xf32, #tpu.memory_space<vmem>>) target(%dma_start3A_58 : memref<128x128xf32, #tpu.memory_space<vmem_shared>>) target_semaphore(%run_scoped3A : memref<!tpu.dma_semaphore, #tpu.memory_space<semaphore_mem>>)
        %dma_wait3A = arith.constant 0 : i32
        %dma_wait3A_59 = tpu.memref_slice %arg10[%add3A_55, %dma_wait3A] : memref<10240x128xf32, #tpu.memory_space<vmem_shared>> -> memref<128x128xf32, #tpu.memory_space<vmem_shared>>
        %dma_wait3A_60 = arith.constant 0 : i32
        %dma_wait3A_61 = tpu.memref_slice %arg10[%add3A_55, %dma_wait3A_60] : memref<10240x128xf32, #tpu.memory_space<vmem_shared>> -> memref<128x128xf32, #tpu.memory_space<vmem_shared>>
        tpu.wait_dma2 semaphore(%run_scoped3A : memref<!tpu.dma_semaphore, #tpu.memory_space<semaphore_mem>>) src(%arg8 : memref<128x128xf32, #tpu.memory_space<vmem>>) dst(%dma_wait3A_61 : memref<128x128xf32, #tpu.memory_space<vmem_shared>>)
        tpu.yield
      }) : () -> ()
    }
    %scan3A_32 = arith.constant 5 : i32
    %barrier3A = arith.constant 0 : index
    tpu.barrier barrier_id(%barrier3A)
    %while3A = arith.constant 0 : i32
    %while3A_33 = arith.constant 0 : i32
    %while3A_34 = arith.subi %select_n3A_19, %while3A_33 : i32
    %while3A_35 = arith.addi %while3A_33, %while3A_34 : i32
    %while3A_36 = arith.constant 1 : i32
    %while3A_37 = arith.divsi %while3A_34, %while3A_36 : i32
    %while3A_38 = arith.muli %while3A_37, %while3A_36 : i32
    %while3A_39 = arith.addi %while3A_33, %while3A_38 : i32
    %while3A_40 = arith.constant 1 : i32
    scf.for %while3A_50 = %while3A_33 to %while3A_39 step %while3A_40  : i32 {
      %mul3A_51 = arith.constant 16 : i32
      %mul3A_52 = arith.muli %while3A_50, %mul3A_51 : i32
      %add3A_53 = arith.addi %add3A, %mul3A_52 : i32
      "tpu.region"() ({
        %run_scoped3A = tpu.sem_alloc : memref<!tpu.dma_semaphore, #tpu.memory_space<semaphore_mem>>
        %dma_start3A_69 = arith.constant 0 : i32
        %dma_start3A_70 = tpu.memref_slice %arg3[%add3A_53, %dma_start3A_69] : memref<2560x128xi32, #tpu.memory_space<hbm>> -> memref<16x128xi32, #tpu.memory_space<hbm>>
        %dma_start3A_71 = arith.constant 0 : i32
        %dma_start3A_72 = tpu.memref_slice %arg3[%add3A_53, %dma_start3A_71] : memref<2560x128xi32, #tpu.memory_space<hbm>> -> memref<16x128xi32, #tpu.memory_space<hbm>>
        tpu.enqueue_dma source(%dma_start3A_72 : memref<16x128xi32, #tpu.memory_space<hbm>>) target(%arg6 : memref<16x128xi32, #tpu.memory_space<vmem>>) target_semaphore(%run_scoped3A : memref<!tpu.dma_semaphore, #tpu.memory_space<semaphore_mem>>)
        %dma_wait3A = arith.constant 0 : i32
        %dma_wait3A_73 = tpu.memref_slice %arg3[%add3A_53, %dma_wait3A] : memref<2560x128xi32, #tpu.memory_space<hbm>> -> memref<16x128xi32, #tpu.memory_space<hbm>>
        %dma_wait3A_74 = arith.constant 0 : i32
        %dma_wait3A_75 = tpu.memref_slice %arg3[%add3A_53, %dma_wait3A_74] : memref<2560x128xi32, #tpu.memory_space<hbm>> -> memref<16x128xi32, #tpu.memory_space<hbm>>
        tpu.wait_dma2 semaphore(%run_scoped3A : memref<!tpu.dma_semaphore, #tpu.memory_space<semaphore_mem>>) src(%dma_wait3A_75 : memref<16x128xi32, #tpu.memory_space<hbm>>) dst(%arg6 : memref<16x128xi32, #tpu.memory_space<vmem>>)
        tpu.yield
      }) : () -> ()
      %mul3A_54 = arith.constant 16 : i32
      %mul3A_55 = arith.muli %while3A_50, %mul3A_54 : i32
      %add3A_56 = arith.addi %add3A, %mul3A_55 : i32
      "tpu.region"() ({
        %run_scoped3A = tpu.sem_alloc : memref<!tpu.dma_semaphore, #tpu.memory_space<semaphore_mem>>
        %dma_start3A_69 = arith.constant 0 : i32
        %dma_start3A_70 = tpu.memref_slice %arg4[%add3A_56, %dma_start3A_69] : memref<2560x128xi32, #tpu.memory_space<hbm>> -> memref<16x128xi32, #tpu.memory_space<hbm>>
        %dma_start3A_71 = arith.constant 0 : i32
        %dma_start3A_72 = tpu.memref_slice %arg4[%add3A_56, %dma_start3A_71] : memref<2560x128xi32, #tpu.memory_space<hbm>> -> memref<16x128xi32, #tpu.memory_space<hbm>>
        tpu.enqueue_dma source(%dma_start3A_72 : memref<16x128xi32, #tpu.memory_space<hbm>>) target(%arg7 : memref<16x128xi32, #tpu.memory_space<vmem>>) target_semaphore(%run_scoped3A : memref<!tpu.dma_semaphore, #tpu.memory_space<semaphore_mem>>)
        %dma_wait3A = arith.constant 0 : i32
        %dma_wait3A_73 = tpu.memref_slice %arg4[%add3A_56, %dma_wait3A] : memref<2560x128xi32, #tpu.memory_space<hbm>> -> memref<16x128xi32, #tpu.memory_space<hbm>>
        %dma_wait3A_74 = arith.constant 0 : i32
        %dma_wait3A_75 = tpu.memref_slice %arg4[%add3A_56, %dma_wait3A_74] : memref<2560x128xi32, #tpu.memory_space<hbm>> -> memref<16x128xi32, #tpu.memory_space<hbm>>
        tpu.wait_dma2 semaphore(%run_scoped3A : memref<!tpu.dma_semaphore, #tpu.memory_space<semaphore_mem>>) src(%dma_wait3A_75 : memref<16x128xi32, #tpu.memory_space<hbm>>) dst(%arg7 : memref<16x128xi32, #tpu.memory_space<vmem>>)
        tpu.yield
      }) : () -> ()
      %dma_start3A = arith.constant 0 : i32
      %dma_start3A_57 = arith.constant 0 : i32
      %dma_start3A_58 = tpu.memref_slice %arg6[%dma_start3A, %dma_start3A_57] : memref<16x128xi32, #tpu.memory_space<vmem>> -> memref<1x128xi32, #tpu.memory_space<vmem>>
      %dma_start3A_59 = tpu.memref_squeeze %dma_start3A_58 : memref<1x128xi32, #tpu.memory_space<vmem>> -> memref<128xi32, #tpu.memory_space<vmem>>
      %dma_start3A_60 = arith.constant 0 : i32
      %dma_start3A_61 = arith.constant 0 : i32
      %dma_start3A_62 = tpu.memref_slice %arg2[%dma_start3A_60, %dma_start3A_61] : memref<10240x128xf32, #tpu.memory_space<hbm>> -> memref<10240x128xf32, #tpu.memory_space<hbm>>
      tpu.enqueue_indirect_dma source(%dma_start3A_62 : memref<10240x128xf32, #tpu.memory_space<hbm>>) target(%arg8 : memref<128x128xf32, #tpu.memory_space<vmem>>) offsets(%dma_start3A_59 : memref<128xi32, #tpu.memory_space<vmem>>) semaphore(%arg11 : memref<!tpu.dma_semaphore, #tpu.memory_space<semaphore_mem>>)
      %scan3A_63 = arith.constant 0 : i32
      %scan3A_64 = arith.constant 0 : i32
      %scan3A_65 = arith.constant 8 : i32
      %scan3A_66 = arith.addi %scan3A_64, %scan3A_65 : i32
      %scan3A_67 = arith.constant 1 : i32
      scf.for %scan3A_69 = %scan3A_64 to %scan3A_66 step %scan3A_67  : i32 {
        %mul3A_70 = arith.constant 2 : i32
        %mul3A_71 = arith.muli %mul3A_70, %scan3A_69 : i32
        %add3A_72 = arith.constant 1 : i32
        %add3A_73 = arith.addi %mul3A_71, %add3A_72 : i32
        %dma_start3A_74 = arith.constant 0 : i32
        %dma_start3A_75 = tpu.memref_slice %arg6[%add3A_73, %dma_start3A_74] : memref<16x128xi32, #tpu.memory_space<vmem>> -> memref<1x128xi32, #tpu.memory_space<vmem>>
        %dma_start3A_76 = tpu.memref_squeeze %dma_start3A_75 : memref<1x128xi32, #tpu.memory_space<vmem>> -> memref<128xi32, #tpu.memory_space<vmem>>
        %dma_start3A_77 = arith.constant 0 : i32
        %dma_start3A_78 = arith.constant 0 : i32
        %dma_start3A_79 = tpu.memref_slice %arg2[%dma_start3A_77, %dma_start3A_78] : memref<10240x128xf32, #tpu.memory_space<hbm>> -> memref<10240x128xf32, #tpu.memory_space<hbm>>
        tpu.enqueue_indirect_dma source(%dma_start3A_79 : memref<10240x128xf32, #tpu.memory_space<hbm>>) target(%arg9 : memref<128x128xf32, #tpu.memory_space<vmem>>) offsets(%dma_start3A_76 : memref<128xi32, #tpu.memory_space<vmem>>) semaphore(%arg12 : memref<!tpu.dma_semaphore, #tpu.memory_space<semaphore_mem>>)
        %dma_wait3A = arith.constant 0 : i32
        %dma_wait3A_80 = arith.constant 0 : i32
        %dma_wait3A_81 = tpu.memref_slice %arg2[%dma_wait3A, %dma_wait3A_80] : memref<10240x128xf32, #tpu.memory_space<hbm>> -> memref<128x128xf32, #tpu.memory_space<hbm>>
        %dma_wait3A_82 = arith.constant 0 : i32
        %dma_wait3A_83 = arith.constant 0 : i32
        %dma_wait3A_84 = tpu.memref_slice %arg2[%dma_wait3A_82, %dma_wait3A_83] : memref<10240x128xf32, #tpu.memory_space<hbm>> -> memref<128x128xf32, #tpu.memory_space<hbm>>
        tpu.wait_dma2 semaphore(%arg11 : memref<!tpu.dma_semaphore, #tpu.memory_space<semaphore_mem>>) src(%dma_wait3A_84 : memref<128x128xf32, #tpu.memory_space<hbm>>) dst(%arg8 : memref<128x128xf32, #tpu.memory_space<vmem>>)
        "tpu.region"() ({
          %run_scoped3A = tpu.sem_alloc : memref<!tpu.dma_semaphore, #tpu.memory_space<semaphore_mem>>
          %dma_start3A_96 = arith.constant 0 : i32
          %dma_start3A_97 = tpu.memref_slice %arg7[%mul3A_71, %dma_start3A_96] : memref<16x128xi32, #tpu.memory_space<vmem>> -> memref<1x128xi32, #tpu.memory_space<vmem>>
          %dma_start3A_98 = tpu.memref_squeeze %dma_start3A_97 : memref<1x128xi32, #tpu.memory_space<vmem>> -> memref<128xi32, #tpu.memory_space<vmem>>
          %dma_start3A_99 = arith.constant 0 : i32
          %dma_start3A_100 = arith.constant 0 : i32
          %dma_start3A_101 = tpu.memref_slice %arg10[%dma_start3A_99, %dma_start3A_100] : memref<10240x128xf32, #tpu.memory_space<vmem_shared>> -> memref<10240x128xf32, #tpu.memory_space<vmem_shared>>
          tpu.enqueue_indirect_dma source(%arg8 : memref<128x128xf32, #tpu.memory_space<vmem>>) target(%dma_start3A_101 : memref<10240x128xf32, #tpu.memory_space<vmem_shared>>) offsets(%dma_start3A_98 : memref<128xi32, #tpu.memory_space<vmem>>) semaphore(%run_scoped3A : memref<!tpu.dma_semaphore, #tpu.memory_space<semaphore_mem>>) {add = true}
          %dma_wait3A_102 = arith.constant 0 : i32
          %dma_wait3A_103 = tpu.memref_slice %arg7[%mul3A_71, %dma_wait3A_102] : memref<16x128xi32, #tpu.memory_space<vmem>> -> memref<1x128xi32, #tpu.memory_space<vmem>>
          %dma_wait3A_104 = tpu.memref_squeeze %dma_wait3A_103 : memref<1x128xi32, #tpu.memory_space<vmem>> -> memref<128xi32, #tpu.memory_space<vmem>>
          %dma_wait3A_105 = arith.constant 0 : i32
          %dma_wait3A_106 = arith.constant 0 : i32
          %dma_wait3A_107 = tpu.memref_slice %arg10[%dma_wait3A_105, %dma_wait3A_106] : memref<10240x128xf32, #tpu.memory_space<vmem_shared>> -> memref<10240x128xf32, #tpu.memory_space<vmem_shared>>
          tpu.wait_indirect_dma semaphore(%run_scoped3A : memref<!tpu.dma_semaphore, #tpu.memory_space<semaphore_mem>>) src(%arg8 : memref<128x128xf32, #tpu.memory_space<vmem>>) dst(%dma_wait3A_107 : memref<10240x128xf32, #tpu.memory_space<vmem_shared>>)
          tpu.yield
        }) : () -> ()
        %ne3A_85 = arith.constant 7 : i32
        %ne3A_86 = arith.cmpi ne, %scan3A_69, %ne3A_85 : i32
        %convert_element_type3A = arith.extui %ne3A_86 : i1 to i32
        %cond3A = arith.constant 0 : i32
        %cond3A_87 = arith.cmpi ne, %convert_element_type3A, %cond3A : i32
        scf.if %cond3A_87 {
          %add3A_96 = arith.constant 2 : i32
          %add3A_97 = arith.addi %mul3A_71, %add3A_96 : i32
          %dma_start3A_98 = arith.constant 0 : i32
          %dma_start3A_99 = tpu.memref_slice %arg6[%add3A_97, %dma_start3A_98] : memref<16x128xi32, #tpu.memory_space<vmem>> -> memref<1x128xi32, #tpu.memory_space<vmem>>
          %dma_start3A_100 = tpu.memref_squeeze %dma_start3A_99 : memref<1x128xi32, #tpu.memory_space<vmem>> -> memref<128xi32, #tpu.memory_space<vmem>>
          %dma_start3A_101 = arith.constant 0 : i32
          %dma_start3A_102 = arith.constant 0 : i32
          %dma_start3A_103 = tpu.memref_slice %arg2[%dma_start3A_101, %dma_start3A_102] : memref<10240x128xf32, #tpu.memory_space<hbm>> -> memref<10240x128xf32, #tpu.memory_space<hbm>>
          tpu.enqueue_indirect_dma source(%dma_start3A_103 : memref<10240x128xf32, #tpu.memory_space<hbm>>) target(%arg8 : memref<128x128xf32, #tpu.memory_space<vmem>>) offsets(%dma_start3A_100 : memref<128xi32, #tpu.memory_space<vmem>>) semaphore(%arg11 : memref<!tpu.dma_semaphore, #tpu.memory_space<semaphore_mem>>)
        } else {
        }
        %dma_wait3A_88 = arith.constant 0 : i32
        %dma_wait3A_89 = arith.constant 0 : i32
        %dma_wait3A_90 = tpu.memref_slice %arg2[%dma_wait3A_88, %dma_wait3A_89] : memref<10240x128xf32, #tpu.memory_space<hbm>> -> memref<128x128xf32, #tpu.memory_space<hbm>>
        %dma_wait3A_91 = arith.constant 0 : i32
        %dma_wait3A_92 = arith.constant 0 : i32
        %dma_wait3A_93 = tpu.memref_slice %arg2[%dma_wait3A_91, %dma_wait3A_92] : memref<10240x128xf32, #tpu.memory_space<hbm>> -> memref<128x128xf32, #tpu.memory_space<hbm>>
        tpu.wait_dma2 semaphore(%arg12 : memref<!tpu.dma_semaphore, #tpu.memory_space<semaphore_mem>>) src(%dma_wait3A_93 : memref<128x128xf32, #tpu.memory_space<hbm>>) dst(%arg9 : memref<128x128xf32, #tpu.memory_space<vmem>>)
        %add3A_94 = arith.constant 1 : i32
        %add3A_95 = arith.addi %mul3A_71, %add3A_94 : i32
        "tpu.region"() ({
          %run_scoped3A = tpu.sem_alloc : memref<!tpu.dma_semaphore, #tpu.memory_space<semaphore_mem>>
          %dma_start3A_96 = arith.constant 0 : i32
          %dma_start3A_97 = tpu.memref_slice %arg7[%add3A_95, %dma_start3A_96] : memref<16x128xi32, #tpu.memory_space<vmem>> -> memref<1x128xi32, #tpu.memory_space<vmem>>
          %dma_start3A_98 = tpu.memref_squeeze %dma_start3A_97 : memref<1x128xi32, #tpu.memory_space<vmem>> -> memref<128xi32, #tpu.memory_space<vmem>>
          %dma_start3A_99 = arith.constant 0 : i32
          %dma_start3A_100 = arith.constant 0 : i32
          %dma_start3A_101 = tpu.memref_slice %arg10[%dma_start3A_99, %dma_start3A_100] : memref<10240x128xf32, #tpu.memory_space<vmem_shared>> -> memref<10240x128xf32, #tpu.memory_space<vmem_shared>>
          tpu.enqueue_indirect_dma source(%arg9 : memref<128x128xf32, #tpu.memory_space<vmem>>) target(%dma_start3A_101 : memref<10240x128xf32, #tpu.memory_space<vmem_shared>>) offsets(%dma_start3A_98 : memref<128xi32, #tpu.memory_space<vmem>>) semaphore(%run_scoped3A : memref<!tpu.dma_semaphore, #tpu.memory_space<semaphore_mem>>) {add = true}
          %dma_wait3A_102 = arith.constant 0 : i32
          %dma_wait3A_103 = tpu.memref_slice %arg7[%add3A_95, %dma_wait3A_102] : memref<16x128xi32, #tpu.memory_space<vmem>> -> memref<1x128xi32, #tpu.memory_space<vmem>>
          %dma_wait3A_104 = tpu.memref_squeeze %dma_wait3A_103 : memref<1x128xi32, #tpu.memory_space<vmem>> -> memref<128xi32, #tpu.memory_space<vmem>>
          %dma_wait3A_105 = arith.constant 0 : i32
          %dma_wait3A_106 = arith.constant 0 : i32
          %dma_wait3A_107 = tpu.memref_slice %arg10[%dma_wait3A_105, %dma_wait3A_106] : memref<10240x128xf32, #tpu.memory_space<vmem_shared>> -> memref<10240x128xf32, #tpu.memory_space<vmem_shared>>
          tpu.wait_indirect_dma semaphore(%run_scoped3A : memref<!tpu.dma_semaphore, #tpu.memory_space<semaphore_mem>>) src(%arg9 : memref<128x128xf32, #tpu.memory_space<vmem>>) dst(%dma_wait3A_107 : memref<10240x128xf32, #tpu.memory_space<vmem_shared>>)
          tpu.yield
        }) : () -> ()
      }
      %scan3A_68 = arith.constant 8 : i32
    }
    %while3A_41 = arith.constant 1 : i32
    scf.for %while3A_50 = %while3A_39 to %while3A_35 step %while3A_41  : i32 {
      %mul3A_51 = arith.constant 16 : i32
      %mul3A_52 = arith.muli %while3A_50, %mul3A_51 : i32
      %add3A_53 = arith.addi %add3A, %mul3A_52 : i32
      "tpu.region"() ({
        %run_scoped3A = tpu.sem_alloc : memref<!tpu.dma_semaphore, #tpu.memory_space<semaphore_mem>>
        %dma_start3A_69 = arith.constant 0 : i32
        %dma_start3A_70 = tpu.memref_slice %arg3[%add3A_53, %dma_start3A_69] : memref<2560x128xi32, #tpu.memory_space<hbm>> -> memref<16x128xi32, #tpu.memory_space<hbm>>
        %dma_start3A_71 = arith.constant 0 : i32
        %dma_start3A_72 = tpu.memref_slice %arg3[%add3A_53, %dma_start3A_71] : memref<2560x128xi32, #tpu.memory_space<hbm>> -> memref<16x128xi32, #tpu.memory_space<hbm>>
        tpu.enqueue_dma source(%dma_start3A_72 : memref<16x128xi32, #tpu.memory_space<hbm>>) target(%arg6 : memref<16x128xi32, #tpu.memory_space<vmem>>) target_semaphore(%run_scoped3A : memref<!tpu.dma_semaphore, #tpu.memory_space<semaphore_mem>>)
        %dma_wait3A = arith.constant 0 : i32
        %dma_wait3A_73 = tpu.memref_slice %arg3[%add3A_53, %dma_wait3A] : memref<2560x128xi32, #tpu.memory_space<hbm>> -> memref<16x128xi32, #tpu.memory_space<hbm>>
        %dma_wait3A_74 = arith.constant 0 : i32
        %dma_wait3A_75 = tpu.memref_slice %arg3[%add3A_53, %dma_wait3A_74] : memref<2560x128xi32, #tpu.memory_space<hbm>> -> memref<16x128xi32, #tpu.memory_space<hbm>>
        tpu.wait_dma2 semaphore(%run_scoped3A : memref<!tpu.dma_semaphore, #tpu.memory_space<semaphore_mem>>) src(%dma_wait3A_75 : memref<16x128xi32, #tpu.memory_space<hbm>>) dst(%arg6 : memref<16x128xi32, #tpu.memory_space<vmem>>)
        tpu.yield
      }) : () -> ()
      %mul3A_54 = arith.constant 16 : i32
      %mul3A_55 = arith.muli %while3A_50, %mul3A_54 : i32
      %add3A_56 = arith.addi %add3A, %mul3A_55 : i32
      "tpu.region"() ({
        %run_scoped3A = tpu.sem_alloc : memref<!tpu.dma_semaphore, #tpu.memory_space<semaphore_mem>>
        %dma_start3A_69 = arith.constant 0 : i32
        %dma_start3A_70 = tpu.memref_slice %arg4[%add3A_56, %dma_start3A_69] : memref<2560x128xi32, #tpu.memory_space<hbm>> -> memref<16x128xi32, #tpu.memory_space<hbm>>
        %dma_start3A_71 = arith.constant 0 : i32
        %dma_start3A_72 = tpu.memref_slice %arg4[%add3A_56, %dma_start3A_71] : memref<2560x128xi32, #tpu.memory_space<hbm>> -> memref<16x128xi32, #tpu.memory_space<hbm>>
        tpu.enqueue_dma source(%dma_start3A_72 : memref<16x128xi32, #tpu.memory_space<hbm>>) target(%arg7 : memref<16x128xi32, #tpu.memory_space<vmem>>) target_semaphore(%run_scoped3A : memref<!tpu.dma_semaphore, #tpu.memory_space<semaphore_mem>>)
        %dma_wait3A = arith.constant 0 : i32
        %dma_wait3A_73 = tpu.memref_slice %arg4[%add3A_56, %dma_wait3A] : memref<2560x128xi32, #tpu.memory_space<hbm>> -> memref<16x128xi32, #tpu.memory_space<hbm>>
        %dma_wait3A_74 = arith.constant 0 : i32
        %dma_wait3A_75 = tpu.memref_slice %arg4[%add3A_56, %dma_wait3A_74] : memref<2560x128xi32, #tpu.memory_space<hbm>> -> memref<16x128xi32, #tpu.memory_space<hbm>>
        tpu.wait_dma2 semaphore(%run_scoped3A : memref<!tpu.dma_semaphore, #tpu.memory_space<semaphore_mem>>) src(%dma_wait3A_75 : memref<16x128xi32, #tpu.memory_space<hbm>>) dst(%arg7 : memref<16x128xi32, #tpu.memory_space<vmem>>)
        tpu.yield
      }) : () -> ()
      %dma_start3A = arith.constant 0 : i32
      %dma_start3A_57 = arith.constant 0 : i32
      %dma_start3A_58 = tpu.memref_slice %arg6[%dma_start3A, %dma_start3A_57] : memref<16x128xi32, #tpu.memory_space<vmem>> -> memref<1x128xi32, #tpu.memory_space<vmem>>
      %dma_start3A_59 = tpu.memref_squeeze %dma_start3A_58 : memref<1x128xi32, #tpu.memory_space<vmem>> -> memref<128xi32, #tpu.memory_space<vmem>>
      %dma_start3A_60 = arith.constant 0 : i32
      %dma_start3A_61 = arith.constant 0 : i32
      %dma_start3A_62 = tpu.memref_slice %arg2[%dma_start3A_60, %dma_start3A_61] : memref<10240x128xf32, #tpu.memory_space<hbm>> -> memref<10240x128xf32, #tpu.memory_space<hbm>>
      tpu.enqueue_indirect_dma source(%dma_start3A_62 : memref<10240x128xf32, #tpu.memory_space<hbm>>) target(%arg8 : memref<128x128xf32, #tpu.memory_space<vmem>>) offsets(%dma_start3A_59 : memref<128xi32, #tpu.memory_space<vmem>>) semaphore(%arg11 : memref<!tpu.dma_semaphore, #tpu.memory_space<semaphore_mem>>)
      %scan3A_63 = arith.constant 0 : i32
      %scan3A_64 = arith.constant 0 : i32
      %scan3A_65 = arith.constant 8 : i32
      %scan3A_66 = arith.addi %scan3A_64, %scan3A_65 : i32
      %scan3A_67 = arith.constant 1 : i32
      scf.for %scan3A_69 = %scan3A_64 to %scan3A_66 step %scan3A_67  : i32 {
        %mul3A_70 = arith.constant 2 : i32
        %mul3A_71 = arith.muli %mul3A_70, %scan3A_69 : i32
        %add3A_72 = arith.constant 1 : i32
        %add3A_73 = arith.addi %mul3A_71, %add3A_72 : i32
        %dma_start3A_74 = arith.constant 0 : i32
        %dma_start3A_75 = tpu.memref_slice %arg6[%add3A_73, %dma_start3A_74] : memref<16x128xi32, #tpu.memory_space<vmem>> -> memref<1x128xi32, #tpu.memory_space<vmem>>
        %dma_start3A_76 = tpu.memref_squeeze %dma_start3A_75 : memref<1x128xi32, #tpu.memory_space<vmem>> -> memref<128xi32, #tpu.memory_space<vmem>>
        %dma_start3A_77 = arith.constant 0 : i32
        %dma_start3A_78 = arith.constant 0 : i32
        %dma_start3A_79 = tpu.memref_slice %arg2[%dma_start3A_77, %dma_start3A_78] : memref<10240x128xf32, #tpu.memory_space<hbm>> -> memref<10240x128xf32, #tpu.memory_space<hbm>>
        tpu.enqueue_indirect_dma source(%dma_start3A_79 : memref<10240x128xf32, #tpu.memory_space<hbm>>) target(%arg9 : memref<128x128xf32, #tpu.memory_space<vmem>>) offsets(%dma_start3A_76 : memref<128xi32, #tpu.memory_space<vmem>>) semaphore(%arg12 : memref<!tpu.dma_semaphore, #tpu.memory_space<semaphore_mem>>)
        %dma_wait3A = arith.constant 0 : i32
        %dma_wait3A_80 = arith.constant 0 : i32
        %dma_wait3A_81 = tpu.memref_slice %arg2[%dma_wait3A, %dma_wait3A_80] : memref<10240x128xf32, #tpu.memory_space<hbm>> -> memref<128x128xf32, #tpu.memory_space<hbm>>
        %dma_wait3A_82 = arith.constant 0 : i32
        %dma_wait3A_83 = arith.constant 0 : i32
        %dma_wait3A_84 = tpu.memref_slice %arg2[%dma_wait3A_82, %dma_wait3A_83] : memref<10240x128xf32, #tpu.memory_space<hbm>> -> memref<128x128xf32, #tpu.memory_space<hbm>>
        tpu.wait_dma2 semaphore(%arg11 : memref<!tpu.dma_semaphore, #tpu.memory_space<semaphore_mem>>) src(%dma_wait3A_84 : memref<128x128xf32, #tpu.memory_space<hbm>>) dst(%arg8 : memref<128x128xf32, #tpu.memory_space<vmem>>)
        "tpu.region"() ({
          %run_scoped3A = tpu.sem_alloc : memref<!tpu.dma_semaphore, #tpu.memory_space<semaphore_mem>>
          %dma_start3A_96 = arith.constant 0 : i32
          %dma_start3A_97 = tpu.memref_slice %arg7[%mul3A_71, %dma_start3A_96] : memref<16x128xi32, #tpu.memory_space<vmem>> -> memref<1x128xi32, #tpu.memory_space<vmem>>
          %dma_start3A_98 = tpu.memref_squeeze %dma_start3A_97 : memref<1x128xi32, #tpu.memory_space<vmem>> -> memref<128xi32, #tpu.memory_space<vmem>>
          %dma_start3A_99 = arith.constant 0 : i32
          %dma_start3A_100 = arith.constant 0 : i32
          %dma_start3A_101 = tpu.memref_slice %arg10[%dma_start3A_99, %dma_start3A_100] : memref<10240x128xf32, #tpu.memory_space<vmem_shared>> -> memref<10240x128xf32, #tpu.memory_space<vmem_shared>>
          tpu.enqueue_indirect_dma source(%arg8 : memref<128x128xf32, #tpu.memory_space<vmem>>) target(%dma_start3A_101 : memref<10240x128xf32, #tpu.memory_space<vmem_shared>>) offsets(%dma_start3A_98 : memref<128xi32, #tpu.memory_space<vmem>>) semaphore(%run_scoped3A : memref<!tpu.dma_semaphore, #tpu.memory_space<semaphore_mem>>) {add = true}
          %dma_wait3A_102 = arith.constant 0 : i32
          %dma_wait3A_103 = tpu.memref_slice %arg7[%mul3A_71, %dma_wait3A_102] : memref<16x128xi32, #tpu.memory_space<vmem>> -> memref<1x128xi32, #tpu.memory_space<vmem>>
          %dma_wait3A_104 = tpu.memref_squeeze %dma_wait3A_103 : memref<1x128xi32, #tpu.memory_space<vmem>> -> memref<128xi32, #tpu.memory_space<vmem>>
          %dma_wait3A_105 = arith.constant 0 : i32
          %dma_wait3A_106 = arith.constant 0 : i32
          %dma_wait3A_107 = tpu.memref_slice %arg10[%dma_wait3A_105, %dma_wait3A_106] : memref<10240x128xf32, #tpu.memory_space<vmem_shared>> -> memref<10240x128xf32, #tpu.memory_space<vmem_shared>>
          tpu.wait_indirect_dma semaphore(%run_scoped3A : memref<!tpu.dma_semaphore, #tpu.memory_space<semaphore_mem>>) src(%arg8 : memref<128x128xf32, #tpu.memory_space<vmem>>) dst(%dma_wait3A_107 : memref<10240x128xf32, #tpu.memory_space<vmem_shared>>)
          tpu.yield
        }) : () -> ()
        %ne3A_85 = arith.constant 7 : i32
        %ne3A_86 = arith.cmpi ne, %scan3A_69, %ne3A_85 : i32
        %convert_element_type3A = arith.extui %ne3A_86 : i1 to i32
        %cond3A = arith.constant 0 : i32
        %cond3A_87 = arith.cmpi ne, %convert_element_type3A, %cond3A : i32
        scf.if %cond3A_87 {
          %add3A_96 = arith.constant 2 : i32
          %add3A_97 = arith.addi %mul3A_71, %add3A_96 : i32
          %dma_start3A_98 = arith.constant 0 : i32
          %dma_start3A_99 = tpu.memref_slice %arg6[%add3A_97, %dma_start3A_98] : memref<16x128xi32, #tpu.memory_space<vmem>> -> memref<1x128xi32, #tpu.memory_space<vmem>>
          %dma_start3A_100 = tpu.memref_squeeze %dma_start3A_99 : memref<1x128xi32, #tpu.memory_space<vmem>> -> memref<128xi32, #tpu.memory_space<vmem>>
          %dma_start3A_101 = arith.constant 0 : i32
          %dma_start3A_102 = arith.constant 0 : i32
          %dma_start3A_103 = tpu.memref_slice %arg2[%dma_start3A_101, %dma_start3A_102] : memref<10240x128xf32, #tpu.memory_space<hbm>> -> memref<10240x128xf32, #tpu.memory_space<hbm>>
          tpu.enqueue_indirect_dma source(%dma_start3A_103 : memref<10240x128xf32, #tpu.memory_space<hbm>>) target(%arg8 : memref<128x128xf32, #tpu.memory_space<vmem>>) offsets(%dma_start3A_100 : memref<128xi32, #tpu.memory_space<vmem>>) semaphore(%arg11 : memref<!tpu.dma_semaphore, #tpu.memory_space<semaphore_mem>>)
        } else {
        }
        %dma_wait3A_88 = arith.constant 0 : i32
        %dma_wait3A_89 = arith.constant 0 : i32
        %dma_wait3A_90 = tpu.memref_slice %arg2[%dma_wait3A_88, %dma_wait3A_89] : memref<10240x128xf32, #tpu.memory_space<hbm>> -> memref<128x128xf32, #tpu.memory_space<hbm>>
        %dma_wait3A_91 = arith.constant 0 : i32
        %dma_wait3A_92 = arith.constant 0 : i32
        %dma_wait3A_93 = tpu.memref_slice %arg2[%dma_wait3A_91, %dma_wait3A_92] : memref<10240x128xf32, #tpu.memory_space<hbm>> -> memref<128x128xf32, #tpu.memory_space<hbm>>
        tpu.wait_dma2 semaphore(%arg12 : memref<!tpu.dma_semaphore, #tpu.memory_space<semaphore_mem>>) src(%dma_wait3A_93 : memref<128x128xf32, #tpu.memory_space<hbm>>) dst(%arg9 : memref<128x128xf32, #tpu.memory_space<vmem>>)
        %add3A_94 = arith.constant 1 : i32
        %add3A_95 = arith.addi %mul3A_71, %add3A_94 : i32
        "tpu.region"() ({
          %run_scoped3A = tpu.sem_alloc : memref<!tpu.dma_semaphore, #tpu.memory_space<semaphore_mem>>
          %dma_start3A_96 = arith.constant 0 : i32
          %dma_start3A_97 = tpu.memref_slice %arg7[%add3A_95, %dma_start3A_96] : memref<16x128xi32, #tpu.memory_space<vmem>> -> memref<1x128xi32, #tpu.memory_space<vmem>>
          %dma_start3A_98 = tpu.memref_squeeze %dma_start3A_97 : memref<1x128xi32, #tpu.memory_space<vmem>> -> memref<128xi32, #tpu.memory_space<vmem>>
          %dma_start3A_99 = arith.constant 0 : i32
          %dma_start3A_100 = arith.constant 0 : i32
          %dma_start3A_101 = tpu.memref_slice %arg10[%dma_start3A_99, %dma_start3A_100] : memref<10240x128xf32, #tpu.memory_space<vmem_shared>> -> memref<10240x128xf32, #tpu.memory_space<vmem_shared>>
          tpu.enqueue_indirect_dma source(%arg9 : memref<128x128xf32, #tpu.memory_space<vmem>>) target(%dma_start3A_101 : memref<10240x128xf32, #tpu.memory_space<vmem_shared>>) offsets(%dma_start3A_98 : memref<128xi32, #tpu.memory_space<vmem>>) semaphore(%run_scoped3A : memref<!tpu.dma_semaphore, #tpu.memory_space<semaphore_mem>>) {add = true}
          %dma_wait3A_102 = arith.constant 0 : i32
          %dma_wait3A_103 = tpu.memref_slice %arg7[%add3A_95, %dma_wait3A_102] : memref<16x128xi32, #tpu.memory_space<vmem>> -> memref<1x128xi32, #tpu.memory_space<vmem>>
          %dma_wait3A_104 = tpu.memref_squeeze %dma_wait3A_103 : memref<1x128xi32, #tpu.memory_space<vmem>> -> memref<128xi32, #tpu.memory_space<vmem>>
          %dma_wait3A_105 = arith.constant 0 : i32
          %dma_wait3A_106 = arith.constant 0 : i32
          %dma_wait3A_107 = tpu.memref_slice %arg10[%dma_wait3A_105, %dma_wait3A_106] : memref<10240x128xf32, #tpu.memory_space<vmem_shared>> -> memref<10240x128xf32, #tpu.memory_space<vmem_shared>>
          tpu.wait_indirect_dma semaphore(%run_scoped3A : memref<!tpu.dma_semaphore, #tpu.memory_space<semaphore_mem>>) src(%arg9 : memref<128x128xf32, #tpu.memory_space<vmem>>) dst(%dma_wait3A_107 : memref<10240x128xf32, #tpu.memory_space<vmem_shared>>)
          tpu.yield
        }) : () -> ()
      }
      %scan3A_68 = arith.constant 8 : i32
    }
    %barrier3A_42 = arith.constant 0 : index
    tpu.barrier barrier_id(%barrier3A_42)
    %mul3A_43 = arith.constant 640 : i32
    %mul3A_44 = arith.muli %arg1, %mul3A_43 : i32
    %mul3A_45 = arith.constant 10240 : i32
    %mul3A_46 = arith.muli %arg0, %mul3A_45 : i32
    %mul3A_47 = arith.constant 640 : i32
    %mul3A_48 = arith.muli %arg1, %mul3A_47 : i32
    %add3A_49 = arith.addi %mul3A_46, %mul3A_48 : i32
    "tpu.region"() ({
      %run_scoped3A = tpu.sem_alloc : memref<!tpu.dma_semaphore, #tpu.memory_space<semaphore_mem>>
      %dma_start3A = arith.constant 0 : i32
      %dma_start3A_50 = tpu.memref_slice %arg5[%add3A_49, %dma_start3A] : memref<20480x128xf32, #tpu.memory_space<hbm>> -> memref<640x128xf32, #tpu.memory_space<hbm>>
      %dma_start3A_51 = arith.constant 0 : i32
      %dma_start3A_52 = tpu.memref_slice %arg10[%mul3A_44, %dma_start3A_51] : memref<10240x128xf32, #tpu.memory_space<vmem_shared>> -> memref<640x128xf32, #tpu.memory_space<vmem_shared>>
      tpu.enqueue_dma source(%dma_start3A_52 : memref<640x128xf32, #tpu.memory_space<vmem_shared>>) target(%dma_start3A_50 : memref<640x128xf32, #tpu.memory_space<hbm>>) target_semaphore(%run_scoped3A : memref<!tpu.dma_semaphore, #tpu.memory_space<semaphore_mem>>)
      %dma_wait3A = arith.constant 0 : i32
      %dma_wait3A_53 = tpu.memref_slice %arg5[%add3A_49, %dma_wait3A] : memref<20480x128xf32, #tpu.memory_space<hbm>> -> memref<640x128xf32, #tpu.memory_space<hbm>>
      %dma_wait3A_54 = arith.constant 0 : i32
      %dma_wait3A_55 = tpu.memref_slice %arg10[%mul3A_44, %dma_wait3A_54] : memref<10240x128xf32, #tpu.memory_space<vmem_shared>> -> memref<640x128xf32, #tpu.memory_space<vmem_shared>>
      tpu.wait_dma2 semaphore(%run_scoped3A : memref<!tpu.dma_semaphore, #tpu.memory_space<semaphore_mem>>) src(%dma_wait3A_55 : memref<640x128xf32, #tpu.memory_space<vmem_shared>>) dst(%dma_wait3A_53 : memref<640x128xf32, #tpu.memory_space<hbm>>)
      tpu.yield
    }) : () -> ()
    return
  }
}

#map = affine_map<(d0, d1) -> (0, 0)>
module attributes {stable_mosaic.version = 14 : i64} {
  func.func @_scat_body(%arg0: i32, %arg1: i32, %arg2: memref<10240x128xf32, #tpu.memory_space<hbm>>, %arg3: memref<2560x128xi32, #tpu.memory_space<hbm>>, %arg4: memref<2560x128xi32, #tpu.memory_space<hbm>>, %arg5: memref<20480x128xf32, #tpu.memory_space<hbm>>, %arg6: memref<16x128xi32, #tpu.memory_space<vmem>>, %arg7: memref<16x128xi32, #tpu.memory_space<vmem>>, %arg8: memref<128x128xf32, #tpu.memory_space<vmem>>, %arg9: memref<128x128xf32, #tpu.memory_space<vmem>>, %arg10: memref<10240x128xf32, #tpu.memory_space<vmem_shared>>, %arg11: memref<!tpu.dma_semaphore, #tpu.memory_space<semaphore_mem>>, %arg12: memref<!tpu.dma_semaphore, #tpu.memory_space<semaphore_mem>>) attributes {dimension_semantics = [#tpu.dimension_semantics<core_parallel>, #tpu.dimension_semantics<subcore_parallel>], iteration_bounds = array<i64: 2, 16>, scalar_prefetch = 0 : i64, scratch_operands = 7 : i64, tpu.core_type = #tpu.core_type<sc_vector_subcore>, window_params = [{transform_indices = #map}, {transform_indices = #map}, {transform_indices = #map}, {transform_indices = #map}]} {
    %eq3A = arith.constant 0 : i32
    %eq3A_0 = arith.cmpi eq, %arg0, %eq3A : i32
    %jit3A = arith.constant 80 : i32
    %jit3A_1 = arith.constant 80 : i32
    %select_n3A = arith.select %eq3A_0, %jit3A, %jit3A_1 : i32
    %jit3A_2 = arith.constant 16 : i32
    %div3A = arith.divsi %select_n3A, %jit3A_2 : i32
    %sign3A = arith.constant 0 : i32
    %sign3A_3 = arith.cmpi sgt, %select_n3A, %sign3A : i32
    %sign3A_4 = arith.extui %sign3A_3 : i1 to i32
    %sign3A_5 = arith.constant 0 : i32
    %sign3A_6 = arith.cmpi slt, %select_n3A, %sign3A_5 : i32
    %sign3A_7 = arith.extui %sign3A_6 : i1 to i32
    %sign3A_8 = arith.subi %sign3A_4, %sign3A_7 : i32
    %sign3A_9 = arith.constant 0 : i32
    %sign3A_10 = arith.cmpi sgt, %jit3A_2, %sign3A_9 : i32
    %sign3A_11 = arith.extui %sign3A_10 : i1 to i32
    %sign3A_12 = arith.constant 0 : i32
    %sign3A_13 = arith.cmpi slt, %jit3A_2, %sign3A_12 : i32
    %sign3A_14 = arith.extui %sign3A_13 : i1 to i32
    %sign3A_15 = arith.subi %sign3A_11, %sign3A_14 : i32
    %ne3A = arith.cmpi ne, %sign3A_8, %sign3A_15 : i32
    %rem3A = arith.remsi %select_n3A, %jit3A_2 : i32
    %ne3A_16 = arith.constant 0 : i32
    %ne3A_17 = arith.cmpi ne, %rem3A, %ne3A_16 : i32
    %and3A = arith.andi %ne3A, %ne3A_17 : i1
    %sub3A = arith.constant 1 : i32
    %sub3A_18 = arith.subi %div3A, %sub3A : i32
    %select_n3A_19 = arith.select %and3A, %sub3A_18, %div3A : i32
    %mul3A = arith.constant 1280 : i32
    %mul3A_20 = arith.muli %arg0, %mul3A : i32
    %mul3A_21 = arith.muli %arg1, %select_n3A : i32
    %add3A = arith.addi %mul3A_20, %mul3A_21 : i32
    %scan3A = arith.constant 0 : i32
    %scan3A_22 = arith.constant 0 : i32
    %scan3A_23 = arith.constant 1024 : i32
    %scan3A_24 = arith.addi %scan3A_22, %scan3A_23 : i32
    %scan3A_25 = arith.constant 1 : i32
    scf.for %scan3A_50 = %scan3A_22 to %scan3A_24 step %scan3A_25  : i32 {
      %broadcast_in_dim3A = arith.constant 0.000000e+00 : f32
      %broadcast_in_dim3A_51 = vector.broadcast %broadcast_in_dim3A : f32 to vector<16xf32>
      %jit3A_52 = arith.constant 8 : i32
      %div3A_53 = arith.divsi %scan3A_50, %jit3A_52 : i32
      %sign3A_54 = arith.constant 0 : i32
      %sign3A_55 = arith.cmpi sgt, %scan3A_50, %sign3A_54 : i32
      %sign3A_56 = arith.extui %sign3A_55 : i1 to i32
      %sign3A_57 = arith.constant 0 : i32
      %sign3A_58 = arith.cmpi slt, %scan3A_50, %sign3A_57 : i32
      %sign3A_59 = arith.extui %sign3A_58 : i1 to i32
      %sign3A_60 = arith.subi %sign3A_56, %sign3A_59 : i32
      %sign3A_61 = arith.constant 0 : i32
      %sign3A_62 = arith.cmpi sgt, %jit3A_52, %sign3A_61 : i32
      %sign3A_63 = arith.extui %sign3A_62 : i1 to i32
      %sign3A_64 = arith.constant 0 : i32
      %sign3A_65 = arith.cmpi slt, %jit3A_52, %sign3A_64 : i32
      %sign3A_66 = arith.extui %sign3A_65 : i1 to i32
      %sign3A_67 = arith.subi %sign3A_63, %sign3A_66 : i32
      %ne3A_68 = arith.cmpi ne, %sign3A_60, %sign3A_67 : i32
      %rem3A_69 = arith.remsi %scan3A_50, %jit3A_52 : i32
      %ne3A_70 = arith.constant 0 : i32
      %ne3A_71 = arith.cmpi ne, %rem3A_69, %ne3A_70 : i32
      %and3A_72 = arith.andi %ne3A_68, %ne3A_71 : i1
      %sub3A_73 = arith.constant 1 : i32
      %sub3A_74 = arith.subi %div3A_53, %sub3A_73 : i32
      %select_n3A_75 = arith.select %and3A_72, %sub3A_74, %div3A_53 : i32
      %jit3A_76 = arith.constant 8 : i32
      %eq3A_77 = arith.constant 0 : i32
      %eq3A_78 = arith.cmpi eq, %jit3A_76, %eq3A_77 : i32
      %jit3A_79 = arith.constant 1 : i32
      %select_n3A_80 = arith.select %eq3A_78, %jit3A_79, %jit3A_76 : i32
      %rem3A_81 = arith.remsi %scan3A_50, %select_n3A_80 : i32
      %ne3A_82 = arith.constant 0 : i32
      %ne3A_83 = arith.cmpi ne, %rem3A_81, %ne3A_82 : i32
      %lt3A = arith.constant 0 : i32
      %lt3A_84 = arith.cmpi slt, %rem3A_81, %lt3A : i32
      %lt3A_85 = arith.constant 0 : i32
      %lt3A_86 = arith.cmpi slt, %select_n3A_80, %lt3A_85 : i32
      %ne3A_87 = arith.xori %lt3A_84, %lt3A_86 : i1
      %and3A_88 = arith.andi %ne3A_87, %ne3A_83 : i1
      %add3A_89 = arith.addi %rem3A_81, %select_n3A_80 : i32
      %select_n3A_90 = arith.select %and3A_88, %add3A_89, %rem3A_81 : i32
      %mul3A_91 = arith.constant 16 : i32
      %mul3A_92 = arith.muli %select_n3A_90, %mul3A_91 : i32
      %swap3A = arith.index_cast %select_n3A_75 : i32 to index
      %swap3A_93 = arith.index_cast %mul3A_92 : i32 to index
      %swap3A_94 = tpu.vector_load %arg8[%swap3A, %swap3A_93] {strides = array<i32>} : memref<128x128xf32, #tpu.memory_space<vmem>>, vector<1x16xf32>,
      %swap3A_95 = vector.shape_cast %swap3A_94 : vector<1x16xf32> to vector<16xf32>
      %swap3A_96 = vector.shape_cast %broadcast_in_dim3A_51 : vector<16xf32> to vector<1x16xf32>
      tpu.vector_store %arg8[%swap3A, %swap3A_93], %swap3A_96 {strides = array<i32>} : memref<128x128xf32, #tpu.memory_space<vmem>>, vector<1x16xf32>,
    }
    %scan3A_26 = arith.constant 1024 : i32
    %scan3A_27 = arith.constant 0 : i32
    %scan3A_28 = arith.constant 0 : i32
    %scan3A_29 = arith.constant 5 : i32
    %scan3A_30 = arith.addi %scan3A_28, %scan3A_29 : i32
    %scan3A_31 = arith.constant 1 : i32
    scf.for %scan3A_50 = %scan3A_28 to %scan3A_30 step %scan3A_31  : i32 {
      %mul3A_51 = arith.constant 640 : i32
      %mul3A_52 = arith.muli %arg1, %mul3A_51 : i32
      %mul3A_53 = arith.constant 128 : i32
      %mul3A_54 = arith.muli %scan3A_50, %mul3A_53 : i32
      %add3A_55 = arith.addi %mul3A_52, %mul3A_54 : i32
      "tpu.region"() ({
        %run_scoped3A = tpu.sem_alloc : memref<!tpu.dma_semaphore, #tpu.memory_space<semaphore_mem>>
        %dma_start3A = arith.constant 0 : i32
        %dma_start3A_56 = tpu.memref_slice %arg10[%add3A_55, %dma_start3A] : memref<10240x128xf32, #tpu.memory_space<vmem_shared>> -> memref<128x128xf32, #tpu.memory_space<vmem_shared>>
        %dma_start3A_57 = arith.constant 0 : i32
        %dma_start3A_58 = tpu.memref_slice %arg10[%add3A_55, %dma_start3A_57] : memref<10240x128xf32, #tpu.memory_space<vmem_shared>> -> memref<128x128xf32, #tpu.memory_space<vmem_shared>>
        tpu.enqueue_dma source(%arg8 : memref<128x128xf32, #tpu.memory_space<vmem>>) target(%dma_start3A_58 : memref<128x128xf32, #tpu.memory_space<vmem_shared>>) target_semaphore(%run_scoped3A : memref<!tpu.dma_semaphore, #tpu.memory_space<semaphore_mem>>)
        %dma_wait3A = arith.constant 0 : i32
        %dma_wait3A_59 = tpu.memref_slice %arg10[%add3A_55, %dma_wait3A] : memref<10240x128xf32, #tpu.memory_space<vmem_shared>> -> memref<128x128xf32, #tpu.memory_space<vmem_shared>>
        %dma_wait3A_60 = arith.constant 0 : i32
        %dma_wait3A_61 = tpu.memref_slice %arg10[%add3A_55, %dma_wait3A_60] : memref<10240x128xf32, #tpu.memory_space<vmem_shared>> -> memref<128x128xf32, #tpu.memory_space<vmem_shared>>
        tpu.wait_dma2 semaphore(%run_scoped3A : memref<!tpu.dma_semaphore, #tpu.memory_space<semaphore_mem>>) src(%arg8 : memref<128x128xf32, #tpu.memory_space<vmem>>) dst(%dma_wait3A_61 : memref<128x128xf32, #tpu.memory_space<vmem_shared>>)
        tpu.yield
      }) : () -> ()
    }
    %scan3A_32 = arith.constant 5 : i32
    %barrier3A = arith.constant 0 : index
    tpu.barrier barrier_id(%barrier3A)
    %while3A = arith.constant 0 : i32
    %while3A_33 = arith.constant 0 : i32
    %while3A_34 = arith.subi %select_n3A_19, %while3A_33 : i32
    %while3A_35 = arith.addi %while3A_33, %while3A_34 : i32
    %while3A_36 = arith.constant 1 : i32
    %while3A_37 = arith.divsi %while3A_34, %while3A_36 : i32
    %while3A_38 = arith.muli %while3A_37, %while3A_36 : i32
    %while3A_39 = arith.addi %while3A_33, %while3A_38 : i32
    %while3A_40 = arith.constant 1 : i32
    scf.for %while3A_50 = %while3A_33 to %while3A_39 step %while3A_40  : i32 {
      %mul3A_51 = arith.constant 16 : i32
      %mul3A_52 = arith.muli %while3A_50, %mul3A_51 : i32
      %add3A_53 = arith.addi %add3A, %mul3A_52 : i32
      "tpu.region"() ({
        %run_scoped3A = tpu.sem_alloc : memref<!tpu.dma_semaphore, #tpu.memory_space<semaphore_mem>>
        %dma_start3A_69 = arith.constant 0 : i32
        %dma_start3A_70 = tpu.memref_slice %arg3[%add3A_53, %dma_start3A_69] : memref<2560x128xi32, #tpu.memory_space<hbm>> -> memref<16x128xi32, #tpu.memory_space<hbm>>
        %dma_start3A_71 = arith.constant 0 : i32
        %dma_start3A_72 = tpu.memref_slice %arg3[%add3A_53, %dma_start3A_71] : memref<2560x128xi32, #tpu.memory_space<hbm>> -> memref<16x128xi32, #tpu.memory_space<hbm>>
        tpu.enqueue_dma source(%dma_start3A_72 : memref<16x128xi32, #tpu.memory_space<hbm>>) target(%arg6 : memref<16x128xi32, #tpu.memory_space<vmem>>) target_semaphore(%run_scoped3A : memref<!tpu.dma_semaphore, #tpu.memory_space<semaphore_mem>>)
        %dma_wait3A = arith.constant 0 : i32
        %dma_wait3A_73 = tpu.memref_slice %arg3[%add3A_53, %dma_wait3A] : memref<2560x128xi32, #tpu.memory_space<hbm>> -> memref<16x128xi32, #tpu.memory_space<hbm>>
        %dma_wait3A_74 = arith.constant 0 : i32
        %dma_wait3A_75 = tpu.memref_slice %arg3[%add3A_53, %dma_wait3A_74] : memref<2560x128xi32, #tpu.memory_space<hbm>> -> memref<16x128xi32, #tpu.memory_space<hbm>>
        tpu.wait_dma2 semaphore(%run_scoped3A : memref<!tpu.dma_semaphore, #tpu.memory_space<semaphore_mem>>) src(%dma_wait3A_75 : memref<16x128xi32, #tpu.memory_space<hbm>>) dst(%arg6 : memref<16x128xi32, #tpu.memory_space<vmem>>)
        tpu.yield
      }) : () -> ()
      %mul3A_54 = arith.constant 16 : i32
      %mul3A_55 = arith.muli %while3A_50, %mul3A_54 : i32
      %add3A_56 = arith.addi %add3A, %mul3A_55 : i32
      "tpu.region"() ({
        %run_scoped3A = tpu.sem_alloc : memref<!tpu.dma_semaphore, #tpu.memory_space<semaphore_mem>>
        %dma_start3A_69 = arith.constant 0 : i32
        %dma_start3A_70 = tpu.memref_slice %arg4[%add3A_56, %dma_start3A_69] : memref<2560x128xi32, #tpu.memory_space<hbm>> -> memref<16x128xi32, #tpu.memory_space<hbm>>
        %dma_start3A_71 = arith.constant 0 : i32
        %dma_start3A_72 = tpu.memref_slice %arg4[%add3A_56, %dma_start3A_71] : memref<2560x128xi32, #tpu.memory_space<hbm>> -> memref<16x128xi32, #tpu.memory_space<hbm>>
        tpu.enqueue_dma source(%dma_start3A_72 : memref<16x128xi32, #tpu.memory_space<hbm>>) target(%arg7 : memref<16x128xi32, #tpu.memory_space<vmem>>) target_semaphore(%run_scoped3A : memref<!tpu.dma_semaphore, #tpu.memory_space<semaphore_mem>>)
        %dma_wait3A = arith.constant 0 : i32
        %dma_wait3A_73 = tpu.memref_slice %arg4[%add3A_56, %dma_wait3A] : memref<2560x128xi32, #tpu.memory_space<hbm>> -> memref<16x128xi32, #tpu.memory_space<hbm>>
        %dma_wait3A_74 = arith.constant 0 : i32
        %dma_wait3A_75 = tpu.memref_slice %arg4[%add3A_56, %dma_wait3A_74] : memref<2560x128xi32, #tpu.memory_space<hbm>> -> memref<16x128xi32, #tpu.memory_space<hbm>>
        tpu.wait_dma2 semaphore(%run_scoped3A : memref<!tpu.dma_semaphore, #tpu.memory_space<semaphore_mem>>) src(%dma_wait3A_75 : memref<16x128xi32, #tpu.memory_space<hbm>>) dst(%arg7 : memref<16x128xi32, #tpu.memory_space<vmem>>)
        tpu.yield
      }) : () -> ()
      %dma_start3A = arith.constant 0 : i32
      %dma_start3A_57 = arith.constant 0 : i32
      %dma_start3A_58 = tpu.memref_slice %arg6[%dma_start3A, %dma_start3A_57] : memref<16x128xi32, #tpu.memory_space<vmem>> -> memref<1x128xi32, #tpu.memory_space<vmem>>
      %dma_start3A_59 = tpu.memref_squeeze %dma_start3A_58 : memref<1x128xi32, #tpu.memory_space<vmem>> -> memref<128xi32, #tpu.memory_space<vmem>>
      %dma_start3A_60 = arith.constant 0 : i32
      %dma_start3A_61 = arith.constant 0 : i32
      %dma_start3A_62 = tpu.memref_slice %arg2[%dma_start3A_60, %dma_start3A_61] : memref<10240x128xf32, #tpu.memory_space<hbm>> -> memref<10240x128xf32, #tpu.memory_space<hbm>>
      tpu.enqueue_indirect_dma source(%dma_start3A_62 : memref<10240x128xf32, #tpu.memory_space<hbm>>) target(%arg8 : memref<128x128xf32, #tpu.memory_space<vmem>>) offsets(%dma_start3A_59 : memref<128xi32, #tpu.memory_space<vmem>>) semaphore(%arg11 : memref<!tpu.dma_semaphore, #tpu.memory_space<semaphore_mem>>)
      %scan3A_63 = arith.constant 0 : i32
      %scan3A_64 = arith.constant 0 : i32
      %scan3A_65 = arith.constant 8 : i32
      %scan3A_66 = arith.addi %scan3A_64, %scan3A_65 : i32
      %scan3A_67 = arith.constant 1 : i32
      scf.for %scan3A_69 = %scan3A_64 to %scan3A_66 step %scan3A_67  : i32 {
        %mul3A_70 = arith.constant 2 : i32
        %mul3A_71 = arith.muli %mul3A_70, %scan3A_69 : i32
        %add3A_72 = arith.constant 1 : i32
        %add3A_73 = arith.addi %mul3A_71, %add3A_72 : i32
        %dma_start3A_74 = arith.constant 0 : i32
        %dma_start3A_75 = tpu.memref_slice %arg6[%add3A_73, %dma_start3A_74] : memref<16x128xi32, #tpu.memory_space<vmem>> -> memref<1x128xi32, #tpu.memory_space<vmem>>
        %dma_start3A_76 = tpu.memref_squeeze %dma_start3A_75 : memref<1x128xi32, #tpu.memory_space<vmem>> -> memref<128xi32, #tpu.memory_space<vmem>>
        %dma_start3A_77 = arith.constant 0 : i32
        %dma_start3A_78 = arith.constant 0 : i32
        %dma_start3A_79 = tpu.memref_slice %arg2[%dma_start3A_77, %dma_start3A_78] : memref<10240x128xf32, #tpu.memory_space<hbm>> -> memref<10240x128xf32, #tpu.memory_space<hbm>>
        tpu.enqueue_indirect_dma source(%dma_start3A_79 : memref<10240x128xf32, #tpu.memory_space<hbm>>) target(%arg9 : memref<128x128xf32, #tpu.memory_space<vmem>>) offsets(%dma_start3A_76 : memref<128xi32, #tpu.memory_space<vmem>>) semaphore(%arg12 : memref<!tpu.dma_semaphore, #tpu.memory_space<semaphore_mem>>)
        %dma_wait3A = arith.constant 0 : i32
        %dma_wait3A_80 = arith.constant 0 : i32
        %dma_wait3A_81 = tpu.memref_slice %arg2[%dma_wait3A, %dma_wait3A_80] : memref<10240x128xf32, #tpu.memory_space<hbm>> -> memref<128x128xf32, #tpu.memory_space<hbm>>
        %dma_wait3A_82 = arith.constant 0 : i32
        %dma_wait3A_83 = arith.constant 0 : i32
        %dma_wait3A_84 = tpu.memref_slice %arg2[%dma_wait3A_82, %dma_wait3A_83] : memref<10240x128xf32, #tpu.memory_space<hbm>> -> memref<128x128xf32, #tpu.memory_space<hbm>>
        tpu.wait_dma2 semaphore(%arg11 : memref<!tpu.dma_semaphore, #tpu.memory_space<semaphore_mem>>) src(%dma_wait3A_84 : memref<128x128xf32, #tpu.memory_space<hbm>>) dst(%arg8 : memref<128x128xf32, #tpu.memory_space<vmem>>)
        "tpu.region"() ({
          %run_scoped3A = tpu.sem_alloc : memref<!tpu.dma_semaphore, #tpu.memory_space<semaphore_mem>>
          %dma_start3A_96 = arith.constant 0 : i32
          %dma_start3A_97 = tpu.memref_slice %arg7[%mul3A_71, %dma_start3A_96] : memref<16x128xi32, #tpu.memory_space<vmem>> -> memref<1x128xi32, #tpu.memory_space<vmem>>
          %dma_start3A_98 = tpu.memref_squeeze %dma_start3A_97 : memref<1x128xi32, #tpu.memory_space<vmem>> -> memref<128xi32, #tpu.memory_space<vmem>>
          %dma_start3A_99 = arith.constant 0 : i32
          %dma_start3A_100 = arith.constant 0 : i32
          %dma_start3A_101 = tpu.memref_slice %arg10[%dma_start3A_99, %dma_start3A_100] : memref<10240x128xf32, #tpu.memory_space<vmem_shared>> -> memref<10240x128xf32, #tpu.memory_space<vmem_shared>>
          tpu.enqueue_indirect_dma source(%arg8 : memref<128x128xf32, #tpu.memory_space<vmem>>) target(%dma_start3A_101 : memref<10240x128xf32, #tpu.memory_space<vmem_shared>>) offsets(%dma_start3A_98 : memref<128xi32, #tpu.memory_space<vmem>>) semaphore(%run_scoped3A : memref<!tpu.dma_semaphore, #tpu.memory_space<semaphore_mem>>) {add = true}
          %dma_wait3A_102 = arith.constant 0 : i32
          %dma_wait3A_103 = tpu.memref_slice %arg7[%mul3A_71, %dma_wait3A_102] : memref<16x128xi32, #tpu.memory_space<vmem>> -> memref<1x128xi32, #tpu.memory_space<vmem>>
          %dma_wait3A_104 = tpu.memref_squeeze %dma_wait3A_103 : memref<1x128xi32, #tpu.memory_space<vmem>> -> memref<128xi32, #tpu.memory_space<vmem>>
          %dma_wait3A_105 = arith.constant 0 : i32
          %dma_wait3A_106 = arith.constant 0 : i32
          %dma_wait3A_107 = tpu.memref_slice %arg10[%dma_wait3A_105, %dma_wait3A_106] : memref<10240x128xf32, #tpu.memory_space<vmem_shared>> -> memref<10240x128xf32, #tpu.memory_space<vmem_shared>>
          tpu.wait_indirect_dma semaphore(%run_scoped3A : memref<!tpu.dma_semaphore, #tpu.memory_space<semaphore_mem>>) src(%arg8 : memref<128x128xf32, #tpu.memory_space<vmem>>) dst(%dma_wait3A_107 : memref<10240x128xf32, #tpu.memory_space<vmem_shared>>)
          tpu.yield
        }) : () -> ()
        %ne3A_85 = arith.constant 7 : i32
        %ne3A_86 = arith.cmpi ne, %scan3A_69, %ne3A_85 : i32
        %convert_element_type3A = arith.extui %ne3A_86 : i1 to i32
        %cond3A = arith.constant 0 : i32
        %cond3A_87 = arith.cmpi ne, %convert_element_type3A, %cond3A : i32
        scf.if %cond3A_87 {
          %add3A_96 = arith.constant 2 : i32
          %add3A_97 = arith.addi %mul3A_71, %add3A_96 : i32
          %dma_start3A_98 = arith.constant 0 : i32
          %dma_start3A_99 = tpu.memref_slice %arg6[%add3A_97, %dma_start3A_98] : memref<16x128xi32, #tpu.memory_space<vmem>> -> memref<1x128xi32, #tpu.memory_space<vmem>>
          %dma_start3A_100 = tpu.memref_squeeze %dma_start3A_99 : memref<1x128xi32, #tpu.memory_space<vmem>> -> memref<128xi32, #tpu.memory_space<vmem>>
          %dma_start3A_101 = arith.constant 0 : i32
          %dma_start3A_102 = arith.constant 0 : i32
          %dma_start3A_103 = tpu.memref_slice %arg2[%dma_start3A_101, %dma_start3A_102] : memref<10240x128xf32, #tpu.memory_space<hbm>> -> memref<10240x128xf32, #tpu.memory_space<hbm>>
          tpu.enqueue_indirect_dma source(%dma_start3A_103 : memref<10240x128xf32, #tpu.memory_space<hbm>>) target(%arg8 : memref<128x128xf32, #tpu.memory_space<vmem>>) offsets(%dma_start3A_100 : memref<128xi32, #tpu.memory_space<vmem>>) semaphore(%arg11 : memref<!tpu.dma_semaphore, #tpu.memory_space<semaphore_mem>>)
        } else {
        }
        %dma_wait3A_88 = arith.constant 0 : i32
        %dma_wait3A_89 = arith.constant 0 : i32
        %dma_wait3A_90 = tpu.memref_slice %arg2[%dma_wait3A_88, %dma_wait3A_89] : memref<10240x128xf32, #tpu.memory_space<hbm>> -> memref<128x128xf32, #tpu.memory_space<hbm>>
        %dma_wait3A_91 = arith.constant 0 : i32
        %dma_wait3A_92 = arith.constant 0 : i32
        %dma_wait3A_93 = tpu.memref_slice %arg2[%dma_wait3A_91, %dma_wait3A_92] : memref<10240x128xf32, #tpu.memory_space<hbm>> -> memref<128x128xf32, #tpu.memory_space<hbm>>
        tpu.wait_dma2 semaphore(%arg12 : memref<!tpu.dma_semaphore, #tpu.memory_space<semaphore_mem>>) src(%dma_wait3A_93 : memref<128x128xf32, #tpu.memory_space<hbm>>) dst(%arg9 : memref<128x128xf32, #tpu.memory_space<vmem>>)
        %add3A_94 = arith.constant 1 : i32
        %add3A_95 = arith.addi %mul3A_71, %add3A_94 : i32
        "tpu.region"() ({
          %run_scoped3A = tpu.sem_alloc : memref<!tpu.dma_semaphore, #tpu.memory_space<semaphore_mem>>
          %dma_start3A_96 = arith.constant 0 : i32
          %dma_start3A_97 = tpu.memref_slice %arg7[%add3A_95, %dma_start3A_96] : memref<16x128xi32, #tpu.memory_space<vmem>> -> memref<1x128xi32, #tpu.memory_space<vmem>>
          %dma_start3A_98 = tpu.memref_squeeze %dma_start3A_97 : memref<1x128xi32, #tpu.memory_space<vmem>> -> memref<128xi32, #tpu.memory_space<vmem>>
          %dma_start3A_99 = arith.constant 0 : i32
          %dma_start3A_100 = arith.constant 0 : i32
          %dma_start3A_101 = tpu.memref_slice %arg10[%dma_start3A_99, %dma_start3A_100] : memref<10240x128xf32, #tpu.memory_space<vmem_shared>> -> memref<10240x128xf32, #tpu.memory_space<vmem_shared>>
          tpu.enqueue_indirect_dma source(%arg9 : memref<128x128xf32, #tpu.memory_space<vmem>>) target(%dma_start3A_101 : memref<10240x128xf32, #tpu.memory_space<vmem_shared>>) offsets(%dma_start3A_98 : memref<128xi32, #tpu.memory_space<vmem>>) semaphore(%run_scoped3A : memref<!tpu.dma_semaphore, #tpu.memory_space<semaphore_mem>>) {add = true}
          %dma_wait3A_102 = arith.constant 0 : i32
          %dma_wait3A_103 = tpu.memref_slice %arg7[%add3A_95, %dma_wait3A_102] : memref<16x128xi32, #tpu.memory_space<vmem>> -> memref<1x128xi32, #tpu.memory_space<vmem>>
          %dma_wait3A_104 = tpu.memref_squeeze %dma_wait3A_103 : memref<1x128xi32, #tpu.memory_space<vmem>> -> memref<128xi32, #tpu.memory_space<vmem>>
          %dma_wait3A_105 = arith.constant 0 : i32
          %dma_wait3A_106 = arith.constant 0 : i32
          %dma_wait3A_107 = tpu.memref_slice %arg10[%dma_wait3A_105, %dma_wait3A_106] : memref<10240x128xf32, #tpu.memory_space<vmem_shared>> -> memref<10240x128xf32, #tpu.memory_space<vmem_shared>>
          tpu.wait_indirect_dma semaphore(%run_scoped3A : memref<!tpu.dma_semaphore, #tpu.memory_space<semaphore_mem>>) src(%arg9 : memref<128x128xf32, #tpu.memory_space<vmem>>) dst(%dma_wait3A_107 : memref<10240x128xf32, #tpu.memory_space<vmem_shared>>)
          tpu.yield
        }) : () -> ()
      }
      %scan3A_68 = arith.constant 8 : i32
    }
    %while3A_41 = arith.constant 1 : i32
    scf.for %while3A_50 = %while3A_39 to %while3A_35 step %while3A_41  : i32 {
      %mul3A_51 = arith.constant 16 : i32
      %mul3A_52 = arith.muli %while3A_50, %mul3A_51 : i32
      %add3A_53 = arith.addi %add3A, %mul3A_52 : i32
      "tpu.region"() ({
        %run_scoped3A = tpu.sem_alloc : memref<!tpu.dma_semaphore, #tpu.memory_space<semaphore_mem>>
        %dma_start3A_69 = arith.constant 0 : i32
        %dma_start3A_70 = tpu.memref_slice %arg3[%add3A_53, %dma_start3A_69] : memref<2560x128xi32, #tpu.memory_space<hbm>> -> memref<16x128xi32, #tpu.memory_space<hbm>>
        %dma_start3A_71 = arith.constant 0 : i32
        %dma_start3A_72 = tpu.memref_slice %arg3[%add3A_53, %dma_start3A_71] : memref<2560x128xi32, #tpu.memory_space<hbm>> -> memref<16x128xi32, #tpu.memory_space<hbm>>
        tpu.enqueue_dma source(%dma_start3A_72 : memref<16x128xi32, #tpu.memory_space<hbm>>) target(%arg6 : memref<16x128xi32, #tpu.memory_space<vmem>>) target_semaphore(%run_scoped3A : memref<!tpu.dma_semaphore, #tpu.memory_space<semaphore_mem>>)
        %dma_wait3A = arith.constant 0 : i32
        %dma_wait3A_73 = tpu.memref_slice %arg3[%add3A_53, %dma_wait3A] : memref<2560x128xi32, #tpu.memory_space<hbm>> -> memref<16x128xi32, #tpu.memory_space<hbm>>
        %dma_wait3A_74 = arith.constant 0 : i32
        %dma_wait3A_75 = tpu.memref_slice %arg3[%add3A_53, %dma_wait3A_74] : memref<2560x128xi32, #tpu.memory_space<hbm>> -> memref<16x128xi32, #tpu.memory_space<hbm>>
        tpu.wait_dma2 semaphore(%run_scoped3A : memref<!tpu.dma_semaphore, #tpu.memory_space<semaphore_mem>>) src(%dma_wait3A_75 : memref<16x128xi32, #tpu.memory_space<hbm>>) dst(%arg6 : memref<16x128xi32, #tpu.memory_space<vmem>>)
        tpu.yield
      }) : () -> ()
      %mul3A_54 = arith.constant 16 : i32
      %mul3A_55 = arith.muli %while3A_50, %mul3A_54 : i32
      %add3A_56 = arith.addi %add3A, %mul3A_55 : i32
      "tpu.region"() ({
        %run_scoped3A = tpu.sem_alloc : memref<!tpu.dma_semaphore, #tpu.memory_space<semaphore_mem>>
        %dma_start3A_69 = arith.constant 0 : i32
        %dma_start3A_70 = tpu.memref_slice %arg4[%add3A_56, %dma_start3A_69] : memref<2560x128xi32, #tpu.memory_space<hbm>> -> memref<16x128xi32, #tpu.memory_space<hbm>>
        %dma_start3A_71 = arith.constant 0 : i32
        %dma_start3A_72 = tpu.memref_slice %arg4[%add3A_56, %dma_start3A_71] : memref<2560x128xi32, #tpu.memory_space<hbm>> -> memref<16x128xi32, #tpu.memory_space<hbm>>
        tpu.enqueue_dma source(%dma_start3A_72 : memref<16x128xi32, #tpu.memory_space<hbm>>) target(%arg7 : memref<16x128xi32, #tpu.memory_space<vmem>>) target_semaphore(%run_scoped3A : memref<!tpu.dma_semaphore, #tpu.memory_space<semaphore_mem>>)
        %dma_wait3A = arith.constant 0 : i32
        %dma_wait3A_73 = tpu.memref_slice %arg4[%add3A_56, %dma_wait3A] : memref<2560x128xi32, #tpu.memory_space<hbm>> -> memref<16x128xi32, #tpu.memory_space<hbm>>
        %dma_wait3A_74 = arith.constant 0 : i32
        %dma_wait3A_75 = tpu.memref_slice %arg4[%add3A_56, %dma_wait3A_74] : memref<2560x128xi32, #tpu.memory_space<hbm>> -> memref<16x128xi32, #tpu.memory_space<hbm>>
        tpu.wait_dma2 semaphore(%run_scoped3A : memref<!tpu.dma_semaphore, #tpu.memory_space<semaphore_mem>>) src(%dma_wait3A_75 : memref<16x128xi32, #tpu.memory_space<hbm>>) dst(%arg7 : memref<16x128xi32, #tpu.memory_space<vmem>>)
        tpu.yield
      }) : () -> ()
      %dma_start3A = arith.constant 0 : i32
      %dma_start3A_57 = arith.constant 0 : i32
      %dma_start3A_58 = tpu.memref_slice %arg6[%dma_start3A, %dma_start3A_57] : memref<16x128xi32, #tpu.memory_space<vmem>> -> memref<1x128xi32, #tpu.memory_space<vmem>>
      %dma_start3A_59 = tpu.memref_squeeze %dma_start3A_58 : memref<1x128xi32, #tpu.memory_space<vmem>> -> memref<128xi32, #tpu.memory_space<vmem>>
      %dma_start3A_60 = arith.constant 0 : i32
      %dma_start3A_61 = arith.constant 0 : i32
      %dma_start3A_62 = tpu.memref_slice %arg2[%dma_start3A_60, %dma_start3A_61] : memref<10240x128xf32, #tpu.memory_space<hbm>> -> memref<10240x128xf32, #tpu.memory_space<hbm>>
      tpu.enqueue_indirect_dma source(%dma_start3A_62 : memref<10240x128xf32, #tpu.memory_space<hbm>>) target(%arg8 : memref<128x128xf32, #tpu.memory_space<vmem>>) offsets(%dma_start3A_59 : memref<128xi32, #tpu.memory_space<vmem>>) semaphore(%arg11 : memref<!tpu.dma_semaphore, #tpu.memory_space<semaphore_mem>>)
      %scan3A_63 = arith.constant 0 : i32
      %scan3A_64 = arith.constant 0 : i32
      %scan3A_65 = arith.constant 8 : i32
      %scan3A_66 = arith.addi %scan3A_64, %scan3A_65 : i32
      %scan3A_67 = arith.constant 1 : i32
      scf.for %scan3A_69 = %scan3A_64 to %scan3A_66 step %scan3A_67  : i32 {
        %mul3A_70 = arith.constant 2 : i32
        %mul3A_71 = arith.muli %mul3A_70, %scan3A_69 : i32
        %add3A_72 = arith.constant 1 : i32
        %add3A_73 = arith.addi %mul3A_71, %add3A_72 : i32
        %dma_start3A_74 = arith.constant 0 : i32
        %dma_start3A_75 = tpu.memref_slice %arg6[%add3A_73, %dma_start3A_74] : memref<16x128xi32, #tpu.memory_space<vmem>> -> memref<1x128xi32, #tpu.memory_space<vmem>>
        %dma_start3A_76 = tpu.memref_squeeze %dma_start3A_75 : memref<1x128xi32, #tpu.memory_space<vmem>> -> memref<128xi32, #tpu.memory_space<vmem>>
        %dma_start3A_77 = arith.constant 0 : i32
        %dma_start3A_78 = arith.constant 0 : i32
        %dma_start3A_79 = tpu.memref_slice %arg2[%dma_start3A_77, %dma_start3A_78] : memref<10240x128xf32, #tpu.memory_space<hbm>> -> memref<10240x128xf32, #tpu.memory_space<hbm>>
        tpu.enqueue_indirect_dma source(%dma_start3A_79 : memref<10240x128xf32, #tpu.memory_space<hbm>>) target(%arg9 : memref<128x128xf32, #tpu.memory_space<vmem>>) offsets(%dma_start3A_76 : memref<128xi32, #tpu.memory_space<vmem>>) semaphore(%arg12 : memref<!tpu.dma_semaphore, #tpu.memory_space<semaphore_mem>>)
        %dma_wait3A = arith.constant 0 : i32
        %dma_wait3A_80 = arith.constant 0 : i32
        %dma_wait3A_81 = tpu.memref_slice %arg2[%dma_wait3A, %dma_wait3A_80] : memref<10240x128xf32, #tpu.memory_space<hbm>> -> memref<128x128xf32, #tpu.memory_space<hbm>>
        %dma_wait3A_82 = arith.constant 0 : i32
        %dma_wait3A_83 = arith.constant 0 : i32
        %dma_wait3A_84 = tpu.memref_slice %arg2[%dma_wait3A_82, %dma_wait3A_83] : memref<10240x128xf32, #tpu.memory_space<hbm>> -> memref<128x128xf32, #tpu.memory_space<hbm>>
        tpu.wait_dma2 semaphore(%arg11 : memref<!tpu.dma_semaphore, #tpu.memory_space<semaphore_mem>>) src(%dma_wait3A_84 : memref<128x128xf32, #tpu.memory_space<hbm>>) dst(%arg8 : memref<128x128xf32, #tpu.memory_space<vmem>>)
        "tpu.region"() ({
          %run_scoped3A = tpu.sem_alloc : memref<!tpu.dma_semaphore, #tpu.memory_space<semaphore_mem>>
          %dma_start3A_96 = arith.constant 0 : i32
          %dma_start3A_97 = tpu.memref_slice %arg7[%mul3A_71, %dma_start3A_96] : memref<16x128xi32, #tpu.memory_space<vmem>> -> memref<1x128xi32, #tpu.memory_space<vmem>>
          %dma_start3A_98 = tpu.memref_squeeze %dma_start3A_97 : memref<1x128xi32, #tpu.memory_space<vmem>> -> memref<128xi32, #tpu.memory_space<vmem>>
          %dma_start3A_99 = arith.constant 0 : i32
          %dma_start3A_100 = arith.constant 0 : i32
          %dma_start3A_101 = tpu.memref_slice %arg10[%dma_start3A_99, %dma_start3A_100] : memref<10240x128xf32, #tpu.memory_space<vmem_shared>> -> memref<10240x128xf32, #tpu.memory_space<vmem_shared>>
          tpu.enqueue_indirect_dma source(%arg8 : memref<128x128xf32, #tpu.memory_space<vmem>>) target(%dma_start3A_101 : memref<10240x128xf32, #tpu.memory_space<vmem_shared>>) offsets(%dma_start3A_98 : memref<128xi32, #tpu.memory_space<vmem>>) semaphore(%run_scoped3A : memref<!tpu.dma_semaphore, #tpu.memory_space<semaphore_mem>>) {add = true}
          %dma_wait3A_102 = arith.constant 0 : i32
          %dma_wait3A_103 = tpu.memref_slice %arg7[%mul3A_71, %dma_wait3A_102] : memref<16x128xi32, #tpu.memory_space<vmem>> -> memref<1x128xi32, #tpu.memory_space<vmem>>
          %dma_wait3A_104 = tpu.memref_squeeze %dma_wait3A_103 : memref<1x128xi32, #tpu.memory_space<vmem>> -> memref<128xi32, #tpu.memory_space<vmem>>
          %dma_wait3A_105 = arith.constant 0 : i32
          %dma_wait3A_106 = arith.constant 0 : i32
          %dma_wait3A_107 = tpu.memref_slice %arg10[%dma_wait3A_105, %dma_wait3A_106] : memref<10240x128xf32, #tpu.memory_space<vmem_shared>> -> memref<10240x128xf32, #tpu.memory_space<vmem_shared>>
          tpu.wait_indirect_dma semaphore(%run_scoped3A : memref<!tpu.dma_semaphore, #tpu.memory_space<semaphore_mem>>) src(%arg8 : memref<128x128xf32, #tpu.memory_space<vmem>>) dst(%dma_wait3A_107 : memref<10240x128xf32, #tpu.memory_space<vmem_shared>>)
          tpu.yield
        }) : () -> ()
        %ne3A_85 = arith.constant 7 : i32
        %ne3A_86 = arith.cmpi ne, %scan3A_69, %ne3A_85 : i32
        %convert_element_type3A = arith.extui %ne3A_86 : i1 to i32
        %cond3A = arith.constant 0 : i32
        %cond3A_87 = arith.cmpi ne, %convert_element_type3A, %cond3A : i32
        scf.if %cond3A_87 {
          %add3A_96 = arith.constant 2 : i32
          %add3A_97 = arith.addi %mul3A_71, %add3A_96 : i32
          %dma_start3A_98 = arith.constant 0 : i32
          %dma_start3A_99 = tpu.memref_slice %arg6[%add3A_97, %dma_start3A_98] : memref<16x128xi32, #tpu.memory_space<vmem>> -> memref<1x128xi32, #tpu.memory_space<vmem>>
          %dma_start3A_100 = tpu.memref_squeeze %dma_start3A_99 : memref<1x128xi32, #tpu.memory_space<vmem>> -> memref<128xi32, #tpu.memory_space<vmem>>
          %dma_start3A_101 = arith.constant 0 : i32
          %dma_start3A_102 = arith.constant 0 : i32
          %dma_start3A_103 = tpu.memref_slice %arg2[%dma_start3A_101, %dma_start3A_102] : memref<10240x128xf32, #tpu.memory_space<hbm>> -> memref<10240x128xf32, #tpu.memory_space<hbm>>
          tpu.enqueue_indirect_dma source(%dma_start3A_103 : memref<10240x128xf32, #tpu.memory_space<hbm>>) target(%arg8 : memref<128x128xf32, #tpu.memory_space<vmem>>) offsets(%dma_start3A_100 : memref<128xi32, #tpu.memory_space<vmem>>) semaphore(%arg11 : memref<!tpu.dma_semaphore, #tpu.memory_space<semaphore_mem>>)
        } else {
        }
        %dma_wait3A_88 = arith.constant 0 : i32
        %dma_wait3A_89 = arith.constant 0 : i32
        %dma_wait3A_90 = tpu.memref_slice %arg2[%dma_wait3A_88, %dma_wait3A_89] : memref<10240x128xf32, #tpu.memory_space<hbm>> -> memref<128x128xf32, #tpu.memory_space<hbm>>
        %dma_wait3A_91 = arith.constant 0 : i32
        %dma_wait3A_92 = arith.constant 0 : i32
        %dma_wait3A_93 = tpu.memref_slice %arg2[%dma_wait3A_91, %dma_wait3A_92] : memref<10240x128xf32, #tpu.memory_space<hbm>> -> memref<128x128xf32, #tpu.memory_space<hbm>>
        tpu.wait_dma2 semaphore(%arg12 : memref<!tpu.dma_semaphore, #tpu.memory_space<semaphore_mem>>) src(%dma_wait3A_93 : memref<128x128xf32, #tpu.memory_space<hbm>>) dst(%arg9 : memref<128x128xf32, #tpu.memory_space<vmem>>)
        %add3A_94 = arith.constant 1 : i32
        %add3A_95 = arith.addi %mul3A_71, %add3A_94 : i32
        "tpu.region"() ({
          %run_scoped3A = tpu.sem_alloc : memref<!tpu.dma_semaphore, #tpu.memory_space<semaphore_mem>>
          %dma_start3A_96 = arith.constant 0 : i32
          %dma_start3A_97 = tpu.memref_slice %arg7[%add3A_95, %dma_start3A_96] : memref<16x128xi32, #tpu.memory_space<vmem>> -> memref<1x128xi32, #tpu.memory_space<vmem>>
          %dma_start3A_98 = tpu.memref_squeeze %dma_start3A_97 : memref<1x128xi32, #tpu.memory_space<vmem>> -> memref<128xi32, #tpu.memory_space<vmem>>
          %dma_start3A_99 = arith.constant 0 : i32
          %dma_start3A_100 = arith.constant 0 : i32
          %dma_start3A_101 = tpu.memref_slice %arg10[%dma_start3A_99, %dma_start3A_100] : memref<10240x128xf32, #tpu.memory_space<vmem_shared>> -> memref<10240x128xf32, #tpu.memory_space<vmem_shared>>
          tpu.enqueue_indirect_dma source(%arg9 : memref<128x128xf32, #tpu.memory_space<vmem>>) target(%dma_start3A_101 : memref<10240x128xf32, #tpu.memory_space<vmem_shared>>) offsets(%dma_start3A_98 : memref<128xi32, #tpu.memory_space<vmem>>) semaphore(%run_scoped3A : memref<!tpu.dma_semaphore, #tpu.memory_space<semaphore_mem>>) {add = true}
          %dma_wait3A_102 = arith.constant 0 : i32
          %dma_wait3A_103 = tpu.memref_slice %arg7[%add3A_95, %dma_wait3A_102] : memref<16x128xi32, #tpu.memory_space<vmem>> -> memref<1x128xi32, #tpu.memory_space<vmem>>
          %dma_wait3A_104 = tpu.memref_squeeze %dma_wait3A_103 : memref<1x128xi32, #tpu.memory_space<vmem>> -> memref<128xi32, #tpu.memory_space<vmem>>
          %dma_wait3A_105 = arith.constant 0 : i32
          %dma_wait3A_106 = arith.constant 0 : i32
          %dma_wait3A_107 = tpu.memref_slice %arg10[%dma_wait3A_105, %dma_wait3A_106] : memref<10240x128xf32, #tpu.memory_space<vmem_shared>> -> memref<10240x128xf32, #tpu.memory_space<vmem_shared>>
          tpu.wait_indirect_dma semaphore(%run_scoped3A : memref<!tpu.dma_semaphore, #tpu.memory_space<semaphore_mem>>) src(%arg9 : memref<128x128xf32, #tpu.memory_space<vmem>>) dst(%dma_wait3A_107 : memref<10240x128xf32, #tpu.memory_space<vmem_shared>>)
          tpu.yield
        }) : () -> ()
      }
      %scan3A_68 = arith.constant 8 : i32
    }
    %barrier3A_42 = arith.constant 0 : index
    tpu.barrier barrier_id(%barrier3A_42)
    %mul3A_43 = arith.constant 640 : i32
    %mul3A_44 = arith.muli %arg1, %mul3A_43 : i32
    %mul3A_45 = arith.constant 10240 : i32
    %mul3A_46 = arith.muli %arg0, %mul3A_45 : i32
    %mul3A_47 = arith.constant 640 : i32
    %mul3A_48 = arith.muli %arg1, %mul3A_47 : i32
    %add3A_49 = arith.addi %mul3A_46, %mul3A_48 : i32
    "tpu.region"() ({
      %run_scoped3A = tpu.sem_alloc : memref<!tpu.dma_semaphore, #tpu.memory_space<semaphore_mem>>
      %dma_start3A = arith.constant 0 : i32
      %dma_start3A_50 = tpu.memref_slice %arg5[%add3A_49, %dma_start3A] : memref<20480x128xf32, #tpu.memory_space<hbm>> -> memref<640x128xf32, #tpu.memory_space<hbm>>
      %dma_start3A_51 = arith.constant 0 : i32
      %dma_start3A_52 = tpu.memref_slice %arg10[%mul3A_44, %dma_start3A_51] : memref<10240x128xf32, #tpu.memory_space<vmem_shared>> -> memref<640x128xf32, #tpu.memory_space<vmem_shared>>
      tpu.enqueue_dma source(%dma_start3A_52 : memref<640x128xf32, #tpu.memory_space<vmem_shared>>) target(%dma_start3A_50 : memref<640x128xf32, #tpu.memory_space<hbm>>) target_semaphore(%run_scoped3A : memref<!tpu.dma_semaphore, #tpu.memory_space<semaphore_mem>>)
      %dma_wait3A = arith.constant 0 : i32
      %dma_wait3A_53 = tpu.memref_slice %arg5[%add3A_49, %dma_wait3A] : memref<20480x128xf32, #tpu.memory_space<hbm>> -> memref<640x128xf32, #tpu.memory_space<hbm>>
      %dma_wait3A_54 = arith.constant 0 : i32
      %dma_wait3A_55 = tpu.memref_slice %arg10[%mul3A_44, %dma_wait3A_54] : memref<10240x128xf32, #tpu.memory_space<vmem_shared>> -> memref<640x128xf32, #tpu.memory_space<vmem_shared>>
      tpu.wait_dma2 semaphore(%run_scoped3A : memref<!tpu.dma_semaphore, #tpu.memory_space<semaphore_mem>>) src(%dma_wait3A_55 : memref<640x128xf32, #tpu.memory_space<vmem_shared>>) dst(%dma_wait3A_53 : memref<640x128xf32, #tpu.memory_space<hbm>>)
      tpu.yield
    }) : () -> ()
    return
  }
}

module attributes {stable_mosaic.version = 14 : i64} {
  func.func @_prep_body(%arg0: i32, %arg1: memref<2x1024xf32, #tpu.memory_space<vmem>>, %arg2: memref<1024xi32, #tpu.memory_space<vmem>>, %arg3: memref<4x128xf32, #tpu.memory_space<vmem>>, %arg4: memref<128x128xf32, #tpu.memory_space<vmem>>, %arg5: memref<1024x128xf32, #tpu.memory_space<vmem>>, %arg6: memref<1024xf32, #tpu.memory_space<vmem>>) attributes {dimension_semantics = [#tpu.dimension_semantics<arbitrary>], iteration_bounds = array<i64: 10>, scalar_prefetch = 0 : i64, scratch_operands = 0 : i64, tpu.core_type = #tpu.core_type<tc>, window_params = [{transform_indices = @transform_0, window_bounds = array<i64: 2, 1024>}, {transform_indices = @transform_1, window_bounds = array<i64: 1024>}, {pipeline_mode = #tpu.pipeline_mode<synchronous>, transform_indices = @transform_2, window_bounds = array<i64: 4, 128>}, {pipeline_mode = #tpu.pipeline_mode<synchronous>, transform_indices = @transform_3, window_bounds = array<i64: 128, 128>}, {transform_indices = @transform_4, window_bounds = array<i64: 1024, 128>}, {transform_indices = @transform_5, window_bounds = array<i64: 1024>}]} {
    %get3A = arith.constant 0 : index
    %get3A_0 = arith.constant 0 : index
    %get3A_1 = vector.load %arg1[%get3A, %get3A_0] : memref<2x1024xf32, #tpu.memory_space<vmem>>, vector<1x1024xf32>
    %get3A_2 = vector.shape_cast %get3A_1 : vector<1x1024xf32> to vector<1024xf32>
    %get3A_3 = arith.constant 1 : index
    %get3A_4 = arith.constant 0 : index
    %get3A_5 = vector.load %arg1[%get3A_3, %get3A_4] : memref<2x1024xf32, #tpu.memory_space<vmem>>, vector<1x1024xf32>
    %get3A_6 = vector.shape_cast %get3A_5 : vector<1x1024xf32> to vector<1024xf32>
    %add3A = arith.addf %get3A_2, %get3A_6 : vector<1024xf32>
    %add3A_7 = arith.constant 1.000000e+00 : f32
    %add3A_8 = vector.broadcast %add3A_7 : f32 to vector<1024xf32>
    %add3A_9 = arith.addf %add3A, %add3A_8 : vector<1024xf32>
    %rsqrt3A = math.rsqrt %add3A_9 : vector<1024xf32>
    %get3A_10 = arith.constant 0 : index
    %get3A_11 = arith.constant 0 : index
    %get3A_12 = vector.load %arg3[%get3A_10, %get3A_11] : memref<4x128xf32, #tpu.memory_space<vmem>>, vector<4x128xf32>
    %get3A_13 = arith.constant 0 : index
    %get3A_14 = arith.constant 0 : index
    %get3A_15 = vector.load %arg4[%get3A_13, %get3A_14] : memref<128x128xf32, #tpu.memory_space<vmem>>, vector<128x128xf32>
    %dot_general3A = arith.constant dense<0.000000e+00> : vector<4x128xf32>
    %dot_general3A_16 = tpu.matmul %get3A_12, %get3A_15, %dot_general3A {dimension_numbers = #tpu.dot_dimension_numbers<[1], [0], [0], [1], [0, 0, 1, 1], [], []>, transpose_lhs_hint = false} : vector<4x128xf32>, vector<128x128xf32>, vector<4x128xf32> -> vector<4x128xf32>
    %get3A_17 = arith.constant 0 : index
    %get3A_18 = vector.load %arg2[%get3A_17] : memref<1024xi32, #tpu.memory_space<vmem>>, vector<1024xi32>
    %broadcast_in_dim3A = vector.shape_cast %get3A_18 : vector<1024xi32> to vector<1024x1xi32>
    %iota3A = tpu.iota {dimensions = array<i32: 1>} : vector<1024x4xi32>
    %eq3A = vector.broadcast %broadcast_in_dim3A : vector<1024x1xi32> to vector<1024x4xi32>
    %eq3A_19 = arith.cmpi eq, %eq3A, %iota3A : vector<1024x4xi32>
    %convert_element_type3A = arith.extui %eq3A_19 : vector<1024x4xi1> to vector<1024x4xi32>
    %convert_element_type3A_20 = arith.sitofp %convert_element_type3A : vector<1024x4xi32> to vector<1024x4xf32>
    %dot_general3A_21 = arith.constant dense<0.000000e+00> : vector<1024x128xf32>
    %dot_general3A_22 = tpu.matmul %convert_element_type3A_20, %dot_general3A_16, %dot_general3A_21 {dimension_numbers = #tpu.dot_dimension_numbers<[1], [0], [0], [1], [0, 0, 1, 1], [], []>, precision = #tpu.contract_precision<fp32>, transpose_lhs_hint = false} : vector<1024x4xf32>, vector<4x128xf32>, vector<1024x128xf32> -> vector<1024x128xf32>
    %broadcast_in_dim3A_23 = vector.shape_cast %rsqrt3A : vector<1024xf32> to vector<1024x1xf32>
    %mul3A = vector.broadcast %broadcast_in_dim3A_23 : vector<1024x1xf32> to vector<1024x128xf32>
    %mul3A_24 = arith.mulf %dot_general3A_22, %mul3A : vector<1024x128xf32>
    %swap3A = arith.constant 0 : index
    %swap3A_25 = arith.constant 0 : index
    %swap3A_26 = vector.load %arg5[%swap3A, %swap3A_25] : memref<1024x128xf32, #tpu.memory_space<vmem>>, vector<1024x128xf32>
    tpu.vector_store %arg5[%swap3A, %swap3A_25], %mul3A_24 {strides = array<i32>} : memref<1024x128xf32, #tpu.memory_space<vmem>>, vector<1024x128xf32>,
    %swap3A_27 = arith.constant 0 : index
    %swap3A_28 = vector.load %arg6[%swap3A_27] : memref<1024xf32, #tpu.memory_space<vmem>>, vector<1024xf32>
    tpu.vector_store %arg6[%swap3A_27], %rsqrt3A {strides = array<i32>} : memref<1024xf32, #tpu.memory_space<vmem>>, vector<1024xf32>,
    return
  }
  func.func @transform_0(%arg0: i32) -> (i32, i32) {
    %c0_i32 = arith.constant 0 : i32
    %c0_i32_0 = arith.constant 0 : i32
    return %c0_i32, %arg0 : i32, i32
  }
  func.func @transform_1(%arg0: i32) -> i32 {
    %c0_i32 = arith.constant 0 : i32
    return %arg0 : i32
  }
  func.func @transform_2(%arg0: i32) -> (i32, i32) {
    %c0_i32 = arith.constant 0 : i32
    %c0_i32_0 = arith.constant 0 : i32
    %c0_i32_1 = arith.constant 0 : i32
    return %c0_i32, %c0_i32_0 : i32, i32
  }
  func.func @transform_3(%arg0: i32) -> (i32, i32) {
    %c0_i32 = arith.constant 0 : i32
    %c0_i32_0 = arith.constant 0 : i32
    %c0_i32_1 = arith.constant 0 : i32
    return %c0_i32, %c0_i32_0 : i32, i32
  }
  func.func @transform_4(%arg0: i32) -> (i32, i32) {
    %c0_i32 = arith.constant 0 : i32
    %c0_i32_0 = arith.constant 0 : i32
    return %arg0, %c0_i32 : i32, i32
  }
  func.func @transform_5(%arg0: i32) -> i32 {
    %c0_i32 = arith.constant 0 : i32
    return %arg0 : i32
  }
}

module attributes {stable_mosaic.version = 14 : i64} {
  func.func @_mid_body(%arg0: i32, %arg1: memref<1024x128xf32, #tpu.memory_space<vmem>>, %arg2: memref<1024x128xf32, #tpu.memory_space<vmem>>, %arg3: memref<1024x128xf32, #tpu.memory_space<vmem>>, %arg4: memref<1024xf32, #tpu.memory_space<vmem>>, %arg5: memref<128xf32, #tpu.memory_space<vmem>>, %arg6: memref<128x128xf32, #tpu.memory_space<vmem>>, %arg7: memref<1024x128xf32, #tpu.memory_space<vmem>>) attributes {dimension_semantics = [#tpu.dimension_semantics<arbitrary>], iteration_bounds = array<i64: 10>, scalar_prefetch = 0 : i64, scratch_operands = 0 : i64, tpu.core_type = #tpu.core_type<tc>, window_params = [{transform_indices = @transform_0, window_bounds = array<i64: 1024, 128>}, {transform_indices = @transform_1, window_bounds = array<i64: 1024, 128>}, {transform_indices = @transform_2, window_bounds = array<i64: 1024, 128>}, {transform_indices = @transform_3, window_bounds = array<i64: 1024>}, {pipeline_mode = #tpu.pipeline_mode<synchronous>, transform_indices = @transform_4, window_bounds = array<i64: 128>}, {pipeline_mode = #tpu.pipeline_mode<synchronous>, transform_indices = @transform_5, window_bounds = array<i64: 128, 128>}, {transform_indices = @transform_6, window_bounds = array<i64: 1024, 128>}]} {
    %get3A = arith.constant 0 : index
    %get3A_0 = vector.load %arg4[%get3A] : memref<1024xf32, #tpu.memory_space<vmem>>, vector<1024xf32>
    %broadcast_in_dim3A = vector.shape_cast %get3A_0 : vector<1024xf32> to vector<1024x1xf32>
    %get3A_1 = arith.constant 0 : index
    %get3A_2 = arith.constant 0 : index
    %get3A_3 = vector.load %arg1[%get3A_1, %get3A_2] : memref<1024x128xf32, #tpu.memory_space<vmem>>, vector<1024x128xf32>
    %get3A_4 = arith.constant 0 : index
    %get3A_5 = arith.constant 0 : index
    %get3A_6 = vector.load %arg2[%get3A_4, %get3A_5] : memref<1024x128xf32, #tpu.memory_space<vmem>>, vector<1024x128xf32>
    %add3A = arith.addf %get3A_3, %get3A_6 : vector<1024x128xf32>
    %get3A_7 = arith.constant 0 : index
    %get3A_8 = arith.constant 0 : index
    %get3A_9 = vector.load %arg3[%get3A_7, %get3A_8] : memref<1024x128xf32, #tpu.memory_space<vmem>>, vector<1024x128xf32>
    %add3A_10 = arith.addf %add3A, %get3A_9 : vector<1024x128xf32>
    %mul3A = vector.broadcast %broadcast_in_dim3A : vector<1024x1xf32> to vector<1024x128xf32>
    %mul3A_11 = arith.mulf %mul3A, %add3A_10 : vector<1024x128xf32>
    %get3A_12 = arith.constant 0 : index
    %get3A_13 = vector.load %arg5[%get3A_12] : memref<128xf32, #tpu.memory_space<vmem>>, vector<128xf32>
    %broadcast_in_dim3A_14 = vector.shape_cast %get3A_13 : vector<128xf32> to vector<1x128xf32>
    %add3A_15 = vector.broadcast %broadcast_in_dim3A_14 : vector<1x128xf32> to vector<1024x128xf32>
    %add3A_16 = arith.addf %mul3A_11, %add3A_15 : vector<1024x128xf32>
    %max3A = arith.constant 0.000000e+00 : f32
    %max3A_17 = vector.broadcast %max3A : f32 to vector<1024x128xf32>
    %max3A_18 = arith.maximumf %add3A_16, %max3A_17 : vector<1024x128xf32>
    %get3A_19 = arith.constant 0 : index
    %get3A_20 = arith.constant 0 : index
    %get3A_21 = vector.load %arg6[%get3A_19, %get3A_20] : memref<128x128xf32, #tpu.memory_space<vmem>>, vector<128x128xf32>
    %dot_general3A = arith.constant dense<0.000000e+00> : vector<1024x128xf32>
    %dot_general3A_22 = tpu.matmul %max3A_18, %get3A_21, %dot_general3A {dimension_numbers = #tpu.dot_dimension_numbers<[1], [0], [0], [1], [0, 0, 1, 1], [], []>, transpose_lhs_hint = false} : vector<1024x128xf32>, vector<128x128xf32>, vector<1024x128xf32> -> vector<1024x128xf32>
    %broadcast_in_dim3A_23 = vector.shape_cast %get3A_0 : vector<1024xf32> to vector<1024x1xf32>
    %mul3A_24 = vector.broadcast %broadcast_in_dim3A_23 : vector<1024x1xf32> to vector<1024x128xf32>
    %mul3A_25 = arith.mulf %dot_general3A_22, %mul3A_24 : vector<1024x128xf32>
    %swap3A = arith.constant 0 : index
    %swap3A_26 = arith.constant 0 : index
    %swap3A_27 = vector.load %arg7[%swap3A, %swap3A_26] : memref<1024x128xf32, #tpu.memory_space<vmem>>, vector<1024x128xf32>
    tpu.vector_store %arg7[%swap3A, %swap3A_26], %mul3A_25 {strides = array<i32>} : memref<1024x128xf32, #tpu.memory_space<vmem>>, vector<1024x128xf32>,
    return
  }
  func.func @transform_0(%arg0: i32) -> (i32, i32) {
    %c0_i32 = arith.constant 0 : i32
    %c0_i32_0 = arith.constant 0 : i32
    return %arg0, %c0_i32 : i32, i32
  }
  func.func @transform_1(%arg0: i32) -> (i32, i32) {
    %c0_i32 = arith.constant 0 : i32
    %c0_i32_0 = arith.constant 0 : i32
    return %arg0, %c0_i32 : i32, i32
  }
  func.func @transform_2(%arg0: i32) -> (i32, i32) {
    %c0_i32 = arith.constant 0 : i32
    %c0_i32_0 = arith.constant 0 : i32
    return %arg0, %c0_i32 : i32, i32
  }
  func.func @transform_3(%arg0: i32) -> i32 {
    %c0_i32 = arith.constant 0 : i32
    return %arg0 : i32
  }
  func.func @transform_4(%arg0: i32) -> i32 {
    %c0_i32 = arith.constant 0 : i32
    %c0_i32_0 = arith.constant 0 : i32
    return %c0_i32 : i32
  }
  func.func @transform_5(%arg0: i32) -> (i32, i32) {
    %c0_i32 = arith.constant 0 : i32
    %c0_i32_0 = arith.constant 0 : i32
    %c0_i32_1 = arith.constant 0 : i32
    return %c0_i32, %c0_i32_0 : i32, i32
  }
  func.func @transform_6(%arg0: i32) -> (i32, i32) {
    %c0_i32 = arith.constant 0 : i32
    %c0_i32_0 = arith.constant 0 : i32
    return %arg0, %c0_i32 : i32, i32
  }
}

module attributes {stable_mosaic.version = 14 : i64} {
  func.func @_head_body(%arg0: memref<4096x128xf32, #tpu.memory_space<vmem>>, %arg1: memref<4096x128xf32, #tpu.memory_space<vmem>>, %arg2: memref<4096x128xf32, #tpu.memory_space<vmem>>, %arg3: memref<4096xf32, #tpu.memory_space<vmem>>, %arg4: memref<4096x128xf32, #tpu.memory_space<vmem>>, %arg5: memref<4096x128xf32, #tpu.memory_space<vmem>>, %arg6: memref<4096x128xf32, #tpu.memory_space<vmem>>, %arg7: memref<4096xf32, #tpu.memory_space<vmem>>, %arg8: memref<128xf32, #tpu.memory_space<vmem>>, %arg9: memref<256x128xf32, #tpu.memory_space<vmem>>, %arg10: memref<128xf32, #tpu.memory_space<vmem>>, %arg11: memref<128x1xf32, #tpu.memory_space<vmem>>, %arg12: memref<1xf32, #tpu.memory_space<vmem>>, %arg13: memref<4096x1xf32, #tpu.memory_space<vmem>>) attributes {dimension_semantics = [], scalar_prefetch = 0 : i64, scratch_operands = 0 : i64, tpu.core_type = #tpu.core_type<tc>} {
    %get3A = arith.constant 0 : index
    %get3A_0 = vector.load %arg8[%get3A] : memref<128xf32, #tpu.memory_space<vmem>>, vector<128xf32>
    %broadcast_in_dim3A = vector.shape_cast %get3A_0 : vector<128xf32> to vector<1x128xf32>
    %get3A_1 = arith.constant 0 : index
    %get3A_2 = vector.load %arg3[%get3A_1] : memref<4096xf32, #tpu.memory_space<vmem>>, vector<4096xf32>
    %broadcast_in_dim3A_3 = vector.shape_cast %get3A_2 : vector<4096xf32> to vector<4096x1xf32>
    %get3A_4 = arith.constant 0 : index
    %get3A_5 = arith.constant 0 : index
    %get3A_6 = vector.load %arg0[%get3A_4, %get3A_5] : memref<4096x128xf32, #tpu.memory_space<vmem>>, vector<4096x128xf32>
    %get3A_7 = arith.constant 0 : index
    %get3A_8 = arith.constant 0 : index
    %get3A_9 = vector.load %arg1[%get3A_7, %get3A_8] : memref<4096x128xf32, #tpu.memory_space<vmem>>, vector<4096x128xf32>
    %add3A = arith.addf %get3A_6, %get3A_9 : vector<4096x128xf32>
    %get3A_10 = arith.constant 0 : index
    %get3A_11 = arith.constant 0 : index
    %get3A_12 = vector.load %arg2[%get3A_10, %get3A_11] : memref<4096x128xf32, #tpu.memory_space<vmem>>, vector<4096x128xf32>
    %add3A_13 = arith.addf %add3A, %get3A_12 : vector<4096x128xf32>
    %mul3A = vector.broadcast %broadcast_in_dim3A_3 : vector<4096x1xf32> to vector<4096x128xf32>
    %mul3A_14 = arith.mulf %mul3A, %add3A_13 : vector<4096x128xf32>
    %add3A_15 = vector.broadcast %broadcast_in_dim3A : vector<1x128xf32> to vector<4096x128xf32>
    %add3A_16 = arith.addf %mul3A_14, %add3A_15 : vector<4096x128xf32>
    %max3A = arith.constant 0.000000e+00 : f32
    %max3A_17 = vector.broadcast %max3A : f32 to vector<4096x128xf32>
    %max3A_18 = arith.maximumf %add3A_16, %max3A_17 : vector<4096x128xf32>
    %get3A_19 = arith.constant 0 : index
    %get3A_20 = vector.load %arg7[%get3A_19] : memref<4096xf32, #tpu.memory_space<vmem>>, vector<4096xf32>
    %broadcast_in_dim3A_21 = vector.shape_cast %get3A_20 : vector<4096xf32> to vector<4096x1xf32>
    %get3A_22 = arith.constant 0 : index
    %get3A_23 = arith.constant 0 : index
    %get3A_24 = vector.load %arg4[%get3A_22, %get3A_23] : memref<4096x128xf32, #tpu.memory_space<vmem>>, vector<4096x128xf32>
    %get3A_25 = arith.constant 0 : index
    %get3A_26 = arith.constant 0 : index
    %get3A_27 = vector.load %arg5[%get3A_25, %get3A_26] : memref<4096x128xf32, #tpu.memory_space<vmem>>, vector<4096x128xf32>
    %add3A_28 = arith.addf %get3A_24, %get3A_27 : vector<4096x128xf32>
    %get3A_29 = arith.constant 0 : index
    %get3A_30 = arith.constant 0 : index
    %get3A_31 = vector.load %arg6[%get3A_29, %get3A_30] : memref<4096x128xf32, #tpu.memory_space<vmem>>, vector<4096x128xf32>
    %add3A_32 = arith.addf %add3A_28, %get3A_31 : vector<4096x128xf32>
    %mul3A_33 = vector.broadcast %broadcast_in_dim3A_21 : vector<4096x1xf32> to vector<4096x128xf32>
    %mul3A_34 = arith.mulf %mul3A_33, %add3A_32 : vector<4096x128xf32>
    %add3A_35 = vector.broadcast %broadcast_in_dim3A : vector<1x128xf32> to vector<4096x128xf32>
    %add3A_36 = arith.addf %mul3A_34, %add3A_35 : vector<4096x128xf32>
    %max3A_37 = arith.constant 0.000000e+00 : f32
    %max3A_38 = vector.broadcast %max3A_37 : f32 to vector<4096x128xf32>
    %max3A_39 = arith.maximumf %add3A_36, %max3A_38 : vector<4096x128xf32>
    %get3A_40 = arith.constant 0 : index
    %get3A_41 = arith.constant 0 : index
    %get3A_42 = vector.load %arg9[%get3A_40, %get3A_41] : memref<256x128xf32, #tpu.memory_space<vmem>>, vector<128x128xf32>
    %dot_general3A = arith.constant dense<0.000000e+00> : vector<4096x128xf32>
    %dot_general3A_43 = tpu.matmul %max3A_18, %get3A_42, %dot_general3A {dimension_numbers = #tpu.dot_dimension_numbers<[1], [0], [0], [1], [0, 0, 1, 1], [], []>, transpose_lhs_hint = false} : vector<4096x128xf32>, vector<128x128xf32>, vector<4096x128xf32> -> vector<4096x128xf32>
    %get3A_44 = arith.constant 128 : index
    %get3A_45 = arith.constant 0 : index
    %get3A_46 = vector.load %arg9[%get3A_44, %get3A_45] : memref<256x128xf32, #tpu.memory_space<vmem>>, vector<128x128xf32>
    %dot_general3A_47 = arith.constant dense<0.000000e+00> : vector<4096x128xf32>
    %dot_general3A_48 = tpu.matmul %max3A_39, %get3A_46, %dot_general3A_47 {dimension_numbers = #tpu.dot_dimension_numbers<[1], [0], [0], [1], [0, 0, 1, 1], [], []>, transpose_lhs_hint = false} : vector<4096x128xf32>, vector<128x128xf32>, vector<4096x128xf32> -> vector<4096x128xf32>
    %add3A_49 = arith.addf %dot_general3A_43, %dot_general3A_48 : vector<4096x128xf32>
    %get3A_50 = arith.constant 0 : index
    %get3A_51 = vector.load %arg10[%get3A_50] : memref<128xf32, #tpu.memory_space<vmem>>, vector<128xf32>
    %broadcast_in_dim3A_52 = vector.shape_cast %get3A_51 : vector<128xf32> to vector<1x128xf32>
    %add3A_53 = vector.broadcast %broadcast_in_dim3A_52 : vector<1x128xf32> to vector<4096x128xf32>
    %add3A_54 = arith.addf %add3A_49, %add3A_53 : vector<4096x128xf32>
    %max3A_55 = arith.constant 0.000000e+00 : f32
    %max3A_56 = vector.broadcast %max3A_55 : f32 to vector<4096x128xf32>
    %max3A_57 = arith.maximumf %add3A_54, %max3A_56 : vector<4096x128xf32>
    %get3A_58 = arith.constant 0 : index
    %get3A_59 = arith.constant 0 : index
    %get3A_60 = vector.load %arg11[%get3A_58, %get3A_59] : memref<128x1xf32, #tpu.memory_space<vmem>>, vector<128x1xf32>
    %dot_general3A_61 = arith.constant dense<0.000000e+00> : vector<4096x1xf32>
    %dot_general3A_62 = tpu.matmul %max3A_57, %get3A_60, %dot_general3A_61 {dimension_numbers = #tpu.dot_dimension_numbers<[1], [0], [0], [1], [0, 0, 1, 1], [], []>, transpose_lhs_hint = false} : vector<4096x128xf32>, vector<128x1xf32>, vector<4096x1xf32> -> vector<4096x1xf32>
    %get3A_63 = arith.constant 0 : index
    %get3A_64 = vector.load %arg12[%get3A_63] : memref<1xf32, #tpu.memory_space<vmem>>, vector<1xf32>
    %broadcast_in_dim3A_65 = vector.shape_cast %get3A_64 : vector<1xf32> to vector<1x1xf32>
    %add3A_66 = vector.broadcast %broadcast_in_dim3A_65 : vector<1x1xf32> to vector<4096x1xf32>
    %add3A_67 = arith.addf %dot_general3A_62, %add3A_66 : vector<4096x1xf32>
    %swap3A = arith.constant 0 : index
    %swap3A_68 = arith.constant 0 : index
    %swap3A_69 = vector.load %arg13[%swap3A, %swap3A_68] : memref<4096x1xf32, #tpu.memory_space<vmem>>, vector<4096x1xf32>
    tpu.vector_store %arg13[%swap3A, %swap3A_68], %add3A_67 {strides = array<i32>} : memref<4096x1xf32, #tpu.memory_space<vmem>>, vector<4096x1xf32>,
    return
  }
}

</mosaic_0001>

<sc_bundles>
// kernel: kernel.10.cloned.1.call-start
scs
__scs_entry_jumppad:
0x0: {  	(pc) =	sbr.rel $0x88, $3  }
0x1: {  	(tag) =	ssettag $0x0;
	lr =	simm.s32 $0x1  }
0x2: {  	[smem:$0x3F93] =	sst lr;
	_ =	strace $0xD0000000  }
0x3: {  	_ = 	snop  }
0x4: {  	_ = 	snop  }
0x5: {  	_ = 	snop  }
0x6: {  	_ = 	snop  }
0x7: {  	_ = 	snop  }
__scs_overlays_trampoline_lowered:
0x8: {  	[smem:$0x3FA2] =	sst s0  }
0x9: {  	[smem:$0x3FA3] =	sst s1  }
0xa: {  	[smem:$0x3FA4] =	sst s2  }
0xb: {  	[smem:$0x3FA5] =	sst s3  }
0xc: {  	[smem:$0x3FA6] =	sst s4  }
0xd: {  	[smem:$0x3FA7] =	sst s5  }
0xe: {  	[smem:$0x3FA8] =	sst s6  }
0xf: {  	[smem:$0x3FA9] =	sst s7  }
0x10: {  	[smem:$0x3FAA] =	sst s8  }
0x11: {  	[smem:$0x3FAB] =	sst s9;
	s0 =	simm.s32 @!p0 $0x0  }
0x12: {  	s1 =	sld [smem:$0x3F91];
	s0 =	simm.s32 @p0 $0x1  }
0x13: {  	[smem:$0x3FAC] =	sst s0;
	s0 =	simm.s32 @!p1 $0x0  }
0x14: {  	s2 =	sld [smem:$0x3F90];
	s0 =	simm.s32 @p1 $0x1  }
0x15: {  	[smem:$0x3FAD] =	sst s0;
	s0 =	simm.s32 @!p2 $0x0  }
0x16: {  	s3 =	sld [smem:$0x3FDB];
	s0 =	simm.s32 @p2 $0x1  }
0x17: {  	s4 =	simm.s32 $0x1BF5;
	[smem:$0x3FAF] =	sst s0  }
0x18: {  	s0 =	sld [smem:$0x3F92];
	_ =	swait.ge [sflag:s4], $0x0  }
0x19: {  	s7 =	sld [smem:$0x3F93]  }
0x1a: {  	s8 =	sadd.s32 $0xFFFFE003, lr  }
0x1b: {  	s9 =	sadd.s32 $0xFFFFFEF7, lr;
	s5 =	simm.s32 $0xFFFFFFFF;
	p2 =	slt.u32 s8, $0xFFFFF086  }
0x1c: {  	p1 =	slt.u32 s9, $0xF7A;
	s5 =	simm.s32 @!p2 $0x0  }
0x1d: {  	s5 =	simm.s32 @p1 $0x1;
	p0 =	seq.s32 s7, s2  }
0x1e: {  	s7 =	smul.u32 @!p0 $0xF7A, s2;
	p2 =	seq.s32 @!p0 s5, $0x0  }
0x1f: {  	s9 =	smul.u32 $0xF7A, s1;
	s8 =	simm.s32 @!p0 $0x1BF5;
	p2 =	por !p2, p0  }
0x20: {  	[sflag:s8] =	ssyncset.s32 @!p0 $0xFFFFF086;
	s6 =	sadd.s32 @!p0 s3, s7;
	s7 =	simm.s32 @!p0 $0x108  }
0x21: {  	s3 =	sadd.s32 s3, s9;
	s6 =	sadd.s32 @!p0 $0x88, s6;
	s7 =	simm.s32 @p2 $0x1082  }
0x22: {  	[simem:s7], [sflag:s8] =	dma.local @!p0 [hbm:s6], $0xF7A  }
0x23: {  	s9 =	sor.u32 $0xD0000000, s2;
	s6 =	simm.s32 $0x108;
	_ =	swait.ge @!p0 [sflag:s8], $0x0  }
0x24: {  	s3 =	sadd.s32 $0x88, s3;
	s6 =	simm.s32 @!p1 $0x1082;
	[sflag:s4] =	ssyncset.s32 $0xFFFFF086  }
0x25: {  	[simem:s6], [sflag:s4] =	dma.local [hbm:s3], $0xF7A  }
0x26: {  	[smem:$0x3F93] =	sst s1;
	(tag) =	ssettag s2;
	_ =	strace s9  }
0x27: {  	s1 =	sld [smem:$0x3FA3]  }
0x28: {  	s2 =	sld [smem:$0x3FA4]  }
0x29: {  	s4 =	sld [smem:$0x3FA6]  }
0x2a: {  	p0 =	seq.s32 s5, $0x0;
	s5 =	sld [smem:$0x3FA7]  }
0x2b: {  	s6 =	sld [smem:$0x3FA8]  }
0x2c: {  	s7 =	sld [smem:$0x3FA9]  }
0x2d: {  	s3 =	simm.s32 $0x108;
	s8 =	sld [smem:$0x3FAA]  }
0x2e: {  	s3 =	simm.s32 @!p0 $0x1082;
	s9 =	sld [smem:$0x3FAB]  }
0x2f: {  	lr =	sadd.s32 s0, s3;
	s0 =	sld [smem:$0x3FA2]  }
0x30: {  	s3 =	sld [smem:$0x3FA5]  }
0x31: {  	[smem:$0x3FAE] =	sst s10  }
0x32: {  	s10 =	sld [smem:$0x3FAC];
	_ =	sdelay $0x3  }
0x33: {  	p0 =	seq.s32 s10, $0x1;
	s10 =	sld [smem:$0x3FAE];
	_ =	sdelay $0x3  }
0x34: {  	[smem:$0x3FAE] =	sst s10  }
0x35: {  	s10 =	sld [smem:$0x3FAD];
	_ =	sdelay $0x3  }
0x36: {  	p1 =	seq.s32 s10, $0x1;
	s10 =	sld [smem:$0x3FAE];
	_ =	sdelay $0x3  }
0x37: {  	[smem:$0x3FAE] =	sst s10  }
0x38: {  	s10 =	sld [smem:$0x3FAF]  }
0x39: {  	_ = 	snop;
	(pc) =	sbr.ind lr, $3  }
0x3a: {  	_ = 	snop  }
0x3b: {  	_ = 	snop  }
0x3c: {  	p2 =	seq.s32 s10, $0x1;
	s10 =	sld [smem:$0x3FAE]  }
0x3d: {  	_ =	shalt  }
0x3e: {  	_ =	shalt  }
0x3f: {  	_ =	shalt  }
0x40: {  	_ =	shalt  }
0x41: {  	_ =	shalt  }
0x42: {  	_ =	shalt  }
0x43: {  	_ =	shalt  }
0x44: {  	_ =	shalt  }
0x45: {  	_ =	shalt  }
0x46: {  	_ =	shalt  }
0x47: {  	_ =	shalt  }
0x48: {  	_ =	shalt  }
0x49: {  	_ =	shalt  }
0x4a: {  	_ =	shalt  }
0x4b: {  	_ =	shalt  }
0x4c: {  	_ =	shalt  }
0x4d: {  	_ =	shalt  }
0x4e: {  	_ =	shalt  }
0x4f: {  	_ =	shalt  }
0x50: {  	_ =	shalt  }
0x51: {  	_ =	shalt  }
0x52: {  	_ =	shalt  }
0x53: {  	_ =	shalt  }
0x54: {  	_ =	shalt  }
0x55: {  	_ =	shalt  }
0x56: {  	_ =	shalt  }
0x57: {  	_ =	shalt  }
0x58: {  	_ =	shalt  }
0x59: {  	_ =	shalt  }
0x5a: {  	_ =	shalt  }
0x5b: {  	_ =	shalt  }
0x5c: {  	_ =	shalt  }
0x5d: {  	_ =	shalt  }
0x5e: {  	_ =	shalt  }
0x5f: {  	_ =	shalt  }
0x60: {  	_ =	shalt  }
0x61: {  	_ =	shalt  }
0x62: {  	_ =	shalt  }
0x63: {  	_ =	shalt  }
0x64: {  	_ =	shalt  }
0x65: {  	_ =	shalt  }
0x66: {  	_ =	shalt  }
0x67: {  	_ =	shalt  }
0x68: {  	_ =	shalt  }
0x69: {  	_ =	shalt  }
0x6a: {  	_ =	shalt  }
0x6b: {  	_ =	shalt  }
0x6c: {  	_ =	shalt  }
0x6d: {  	_ =	shalt  }
0x6e: {  	_ =	shalt  }
0x6f: {  	_ =	shalt  }
0x70: {  	_ =	shalt  }
0x71: {  	_ =	shalt  }
0x72: {  	_ =	shalt  }
0x73: {  	_ =	shalt  }
0x74: {  	_ =	shalt  }
0x75: {  	_ =	shalt  }
0x76: {  	_ =	shalt  }
0x77: {  	_ =	shalt  }
0x78: {  	_ =	shalt  }
0x79: {  	_ =	shalt  }
0x7a: {  	_ =	shalt  }
0x7b: {  	_ =	shalt  }
0x7c: {  	_ =	shalt  }
0x7d: {  	_ =	shalt  }
0x7e: {  	_ =	shalt  }
0x7f: {  	_ =	shalt  }
0x80: {  	_ =	shalt  }
0x81: {  	_ =	shalt  }
0x82: {  	_ =	shalt  }
0x83: {  	_ =	shalt  }
0x84: {  	_ =	shalt  }
0x85: {  	_ =	shalt  }
0x86: {  	_ =	shalt  }
0x87: {  	_ =	shalt  }
.Lfunc_end0:
.L_simem_size_0:
called_computation_lowered:
.L_overlay_start_0:
0x88: {  	s2 =	sld [smem:$0x3FD9]  }
0x89: {  	s3 =	sld [smem:$0x3FFE];
	_ =	sdelay $0x1  }
0x8a: {  	s1 =	srdreg.scid  }
0x8b: {  	s0 =	sand.u32 $0x1, s1  }
0x8c: {  	s16 =	sshll.u32 s0, $0xA;
	s2 =	sadd.s32 s3, s2  }
0x8d: {  	s2 =	sadd.s32 s2, s16  }
0x8e: {  	[smem:$0x3FBA] =	sst s2  }
0x8f: {  	_ = 	snop  }
0x90: {  	(tm) =	ssettm $0x1  }
0x91: {  	s17 =	sld [smem:$0x3FFB];
	_ =	sdelay $0x3  }
0x92: {  	_ =	strace s17  }
0x93: {  	s2 =	sld [smem:$0x3FFC];
	_ =	sdelay $0x3  }
0x94: {  	_ =	strace s2  }
0x95: {  	s2 =	sld [smem:$0x3FFD];
	_ =	sdelay $0x3  }
0x96: {  	_ =	strace s2  }
0x97: {  	_ =	strace $0x8FFFFFFF  }
0x98: {  	s18 =	sld [smem:$0x3FDB];
	_ =	sdelay $0x1  }
0x99: {  	s19 =	simm.s32 $_scs_section_size  }
0x9a: {  	s4 =	simm.s32 $_size__tile_overlayer_lowered;
	s5 =	simm.s32 $_tile_overlayer_lowered  }
0x9b: {  	s22 =	simm.s32 $0x1BFF;
	s21 =	sshll.u32 s5, $0x1;
	s2 =	sadd.s32 s19, s18  }
0x9c: {  	s6 =	simm.s32 $0x0;
	s20 =	sshll.u32 s4, $0x1;
	s4 =	sadd.s32 s21, s2  }
0x9d: {  	[timem:s6], [sflag:s22] =	dma.local [hbm:s4], s20  }
0x9e: {  	_ =	swait.ge [sflag:s22], s20  }
0x9f: {  	s3 =	ssub.s32 $0x0, s20;
	[sflag:s22] =	ssyncset.done $0x0  }
0xa0: {  	[sflag:s22] =	ssyncadd.s32 s3;
	_ =	sdelay $0x1  }
0xa1: {  	s23 =	simm.s32 $0x1B8B  }
0xa2: {  	_ =	swait.ge [sflag:s23], $0x1  }
0xa3: {  	[sflag:s23] =	ssyncset.done $0x0  }
0xa4: {  	s25 =	simm.s32 $0x1B8E;
	s24 =	sld [smem:$0x3FFE];
	[sflag:s23] =	ssyncadd.s32 $0xFFFFFFFF  }
0xa5: {  	s26 =	simm.s32 $execute0_lowered;
	[smem:$0x3FD2] =	sst s25  }
0xa6: {  	s4 =	sshll.u32 s26, $0x1;
	_ =	strace $0x80000046;
	[dreg:$0x1] =	wrdreg $0xFFFFFFFF  }
0xa7: {  	s28 =	simm.s32 $_size_execute0_lowered;
	s2 =	sadd.s32 s2, s4;
	[dreg:$0x0] =	wrdreg $0x0  }
0xa8: {  	s4 =	sshll.u32 s28, $0x1;
	[dreg:$0x2] =	wrdreg s2  }
0xa9: {  	[dreg:$0x3] =	wrdreg s4  }
0xaa: {  	[dreg:$0x4] =	wrdreg $0xC0  }
0xab: {  	_ =	task [dreg:s6], $0x5FFFF  }
0xac: {  	[dreg:$0x1] =	wrdreg $0xFFFFFFFF  }
0xad: {  	[dreg:$0x0] =	wrdreg $0x60  }
0xae: {  	[dreg:$0x2] =	wrdreg s24  }
0xaf: {  	[dreg:$0x3] =	wrdreg $0xB000  }
0xb0: {  	[dreg:$0x4] =	wrdreg $0x9  }
0xb1: {  	_ =	task.clear_ibuf [dreg:s6], $0x5FFFF;
	_ =	strace $0x90000046  }
0xb2: {  	s29 =	simm.s32 $0x9;
	_ =	strace $0x80000048  }
0xb3: {  	_ =	swait.ge [sflag:s29], $0x1  }
0xb4: {  	[sflag:s29] =	ssyncadd.s32 $0xFFFFFFFF  }
0xb5: {  	_ =	strace $0x90000048  }
0xb6: {  	_ =	sfence  }
0xb7: {  	s30 =	sld [smem:$0x0];
	_ =	sdelay $0x2  }
0xb8: {  	s31 =	sshll.u32 s1, $0xD;
	s1 =	sshrl.u32 s1, $0x2  }
0xb9: {  	s3 =	sand.u32 $0x4000, s31;
	s1 =	sadd.s32 s1, s30  }
0xba: {  	s0 =	sor.u32 s3, s0;
	s1 =	sshll.u32 s1, $0x11  }
0xbb: {  	s0 =	sor.u32 s1, s0  }
0xbc: {  	s0 =	sadd.s32 $0x8F2B, s0  }
0xbd: {  	[sflag:s0] =	ssyncadd.remote.s32 $0x1  }
0xbe: {  	_ =	sfence.sel $0xFFFF  }
0xbf: {  	[dreg:$0x0] =	wrdreg $0xFFFFFFFF;
	(pc) =	sbr.abs _section_cstart, $3  }
0xc0: {  	[dreg:$0x1] =	wrdreg $0xFFFFFFFF  }
0xc1: {  	_ =	task.clear_ibuf [dreg:s6], $0x2FFFF;
	_ =	strace $0x9FFFFFFF  }
0xc2: {  	(tm) =	ssettm $0x7FFFFFFF  }
0xc3: {  	_ =	shalt  }
tec
execute0_lowered:
.L_overlay_start_1:
0x0: {  	(tag) =	ssettag $0x1  }
0x1: {  	s4 =	rddreg [dreg:$0x0]  }
0x2: {  	s2 =	rddreg [dreg:$0x1]  }
0x3: {  	s0 =	rddreg [dreg:$0x2]  }
0x4: {  	s5 =	srdreg.scid;
	s1 =	stileid.u32  }
0x5: {  	s3 =	simm.s32 $0x0;
	s11 =	simm.s32 $0x800;
	s12 =	simm.s32 $0x100  }
0x6: {  	s13 =	simm.s32 $0x180;
	s14 =	simm.s32 $0x200;
	s15 =	simm.s32 $0x280  }
0x7: {  	s16 =	simm.s32 $0x300;
	s17 =	simm.s32 $0x380;
	s18 =	simm.s32 $0x400  }
0x8: {  	s19 =	simm.s32 $0x480;
	s20 =	simm.s32 $0x500;
	s21 =	simm.s32 $0x580  }
0x9: {  	s22 =	simm.s32 $0x600;
	s23 =	simm.s32 $0x680;
	s6 =	smul.u32 $0x280, s1  }
0xa: {  	s24 =	simm.s32 $0x700;
	s5 =	sand.u32 $0x1, s5;
	s10 =	smul.u32 $0x500, s1  }
0xb: {  	s25 =	simm.s32 $0x780;
	s26 =	simm.s32 $0x0;
	s7 =	smul.u32 $0x2800, s5  }
0xc: {  	[smem:$0x7FF] =	sst s3;
	s8 =	smul.u32 $0x5000, s5;
	s5 =	ssub.s32 $0x2, s5  }
0xd: {  	_ =	strace $0x80000047;
	s9 =	sshrl.u32 s5, $0x1;
	s7 =	sadd.s32 s6, s7  }
0xe: {  	s8 =	sadd.s32 s8, s4;
	s9 =	ssub.s32 s5, s9;
	s7 =	sshrl.u32 s7, $0x3  }
0xf: {  	s31 =	sadd.s32 s10, s8;
	s8 =	simm.s32 $0x880;
	s10 =	simm.s32 $0x80  }
0x10: {  	s7 =	sadd.s32 s7, s4;
	s4 =	sadd.s32 s6, s2;
	s6 =	smax.u32 s9, $0x1  }
0x11: {  	v0 =	vimm.f32 $1.000000000e+00;
	v1 =	vimm.f32 $0.0e+00;
	s9 =	simm.s32 $0x1;
	s5 =	sadd.s32 $0x18000, s7;
	s7 =	sadd.s32 $0x4000, s31  }
.LBB2_1:
0x12: {  	[tilespmem:$0x800] =	vst v0  }
0x13: {  	[tilespmem:$0x810] =	vst v0  }
0x14: {  	[tilespmem:$0x820] =	vst v0  }
0x15: {  	[tilespmem:$0x830] =	vst v0  }
0x16: {  	[tilespmem:$0x840] =	vst v0  }
0x17: {  	[tilespmem:$0x850] =	vst v0  }
0x18: {  	[tilespmem:$0x860] =	vst v0  }
0x19: {  	[tilespmem:$0x870] =	vst v0  }
0x1a: {  	[tilespmem:$0x880] =	vst v1  }
0x1b: {  	[tilespmem:$0x890] =	vst v1  }
0x1c: {  	[tilespmem:$0x8A0] =	vst v1  }
0x1d: {  	[tilespmem:$0x8B0] =	vst v1  }
0x1e: {  	[tilespmem:$0x8C0] =	vst v1  }
0x1f: {  	[tilespmem:$0x8D0] =	vst v1  }
0x20: {  	[tilespmem:$0x8E0] =	vst v1  }
0x21: {  	[tilespmem:$0x8F0] =	vst v1  }
0x22: {  	[tilespmem:$0x900] =	vst v1  }
0x23: {  	[tilespmem:$0x910] =	vst v1  }
0x24: {  	[tilespmem:$0x920] =	vst v1  }
0x25: {  	[tilespmem:$0x930] =	vst v1  }
0x26: {  	[tilespmem:$0x940] =	vst v1  }
0x27: {  	[tilespmem:$0x950] =	vst v1  }
0x28: {  	[tilespmem:$0x960] =	vst v1  }
0x29: {  	[tilespmem:$0x970] =	vst v1  }
0x2a: {  	[tilespmem:$0x980] =	vst v1  }
0x2b: {  	[tilespmem:$0x990] =	vst v1  }
0x2c: {  	[tilespmem:$0x9A0] =	vst v1  }
0x2d: {  	[tilespmem:$0x9B0] =	vst v1  }
0x2e: {  	[tilespmem:$0x9C0] =	vst v1  }
0x2f: {  	[tilespmem:$0x9D0] =	vst v1  }
0x30: {  	[tilespmem:$0x9E0] =	vst v1  }
0x31: {  	[tilespmem:$0x9F0] =	vst v1  }
0x32: {  	[tilespmem:$0xA00] =	vst v1  }
0x33: {  	[tilespmem:$0xA10] =	vst v1  }
0x34: {  	[tilespmem:$0xA20] =	vst v1  }
0x35: {  	[tilespmem:$0xA30] =	vst v1  }
0x36: {  	[tilespmem:$0xA40] =	vst v1  }
0x37: {  	[tilespmem:$0xA50] =	vst v1  }
0x38: {  	[tilespmem:$0xA60] =	vst v1  }
0x39: {  	[tilespmem:$0xA70] =	vst v1  }
0x3a: {  	[tilespmem:$0xA80] =	vst v1  }
0x3b: {  	[tilespmem:$0xA90] =	vst v1  }
0x3c: {  	[tilespmem:$0xAA0] =	vst v1  }
0x3d: {  	[tilespmem:$0xAB0] =	vst v1  }
0x3e: {  	[tilespmem:$0xAC0] =	vst v1  }
0x3f: {  	[tilespmem:$0xAD0] =	vst v1  }
0x40: {  	[tilespmem:$0xAE0] =	vst v1  }
0x41: {  	[tilespmem:$0xAF0] =	vst v1  }
0x42: {  	[spmem:s4] =	stream.linear.scatter [tilespmem:s8], [sflag:$0x1], $0x280, $0x38;
	[tilespmem:$0xD80] =	vst v63  }
0x43: {  	_ =	swait.ge [sflag:s9], $0x280  }
0x44: {  	[sflag:s9] =	ssyncset.done $0x0  }
0x45: {  	[sflag:s9] =	ssyncadd.s32 $0xFFFFFD80  }
0x46: {  	s28 =	sadd.s32 $0x0, s7;
	[bflag:$0x0] =	sbarrier.arrive $0xFFFF  }
0x47: {  	[tilespmem:s3], [sflag:$0x1] =	stream.linear.gather [hbm4b:s28+s3], $0x800, $0x38;
	[tilespmem:$0xD80] =	vst v63  }
0x48: {  	_ =	swait.ge [sflag:s9], $0x800  }
0x49: {  	[sflag:s9] =	ssyncset.done $0x0  }
0x4a: {  	[sflag:s9] =	ssyncadd.s32 $0xFFFFF800  }
0x4b: {  	[spmem:s2] =	stream.indirect.scatter.add.f32 [tilespmem:s11], [sflag:$0x1], $0x1, s3, s10, $0xb8;
	[tilespmem:$0xD80] =	vst v63  }
0x4c: {  	_ =	swait.ge [sflag:s9], $0x80  }
0x4d: {  	[sflag:s9] =	ssyncset.done $0x0  }
0x4e: {  	[sflag:s9] =	ssyncadd.s32 $0xFFFFFF80  }
0x4f: {  	[spmem:s2] =	stream.indirect.scatter.add.f32 [tilespmem:s11], [sflag:$0x1], $0x1, s10, s10, $0xb8;
	[tilespmem:$0xD80] =	vst v63  }
0x50: {  	_ =	swait.ge [sflag:s9], $0x80  }
0x51: {  	[sflag:s9] =	ssyncset.done $0x0  }
0x52: {  	[sflag:s9] =	ssyncadd.s32 $0xFFFFFF80  }
0x53: {  	[spmem:s2] =	stream.indirect.scatter.add.f32 [tilespmem:s11], [sflag:$0x1], $0x1, s12, s10, $0xb8;
	[tilespmem:$0xD80] =	vst v63  }
0x54: {  	_ =	swait.ge [sflag:s9], $0x80  }
0x55: {  	[sflag:s9] =	ssyncset.done $0x0  }
0x56: {  	[sflag:s9] =	ssyncadd.s32 $0xFFFFFF80  }
0x57: {  	[spmem:s2] =	stream.indirect.scatter.add.f32 [tilespmem:s11], [sflag:$0x1], $0x1, s13, s10, $0xb8;
	[tilespmem:$0xD80] =	vst v63  }
0x58: {  	_ =	swait.ge [sflag:s9], $0x80  }
0x59: {  	[sflag:s9] =	ssyncset.done $0x0  }
0x5a: {  	[sflag:s9] =	ssyncadd.s32 $0xFFFFFF80  }
0x5b: {  	[spmem:s2] =	stream.indirect.scatter.add.f32 [tilespmem:s11], [sflag:$0x1], $0x1, s14, s10, $0xb8;
	[tilespmem:$0xD80] =	vst v63  }
0x5c: {  	_ =	swait.ge [sflag:s9], $0x80  }
0x5d: {  	[sflag:s9] =	ssyncset.done $0x0  }
0x5e: {  	[sflag:s9] =	ssyncadd.s32 $0xFFFFFF80  }
0x5f: {  	[spmem:s2] =	stream.indirect.scatter.add.f32 [tilespmem:s11], [sflag:$0x1], $0x1, s15, s10, $0xb8;
	[tilespmem:$0xD80] =	vst v63  }
0x60: {  	_ =	swait.ge [sflag:s9], $0x80  }
0x61: {  	[sflag:s9] =	ssyncset.done $0x0  }
0x62: {  	[sflag:s9] =	ssyncadd.s32 $0xFFFFFF80  }
0x63: {  	[spmem:s2] =	stream.indirect.scatter.add.f32 [tilespmem:s11], [sflag:$0x1], $0x1, s16, s10, $0xb8;
	[tilespmem:$0xD80] =	vst v63  }
0x64: {  	_ =	swait.ge [sflag:s9], $0x80  }
0x65: {  	[sflag:s9] =	ssyncset.done $0x0  }
0x66: {  	[sflag:s9] =	ssyncadd.s32 $0xFFFFFF80  }
0x67: {  	[spmem:s2] =	stream.indirect.scatter.add.f32 [tilespmem:s11], [sflag:$0x1], $0x1, s17, s10, $0xb8;
	[tilespmem:$0xD80] =	vst v63  }
0x68: {  	_ =	swait.ge [sflag:s9], $0x80  }
0x69: {  	[sflag:s9] =	ssyncset.done $0x0  }
0x6a: {  	[sflag:s9] =	ssyncadd.s32 $0xFFFFFF80  }
0x6b: {  	[spmem:s2] =	stream.indirect.scatter.add.f32 [tilespmem:s11], [sflag:$0x1], $0x1, s18, s10, $0xb8;
	[tilespmem:$0xD80] =	vst v63  }
0x6c: {  	_ =	swait.ge [sflag:s9], $0x80  }
0x6d: {  	[sflag:s9] =	ssyncset.done $0x0  }
0x6e: {  	[sflag:s9] =	ssyncadd.s32 $0xFFFFFF80  }
0x6f: {  	[spmem:s2] =	stream.indirect.scatter.add.f32 [tilespmem:s11], [sflag:$0x1], $0x1, s19, s10, $0xb8;
	[tilespmem:$0xD80] =	vst v63  }
0x70: {  	_ =	swait.ge [sflag:s9], $0x80  }
0x71: {  	[sflag:s9] =	ssyncset.done $0x0  }
0x72: {  	[sflag:s9] =	ssyncadd.s32 $0xFFFFFF80  }
0x73: {  	[spmem:s2] =	stream.indirect.scatter.add.f32 [tilespmem:s11], [sflag:$0x1], $0x1, s20, s10, $0xb8;
	[tilespmem:$0xD80] =	vst v63  }
0x74: {  	_ =	swait.ge [sflag:s9], $0x80  }
0x75: {  	[sflag:s9] =	ssyncset.done $0x0  }
0x76: {  	[sflag:s9] =	ssyncadd.s32 $0xFFFFFF80  }
0x77: {  	[spmem:s2] =	stream.indirect.scatter.add.f32 [tilespmem:s11], [sflag:$0x1], $0x1, s21, s10, $0xb8;
	[tilespmem:$0xD80] =	vst v63  }
0x78: {  	_ =	swait.ge [sflag:s9], $0x80  }
0x79: {  	[sflag:s9] =	ssyncset.done $0x0  }
0x7a: {  	[sflag:s9] =	ssyncadd.s32 $0xFFFFFF80  }
0x7b: {  	[spmem:s2] =	stream.indirect.scatter.add.f32 [tilespmem:s11], [sflag:$0x1], $0x1, s22, s10, $0xb8;
	[tilespmem:$0xD80] =	vst v63  }
0x7c: {  	_ =	swait.ge [sflag:s9], $0x80  }
0x7d: {  	[sflag:s9] =	ssyncset.done $0x0  }
0x7e: {  	[sflag:s9] =	ssyncadd.s32 $0xFFFFFF80  }
0x7f: {  	[spmem:s2] =	stream.indirect.scatter.add.f32 [tilespmem:s11], [sflag:$0x1], $0x1, s23, s10, $0xb8;
	[tilespmem:$0xD80] =	vst v63  }
0x80: {  	_ =	swait.ge [sflag:s9], $0x80  }
0x81: {  	[sflag:s9] =	ssyncset.done $0x0  }
0x82: {  	[sflag:s9] =	ssyncadd.s32 $0xFFFFFF80  }
0x83: {  	[spmem:s2] =	stream.indirect.scatter.add.f32 [tilespmem:s11], [sflag:$0x1], $0x1, s24, s10, $0xb8;
	[tilespmem:$0xD80] =	vst v63  }
0x84: {  	_ =	swait.ge [sflag:s9], $0x80  }
0x85: {  	[sflag:s9] =	ssyncset.done $0x0  }
0x86: {  	[sflag:s9] =	ssyncadd.s32 $0xFFFFFF80  }
0x87: {  	[spmem:s2] =	stream.indirect.scatter.add.f32 [tilespmem:s11], [sflag:$0x1], $0x1, s25, s10, $0xb8;
	[tilespmem:$0xD80] =	vst v63  }
0x88: {  	_ =	swait.ge [sflag:s9], $0x80  }
0x89: {  	s30 =	simm.s32 $0x200;
	s28 =	simm.s32 $0x100;
	[sflag:s9] =	ssyncset.done $0x0  }
.LBB2_2:
0x8a: {  	s31 =	sadd.s32 s28, s7  }
0x8b: {  	[sflag:s9] =	ssyncadd.s32 $0xFFFFFF80;
	s28 =	smov.u32 s30;
	s29 =	sadd.s32 $0x100, s30  }
0x8c: {  	[tilespmem:s3], [sflag:$0x1] =	stream.linear.gather [hbm4b:s31+s3], $0x800, $0x38;
	[tilespmem:$0xD80] =	vst v63  }
0x8d: {  	p0 =	sne.s32 s30, $0x400;
	_ =	swait.ge [sflag:s9], $0x800  }
0x8e: {  	[sflag:s9] =	ssyncset.done $0x0  }
0x8f: {  	[sflag:s9] =	ssyncadd.s32 $0xFFFFF800  }
0x90: {  	[spmem:s2] =	stream.indirect.scatter.add.f32 [tilespmem:s11], [sflag:$0x1], $0x1, s3, s10, $0xb8;
	[tilespmem:$0xD80] =	vst v63  }
0x91: {  	_ =	swait.ge [sflag:s9], $0x80  }
0x92: {  	[sflag:s9] =	ssyncset.done $0x0  }
0x93: {  	[sflag:s9] =	ssyncadd.s32 $0xFFFFFF80  }
0x94: {  	[spmem:s2] =	stream.indirect.scatter.add.f32 [tilespmem:s11], [sflag:$0x1], $0x1, s10, s10, $0xb8;
	[tilespmem:$0xD80] =	vst v63  }
0x95: {  	_ =	swait.ge [sflag:s9], $0x80  }
0x96: {  	[sflag:s9] =	ssyncset.done $0x0  }
0x97: {  	[sflag:s9] =	ssyncadd.s32 $0xFFFFFF80  }
0x98: {  	[spmem:s2] =	stream.indirect.scatter.add.f32 [tilespmem:s11], [sflag:$0x1], $0x1, s12, s10, $0xb8;
	[tilespmem:$0xD80] =	vst v63  }
0x99: {  	_ =	swait.ge [sflag:s9], $0x80  }
0x9a: {  	[sflag:s9] =	ssyncset.done $0x0  }
0x9b: {  	[sflag:s9] =	ssyncadd.s32 $0xFFFFFF80  }
0x9c: {  	[spmem:s2] =	stream.indirect.scatter.add.f32 [tilespmem:s11], [sflag:$0x1], $0x1, s13, s10, $0xb8;
	[tilespmem:$0xD80] =	vst v63  }
0x9d: {  	_ =	swait.ge [sflag:s9], $0x80  }
0x9e: {  	[sflag:s9] =	ssyncset.done $0x0  }
0x9f: {  	[sflag:s9] =	ssyncadd.s32 $0xFFFFFF80  }
0xa0: {  	[spmem:s2] =	stream.indirect.scatter.add.f32 [tilespmem:s11], [sflag:$0x1], $0x1, s14, s10, $0xb8;
	[tilespmem:$0xD80] =	vst v63  }
0xa1: {  	_ =	swait.ge [sflag:s9], $0x80  }
0xa2: {  	[sflag:s9] =	ssyncset.done $0x0  }
0xa3: {  	[sflag:s9] =	ssyncadd.s32 $0xFFFFFF80  }
0xa4: {  	[spmem:s2] =	stream.indirect.scatter.add.f32 [tilespmem:s11], [sflag:$0x1], $0x1, s15, s10, $0xb8;
	[tilespmem:$0xD80] =	vst v63  }
0xa5: {  	_ =	swait.ge [sflag:s9], $0x80  }
0xa6: {  	[sflag:s9] =	ssyncset.done $0x0  }
0xa7: {  	[sflag:s9] =	ssyncadd.s32 $0xFFFFFF80  }
0xa8: {  	[spmem:s2] =	stream.indirect.scatter.add.f32 [tilespmem:s11], [sflag:$0x1], $0x1, s16, s10, $0xb8;
	[tilespmem:$0xD80] =	vst v63  }
0xa9: {  	_ =	swait.ge [sflag:s9], $0x80  }
0xaa: {  	[sflag:s9] =	ssyncset.done $0x0  }
0xab: {  	[sflag:s9] =	ssyncadd.s32 $0xFFFFFF80  }
0xac: {  	[spmem:s2] =	stream.indirect.scatter.add.f32 [tilespmem:s11], [sflag:$0x1], $0x1, s17, s10, $0xb8;
	[tilespmem:$0xD80] =	vst v63  }
0xad: {  	_ =	swait.ge [sflag:s9], $0x80  }
0xae: {  	[sflag:s9] =	ssyncset.done $0x0  }
0xaf: {  	[sflag:s9] =	ssyncadd.s32 $0xFFFFFF80  }
0xb0: {  	[spmem:s2] =	stream.indirect.scatter.add.f32 [tilespmem:s11], [sflag:$0x1], $0x1, s18, s10, $0xb8;
	[tilespmem:$0xD80] =	vst v63  }
0xb1: {  	_ =	swait.ge [sflag:s9], $0x80  }
0xb2: {  	[sflag:s9] =	ssyncset.done $0x0  }
0xb3: {  	[sflag:s9] =	ssyncadd.s32 $0xFFFFFF80  }
0xb4: {  	[spmem:s2] =	stream.indirect.scatter.add.f32 [tilespmem:s11], [sflag:$0x1], $0x1, s19, s10, $0xb8;
	[tilespmem:$0xD80] =	vst v63  }
0xb5: {  	_ =	swait.ge [sflag:s9], $0x80  }
0xb6: {  	[sflag:s9] =	ssyncset.done $0x0  }
0xb7: {  	[sflag:s9] =	ssyncadd.s32 $0xFFFFFF80  }
0xb8: {  	[spmem:s2] =	stream.indirect.scatter.add.f32 [tilespmem:s11], [sflag:$0x1], $0x1, s20, s10, $0xb8;
	[tilespmem:$0xD80] =	vst v63  }
0xb9: {  	_ =	swait.ge [sflag:s9], $0x80  }
0xba: {  	[sflag:s9] =	ssyncset.done $0x0  }
0xbb: {  	[sflag:s9] =	ssyncadd.s32 $0xFFFFFF80  }
0xbc: {  	[spmem:s2] =	stream.indirect.scatter.add.f32 [tilespmem:s11], [sflag:$0x1], $0x1, s21, s10, $0xb8;
	[tilespmem:$0xD80] =	vst v63  }
0xbd: {  	_ =	swait.ge [sflag:s9], $0x80  }
0xbe: {  	[sflag:s9] =	ssyncset.done $0x0  }
0xbf: {  	[sflag:s9] =	ssyncadd.s32 $0xFFFFFF80  }
0xc0: {  	[spmem:s2] =	stream.indirect.scatter.add.f32 [tilespmem:s11], [sflag:$0x1], $0x1, s22, s10, $0xb8;
	[tilespmem:$0xD80] =	vst v63  }
0xc1: {  	_ =	swait.ge [sflag:s9], $0x80  }
0xc2: {  	[sflag:s9] =	ssyncset.done $0x0  }
0xc3: {  	[sflag:s9] =	ssyncadd.s32 $0xFFFFFF80  }
0xc4: {  	[spmem:s2] =	stream.indirect.scatter.add.f32 [tilespmem:s11], [sflag:$0x1], $0x1, s23, s10, $0xb8;
	[tilespmem:$0xD80] =	vst v63  }
0xc5: {  	_ =	swait.ge [sflag:s9], $0x80  }
0xc6: {  	[sflag:s9] =	ssyncset.done $0x0  }
0xc7: {  	[sflag:s9] =	ssyncadd.s32 $0xFFFFFF80  }
0xc8: {  	[spmem:s2] =	stream.indirect.scatter.add.f32 [tilespmem:s11], [sflag:$0x1], $0x1, s24, s10, $0xb8;
	[tilespmem:$0xD80] =	vst v63  }
0xc9: {  	_ =	swait.ge [sflag:s9], $0x80  }
.Ltmp0:
0xca: {  	[sflag:s9] =	ssyncset.done $0x0;
	(pc) =	sbr.rel @p0 .LBB2_2-.Ltmp0, $4  }
0xcb: {  	[sflag:s9] =	ssyncadd.s32 $0xFFFFFF80  }
0xcc: {  	[spmem:s2] =	stream.indirect.scatter.add.f32 [tilespmem:s11], [sflag:$0x1], $0x1, s25, s10, $0xb8;
	[tilespmem:$0xD80] =	vst v63  }
0xcd: {  	_ =	swait.ge [sflag:s9], $0x80  }
0xce: {  	s30 =	smov.u32 s29;
	[sflag:s9] =	ssyncset.done $0x0  }
0xcf: {  	s28 =	sadd.s32 s28, s7;
	[sflag:s9] =	ssyncadd.s32 $0xFFFFFF80  }
0xd0: {  	[tilespmem:s3], [sflag:$0x1] =	stream.linear.gather [hbm4b:s28+s3], $0x800, $0x38;
	[tilespmem:$0xD80] =	vst v63  }
0xd1: {  	_ =	swait.ge [sflag:s9], $0x800  }
0xd2: {  	[sflag:s9] =	ssyncset.done $0x0  }
0xd3: {  	[sflag:s9] =	ssyncadd.s32 $0xFFFFF800  }
0xd4: {  	[spmem:s2] =	stream.indirect.scatter.add.f32 [tilespmem:s11], [sflag:$0x1], $0x1, s3, s10, $0xb8;
	[tilespmem:$0xD80] =	vst v63  }
0xd5: {  	_ =	swait.ge [sflag:s9], $0x80  }
0xd6: {  	[sflag:s9] =	ssyncset.done $0x0  }
0xd7: {  	[sflag:s9] =	ssyncadd.s32 $0xFFFFFF80  }
0xd8: {  	[spmem:s2] =	stream.indirect.scatter.add.f32 [tilespmem:s11], [sflag:$0x1], $0x1, s10, s10, $0xb8;
	[tilespmem:$0xD80] =	vst v63  }
0xd9: {  	_ =	swait.ge [sflag:s9], $0x80  }
0xda: {  	[sflag:s9] =	ssyncset.done $0x0  }
0xdb: {  	[sflag:s9] =	ssyncadd.s32 $0xFFFFFF80  }
0xdc: {  	[spmem:s2] =	stream.indirect.scatter.add.f32 [tilespmem:s11], [sflag:$0x1], $0x1, s12, s10, $0xb8;
	[tilespmem:$0xD80] =	vst v63  }
0xdd: {  	_ =	swait.ge [sflag:s9], $0x80  }
0xde: {  	[sflag:s9] =	ssyncset.done $0x0  }
0xdf: {  	[sflag:s9] =	ssyncadd.s32 $0xFFFFFF80  }
0xe0: {  	[spmem:s2] =	stream.indirect.scatter.add.f32 [tilespmem:s11], [sflag:$0x1], $0x1, s13, s10, $0xb8;
	[tilespmem:$0xD80] =	vst v63  }
0xe1: {  	_ =	swait.ge [sflag:s9], $0x80  }
0xe2: {  	[sflag:s9] =	ssyncset.done $0x0  }
0xe3: {  	[sflag:s9] =	ssyncadd.s32 $0xFFFFFF80  }
0xe4: {  	[spmem:s2] =	stream.indirect.scatter.add.f32 [tilespmem:s11], [sflag:$0x1], $0x1, s14, s10, $0xb8;
	[tilespmem:$0xD80] =	vst v63  }
0xe5: {  	_ =	swait.ge [sflag:s9], $0x80  }
0xe6: {  	[sflag:s9] =	ssyncset.done $0x0  }
0xe7: {  	[sflag:s9] =	ssyncadd.s32 $0xFFFFFF80  }
0xe8: {  	[spmem:s2] =	stream.indirect.scatter.add.f32 [tilespmem:s11], [sflag:$0x1], $0x1, s15, s10, $0xb8;
	[tilespmem:$0xD80] =	vst v63  }
0xe9: {  	_ =	swait.ge [sflag:s9], $0x80  }
0xea: {  	[sflag:s9] =	ssyncset.done $0x0  }
0xeb: {  	[sflag:s9] =	ssyncadd.s32 $0xFFFFFF80  }
0xec: {  	[spmem:s2] =	stream.indirect.scatter.add.f32 [tilespmem:s11], [sflag:$0x1], $0x1, s16, s10, $0xb8;
	[tilespmem:$0xD80] =	vst v63  }
0xed: {  	_ =	swait.ge [sflag:s9], $0x80  }
0xee: {  	[sflag:s9] =	ssyncset.done $0x0  }
0xef: {  	[sflag:s9] =	ssyncadd.s32 $0xFFFFFF80  }
0xf0: {  	[spmem:s2] =	stream.indirect.scatter.add.f32 [tilespmem:s11], [sflag:$0x1], $0x1, s17, s10, $0xb8;
	[tilespmem:$0xD80] =	vst v63  }
0xf1: {  	_ =	swait.ge [sflag:s9], $0x80  }
0xf2: {  	[sflag:s9] =	ssyncset.done $0x0  }
0xf3: {  	[sflag:s9] =	ssyncadd.s32 $0xFFFFFF80  }
0xf4: {  	[spmem:s2] =	stream.indirect.scatter.add.f32 [tilespmem:s11], [sflag:$0x1], $0x1, s18, s10, $0xb8;
	[tilespmem:$0xD80] =	vst v63  }
0xf5: {  	_ =	swait.ge [sflag:s9], $0x80  }
0xf6: {  	[sflag:s9] =	ssyncset.done $0x0  }
0xf7: {  	[sflag:s9] =	ssyncadd.s32 $0xFFFFFF80  }
0xf8: {  	[spmem:s2] =	stream.indirect.scatter.add.f32 [tilespmem:s11], [sflag:$0x1], $0x1, s19, s10, $0xb8;
	[tilespmem:$0xD80] =	vst v63  }
0xf9: {  	_ =	swait.ge [sflag:s9], $0x80  }
0xfa: {  	[sflag:s9] =	ssyncset.done $0x0  }
0xfb: {  	[sflag:s9] =	ssyncadd.s32 $0xFFFFFF80  }
0xfc: {  	[spmem:s2] =	stream.indirect.scatter.add.f32 [tilespmem:s11], [sflag:$0x1], $0x1, s20, s10, $0xb8;
	[tilespmem:$0xD80] =	vst v63  }
0xfd: {  	_ =	swait.ge [sflag:s9], $0x80  }
0xfe: {  	[sflag:s9] =	ssyncset.done $0x0  }
0xff: {  	[sflag:s9] =	ssyncadd.s32 $0xFFFFFF80  }
0x100: {  	[spmem:s2] =	stream.indirect.scatter.add.f32 [tilespmem:s11], [sflag:$0x1], $0x1, s21, s10, $0xb8;
	[tilespmem:$0xD80] =	vst v63  }
0x101: {  	_ =	swait.ge [sflag:s9], $0x80  }
0x102: {  	[sflag:s9] =	ssyncset.done $0x0  }
0x103: {  	[sflag:s9] =	ssyncadd.s32 $0xFFFFFF80  }
0x104: {  	[spmem:s2] =	stream.indirect.scatter.add.f32 [tilespmem:s11], [sflag:$0x1], $0x1, s22, s10, $0xb8;
	[tilespmem:$0xD80] =	vst v63  }
0x105: {  	_ =	swait.ge [sflag:s9], $0x80  }
0x106: {  	[sflag:s9] =	ssyncset.done $0x0  }
0x107: {  	[sflag:s9] =	ssyncadd.s32 $0xFFFFFF80  }
0x108: {  	[spmem:s2] =	stream.indirect.scatter.add.f32 [tilespmem:s11], [sflag:$0x1], $0x1, s23, s10, $0xb8;
	[tilespmem:$0xD80] =	vst v63  }
0x109: {  	_ =	swait.ge [sflag:s9], $0x80  }
0x10a: {  	[sflag:s9] =	ssyncset.done $0x0  }
0x10b: {  	[sflag:s9] =	ssyncadd.s32 $0xFFFFFF80  }
0x10c: {  	[spmem:s2] =	stream.indirect.scatter.add.f32 [tilespmem:s11], [sflag:$0x1], $0x1, s24, s10, $0xb8;
	[tilespmem:$0xD80] =	vst v63  }
0x10d: {  	_ =	swait.ge [sflag:s9], $0x80  }
0x10e: {  	[sflag:s9] =	ssyncset.done $0x0  }
0x10f: {  	[sflag:s9] =	ssyncadd.s32 $0xFFFFFF80  }
0x110: {  	[spmem:s2] =	stream.indirect.scatter.add.f32 [tilespmem:s11], [sflag:$0x1], $0x1, s25, s10, $0xb8;
	[tilespmem:$0xD80] =	vst v63  }
0x111: {  	_ =	swait.ge [sflag:s9], $0x80  }
0x112: {  	s31 =	sshll.u32 s1, $0x6;
	s26 =	sadd.s32 $0x1, s26;
	[sflag:s9] =	ssyncset.done $0x0  }
0x113: {  	s29 =	sshrl.u32 s4, $0x3;
	p0 =	sne.s32 s26, s6;
	[sflag:s9] =	ssyncadd.s32 $0xFFFFFF80  }
.Ltmp1:
0x114: {  	s28 =	sor.u32 $0x1C01, s31;
	[bflag:$0x0] =	sbarrier.arrive $0xFFFF;
	(pc) =	sbr.rel @p0 .LBB2_1-.Ltmp1, $4  }
0x115: {  	[hbm:s5], [sflag:s28] =	dma.local [spmem:s29], $0x50  }
0x116: {  	_ =	swait.ge [sflag:s9], $0x50  }
0x117: {  	[sflag:s9] =	ssyncset.done $0x0  }
0x118: {  	[sflag:s9] =	ssyncadd.s32 $0xFFFFFFB0  }
0x119: {  	_ =	sfence.sel $0x180000  }
0x11a: {  	[bflag:$0x0] =	sbarrier.arrive $0xFFFF  }
0x11b: {  	p0 =	sne.s32 s1, $0x0;
	_ =	strace $0x90000047  }
0x11c: {  	s0 =	sadd.s32 @!p0 $0x100000, s0;
	[bflag:$0x2] =	sbarrier.arrive $0xFFFF  }
0x11d: {  	[sflag:s0] =	ssyncadd.tile.s32 @!p0 $0x1;
	_ =	shalt  }
.Lfunc_end2:
_tile_overlayer_lowered:
.L_overlay_start_2:
0x11e: {  	(tag) =	ssettag $0x2  }
0x11f: {  	s0 =	rddreg [dreg:$0x0];
	s2 =	stileid.u32  }
0x120: {  	s1 =	rddreg [dreg:$0x1];
	p0 =	sne.s32 s2, $0x0  }
0x121: {  	s3 =	rddreg [dreg:$0x2];
	[bflag:$0x3] =	sbarrier.arrive $0xFFFF;
	s2 =	simm.s32 @!p0 $0x1C01  }
0x122: {  	[timem:s3], [sflag:s2] =	dma.local @!p0 [hbm:s0], s1  }
0x123: {  	s0 =	simm.s32 @!p0 $0x1  }
0x124: {  	_ =	swait.ge @!p0 [sflag:s0], s1  }
0x125: {  	s1 =	ssub.s32 @!p0 $0x0, s1;
	[sflag:s0] =	ssyncset.done @!p0 $0x0  }
0x126: {  	[sflag:s0] =	ssyncadd.s32 @!p0 s1  }
0x127: {  	[bflag:$0x3] =	sbarrier.arrive $0xFFFF  }
0x128: {  	_ =	shalt  }

// kernel: kernel.13.cloned.1.call-start
scs
__scs_entry_jumppad:
0x0: {  	(pc) =	sbr.rel $0x88, $3  }
0x1: {  	(tag) =	ssettag $0x0;
	lr =	simm.s32 $0x1  }
0x2: {  	[smem:$0x3F93] =	sst lr;
	_ =	strace $0xD0000000  }
0x3: {  	_ = 	snop  }
0x4: {  	_ = 	snop  }
0x5: {  	_ = 	snop  }
0x6: {  	_ = 	snop  }
0x7: {  	_ = 	snop  }
__scs_overlays_trampoline_lowered:
0x8: {  	[smem:$0x3FA2] =	sst s0  }
0x9: {  	[smem:$0x3FA3] =	sst s1  }
0xa: {  	[smem:$0x3FA4] =	sst s2  }
0xb: {  	[smem:$0x3FA5] =	sst s3  }
0xc: {  	[smem:$0x3FA6] =	sst s4  }
0xd: {  	[smem:$0x3FA7] =	sst s5  }
0xe: {  	[smem:$0x3FA8] =	sst s6  }
0xf: {  	[smem:$0x3FA9] =	sst s7  }
0x10: {  	[smem:$0x3FAA] =	sst s8  }
0x11: {  	[smem:$0x3FAB] =	sst s9;
	s0 =	simm.s32 @!p0 $0x0  }
0x12: {  	s1 =	sld [smem:$0x3F91];
	s0 =	simm.s32 @p0 $0x1  }
0x13: {  	[smem:$0x3FAC] =	sst s0;
	s0 =	simm.s32 @!p1 $0x0  }
0x14: {  	s2 =	sld [smem:$0x3F90];
	s0 =	simm.s32 @p1 $0x1  }
0x15: {  	[smem:$0x3FAD] =	sst s0;
	s0 =	simm.s32 @!p2 $0x0  }
0x16: {  	s3 =	sld [smem:$0x3FDB];
	s0 =	simm.s32 @p2 $0x1  }
0x17: {  	s4 =	simm.s32 $0x1BF5;
	[smem:$0x3FAF] =	sst s0  }
0x18: {  	s0 =	sld [smem:$0x3F92];
	_ =	swait.ge [sflag:s4], $0x0  }
0x19: {  	s7 =	sld [smem:$0x3F93]  }
0x1a: {  	s8 =	sadd.s32 $0xFFFFE003, lr  }
0x1b: {  	s9 =	sadd.s32 $0xFFFFFEF7, lr;
	s5 =	simm.s32 $0xFFFFFFFF;
	p2 =	slt.u32 s8, $0xFFFFF086  }
0x1c: {  	p1 =	slt.u32 s9, $0xF7A;
	s5 =	simm.s32 @!p2 $0x0  }
0x1d: {  	s5 =	simm.s32 @p1 $0x1;
	p0 =	seq.s32 s7, s2  }
0x1e: {  	s7 =	smul.u32 @!p0 $0xF7A, s2;
	p2 =	seq.s32 @!p0 s5, $0x0  }
0x1f: {  	s9 =	smul.u32 $0xF7A, s1;
	s8 =	simm.s32 @!p0 $0x1BF5;
	p2 =	por !p2, p0  }
0x20: {  	[sflag:s8] =	ssyncset.s32 @!p0 $0xFFFFF086;
	s6 =	sadd.s32 @!p0 s3, s7;
	s7 =	simm.s32 @!p0 $0x108  }
0x21: {  	s3 =	sadd.s32 s3, s9;
	s6 =	sadd.s32 @!p0 $0x88, s6;
	s7 =	simm.s32 @p2 $0x1082  }
0x22: {  	[simem:s7], [sflag:s8] =	dma.local @!p0 [hbm:s6], $0xF7A  }
0x23: {  	s9 =	sor.u32 $0xD0000000, s2;
	s6 =	simm.s32 $0x108;
	_ =	swait.ge @!p0 [sflag:s8], $0x0  }
0x24: {  	s3 =	sadd.s32 $0x88, s3;
	s6 =	simm.s32 @!p1 $0x1082;
	[sflag:s4] =	ssyncset.s32 $0xFFFFF086  }
0x25: {  	[simem:s6], [sflag:s4] =	dma.local [hbm:s3], $0xF7A  }
0x26: {  	[smem:$0x3F93] =	sst s1;
	(tag) =	ssettag s2;
	_ =	strace s9  }
0x27: {  	s1 =	sld [smem:$0x3FA3]  }
0x28: {  	s2 =	sld [smem:$0x3FA4]  }
0x29: {  	s4 =	sld [smem:$0x3FA6]  }
0x2a: {  	p0 =	seq.s32 s5, $0x0;
	s5 =	sld [smem:$0x3FA7]  }
0x2b: {  	s6 =	sld [smem:$0x3FA8]  }
0x2c: {  	s7 =	sld [smem:$0x3FA9]  }
0x2d: {  	s3 =	simm.s32 $0x108;
	s8 =	sld [smem:$0x3FAA]  }
0x2e: {  	s3 =	simm.s32 @!p0 $0x1082;
	s9 =	sld [smem:$0x3FAB]  }
0x2f: {  	lr =	sadd.s32 s0, s3;
	s0 =	sld [smem:$0x3FA2]  }
0x30: {  	s3 =	sld [smem:$0x3FA5]  }
0x31: {  	[smem:$0x3FAE] =	sst s10  }
0x32: {  	s10 =	sld [smem:$0x3FAC];
	_ =	sdelay $0x3  }
0x33: {  	p0 =	seq.s32 s10, $0x1;
	s10 =	sld [smem:$0x3FAE];
	_ =	sdelay $0x3  }
0x34: {  	[smem:$0x3FAE] =	sst s10  }
0x35: {  	s10 =	sld [smem:$0x3FAD];
	_ =	sdelay $0x3  }
0x36: {  	p1 =	seq.s32 s10, $0x1;
	s10 =	sld [smem:$0x3FAE];
	_ =	sdelay $0x3  }
0x37: {  	[smem:$0x3FAE] =	sst s10  }
0x38: {  	s10 =	sld [smem:$0x3FAF]  }
0x39: {  	_ = 	snop;
	(pc) =	sbr.ind lr, $3  }
0x3a: {  	_ = 	snop  }
0x3b: {  	_ = 	snop  }
0x3c: {  	p2 =	seq.s32 s10, $0x1;
	s10 =	sld [smem:$0x3FAE]  }
0x3d: {  	_ =	shalt  }
0x3e: {  	_ =	shalt  }
0x3f: {  	_ =	shalt  }
0x40: {  	_ =	shalt  }
0x41: {  	_ =	shalt  }
0x42: {  	_ =	shalt  }
0x43: {  	_ =	shalt  }
0x44: {  	_ =	shalt  }
0x45: {  	_ =	shalt  }
0x46: {  	_ =	shalt  }
0x47: {  	_ =	shalt  }
0x48: {  	_ =	shalt  }
0x49: {  	_ =	shalt  }
0x4a: {  	_ =	shalt  }
0x4b: {  	_ =	shalt  }
0x4c: {  	_ =	shalt  }
0x4d: {  	_ =	shalt  }
0x4e: {  	_ =	shalt  }
0x4f: {  	_ =	shalt  }
0x50: {  	_ =	shalt  }
0x51: {  	_ =	shalt  }
0x52: {  	_ =	shalt  }
0x53: {  	_ =	shalt  }
0x54: {  	_ =	shalt  }
0x55: {  	_ =	shalt  }
0x56: {  	_ =	shalt  }
0x57: {  	_ =	shalt  }
0x58: {  	_ =	shalt  }
0x59: {  	_ =	shalt  }
0x5a: {  	_ =	shalt  }
0x5b: {  	_ =	shalt  }
0x5c: {  	_ =	shalt  }
0x5d: {  	_ =	shalt  }
0x5e: {  	_ =	shalt  }
0x5f: {  	_ =	shalt  }
0x60: {  	_ =	shalt  }
0x61: {  	_ =	shalt  }
0x62: {  	_ =	shalt  }
0x63: {  	_ =	shalt  }
0x64: {  	_ =	shalt  }
0x65: {  	_ =	shalt  }
0x66: {  	_ =	shalt  }
0x67: {  	_ =	shalt  }
0x68: {  	_ =	shalt  }
0x69: {  	_ =	shalt  }
0x6a: {  	_ =	shalt  }
0x6b: {  	_ =	shalt  }
0x6c: {  	_ =	shalt  }
0x6d: {  	_ =	shalt  }
0x6e: {  	_ =	shalt  }
0x6f: {  	_ =	shalt  }
0x70: {  	_ =	shalt  }
0x71: {  	_ =	shalt  }
0x72: {  	_ =	shalt  }
0x73: {  	_ =	shalt  }
0x74: {  	_ =	shalt  }
0x75: {  	_ =	shalt  }
0x76: {  	_ =	shalt  }
0x77: {  	_ =	shalt  }
0x78: {  	_ =	shalt  }
0x79: {  	_ =	shalt  }
0x7a: {  	_ =	shalt  }
0x7b: {  	_ =	shalt  }
0x7c: {  	_ =	shalt  }
0x7d: {  	_ =	shalt  }
0x7e: {  	_ =	shalt  }
0x7f: {  	_ =	shalt  }
0x80: {  	_ =	shalt  }
0x81: {  	_ =	shalt  }
0x82: {  	_ =	shalt  }
0x83: {  	_ =	shalt  }
0x84: {  	_ =	shalt  }
0x85: {  	_ =	shalt  }
0x86: {  	_ =	shalt  }
0x87: {  	_ =	shalt  }
.Lfunc_end0:
.L_simem_size_0:
called_computation.1_lowered:
.L_overlay_start_0:
0x88: {  	s2 =	sld [smem:$0x3FD9]  }
0x89: {  	s3 =	sld [smem:$0x3FFE];
	_ =	sdelay $0x1  }
0x8a: {  	s1 =	srdreg.scid  }
0x8b: {  	s0 =	sand.u32 $0x1, s1  }
0x8c: {  	s16 =	sshll.u32 s0, $0xA;
	s2 =	sadd.s32 s3, s2  }
0x8d: {  	s2 =	sadd.s32 s2, s16  }
0x8e: {  	[smem:$0x3FBA] =	sst s2  }
0x8f: {  	_ = 	snop  }
0x90: {  	(tm) =	ssettm $0x1  }
0x91: {  	s17 =	sld [smem:$0x3FFB];
	_ =	sdelay $0x3  }
0x92: {  	_ =	strace s17  }
0x93: {  	s2 =	sld [smem:$0x3FFC];
	_ =	sdelay $0x3  }
0x94: {  	_ =	strace s2  }
0x95: {  	s2 =	sld [smem:$0x3FFD];
	_ =	sdelay $0x3  }
0x96: {  	_ =	strace s2  }
0x97: {  	_ =	strace $0x8FFFFFFF  }
0x98: {  	s18 =	sld [smem:$0x3FDB];
	_ =	sdelay $0x1  }
0x99: {  	s19 =	simm.s32 $_scs_section_size  }
0x9a: {  	s4 =	simm.s32 $_size__tile_overlayer_lowered;
	s5 =	simm.s32 $_tile_overlayer_lowered  }
0x9b: {  	s22 =	simm.s32 $0x1BFF;
	s21 =	sshll.u32 s5, $0x1;
	s2 =	sadd.s32 s19, s18  }
0x9c: {  	s6 =	simm.s32 $0x0;
	s20 =	sshll.u32 s4, $0x1;
	s4 =	sadd.s32 s21, s2  }
0x9d: {  	[timem:s6], [sflag:s22] =	dma.local [hbm:s4], s20  }
0x9e: {  	_ =	swait.ge [sflag:s22], s20  }
0x9f: {  	s3 =	ssub.s32 $0x0, s20;
	[sflag:s22] =	ssyncset.done $0x0  }
0xa0: {  	[sflag:s22] =	ssyncadd.s32 s3;
	_ =	sdelay $0x1  }
0xa1: {  	s23 =	simm.s32 $0x1B8B  }
0xa2: {  	_ =	swait.ge [sflag:s23], $0x1  }
0xa3: {  	[sflag:s23] =	ssyncset.done $0x0  }
0xa4: {  	s25 =	simm.s32 $0x1B8E;
	s24 =	sld [smem:$0x3FFE];
	[sflag:s23] =	ssyncadd.s32 $0xFFFFFFFF  }
0xa5: {  	s26 =	simm.s32 $execute0_lowered;
	[smem:$0x3FD2] =	sst s25  }
0xa6: {  	s4 =	sshll.u32 s26, $0x1;
	_ =	strace $0x80000049;
	[dreg:$0x1] =	wrdreg $0xFFFFFFFF  }
0xa7: {  	s28 =	simm.s32 $_size_execute0_lowered;
	s2 =	sadd.s32 s2, s4;
	[dreg:$0x0] =	wrdreg $0x0  }
0xa8: {  	s4 =	sshll.u32 s28, $0x1;
	[dreg:$0x2] =	wrdreg s2  }
0xa9: {  	[dreg:$0x3] =	wrdreg s4  }
0xaa: {  	[dreg:$0x4] =	wrdreg $0xC0  }
0xab: {  	_ =	task [dreg:s6], $0x5FFFF  }
0xac: {  	[dreg:$0x1] =	wrdreg $0xFFFFFFFF  }
0xad: {  	[dreg:$0x0] =	wrdreg $0x60  }
0xae: {  	[dreg:$0x2] =	wrdreg s24  }
0xaf: {  	[dreg:$0x3] =	wrdreg $0x90000  }
0xb0: {  	[dreg:$0x4] =	wrdreg $0x9  }
0xb1: {  	_ =	task.clear_ibuf [dreg:s6], $0x5FFFF;
	_ =	strace $0x90000049  }
0xb2: {  	s29 =	simm.s32 $0x9;
	_ =	strace $0x8000004B  }
0xb3: {  	_ =	swait.ge [sflag:s29], $0x1  }
0xb4: {  	[sflag:s29] =	ssyncadd.s32 $0xFFFFFFFF  }
0xb5: {  	_ =	strace $0x9000004B  }
0xb6: {  	_ =	sfence  }
0xb7: {  	s30 =	sld [smem:$0x0];
	_ =	sdelay $0x2  }
0xb8: {  	s31 =	sshll.u32 s1, $0xD;
	s1 =	sshrl.u32 s1, $0x2  }
0xb9: {  	s3 =	sand.u32 $0x4000, s31;
	s1 =	sadd.s32 s1, s30  }
0xba: {  	s0 =	sor.u32 s3, s0;
	s1 =	sshll.u32 s1, $0x11  }
0xbb: {  	s0 =	sor.u32 s1, s0  }
0xbc: {  	s0 =	sadd.s32 $0x8F2B, s0  }
0xbd: {  	[sflag:s0] =	ssyncadd.remote.s32 $0x1  }
0xbe: {  	_ =	sfence.sel $0xFFFF  }
0xbf: {  	[dreg:$0x0] =	wrdreg $0xFFFFFFFF;
	(pc) =	sbr.abs _section_cstart, $3  }
0xc0: {  	[dreg:$0x1] =	wrdreg $0xFFFFFFFF  }
0xc1: {  	_ =	task.clear_ibuf [dreg:s6], $0x2FFFF;
	_ =	strace $0x9FFFFFFF  }
0xc2: {  	(tm) =	ssettm $0x7FFFFFFF  }
0xc3: {  	_ =	shalt  }
tec
execute0_lowered:
.L_overlay_start_1:
0x0: {  	(tag) =	ssettag $0x1  }
0x1: {  	s0 =	rddreg [dreg:$0x0];
	s2 =	srdreg.scid  }
0x2: {  	s1 =	rddreg [dreg:$0x1];
	s3 =	simm.s32 $0x0;
	s9 =	stileid.u32  }
0x3: {  	s11 =	simm.s32 $0x100;
	s12 =	simm.s32 $0x880;
	s13 =	simm.s32 $0x180  }
0x4: {  	s15 =	simm.s32 $0x900;
	s17 =	simm.s32 $0x200;
	[smem:$0x7FF] =	sst s3  }
0x5: {  	s19 =	simm.s32 $0x980;
	_ =	strace $0x8000004A;
	[dreg:$0x5] =	wrdreg s11  }
0x6: {  	s21 =	simm.s32 $0x280;
	s22 =	simm.s32 $0xA00;
	[dreg:$0x6] =	wrdreg s12  }
0x7: {  	s23 =	simm.s32 $0x300;
	s24 =	simm.s32 $0xA80;
	[dreg:$0x7] =	wrdreg s13  }
0x8: {  	s25 =	simm.s32 $0x380;
	s28 =	simm.s32 $0x600;
	[dreg:$0x8] =	wrdreg s15  }
0x9: {  	s29 =	simm.s32 $0xD80;
	s7 =	smul.u32 $0x2800, s9;
	[dreg:$0x9] =	wrdreg s17  }
0xa: {  	s30 =	simm.s32 $0x680;
	s8 =	smul.u32 $0x500, s9;
	[dreg:$0xa] =	wrdreg s19  }
0xb: {  	s2 =	sand.u32 $0x1, s2;
	s9 =	smul.u32 $0x50000, s9;
	[dreg:$0xb] =	wrdreg s21  }
0xc: {  	s31 =	simm.s32 $0xE00;
	s5 =	smul.u32 $0x5000, s2;
	[dreg:$0xc] =	wrdreg s22  }
0xd: {  	s4 =	sadd.s32 $0x18000, s0;
	s6 =	smul.u32 $0x28000, s2;
	[dreg:$0xd] =	wrdreg s23  }
0xe: {  	s2 =	ssub.s32 $0x2, s2;
	s12 =	simm.s32 $0x1000;
	[dreg:$0xe] =	wrdreg s24  }
0xf: {  	s13 =	simm.s32 $0x3;
	s15 =	simm.s32 $0x80;
	[dreg:$0xf] =	wrdreg s25  }
0x10: {  	s17 =	simm.s32 $0x1;
	s19 =	simm.s32 $0x400;
	s21 =	simm.s32 $0x480  }
0x11: {  	s22 =	simm.s32 $0xC00;
	s23 =	simm.s32 $0x500;
	s24 =	simm.s32 $0xC80  }
0x12: {  	s25 =	simm.s32 $0x580;
	s26 =	sshrl.u32 s2, $0x1;
	s9 =	sshrl.u32 s9, $0x2  }
0x13: {  	s5 =	sadd.s32 s5, s0;
	s6 =	sadd.s32 s7, s6;
	s2 =	ssub.s32 s2, s26  }
0x14: {  	s10 =	sadd.s32 s9, s1;
	s26 =	simm.s32 $0xB00;
	s7 =	simm.s32 $0xF00  }
0x15: {  	s9 =	simm.s32 $0x0;
	s5 =	sadd.s32 s8, s5;
	[dreg:$0x11] =	wrdreg s10  }
0x16: {  	s0 =	sadd.s32 s6, s0;
	s2 =	smax.u32 s2, $0x1;
	[dreg:$0x10] =	wrdreg s26  }
0x17: {  	s14 =	sadd.s32 $0x4000, s10;
	s16 =	sadd.s32 $0x8000, s10;
	[dreg:$0x13] =	wrdreg s2  }
0x18: {  	s18 =	sadd.s32 $0xC000, s10;
	s20 =	sadd.s32 $0x10000, s10;
	[dreg:$0x14] =	wrdreg s14  }
0x19: {  	s26 =	simm.s32 $0xD00;
	s6 =	simm.s32 $0x780;
	[dreg:$0x15] =	wrdreg s16  }
0x1a: {  	s8 =	sadd.s32 $0xE000, s5;
	s5 =	sadd.s32 $0x4000, s5;
	[dreg:$0x16] =	wrdreg s18  }
0x1b: {  	s0 =	sadd.s32 $0x40000, s0;
	[dreg:$0x17] =	wrdreg s20;
	s14 =	simm.s32 $0x800  }
0x1c: {  	s16 =	simm.s32 $0x5000;
	s18 =	simm.s32 $0x2;
	[dreg:$0x3] =	wrdreg s8  }
0x1d: {  	s20 =	simm.s32 $0xB80;
	s2 =	simm.s32 $0xE80;
	[dreg:$0x4] =	wrdreg s5  }
0x1e: {  	v0 =	vimm.f32 $0.0e+00;
	[dreg:$0x12] =	wrdreg s0;
	s0 =	simm.s32 $0x700;
	s8 =	simm.s32 $0xF80  }
.LBB2_1:
0x1f: {  	s5 =	sand.u32 $0xFE00, s3  }
0x20: {  	[dreg:$0x18] =	wrdreg s9;
	s11 =	sand.u32 $0x70, s3;
	s5 =	sshrl.u32 s5, $0x2  }
0x21: {  	s10 =	simm.s32 $0x40;
	s5 =	sor.u32 s11, s5;
	s11 =	simm.s32 $0x0  }
.LBB2_2:
0x22: {  	p0 =	sne.s32 s10, $0xFFC0  }
0x23: {  	[tilespmem:s5+$0x1000] =	vst v0;
	s11 =	sadd.s32 $0x10, s11;
	s5 =	smov.u32 s10;
	s10 =	sadd.s32 $0x40, s10  }
.Ltmp0:
0x24: {  	(pc) =	sbr.rel @p0 .LBB2_2-.Ltmp0, $4  }
0x25: {  	_ = 	snop  }
0x26: {  	s5 =	sand.u32 $0xFE00, s5  }
0x27: {  	s9 =	sand.u32 $0x70, s11;
	s5 =	sshrl.u32 s5, $0x2  }
0x28: {  	s5 =	sor.u32 s9, s5  }
0x29: {  	[tilespmem:s5+$0x1000] =	vst v0;
	s11 =	rddreg [dreg:$0x11]  }
0x2a: {  	[spmem:s11] =	stream.linear.scatter [tilespmem:s12], [sflag:$0x3], $0x4000, $0x38;
	[tilespmem:$0x1D000] =	vst v63  }
0x2b: {  	_ =	swait.ge [sflag:s13], $0x4000  }
0x2c: {  	[sflag:s13] =	ssyncset.done $0x0  }
0x2d: {  	s9 =	rddreg [dreg:$0x14];
	[sflag:s13] =	ssyncadd.s32 $0xFFFFC000  }
0x2e: {  	[spmem:s9] =	stream.linear.scatter [tilespmem:s12], [sflag:$0x3], $0x4000, $0x38;
	[tilespmem:$0x1D000] =	vst v63  }
0x2f: {  	_ =	swait.ge [sflag:s13], $0x4000  }
0x30: {  	[sflag:s13] =	ssyncset.done $0x0  }
0x31: {  	s10 =	rddreg [dreg:$0x15];
	[sflag:s13] =	ssyncadd.s32 $0xFFFFC000  }
0x32: {  	[spmem:s10] =	stream.linear.scatter [tilespmem:s12], [sflag:$0x3], $0x4000, $0x38;
	[tilespmem:$0x1D000] =	vst v63  }
0x33: {  	_ =	swait.ge [sflag:s13], $0x4000  }
0x34: {  	[sflag:s13] =	ssyncset.done $0x0  }
0x35: {  	s11 =	rddreg [dreg:$0x16];
	[sflag:s13] =	ssyncadd.s32 $0xFFFFC000  }
0x36: {  	[spmem:s11] =	stream.linear.scatter [tilespmem:s12], [sflag:$0x3], $0x4000, $0x38;
	[tilespmem:$0x1D000] =	vst v63  }
0x37: {  	_ =	swait.ge [sflag:s13], $0x4000  }
0x38: {  	[sflag:s13] =	ssyncset.done $0x0  }
0x39: {  	s9 =	rddreg [dreg:$0x17];
	[sflag:s13] =	ssyncadd.s32 $0xFFFFC000  }
0x3a: {  	[spmem:s9] =	stream.linear.scatter [tilespmem:s12], [sflag:$0x3], $0x4000, $0x38;
	[tilespmem:$0x1D000] =	vst v63  }
0x3b: {  	_ =	swait.ge [sflag:s13], $0x4000  }
0x3c: {  	[sflag:s13] =	ssyncset.done $0x0  }
0x3d: {  	[sflag:s13] =	ssyncadd.s32 $0xFFFFC000  }
0x3e: {  	[bflag:$0x0] =	sbarrier.arrive $0xFFFF  }
0x3f: {  	s10 =	rddreg [dreg:$0x3]  }
0x40: {  	s5 =	sadd.s32 $0x0, s10  }
0x41: {  	[tilespmem:s3], [sflag:$0x3] =	stream.linear.gather [hbm4b:s5+s3], $0x800, $0x38;
	[tilespmem:$0x1D000] =	vst v63  }
0x42: {  	_ =	swait.ge [sflag:s13], $0x800  }
0x43: {  	s11 =	rddreg [dreg:$0x4];
	[sflag:s13] =	ssyncset.done $0x0  }
0x44: {  	[sflag:s13] =	ssyncadd.s32 $0xFFFFF800;
	s5 =	sadd.s32 $0x0, s11  }
0x45: {  	[tilespmem:s14], [sflag:$0x3] =	stream.linear.gather [hbm4b:s5+s3], $0x800, $0x38;
	[tilespmem:$0x1D000] =	vst v63  }
0x46: {  	_ =	swait.ge [sflag:s13], $0x800  }
0x47: {  	[sflag:s13] =	ssyncset.done $0x0  }
0x48: {  	[sflag:s13] =	ssyncadd.s32 $0xFFFFF800  }
0x49: {  	[tilespmem:s12], [sflag:$0x1] =	stream.indirect.gather [hbm4b:s4+s15], $0x80, s3, s15, $0xb8;
	[tilespmem:$0x1D000] =	vst v63  }
0x4a: {  	_ = 	snop  }
0x4b: {  	[tilespmem:s16], [sflag:$0x2] =	stream.indirect.gather [hbm4b:s4+s15], $0x80, s15, s15, $0xb8;
	[tilespmem:$0x1D000] =	vst v63  }
0x4c: {  	_ =	swait.ge [sflag:s17], $0x4000  }
0x4d: {  	[sflag:s17] =	ssyncset.done $0x0  }
0x4e: {  	[sflag:s17] =	ssyncadd.s32 $0xFFFFC000  }
0x4f: {  	[spmem:s1] =	stream.indirect.scatter.add.f32 [tilespmem:s12], [sflag:$0x3], $0x80, s14, s15, $0xb8;
	[tilespmem:$0x1D000] =	vst v63  }
0x50: {  	_ =	swait.ge [sflag:s13], $0x4000  }
0x51: {  	[sflag:s13] =	ssyncset.done $0x0  }
0x52: {  	s9 =	rddreg [dreg:$0x5];
	[sflag:s13] =	ssyncadd.s32 $0xFFFFC000  }
0x53: {  	[tilespmem:s12], [sflag:$0x1] =	stream.indirect.gather [hbm4b:s4+s15], $0x80, s9, s15, $0xb8;
	[tilespmem:$0x1D000] =	vst v63  }
0x54: {  	_ =	swait.ge [sflag:s18], $0x4000  }
0x55: {  	[sflag:s18] =	ssyncset.done $0x0  }
0x56: {  	s10 =	rddreg [dreg:$0x6];
	[sflag:s18] =	ssyncadd.s32 $0xFFFFC000  }
0x57: {  	[spmem:s1] =	stream.indirect.scatter.add.f32 [tilespmem:s16], [sflag:$0x3], $0x80, s10, s15, $0xb8;
	[tilespmem:$0x1D000] =	vst v63  }
0x58: {  	_ =	swait.ge [sflag:s13], $0x4000  }
0x59: {  	[sflag:s13] =	ssyncset.done $0x0  }
0x5a: {  	s11 =	rddreg [dreg:$0x7];
	[sflag:s13] =	ssyncadd.s32 $0xFFFFC000  }
0x5b: {  	[tilespmem:s16], [sflag:$0x2] =	stream.indirect.gather [hbm4b:s4+s15], $0x80, s11, s15, $0xb8;
	[tilespmem:$0x1D000] =	vst v63  }
0x5c: {  	_ =	swait.ge [sflag:s17], $0x4000  }
0x5d: {  	[sflag:s17] =	ssyncset.done $0x0  }
0x5e: {  	s9 =	rddreg [dreg:$0x8];
	[sflag:s17] =	ssyncadd.s32 $0xFFFFC000  }
0x5f: {  	[spmem:s1] =	stream.indirect.scatter.add.f32 [tilespmem:s12], [sflag:$0x3], $0x80, s9, s15, $0xb8;
	[tilespmem:$0x1D000] =	vst v63  }
0x60: {  	_ =	swait.ge [sflag:s13], $0x4000  }
0x61: {  	[sflag:s13] =	ssyncset.done $0x0  }
0x62: {  	s10 =	rddreg [dreg:$0x9];
	[sflag:s13] =	ssyncadd.s32 $0xFFFFC000  }
0x63: {  	[tilespmem:s12], [sflag:$0x1] =	stream.indirect.gather [hbm4b:s4+s15], $0x80, s10, s15, $0xb8;
	[tilespmem:$0x1D000] =	vst v63  }
0x64: {  	_ =	swait.ge [sflag:s18], $0x4000  }
0x65: {  	[sflag:s18] =	ssyncset.done $0x0  }
0x66: {  	s11 =	rddreg [dreg:$0xa];
	[sflag:s18] =	ssyncadd.s32 $0xFFFFC000  }
0x67: {  	[spmem:s1] =	stream.indirect.scatter.add.f32 [tilespmem:s16], [sflag:$0x3], $0x80, s11, s15, $0xb8;
	[tilespmem:$0x1D000] =	vst v63  }
0x68: {  	_ =	swait.ge [sflag:s13], $0x4000  }
0x69: {  	[sflag:s13] =	ssyncset.done $0x0  }
0x6a: {  	s9 =	rddreg [dreg:$0xb];
	[sflag:s13] =	ssyncadd.s32 $0xFFFFC000  }
0x6b: {  	[tilespmem:s16], [sflag:$0x2] =	stream.indirect.gather [hbm4b:s4+s15], $0x80, s9, s15, $0xb8;
	[tilespmem:$0x1D000] =	vst v63  }
0x6c: {  	_ =	swait.ge [sflag:s17], $0x4000  }
0x6d: {  	[sflag:s17] =	ssyncset.done $0x0  }
0x6e: {  	s10 =	rddreg [dreg:$0xc];
	[sflag:s17] =	ssyncadd.s32 $0xFFFFC000  }
0x6f: {  	[spmem:s1] =	stream.indirect.scatter.add.f32 [tilespmem:s12], [sflag:$0x3], $0x80, s10, s15, $0xb8;
	[tilespmem:$0x1D000] =	vst v63  }
0x70: {  	_ =	swait.ge [sflag:s13], $0x4000  }
0x71: {  	[sflag:s13] =	ssyncset.done $0x0  }
0x72: {  	s11 =	rddreg [dreg:$0xd];
	[sflag:s13] =	ssyncadd.s32 $0xFFFFC000  }
0x73: {  	[tilespmem:s12], [sflag:$0x1] =	stream.indirect.gather [hbm4b:s4+s15], $0x80, s11, s15, $0xb8;
	[tilespmem:$0x1D000] =	vst v63  }
0x74: {  	_ =	swait.ge [sflag:s18], $0x4000  }
0x75: {  	[sflag:s18] =	ssyncset.done $0x0  }
0x76: {  	s9 =	rddreg [dreg:$0xe];
	[sflag:s18] =	ssyncadd.s32 $0xFFFFC000  }
0x77: {  	[spmem:s1] =	stream.indirect.scatter.add.f32 [tilespmem:s16], [sflag:$0x3], $0x80, s9, s15, $0xb8;
	[tilespmem:$0x1D000] =	vst v63  }
0x78: {  	_ =	swait.ge [sflag:s13], $0x4000  }
0x79: {  	[sflag:s13] =	ssyncset.done $0x0  }
0x7a: {  	s10 =	rddreg [dreg:$0xf];
	[sflag:s13] =	ssyncadd.s32 $0xFFFFC000  }
0x7b: {  	[tilespmem:s16], [sflag:$0x2] =	stream.indirect.gather [hbm4b:s4+s15], $0x80, s10, s15, $0xb8;
	[tilespmem:$0x1D000] =	vst v63  }
0x7c: {  	_ =	swait.ge [sflag:s17], $0x4000  }
0x7d: {  	[sflag:s17] =	ssyncset.done $0x0  }
0x7e: {  	s11 =	rddreg [dreg:$0x10];
	[sflag:s17] =	ssyncadd.s32 $0xFFFFC000  }
0x7f: {  	[spmem:s1] =	stream.indirect.scatter.add.f32 [tilespmem:s12], [sflag:$0x3], $0x80, s11, s15, $0xb8;
	[tilespmem:$0x1D000] =	vst v63  }
0x80: {  	_ =	swait.ge [sflag:s13], $0x4000  }
0x81: {  	[sflag:s13] =	ssyncset.done $0x0  }
0x82: {  	[sflag:s13] =	ssyncadd.s32 $0xFFFFC000  }
0x83: {  	[tilespmem:s12], [sflag:$0x1] =	stream.indirect.gather [hbm4b:s4+s15], $0x80, s19, s15, $0xb8;
	[tilespmem:$0x1D000] =	vst v63  }
0x84: {  	_ =	swait.ge [sflag:s18], $0x4000  }
0x85: {  	[sflag:s18] =	ssyncset.done $0x0  }
0x86: {  	[sflag:s18] =	ssyncadd.s32 $0xFFFFC000  }
0x87: {  	[spmem:s1] =	stream.indirect.scatter.add.f32 [tilespmem:s16], [sflag:$0x3], $0x80, s20, s15, $0xb8;
	[tilespmem:$0x1D000] =	vst v63  }
0x88: {  	_ =	swait.ge [sflag:s13], $0x4000  }
0x89: {  	[sflag:s13] =	ssyncset.done $0x0  }
0x8a: {  	[sflag:s13] =	ssyncadd.s32 $0xFFFFC000  }
0x8b: {  	[tilespmem:s16], [sflag:$0x2] =	stream.indirect.gather [hbm4b:s4+s15], $0x80, s21, s15, $0xb8;
	[tilespmem:$0x1D000] =	vst v63  }
0x8c: {  	_ =	swait.ge [sflag:s17], $0x4000  }
0x8d: {  	[sflag:s17] =	ssyncset.done $0x0  }
0x8e: {  	[sflag:s17] =	ssyncadd.s32 $0xFFFFC000  }
0x8f: {  	[spmem:s1] =	stream.indirect.scatter.add.f32 [tilespmem:s12], [sflag:$0x3], $0x80, s22, s15, $0xb8;
	[tilespmem:$0x1D000] =	vst v63  }
0x90: {  	_ =	swait.ge [sflag:s13], $0x4000  }
0x91: {  	[sflag:s13] =	ssyncset.done $0x0  }
0x92: {  	[sflag:s13] =	ssyncadd.s32 $0xFFFFC000  }
0x93: {  	[tilespmem:s12], [sflag:$0x1] =	stream.indirect.gather [hbm4b:s4+s15], $0x80, s23, s15, $0xb8;
	[tilespmem:$0x1D000] =	vst v63  }
0x94: {  	_ =	swait.ge [sflag:s18], $0x4000  }
0x95: {  	[sflag:s18] =	ssyncset.done $0x0  }
0x96: {  	[sflag:s18] =	ssyncadd.s32 $0xFFFFC000  }
0x97: {  	[spmem:s1] =	stream.indirect.scatter.add.f32 [tilespmem:s16], [sflag:$0x3], $0x80, s24, s15, $0xb8;
	[tilespmem:$0x1D000] =	vst v63  }
0x98: {  	_ =	swait.ge [sflag:s13], $0x4000  }
0x99: {  	[sflag:s13] =	ssyncset.done $0x0  }
0x9a: {  	[sflag:s13] =	ssyncadd.s32 $0xFFFFC000  }
0x9b: {  	[tilespmem:s16], [sflag:$0x2] =	stream.indirect.gather [hbm4b:s4+s15], $0x80, s25, s15, $0xb8;
	[tilespmem:$0x1D000] =	vst v63  }
0x9c: {  	_ =	swait.ge [sflag:s17], $0x4000  }
0x9d: {  	[sflag:s17] =	ssyncset.done $0x0  }
0x9e: {  	[sflag:s17] =	ssyncadd.s32 $0xFFFFC000  }
0x9f: {  	[spmem:s1] =	stream.indirect.scatter.add.f32 [tilespmem:s12], [sflag:$0x3], $0x80, s26, s15, $0xb8;
	[tilespmem:$0x1D000] =	vst v63  }
0xa0: {  	_ =	swait.ge [sflag:s13], $0x4000  }
0xa1: {  	[sflag:s13] =	ssyncset.done $0x0  }
0xa2: {  	[sflag:s13] =	ssyncadd.s32 $0xFFFFC000  }
0xa3: {  	[tilespmem:s12], [sflag:$0x1] =	stream.indirect.gather [hbm4b:s4+s15], $0x80, s28, s15, $0xb8;
	[tilespmem:$0x1D000] =	vst v63  }
0xa4: {  	_ =	swait.ge [sflag:s18], $0x4000  }
0xa5: {  	[sflag:s18] =	ssyncset.done $0x0  }
0xa6: {  	[sflag:s18] =	ssyncadd.s32 $0xFFFFC000  }
0xa7: {  	[spmem:s1] =	stream.indirect.scatter.add.f32 [tilespmem:s16], [sflag:$0x3], $0x80, s29, s15, $0xb8;
	[tilespmem:$0x1D000] =	vst v63  }
0xa8: {  	_ =	swait.ge [sflag:s13], $0x4000  }
0xa9: {  	[sflag:s13] =	ssyncset.done $0x0  }
0xaa: {  	[sflag:s13] =	ssyncadd.s32 $0xFFFFC000  }
0xab: {  	[tilespmem:s16], [sflag:$0x2] =	stream.indirect.gather [hbm4b:s4+s15], $0x80, s30, s15, $0xb8;
	[tilespmem:$0x1D000] =	vst v63  }
0xac: {  	_ =	swait.ge [sflag:s17], $0x4000  }
0xad: {  	[sflag:s17] =	ssyncset.done $0x0  }
0xae: {  	[sflag:s17] =	ssyncadd.s32 $0xFFFFC000  }
0xaf: {  	[spmem:s1] =	stream.indirect.scatter.add.f32 [tilespmem:s12], [sflag:$0x3], $0x80, s31, s15, $0xb8;
	[tilespmem:$0x1D000] =	vst v63  }
0xb0: {  	_ =	swait.ge [sflag:s13], $0x4000  }
0xb1: {  	[sflag:s13] =	ssyncset.done $0x0  }
0xb2: {  	[sflag:s13] =	ssyncadd.s32 $0xFFFFC000  }
0xb3: {  	[tilespmem:s12], [sflag:$0x1] =	stream.indirect.gather [hbm4b:s4+s15], $0x80, s0, s15, $0xb8;
	[tilespmem:$0x1D000] =	vst v63  }
0xb4: {  	_ =	swait.ge [sflag:s18], $0x4000  }
0xb5: {  	[sflag:s18] =	ssyncset.done $0x0  }
0xb6: {  	[sflag:s18] =	ssyncadd.s32 $0xFFFFC000  }
0xb7: {  	[spmem:s1] =	stream.indirect.scatter.add.f32 [tilespmem:s16], [sflag:$0x3], $0x80, s2, s15, $0xb8;
	[tilespmem:$0x1D000] =	vst v63  }
0xb8: {  	_ =	swait.ge [sflag:s13], $0x4000  }
0xb9: {  	[sflag:s13] =	ssyncset.done $0x0  }
0xba: {  	[sflag:s13] =	ssyncadd.s32 $0xFFFFC000  }
0xbb: {  	[tilespmem:s16], [sflag:$0x2] =	stream.indirect.gather [hbm4b:s4+s15], $0x80, s6, s15, $0xb8;
	[tilespmem:$0x1D000] =	vst v63  }
0xbc: {  	_ =	swait.ge [sflag:s17], $0x4000  }
0xbd: {  	[sflag:s17] =	ssyncset.done $0x0  }
0xbe: {  	[sflag:s17] =	ssyncadd.s32 $0xFFFFC000  }
0xbf: {  	[spmem:s1] =	stream.indirect.scatter.add.f32 [tilespmem:s12], [sflag:$0x3], $0x80, s7, s15, $0xb8;
	[tilespmem:$0x1D000] =	vst v63  }
0xc0: {  	_ =	swait.ge [sflag:s13], $0x4000  }
0xc1: {  	[sflag:s13] =	ssyncset.done $0x0  }
0xc2: {  	[sflag:s13] =	ssyncadd.s32 $0xFFFFC000  }
0xc3: {  	_ =	swait.ge [sflag:s18], $0x4000  }
0xc4: {  	[sflag:s18] =	ssyncset.done $0x0  }
0xc5: {  	[sflag:s18] =	ssyncadd.s32 $0xFFFFC000  }
0xc6: {  	[spmem:s1] =	stream.indirect.scatter.add.f32 [tilespmem:s16], [sflag:$0x3], $0x80, s8, s15, $0xb8;
	[tilespmem:$0x1D000] =	vst v63  }
0xc7: {  	s10 =	simm.s32 $0x100;
	_ =	swait.ge [sflag:s13], $0x4000  }
0xc8: {  	s11 =	simm.s32 $0x200;
	s5 =	rddreg [dreg:$0x3];
	[sflag:s13] =	ssyncset.done $0x0  }
.LBB2_4:
0xc9: {  	[sflag:s13] =	ssyncadd.s32 $0xFFFFC000;
	s5 =	sadd.s32 s10, s5  }
0xca: {  	[tilespmem:s3], [sflag:$0x3] =	stream.linear.gather [hbm4b:s5+s3], $0x800, $0x38;
	[tilespmem:$0x1D000] =	vst v63  }
0xcb: {  	_ =	swait.ge [sflag:s13], $0x800  }
0xcc: {  	s5 =	rddreg [dreg:$0x4];
	[sflag:s13] =	ssyncset.done $0x0  }
0xcd: {  	[sflag:s13] =	ssyncadd.s32 $0xFFFFF800;
	s5 =	sadd.s32 s10, s5  }
0xce: {  	[tilespmem:s14], [sflag:$0x3] =	stream.linear.gather [hbm4b:s5+s3], $0x800, $0x38;
	[tilespmem:$0x1D000] =	vst v63  }
0xcf: {  	_ =	swait.ge [sflag:s13], $0x800  }
0xd0: {  	[sflag:s13] =	ssyncset.done $0x0  }
0xd1: {  	[sflag:s13] =	ssyncadd.s32 $0xFFFFF800  }
0xd2: {  	[tilespmem:s12], [sflag:$0x1] =	stream.indirect.gather [hbm4b:s4+s15], $0x80, s3, s15, $0xb8;
	[tilespmem:$0x1D000] =	vst v63  }
0xd3: {  	_ = 	snop  }
0xd4: {  	[tilespmem:s16], [sflag:$0x2] =	stream.indirect.gather [hbm4b:s4+s15], $0x80, s15, s15, $0xb8;
	[tilespmem:$0x1D000] =	vst v63  }
0xd5: {  	_ =	swait.ge [sflag:s17], $0x4000  }
0xd6: {  	[sflag:s17] =	ssyncset.done $0x0  }
0xd7: {  	[sflag:s17] =	ssyncadd.s32 $0xFFFFC000  }
0xd8: {  	[spmem:s1] =	stream.indirect.scatter.add.f32 [tilespmem:s12], [sflag:$0x3], $0x80, s14, s15, $0xb8;
	[tilespmem:$0x1D000] =	vst v63  }
0xd9: {  	_ =	swait.ge [sflag:s13], $0x4000  }
0xda: {  	s9 =	smov.u32 s11;
	[sflag:s13] =	ssyncset.done $0x0  }
0xdb: {  	s10 =	smov.u32 s9;
	s9 =	rddreg [dreg:$0x5];
	[sflag:s13] =	ssyncadd.s32 $0xFFFFC000  }
0xdc: {  	[tilespmem:s12], [sflag:$0x1] =	stream.indirect.gather [hbm4b:s4+s15], $0x80, s9, s15, $0xb8;
	[tilespmem:$0x1D000] =	vst v63  }
0xdd: {  	_ =	swait.ge [sflag:s18], $0x4000  }
0xde: {  	[sflag:s18] =	ssyncset.done $0x0  }
0xdf: {  	s9 =	rddreg [dreg:$0x6];
	[sflag:s18] =	ssyncadd.s32 $0xFFFFC000  }
0xe0: {  	[spmem:s1] =	stream.indirect.scatter.add.f32 [tilespmem:s16], [sflag:$0x3], $0x80, s9, s15, $0xb8;
	[tilespmem:$0x1D000] =	vst v63  }
0xe1: {  	_ =	swait.ge [sflag:s13], $0x4000  }
0xe2: {  	[sflag:s13] =	ssyncset.done $0x0  }
0xe3: {  	s9 =	rddreg [dreg:$0x7];
	[sflag:s13] =	ssyncadd.s32 $0xFFFFC000  }
0xe4: {  	[tilespmem:s16], [sflag:$0x2] =	stream.indirect.gather [hbm4b:s4+s15], $0x80, s9, s15, $0xb8;
	[tilespmem:$0x1D000] =	vst v63  }
0xe5: {  	_ =	swait.ge [sflag:s17], $0x4000  }
0xe6: {  	[sflag:s17] =	ssyncset.done $0x0  }
0xe7: {  	s9 =	rddreg [dreg:$0x8];
	[sflag:s17] =	ssyncadd.s32 $0xFFFFC000  }
0xe8: {  	[spmem:s1] =	stream.indirect.scatter.add.f32 [tilespmem:s12], [sflag:$0x3], $0x80, s9, s15, $0xb8;
	[tilespmem:$0x1D000] =	vst v63  }
0xe9: {  	_ =	swait.ge [sflag:s13], $0x4000  }
0xea: {  	[sflag:s13] =	ssyncset.done $0x0  }
0xeb: {  	s9 =	rddreg [dreg:$0x9];
	[sflag:s13] =	ssyncadd.s32 $0xFFFFC000  }
0xec: {  	[tilespmem:s12], [sflag:$0x1] =	stream.indirect.gather [hbm4b:s4+s15], $0x80, s9, s15, $0xb8;
	[tilespmem:$0x1D000] =	vst v63  }
0xed: {  	_ =	swait.ge [sflag:s18], $0x4000  }
0xee: {  	[sflag:s18] =	ssyncset.done $0x0  }
0xef: {  	s9 =	rddreg [dreg:$0xa];
	[sflag:s18] =	ssyncadd.s32 $0xFFFFC000  }
0xf0: {  	[spmem:s1] =	stream.indirect.scatter.add.f32 [tilespmem:s16], [sflag:$0x3], $0x80, s9, s15, $0xb8;
	[tilespmem:$0x1D000] =	vst v63  }
0xf1: {  	_ =	swait.ge [sflag:s13], $0x4000  }
0xf2: {  	[sflag:s13] =	ssyncset.done $0x0  }
0xf3: {  	s9 =	rddreg [dreg:$0xb];
	[sflag:s13] =	ssyncadd.s32 $0xFFFFC000  }
0xf4: {  	[tilespmem:s16], [sflag:$0x2] =	stream.indirect.gather [hbm4b:s4+s15], $0x80, s9, s15, $0xb8;
	[tilespmem:$0x1D000] =	vst v63  }
0xf5: {  	_ =	swait.ge [sflag:s17], $0x4000  }
0xf6: {  	[sflag:s17] =	ssyncset.done $0x0  }
0xf7: {  	s9 =	rddreg [dreg:$0xc];
	[sflag:s17] =	ssyncadd.s32 $0xFFFFC000  }
0xf8: {  	[spmem:s1] =	stream.indirect.scatter.add.f32 [tilespmem:s12], [sflag:$0x3], $0x80, s9, s15, $0xb8;
	[tilespmem:$0x1D000] =	vst v63  }
0xf9: {  	_ =	swait.ge [sflag:s13], $0x4000  }
0xfa: {  	[sflag:s13] =	ssyncset.done $0x0  }
0xfb: {  	s9 =	rddreg [dreg:$0xd];
	[sflag:s13] =	ssyncadd.s32 $0xFFFFC000  }
0xfc: {  	[tilespmem:s12], [sflag:$0x1] =	stream.indirect.gather [hbm4b:s4+s15], $0x80, s9, s15, $0xb8;
	[tilespmem:$0x1D000] =	vst v63  }
0xfd: {  	_ =	swait.ge [sflag:s18], $0x4000  }
0xfe: {  	[sflag:s18] =	ssyncset.done $0x0  }
0xff: {  	s9 =	rddreg [dreg:$0xe];
	[sflag:s18] =	ssyncadd.s32 $0xFFFFC000  }
0x100: {  	[spmem:s1] =	stream.indirect.scatter.add.f32 [tilespmem:s16], [sflag:$0x3], $0x80, s9, s15, $0xb8;
	[tilespmem:$0x1D000] =	vst v63  }
0x101: {  	_ =	swait.ge [sflag:s13], $0x4000  }
0x102: {  	[sflag:s13] =	ssyncset.done $0x0  }
0x103: {  	s9 =	rddreg [dreg:$0xf];
	[sflag:s13] =	ssyncadd.s32 $0xFFFFC000  }
0x104: {  	[tilespmem:s16], [sflag:$0x2] =	stream.indirect.gather [hbm4b:s4+s15], $0x80, s9, s15, $0xb8;
	[tilespmem:$0x1D000] =	vst v63  }
0x105: {  	_ =	swait.ge [sflag:s17], $0x4000  }
0x106: {  	[sflag:s17] =	ssyncset.done $0x0  }
0x107: {  	s9 =	rddreg [dreg:$0x10];
	[sflag:s17] =	ssyncadd.s32 $0xFFFFC000  }
0x108: {  	[spmem:s1] =	stream.indirect.scatter.add.f32 [tilespmem:s12], [sflag:$0x3], $0x80, s9, s15, $0xb8;
	[tilespmem:$0x1D000] =	vst v63  }
0x109: {  	_ =	swait.ge [sflag:s13], $0x4000  }
0x10a: {  	[sflag:s13] =	ssyncset.done $0x0  }
0x10b: {  	[sflag:s13] =	ssyncadd.s32 $0xFFFFC000  }
0x10c: {  	[tilespmem:s12], [sflag:$0x1] =	stream.indirect.gather [hbm4b:s4+s15], $0x80, s19, s15, $0xb8;
	[tilespmem:$0x1D000] =	vst v63  }
0x10d: {  	_ =	swait.ge [sflag:s18], $0x4000  }
0x10e: {  	[sflag:s18] =	ssyncset.done $0x0  }
0x10f: {  	[sflag:s18] =	ssyncadd.s32 $0xFFFFC000  }
0x110: {  	[spmem:s1] =	stream.indirect.scatter.add.f32 [tilespmem:s16], [sflag:$0x3], $0x80, s20, s15, $0xb8;
	[tilespmem:$0x1D000] =	vst v63  }
0x111: {  	_ =	swait.ge [sflag:s13], $0x4000  }
0x112: {  	[sflag:s13] =	ssyncset.done $0x0  }
0x113: {  	[sflag:s13] =	ssyncadd.s32 $0xFFFFC000  }
0x114: {  	[tilespmem:s16], [sflag:$0x2] =	stream.indirect.gather [hbm4b:s4+s15], $0x80, s21, s15, $0xb8;
	[tilespmem:$0x1D000] =	vst v63  }
0x115: {  	_ =	swait.ge [sflag:s17], $0x4000  }
0x116: {  	[sflag:s17] =	ssyncset.done $0x0  }
0x117: {  	[sflag:s17] =	ssyncadd.s32 $0xFFFFC000  }
0x118: {  	[spmem:s1] =	stream.indirect.scatter.add.f32 [tilespmem:s12], [sflag:$0x3], $0x80, s22, s15, $0xb8;
	[tilespmem:$0x1D000] =	vst v63  }
0x119: {  	_ =	swait.ge [sflag:s13], $0x4000  }
0x11a: {  	[sflag:s13] =	ssyncset.done $0x0  }
0x11b: {  	[sflag:s13] =	ssyncadd.s32 $0xFFFFC000  }
0x11c: {  	[tilespmem:s12], [sflag:$0x1] =	stream.indirect.gather [hbm4b:s4+s15], $0x80, s23, s15, $0xb8;
	[tilespmem:$0x1D000] =	vst v63  }
0x11d: {  	_ =	swait.ge [sflag:s18], $0x4000  }
0x11e: {  	[sflag:s18] =	ssyncset.done $0x0  }
0x11f: {  	[sflag:s18] =	ssyncadd.s32 $0xFFFFC000  }
0x120: {  	[spmem:s1] =	stream.indirect.scatter.add.f32 [tilespmem:s16], [sflag:$0x3], $0x80, s24, s15, $0xb8;
	[tilespmem:$0x1D000] =	vst v63  }
0x121: {  	_ =	swait.ge [sflag:s13], $0x4000  }
0x122: {  	[sflag:s13] =	ssyncset.done $0x0  }
0x123: {  	[sflag:s13] =	ssyncadd.s32 $0xFFFFC000  }
0x124: {  	[tilespmem:s16], [sflag:$0x2] =	stream.indirect.gather [hbm4b:s4+s15], $0x80, s25, s15, $0xb8;
	[tilespmem:$0x1D000] =	vst v63  }
0x125: {  	_ =	swait.ge [sflag:s17], $0x4000  }
0x126: {  	[sflag:s17] =	ssyncset.done $0x0  }
0x127: {  	[sflag:s17] =	ssyncadd.s32 $0xFFFFC000  }
0x128: {  	[spmem:s1] =	stream.indirect.scatter.add.f32 [tilespmem:s12], [sflag:$0x3], $0x80, s26, s15, $0xb8;
	[tilespmem:$0x1D000] =	vst v63  }
0x129: {  	_ =	swait.ge [sflag:s13], $0x4000  }
0x12a: {  	[sflag:s13] =	ssyncset.done $0x0  }
0x12b: {  	[sflag:s13] =	ssyncadd.s32 $0xFFFFC000  }
0x12c: {  	[tilespmem:s12], [sflag:$0x1] =	stream.indirect.gather [hbm4b:s4+s15], $0x80, s28, s15, $0xb8;
	[tilespmem:$0x1D000] =	vst v63  }
0x12d: {  	_ =	swait.ge [sflag:s18], $0x4000  }
0x12e: {  	[sflag:s18] =	ssyncset.done $0x0  }
0x12f: {  	[sflag:s18] =	ssyncadd.s32 $0xFFFFC000  }
0x130: {  	[spmem:s1] =	stream.indirect.scatter.add.f32 [tilespmem:s16], [sflag:$0x3], $0x80, s29, s15, $0xb8;
	[tilespmem:$0x1D000] =	vst v63  }
0x131: {  	_ =	swait.ge [sflag:s13], $0x4000  }
0x132: {  	[sflag:s13] =	ssyncset.done $0x0  }
0x133: {  	[sflag:s13] =	ssyncadd.s32 $0xFFFFC000  }
0x134: {  	[tilespmem:s16], [sflag:$0x2] =	stream.indirect.gather [hbm4b:s4+s15], $0x80, s30, s15, $0xb8;
	[tilespmem:$0x1D000] =	vst v63  }
0x135: {  	_ =	swait.ge [sflag:s17], $0x4000  }
0x136: {  	[sflag:s17] =	ssyncset.done $0x0  }
0x137: {  	[sflag:s17] =	ssyncadd.s32 $0xFFFFC000  }
0x138: {  	[spmem:s1] =	stream.indirect.scatter.add.f32 [tilespmem:s12], [sflag:$0x3], $0x80, s31, s15, $0xb8;
	[tilespmem:$0x1D000] =	vst v63  }
0x139: {  	_ =	swait.ge [sflag:s13], $0x4000  }
0x13a: {  	[sflag:s13] =	ssyncset.done $0x0  }
0x13b: {  	[sflag:s13] =	ssyncadd.s32 $0xFFFFC000  }
0x13c: {  	[tilespmem:s12], [sflag:$0x1] =	stream.indirect.gather [hbm4b:s4+s15], $0x80, s0, s15, $0xb8;
	[tilespmem:$0x1D000] =	vst v63  }
0x13d: {  	_ =	swait.ge [sflag:s18], $0x4000  }
0x13e: {  	[sflag:s18] =	ssyncset.done $0x0  }
0x13f: {  	[sflag:s18] =	ssyncadd.s32 $0xFFFFC000  }
0x140: {  	[spmem:s1] =	stream.indirect.scatter.add.f32 [tilespmem:s16], [sflag:$0x3], $0x80, s2, s15, $0xb8;
	[tilespmem:$0x1D000] =	vst v63  }
0x141: {  	_ =	swait.ge [sflag:s13], $0x4000  }
0x142: {  	[sflag:s13] =	ssyncset.done $0x0  }
0x143: {  	[sflag:s13] =	ssyncadd.s32 $0xFFFFC000  }
0x144: {  	[tilespmem:s16], [sflag:$0x2] =	stream.indirect.gather [hbm4b:s4+s15], $0x80, s6, s15, $0xb8;
	[tilespmem:$0x1D000] =	vst v63  }
0x145: {  	_ =	swait.ge [sflag:s17], $0x4000  }
0x146: {  	[sflag:s17] =	ssyncset.done $0x0  }
0x147: {  	[sflag:s17] =	ssyncadd.s32 $0xFFFFC000  }
0x148: {  	[spmem:s1] =	stream.indirect.scatter.add.f32 [tilespmem:s12], [sflag:$0x3], $0x80, s7, s15, $0xb8;
	[tilespmem:$0x1D000] =	vst v63  }
0x149: {  	_ =	swait.ge [sflag:s13], $0x4000  }
0x14a: {  	[sflag:s13] =	ssyncset.done $0x0  }
0x14b: {  	[sflag:s13] =	ssyncadd.s32 $0xFFFFC000  }
0x14c: {  	p0 =	sne.s32 s11, $0x400;
	_ =	swait.ge [sflag:s18], $0x4000  }
.Ltmp1:
0x14d: {  	[sflag:s18] =	ssyncset.done $0x0;
	(pc) =	sbr.rel @p0 .LBB2_4-.Ltmp1, $4  }
0x14e: {  	[sflag:s18] =	ssyncadd.s32 $0xFFFFC000  }
0x14f: {  	[spmem:s1] =	stream.indirect.scatter.add.f32 [tilespmem:s16], [sflag:$0x3], $0x80, s8, s15, $0xb8;
	[tilespmem:$0x1D000] =	vst v63  }
0x150: {  	_ =	swait.ge [sflag:s13], $0x4000  }
0x151: {  	s11 =	sadd.s32 $0x100, s11;
	s5 =	rddreg [dreg:$0x3];
	[sflag:s13] =	ssyncset.done $0x0  }
0x152: {  	[sflag:s13] =	ssyncadd.s32 $0xFFFFC000;
	s5 =	sadd.s32 s10, s5  }
0x153: {  	[tilespmem:s3], [sflag:$0x3] =	stream.linear.gather [hbm4b:s5+s3], $0x800, $0x38;
	[tilespmem:$0x1D000] =	vst v63  }
0x154: {  	_ =	swait.ge [sflag:s13], $0x800  }
0x155: {  	s9 =	rddreg [dreg:$0x4];
	[sflag:s13] =	ssyncset.done $0x0  }
0x156: {  	[sflag:s13] =	ssyncadd.s32 $0xFFFFF800;
	s5 =	sadd.s32 s10, s9  }
0x157: {  	[tilespmem:s14], [sflag:$0x3] =	stream.linear.gather [hbm4b:s5+s3], $0x800, $0x38;
	[tilespmem:$0x1D000] =	vst v63  }
0x158: {  	_ =	swait.ge [sflag:s13], $0x800  }
0x159: {  	[sflag:s13] =	ssyncset.done $0x0  }
0x15a: {  	[sflag:s13] =	ssyncadd.s32 $0xFFFFF800  }
0x15b: {  	[tilespmem:s12], [sflag:$0x1] =	stream.indirect.gather [hbm4b:s4+s15], $0x80, s3, s15, $0xb8;
	[tilespmem:$0x1D000] =	vst v63  }
0x15c: {  	_ = 	snop  }
0x15d: {  	[tilespmem:s16], [sflag:$0x2] =	stream.indirect.gather [hbm4b:s4+s15], $0x80, s15, s15, $0xb8;
	[tilespmem:$0x1D000] =	vst v63  }
0x15e: {  	_ =	swait.ge [sflag:s17], $0x4000  }
0x15f: {  	[sflag:s17] =	ssyncset.done $0x0  }
0x160: {  	[sflag:s17] =	ssyncadd.s32 $0xFFFFC000  }
0x161: {  	[spmem:s1] =	stream.indirect.scatter.add.f32 [tilespmem:s12], [sflag:$0x3], $0x80, s14, s15, $0xb8;
	[tilespmem:$0x1D000] =	vst v63  }
0x162: {  	_ =	swait.ge [sflag:s13], $0x4000  }
0x163: {  	[sflag:s13] =	ssyncset.done $0x0  }
0x164: {  	s10 =	rddreg [dreg:$0x5];
	[sflag:s13] =	ssyncadd.s32 $0xFFFFC000  }
0x165: {  	[tilespmem:s12], [sflag:$0x1] =	stream.indirect.gather [hbm4b:s4+s15], $0x80, s10, s15, $0xb8;
	[tilespmem:$0x1D000] =	vst v63  }
0x166: {  	_ =	swait.ge [sflag:s18], $0x4000  }
0x167: {  	[sflag:s18] =	ssyncset.done $0x0  }
0x168: {  	s11 =	rddreg [dreg:$0x6];
	[sflag:s18] =	ssyncadd.s32 $0xFFFFC000  }
0x169: {  	[spmem:s1] =	stream.indirect.scatter.add.f32 [tilespmem:s16], [sflag:$0x3], $0x80, s11, s15, $0xb8;
	[tilespmem:$0x1D000] =	vst v63  }
0x16a: {  	_ =	swait.ge [sflag:s13], $0x4000  }
0x16b: {  	[sflag:s13] =	ssyncset.done $0x0  }
0x16c: {  	s9 =	rddreg [dreg:$0x7];
	[sflag:s13] =	ssyncadd.s32 $0xFFFFC000  }
0x16d: {  	[tilespmem:s16], [sflag:$0x2] =	stream.indirect.gather [hbm4b:s4+s15], $0x80, s9, s15, $0xb8;
	[tilespmem:$0x1D000] =	vst v63  }
0x16e: {  	_ =	swait.ge [sflag:s17], $0x4000  }
0x16f: {  	[sflag:s17] =	ssyncset.done $0x0  }
0x170: {  	s10 =	rddreg [dreg:$0x8];
	[sflag:s17] =	ssyncadd.s32 $0xFFFFC000  }
0x171: {  	[spmem:s1] =	stream.indirect.scatter.add.f32 [tilespmem:s12], [sflag:$0x3], $0x80, s10, s15, $0xb8;
	[tilespmem:$0x1D000] =	vst v63  }
0x172: {  	_ =	swait.ge [sflag:s13], $0x4000  }
0x173: {  	[sflag:s13] =	ssyncset.done $0x0  }
0x174: {  	s11 =	rddreg [dreg:$0x9];
	[sflag:s13] =	ssyncadd.s32 $0xFFFFC000  }
0x175: {  	[tilespmem:s12], [sflag:$0x1] =	stream.indirect.gather [hbm4b:s4+s15], $0x80, s11, s15, $0xb8;
	[tilespmem:$0x1D000] =	vst v63  }
0x176: {  	_ =	swait.ge [sflag:s18], $0x4000  }
0x177: {  	[sflag:s18] =	ssyncset.done $0x0  }
0x178: {  	s9 =	rddreg [dreg:$0xa];
	[sflag:s18] =	ssyncadd.s32 $0xFFFFC000  }
0x179: {  	[spmem:s1] =	stream.indirect.scatter.add.f32 [tilespmem:s16], [sflag:$0x3], $0x80, s9, s15, $0xb8;
	[tilespmem:$0x1D000] =	vst v63  }
0x17a: {  	_ =	swait.ge [sflag:s13], $0x4000  }
0x17b: {  	[sflag:s13] =	ssyncset.done $0x0  }
0x17c: {  	s10 =	rddreg [dreg:$0xb];
	[sflag:s13] =	ssyncadd.s32 $0xFFFFC000  }
0x17d: {  	[tilespmem:s16], [sflag:$0x2] =	stream.indirect.gather [hbm4b:s4+s15], $0x80, s10, s15, $0xb8;
	[tilespmem:$0x1D000] =	vst v63  }
0x17e: {  	_ =	swait.ge [sflag:s17], $0x4000  }
0x17f: {  	[sflag:s17] =	ssyncset.done $0x0  }
0x180: {  	s11 =	rddreg [dreg:$0xc];
	[sflag:s17] =	ssyncadd.s32 $0xFFFFC000  }
0x181: {  	[spmem:s1] =	stream.indirect.scatter.add.f32 [tilespmem:s12], [sflag:$0x3], $0x80, s11, s15, $0xb8;
	[tilespmem:$0x1D000] =	vst v63  }
0x182: {  	_ =	swait.ge [sflag:s13], $0x4000  }
0x183: {  	[sflag:s13] =	ssyncset.done $0x0  }
0x184: {  	s9 =	rddreg [dreg:$0xd];
	[sflag:s13] =	ssyncadd.s32 $0xFFFFC000  }
0x185: {  	[tilespmem:s12], [sflag:$0x1] =	stream.indirect.gather [hbm4b:s4+s15], $0x80, s9, s15, $0xb8;
	[tilespmem:$0x1D000] =	vst v63  }
0x186: {  	_ =	swait.ge [sflag:s18], $0x4000  }
0x187: {  	[sflag:s18] =	ssyncset.done $0x0  }
0x188: {  	s10 =	rddreg [dreg:$0xe];
	[sflag:s18] =	ssyncadd.s32 $0xFFFFC000  }
0x189: {  	[spmem:s1] =	stream.indirect.scatter.add.f32 [tilespmem:s16], [sflag:$0x3], $0x80, s10, s15, $0xb8;
	[tilespmem:$0x1D000] =	vst v63  }
0x18a: {  	_ =	swait.ge [sflag:s13], $0x4000  }
0x18b: {  	[sflag:s13] =	ssyncset.done $0x0  }
0x18c: {  	s11 =	rddreg [dreg:$0xf];
	[sflag:s13] =	ssyncadd.s32 $0xFFFFC000  }
0x18d: {  	[tilespmem:s16], [sflag:$0x2] =	stream.indirect.gather [hbm4b:s4+s15], $0x80, s11, s15, $0xb8;
	[tilespmem:$0x1D000] =	vst v63  }
0x18e: {  	_ =	swait.ge [sflag:s17], $0x4000  }
0x18f: {  	[sflag:s17] =	ssyncset.done $0x0  }
0x190: {  	s9 =	rddreg [dreg:$0x10];
	[sflag:s17] =	ssyncadd.s32 $0xFFFFC000  }
0x191: {  	[spmem:s1] =	stream.indirect.scatter.add.f32 [tilespmem:s12], [sflag:$0x3], $0x80, s9, s15, $0xb8;
	[tilespmem:$0x1D000] =	vst v63  }
0x192: {  	_ =	swait.ge [sflag:s13], $0x4000  }
0x193: {  	[sflag:s13] =	ssyncset.done $0x0  }
0x194: {  	[sflag:s13] =	ssyncadd.s32 $0xFFFFC000  }
0x195: {  	[tilespmem:s12], [sflag:$0x1] =	stream.indirect.gather [hbm4b:s4+s15], $0x80, s19, s15, $0xb8;
	[tilespmem:$0x1D000] =	vst v63  }
0x196: {  	_ =	swait.ge [sflag:s18], $0x4000  }
0x197: {  	[sflag:s18] =	ssyncset.done $0x0  }
0x198: {  	[sflag:s18] =	ssyncadd.s32 $0xFFFFC000  }
0x199: {  	[spmem:s1] =	stream.indirect.scatter.add.f32 [tilespmem:s16], [sflag:$0x3], $0x80, s20, s15, $0xb8;
	[tilespmem:$0x1D000] =	vst v63  }
0x19a: {  	_ =	swait.ge [sflag:s13], $0x4000  }
0x19b: {  	[sflag:s13] =	ssyncset.done $0x0  }
0x19c: {  	[sflag:s13] =	ssyncadd.s32 $0xFFFFC000  }
0x19d: {  	[tilespmem:s16], [sflag:$0x2] =	stream.indirect.gather [hbm4b:s4+s15], $0x80, s21, s15, $0xb8;
	[tilespmem:$0x1D000] =	vst v63  }
0x19e: {  	_ =	swait.ge [sflag:s17], $0x4000  }
0x19f: {  	[sflag:s17] =	ssyncset.done $0x0  }
0x1a0: {  	[sflag:s17] =	ssyncadd.s32 $0xFFFFC000  }
0x1a1: {  	[spmem:s1] =	stream.indirect.scatter.add.f32 [tilespmem:s12], [sflag:$0x3], $0x80, s22, s15, $0xb8;
	[tilespmem:$0x1D000] =	vst v63  }
0x1a2: {  	_ =	swait.ge [sflag:s13], $0x4000  }
0x1a3: {  	[sflag:s13] =	ssyncset.done $0x0  }
0x1a4: {  	[sflag:s13] =	ssyncadd.s32 $0xFFFFC000  }
0x1a5: {  	[tilespmem:s12], [sflag:$0x1] =	stream.indirect.gather [hbm4b:s4+s15], $0x80, s23, s15, $0xb8;
	[tilespmem:$0x1D000] =	vst v63  }
0x1a6: {  	_ =	swait.ge [sflag:s18], $0x4000  }
0x1a7: {  	[sflag:s18] =	ssyncset.done $0x0  }
0x1a8: {  	[sflag:s18] =	ssyncadd.s32 $0xFFFFC000  }
0x1a9: {  	[spmem:s1] =	stream.indirect.scatter.add.f32 [tilespmem:s16], [sflag:$0x3], $0x80, s24, s15, $0xb8;
	[tilespmem:$0x1D000] =	vst v63  }
0x1aa: {  	_ =	swait.ge [sflag:s13], $0x4000  }
0x1ab: {  	[sflag:s13] =	ssyncset.done $0x0  }
0x1ac: {  	[sflag:s13] =	ssyncadd.s32 $0xFFFFC000  }
0x1ad: {  	[tilespmem:s16], [sflag:$0x2] =	stream.indirect.gather [hbm4b:s4+s15], $0x80, s25, s15, $0xb8;
	[tilespmem:$0x1D000] =	vst v63  }
0x1ae: {  	_ =	swait.ge [sflag:s17], $0x4000  }
0x1af: {  	[sflag:s17] =	ssyncset.done $0x0  }
0x1b0: {  	[sflag:s17] =	ssyncadd.s32 $0xFFFFC000  }
0x1b1: {  	[spmem:s1] =	stream.indirect.scatter.add.f32 [tilespmem:s12], [sflag:$0x3], $0x80, s26, s15, $0xb8;
	[tilespmem:$0x1D000] =	vst v63  }
0x1b2: {  	_ =	swait.ge [sflag:s13], $0x4000  }
0x1b3: {  	[sflag:s13] =	ssyncset.done $0x0  }
0x1b4: {  	[sflag:s13] =	ssyncadd.s32 $0xFFFFC000  }
0x1b5: {  	[tilespmem:s12], [sflag:$0x1] =	stream.indirect.gather [hbm4b:s4+s15], $0x80, s28, s15, $0xb8;
	[tilespmem:$0x1D000] =	vst v63  }
0x1b6: {  	_ =	swait.ge [sflag:s18], $0x4000  }
0x1b7: {  	[sflag:s18] =	ssyncset.done $0x0  }
0x1b8: {  	[sflag:s18] =	ssyncadd.s32 $0xFFFFC000  }
0x1b9: {  	[spmem:s1] =	stream.indirect.scatter.add.f32 [tilespmem:s16], [sflag:$0x3], $0x80, s29, s15, $0xb8;
	[tilespmem:$0x1D000] =	vst v63  }
0x1ba: {  	_ =	swait.ge [sflag:s13], $0x4000  }
0x1bb: {  	[sflag:s13] =	ssyncset.done $0x0  }
0x1bc: {  	[sflag:s13] =	ssyncadd.s32 $0xFFFFC000  }
0x1bd: {  	[tilespmem:s16], [sflag:$0x2] =	stream.indirect.gather [hbm4b:s4+s15], $0x80, s30, s15, $0xb8;
	[tilespmem:$0x1D000] =	vst v63  }
0x1be: {  	_ =	swait.ge [sflag:s17], $0x4000  }
0x1bf: {  	[sflag:s17] =	ssyncset.done $0x0  }
0x1c0: {  	[sflag:s17] =	ssyncadd.s32 $0xFFFFC000  }
0x1c1: {  	[spmem:s1] =	stream.indirect.scatter.add.f32 [tilespmem:s12], [sflag:$0x3], $0x80, s31, s15, $0xb8;
	[tilespmem:$0x1D000] =	vst v63  }
0x1c2: {  	_ =	swait.ge [sflag:s13], $0x4000  }
0x1c3: {  	[sflag:s13] =	ssyncset.done $0x0  }
0x1c4: {  	[sflag:s13] =	ssyncadd.s32 $0xFFFFC000  }
0x1c5: {  	[tilespmem:s12], [sflag:$0x1] =	stream.indirect.gather [hbm4b:s4+s15], $0x80, s0, s15, $0xb8;
	[tilespmem:$0x1D000] =	vst v63  }
0x1c6: {  	_ =	swait.ge [sflag:s18], $0x4000  }
0x1c7: {  	[sflag:s18] =	ssyncset.done $0x0  }
0x1c8: {  	[sflag:s18] =	ssyncadd.s32 $0xFFFFC000  }
0x1c9: {  	[spmem:s1] =	stream.indirect.scatter.add.f32 [tilespmem:s16], [sflag:$0x3], $0x80, s2, s15, $0xb8;
	[tilespmem:$0x1D000] =	vst v63  }
0x1ca: {  	_ =	swait.ge [sflag:s13], $0x4000  }
0x1cb: {  	[sflag:s13] =	ssyncset.done $0x0  }
0x1cc: {  	[sflag:s13] =	ssyncadd.s32 $0xFFFFC000  }
0x1cd: {  	[tilespmem:s16], [sflag:$0x2] =	stream.indirect.gather [hbm4b:s4+s15], $0x80, s6, s15, $0xb8;
	[tilespmem:$0x1D000] =	vst v63  }
0x1ce: {  	_ =	swait.ge [sflag:s17], $0x4000  }
0x1cf: {  	[sflag:s17] =	ssyncset.done $0x0  }
0x1d0: {  	[sflag:s17] =	ssyncadd.s32 $0xFFFFC000  }
0x1d1: {  	[spmem:s1] =	stream.indirect.scatter.add.f32 [tilespmem:s12], [sflag:$0x3], $0x80, s7, s15, $0xb8;
	[tilespmem:$0x1D000] =	vst v63  }
0x1d2: {  	_ =	swait.ge [sflag:s13], $0x4000  }
0x1d3: {  	[sflag:s13] =	ssyncset.done $0x0  }
0x1d4: {  	[sflag:s13] =	ssyncadd.s32 $0xFFFFC000  }
0x1d5: {  	_ =	swait.ge [sflag:s18], $0x4000  }
0x1d6: {  	[sflag:s18] =	ssyncset.done $0x0  }
0x1d7: {  	[sflag:s18] =	ssyncadd.s32 $0xFFFFC000  }
0x1d8: {  	[spmem:s1] =	stream.indirect.scatter.add.f32 [tilespmem:s16], [sflag:$0x3], $0x80, s8, s15, $0xb8;
	[tilespmem:$0x1D000] =	vst v63  }
0x1d9: {  	_ =	swait.ge [sflag:s13], $0x4000  }
0x1da: {  	[sflag:s13] =	ssyncset.done $0x0  }
0x1db: {  	[sflag:s13] =	ssyncadd.s32 $0xFFFFC000  }
0x1dc: {  	s10 =	stileid.u32;
	[bflag:$0x0] =	sbarrier.arrive $0xFFFF  }
0x1dd: {  	s5 =	sshll.u32 s10, $0x6;
	s9 =	rddreg [dreg:$0x11]  }
0x1de: {  	s5 =	sor.u32 $0x1C03, s5;
	s11 =	rddreg [dreg:$0x12];
	s9 =	sshrl.u32 s9, $0x3  }
0x1df: {  	[hbm:s11], [sflag:s5] =	dma.local [spmem:s9], $0x2800  }
0x1e0: {  	_ =	swait.ge [sflag:s13], $0x2800  }
0x1e1: {  	s10 =	rddreg [dreg:$0x18]  }
0x1e2: {  	s11 =	rddreg [dreg:$0x13];
	s9 =	sadd.s32 $0x1, s10  }
0x1e3: {  	p0 =	sne.s32 s9, s11  }
.Ltmp2:
0x1e4: {  	_ = 	snop;
	(pc) =	sbr.rel @p0 .LBB2_1-.Ltmp2, $3  }
0x1e5: {  	_ =	sdelay $0x1  }
0x1e6: {  	[sflag:s13] =	ssyncset.done $0x0  }
0x1e7: {  	[sflag:s13] =	ssyncadd.s32 $0xFFFFD800  }
0x1e8: {  	_ =	sfence.sel $0x180000  }
0x1e9: {  	[bflag:$0x0] =	sbarrier.arrive $0xFFFF  }
0x1ea: {  	_ =	strace $0x9000004A  }
0x1eb: {  	s0 =	stileid.u32;
	[bflag:$0x2] =	sbarrier.arrive $0xFFFF  }
0x1ec: {  	p0 =	sne.s32 s0, $0x0;
	s0 =	rddreg [dreg:$0x2]  }
0x1ed: {  	s0 =	sadd.s32 @!p0 $0x100000, s0  }
0x1ee: {  	[sflag:s0] =	ssyncadd.tile.s32 @!p0 $0x1;
	_ =	shalt  }
.Lfunc_end2:
_tile_overlayer_lowered:
.L_overlay_start_2:
0x1ef: {  	(tag) =	ssettag $0x2  }
0x1f0: {  	s0 =	rddreg [dreg:$0x0];
	s2 =	stileid.u32  }
0x1f1: {  	s1 =	rddreg [dreg:$0x1];
	p0 =	sne.s32 s2, $0x0  }
0x1f2: {  	s3 =	rddreg [dreg:$0x2];
	[bflag:$0x3] =	sbarrier.arrive $0xFFFF;
	s2 =	simm.s32 @!p0 $0x1C03  }
0x1f3: {  	[timem:s3], [sflag:s2] =	dma.local @!p0 [hbm:s0], s1  }
0x1f4: {  	s0 =	simm.s32 @!p0 $0x3  }
0x1f5: {  	_ =	swait.ge @!p0 [sflag:s0], s1  }
0x1f6: {  	s1 =	ssub.s32 @!p0 $0x0, s1;
	[sflag:s0] =	ssyncset.done @!p0 $0x0  }
0x1f7: {  	[sflag:s0] =	ssyncadd.s32 @!p0 s1  }
0x1f8: {  	[bflag:$0x3] =	sbarrier.arrive $0xFFFF  }
0x1f9: {  	_ =	shalt  }

// kernel: kernel.16.cloned.1.call-start
scs
__scs_entry_jumppad:
0x0: {  	(pc) =	sbr.rel $0x88, $3  }
0x1: {  	(tag) =	ssettag $0x0;
	lr =	simm.s32 $0x1  }
0x2: {  	[smem:$0x3F93] =	sst lr;
	_ =	strace $0xD0000000  }
0x3: {  	_ = 	snop  }
0x4: {  	_ = 	snop  }
0x5: {  	_ = 	snop  }
0x6: {  	_ = 	snop  }
0x7: {  	_ = 	snop  }
__scs_overlays_trampoline_lowered:
0x8: {  	[smem:$0x3FA2] =	sst s0  }
0x9: {  	[smem:$0x3FA3] =	sst s1  }
0xa: {  	[smem:$0x3FA4] =	sst s2  }
0xb: {  	[smem:$0x3FA5] =	sst s3  }
0xc: {  	[smem:$0x3FA6] =	sst s4  }
0xd: {  	[smem:$0x3FA7] =	sst s5  }
0xe: {  	[smem:$0x3FA8] =	sst s6  }
0xf: {  	[smem:$0x3FA9] =	sst s7  }
0x10: {  	[smem:$0x3FAA] =	sst s8  }
0x11: {  	[smem:$0x3FAB] =	sst s9;
	s0 =	simm.s32 @!p0 $0x0  }
0x12: {  	s1 =	sld [smem:$0x3F91];
	s0 =	simm.s32 @p0 $0x1  }
0x13: {  	[smem:$0x3FAC] =	sst s0;
	s0 =	simm.s32 @!p1 $0x0  }
0x14: {  	s2 =	sld [smem:$0x3F90];
	s0 =	simm.s32 @p1 $0x1  }
0x15: {  	[smem:$0x3FAD] =	sst s0;
	s0 =	simm.s32 @!p2 $0x0  }
0x16: {  	s3 =	sld [smem:$0x3FDB];
	s0 =	simm.s32 @p2 $0x1  }
0x17: {  	s4 =	simm.s32 $0x1BF5;
	[smem:$0x3FAF] =	sst s0  }
0x18: {  	s0 =	sld [smem:$0x3F92];
	_ =	swait.ge [sflag:s4], $0x0  }
0x19: {  	s7 =	sld [smem:$0x3F93]  }
0x1a: {  	s8 =	sadd.s32 $0xFFFFE003, lr  }
0x1b: {  	s9 =	sadd.s32 $0xFFFFFEF7, lr;
	s5 =	simm.s32 $0xFFFFFFFF;
	p2 =	slt.u32 s8, $0xFFFFF086  }
0x1c: {  	p1 =	slt.u32 s9, $0xF7A;
	s5 =	simm.s32 @!p2 $0x0  }
0x1d: {  	s5 =	simm.s32 @p1 $0x1;
	p0 =	seq.s32 s7, s2  }
0x1e: {  	s7 =	smul.u32 @!p0 $0xF7A, s2;
	p2 =	seq.s32 @!p0 s5, $0x0  }
0x1f: {  	s9 =	smul.u32 $0xF7A, s1;
	s8 =	simm.s32 @!p0 $0x1BF5;
	p2 =	por !p2, p0  }
0x20: {  	[sflag:s8] =	ssyncset.s32 @!p0 $0xFFFFF086;
	s6 =	sadd.s32 @!p0 s3, s7;
	s7 =	simm.s32 @!p0 $0x108  }
0x21: {  	s3 =	sadd.s32 s3, s9;
	s6 =	sadd.s32 @!p0 $0x88, s6;
	s7 =	simm.s32 @p2 $0x1082  }
0x22: {  	[simem:s7], [sflag:s8] =	dma.local @!p0 [hbm:s6], $0xF7A  }
0x23: {  	s9 =	sor.u32 $0xD0000000, s2;
	s6 =	simm.s32 $0x108;
	_ =	swait.ge @!p0 [sflag:s8], $0x0  }
0x24: {  	s3 =	sadd.s32 $0x88, s3;
	s6 =	simm.s32 @!p1 $0x1082;
	[sflag:s4] =	ssyncset.s32 $0xFFFFF086  }
0x25: {  	[simem:s6], [sflag:s4] =	dma.local [hbm:s3], $0xF7A  }
0x26: {  	[smem:$0x3F93] =	sst s1;
	(tag) =	ssettag s2;
	_ =	strace s9  }
0x27: {  	s1 =	sld [smem:$0x3FA3]  }
0x28: {  	s2 =	sld [smem:$0x3FA4]  }
0x29: {  	s4 =	sld [smem:$0x3FA6]  }
0x2a: {  	p0 =	seq.s32 s5, $0x0;
	s5 =	sld [smem:$0x3FA7]  }
0x2b: {  	s6 =	sld [smem:$0x3FA8]  }
0x2c: {  	s7 =	sld [smem:$0x3FA9]  }
0x2d: {  	s3 =	simm.s32 $0x108;
	s8 =	sld [smem:$0x3FAA]  }
0x2e: {  	s3 =	simm.s32 @!p0 $0x1082;
	s9 =	sld [smem:$0x3FAB]  }
0x2f: {  	lr =	sadd.s32 s0, s3;
	s0 =	sld [smem:$0x3FA2]  }
0x30: {  	s3 =	sld [smem:$0x3FA5]  }
0x31: {  	[smem:$0x3FAE] =	sst s10  }
0x32: {  	s10 =	sld [smem:$0x3FAC];
	_ =	sdelay $0x3  }
0x33: {  	p0 =	seq.s32 s10, $0x1;
	s10 =	sld [smem:$0x3FAE];
	_ =	sdelay $0x3  }
0x34: {  	[smem:$0x3FAE] =	sst s10  }
0x35: {  	s10 =	sld [smem:$0x3FAD];
	_ =	sdelay $0x3  }
0x36: {  	p1 =	seq.s32 s10, $0x1;
	s10 =	sld [smem:$0x3FAE];
	_ =	sdelay $0x3  }
0x37: {  	[smem:$0x3FAE] =	sst s10  }
0x38: {  	s10 =	sld [smem:$0x3FAF]  }
0x39: {  	_ = 	snop;
	(pc) =	sbr.ind lr, $3  }
0x3a: {  	_ = 	snop  }
0x3b: {  	_ = 	snop  }
0x3c: {  	p2 =	seq.s32 s10, $0x1;
	s10 =	sld [smem:$0x3FAE]  }
0x3d: {  	_ =	shalt  }
0x3e: {  	_ =	shalt  }
0x3f: {  	_ =	shalt  }
0x40: {  	_ =	shalt  }
0x41: {  	_ =	shalt  }
0x42: {  	_ =	shalt  }
0x43: {  	_ =	shalt  }
0x44: {  	_ =	shalt  }
0x45: {  	_ =	shalt  }
0x46: {  	_ =	shalt  }
0x47: {  	_ =	shalt  }
0x48: {  	_ =	shalt  }
0x49: {  	_ =	shalt  }
0x4a: {  	_ =	shalt  }
0x4b: {  	_ =	shalt  }
0x4c: {  	_ =	shalt  }
0x4d: {  	_ =	shalt  }
0x4e: {  	_ =	shalt  }
0x4f: {  	_ =	shalt  }
0x50: {  	_ =	shalt  }
0x51: {  	_ =	shalt  }
0x52: {  	_ =	shalt  }
0x53: {  	_ =	shalt  }
0x54: {  	_ =	shalt  }
0x55: {  	_ =	shalt  }
0x56: {  	_ =	shalt  }
0x57: {  	_ =	shalt  }
0x58: {  	_ =	shalt  }
0x59: {  	_ =	shalt  }
0x5a: {  	_ =	shalt  }
0x5b: {  	_ =	shalt  }
0x5c: {  	_ =	shalt  }
0x5d: {  	_ =	shalt  }
0x5e: {  	_ =	shalt  }
0x5f: {  	_ =	shalt  }
0x60: {  	_ =	shalt  }
0x61: {  	_ =	shalt  }
0x62: {  	_ =	shalt  }
0x63: {  	_ =	shalt  }
0x64: {  	_ =	shalt  }
0x65: {  	_ =	shalt  }
0x66: {  	_ =	shalt  }
0x67: {  	_ =	shalt  }
0x68: {  	_ =	shalt  }
0x69: {  	_ =	shalt  }
0x6a: {  	_ =	shalt  }
0x6b: {  	_ =	shalt  }
0x6c: {  	_ =	shalt  }
0x6d: {  	_ =	shalt  }
0x6e: {  	_ =	shalt  }
0x6f: {  	_ =	shalt  }
0x70: {  	_ =	shalt  }
0x71: {  	_ =	shalt  }
0x72: {  	_ =	shalt  }
0x73: {  	_ =	shalt  }
0x74: {  	_ =	shalt  }
0x75: {  	_ =	shalt  }
0x76: {  	_ =	shalt  }
0x77: {  	_ =	shalt  }
0x78: {  	_ =	shalt  }
0x79: {  	_ =	shalt  }
0x7a: {  	_ =	shalt  }
0x7b: {  	_ =	shalt  }
0x7c: {  	_ =	shalt  }
0x7d: {  	_ =	shalt  }
0x7e: {  	_ =	shalt  }
0x7f: {  	_ =	shalt  }
0x80: {  	_ =	shalt  }
0x81: {  	_ =	shalt  }
0x82: {  	_ =	shalt  }
0x83: {  	_ =	shalt  }
0x84: {  	_ =	shalt  }
0x85: {  	_ =	shalt  }
0x86: {  	_ =	shalt  }
0x87: {  	_ =	shalt  }
.Lfunc_end0:
.L_simem_size_0:
called_computation.2_lowered:
.L_overlay_start_0:
0x88: {  	s2 =	sld [smem:$0x3FD9]  }
0x89: {  	s3 =	sld [smem:$0x3FFE];
	_ =	sdelay $0x1  }
0x8a: {  	s1 =	srdreg.scid  }
0x8b: {  	s0 =	sand.u32 $0x1, s1  }
0x8c: {  	s16 =	sshll.u32 s0, $0xA;
	s2 =	sadd.s32 s3, s2  }
0x8d: {  	s2 =	sadd.s32 s2, s16  }
0x8e: {  	[smem:$0x3FBA] =	sst s2  }
0x8f: {  	_ = 	snop  }
0x90: {  	(tm) =	ssettm $0x1  }
0x91: {  	s17 =	sld [smem:$0x3FFB];
	_ =	sdelay $0x3  }
0x92: {  	_ =	strace s17  }
0x93: {  	s2 =	sld [smem:$0x3FFC];
	_ =	sdelay $0x3  }
0x94: {  	_ =	strace s2  }
0x95: {  	s2 =	sld [smem:$0x3FFD];
	_ =	sdelay $0x3  }
0x96: {  	_ =	strace s2  }
0x97: {  	_ =	strace $0x8FFFFFFF  }
0x98: {  	s18 =	sld [smem:$0x3FDB];
	_ =	sdelay $0x1  }
0x99: {  	s19 =	simm.s32 $_scs_section_size  }
0x9a: {  	s4 =	simm.s32 $_size__tile_overlayer_lowered;
	s5 =	simm.s32 $_tile_overlayer_lowered  }
0x9b: {  	s22 =	simm.s32 $0x1BFF;
	s21 =	sshll.u32 s5, $0x1;
	s2 =	sadd.s32 s19, s18  }
0x9c: {  	s6 =	simm.s32 $0x0;
	s20 =	sshll.u32 s4, $0x1;
	s4 =	sadd.s32 s21, s2  }
0x9d: {  	[timem:s6], [sflag:s22] =	dma.local [hbm:s4], s20  }
0x9e: {  	_ =	swait.ge [sflag:s22], s20  }
0x9f: {  	s3 =	ssub.s32 $0x0, s20;
	[sflag:s22] =	ssyncset.done $0x0  }
0xa0: {  	[sflag:s22] =	ssyncadd.s32 s3;
	_ =	sdelay $0x1  }
0xa1: {  	s23 =	simm.s32 $0x1B8B  }
0xa2: {  	_ =	swait.ge [sflag:s23], $0x1  }
0xa3: {  	[sflag:s23] =	ssyncset.done $0x0  }
0xa4: {  	s25 =	simm.s32 $0x1B8E;
	s24 =	sld [smem:$0x3FFE];
	[sflag:s23] =	ssyncadd.s32 $0xFFFFFFFF  }
0xa5: {  	s26 =	simm.s32 $execute0_lowered;
	[smem:$0x3FD2] =	sst s25  }
0xa6: {  	s4 =	sshll.u32 s26, $0x1;
	_ =	strace $0x8000004C;
	[dreg:$0x1] =	wrdreg $0xFFFFFFFF  }
0xa7: {  	s28 =	simm.s32 $_size_execute0_lowered;
	s2 =	sadd.s32 s2, s4;
	[dreg:$0x0] =	wrdreg $0x0  }
0xa8: {  	s4 =	sshll.u32 s28, $0x1;
	[dreg:$0x2] =	wrdreg s2  }
0xa9: {  	[dreg:$0x3] =	wrdreg s4  }
0xaa: {  	[dreg:$0x4] =	wrdreg $0xC0  }
0xab: {  	_ =	task [dreg:s6], $0x5FFFF  }
0xac: {  	[dreg:$0x1] =	wrdreg $0xFFFFFFFF  }
0xad: {  	[dreg:$0x0] =	wrdreg $0x60  }
0xae: {  	[dreg:$0x2] =	wrdreg s24  }
0xaf: {  	[dreg:$0x3] =	wrdreg $0x90000  }
0xb0: {  	[dreg:$0x4] =	wrdreg $0x9  }
0xb1: {  	_ =	task.clear_ibuf [dreg:s6], $0x5FFFF;
	_ =	strace $0x9000004C  }
0xb2: {  	s29 =	simm.s32 $0x9;
	_ =	strace $0x8000004E  }
0xb3: {  	_ =	swait.ge [sflag:s29], $0x1  }
0xb4: {  	[sflag:s29] =	ssyncadd.s32 $0xFFFFFFFF  }
0xb5: {  	_ =	strace $0x9000004E  }
0xb6: {  	_ =	sfence  }
0xb7: {  	s30 =	sld [smem:$0x0];
	_ =	sdelay $0x2  }
0xb8: {  	s31 =	sshll.u32 s1, $0xD;
	s1 =	sshrl.u32 s1, $0x2  }
0xb9: {  	s3 =	sand.u32 $0x4000, s31;
	s1 =	sadd.s32 s1, s30  }
0xba: {  	s0 =	sor.u32 s3, s0;
	s1 =	sshll.u32 s1, $0x11  }
0xbb: {  	s0 =	sor.u32 s1, s0  }
0xbc: {  	s0 =	sadd.s32 $0x8F2B, s0  }
0xbd: {  	[sflag:s0] =	ssyncadd.remote.s32 $0x1  }
0xbe: {  	_ =	sfence.sel $0xFFFF  }
0xbf: {  	[dreg:$0x0] =	wrdreg $0xFFFFFFFF;
	(pc) =	sbr.abs _section_cstart, $3  }
0xc0: {  	[dreg:$0x1] =	wrdreg $0xFFFFFFFF  }
0xc1: {  	_ =	task.clear_ibuf [dreg:s6], $0x2FFFF;
	_ =	strace $0x9FFFFFFF  }
0xc2: {  	(tm) =	ssettm $0x7FFFFFFF  }
0xc3: {  	_ =	shalt  }
tec
execute0_lowered:
.L_overlay_start_1:
0x0: {  	(tag) =	ssettag $0x1  }
0x1: {  	s0 =	rddreg [dreg:$0x0];
	s2 =	srdreg.scid  }
0x2: {  	s1 =	rddreg [dreg:$0x1];
	s3 =	simm.s32 $0x0;
	s9 =	stileid.u32  }
0x3: {  	s11 =	simm.s32 $0x100;
	s12 =	simm.s32 $0x880;
	s13 =	simm.s32 $0x180  }
0x4: {  	s15 =	simm.s32 $0x900;
	s17 =	simm.s32 $0x200;
	[smem:$0x7FF] =	sst s3  }
0x5: {  	s19 =	simm.s32 $0x980;
	_ =	strace $0x8000004D;
	[dreg:$0x5] =	wrdreg s11  }
0x6: {  	s21 =	simm.s32 $0x280;
	s22 =	simm.s32 $0xA00;
	[dreg:$0x6] =	wrdreg s12  }
0x7: {  	s23 =	simm.s32 $0x300;
	s24 =	simm.s32 $0xA80;
	[dreg:$0x7] =	wrdreg s13  }
0x8: {  	s25 =	simm.s32 $0x380;
	s28 =	simm.s32 $0x600;
	[dreg:$0x8] =	wrdreg s15  }
0x9: {  	s29 =	simm.s32 $0xD80;
	s7 =	smul.u32 $0x2800, s9;
	[dreg:$0x9] =	wrdreg s17  }
0xa: {  	s30 =	simm.s32 $0x680;
	s8 =	smul.u32 $0x500, s9;
	[dreg:$0xa] =	wrdreg s19  }
0xb: {  	s2 =	sand.u32 $0x1, s2;
	s9 =	smul.u32 $0x50000, s9;
	[dreg:$0xb] =	wrdreg s21  }
0xc: {  	s31 =	simm.s32 $0xE00;
	s5 =	smul.u32 $0x5000, s2;
	[dreg:$0xc] =	wrdreg s22  }
0xd: {  	s4 =	sadd.s32 $0x18000, s0;
	s6 =	smul.u32 $0x28000, s2;
	[dreg:$0xd] =	wrdreg s23  }
0xe: {  	s2 =	ssub.s32 $0x2, s2;
	s12 =	simm.s32 $0x1000;
	[dreg:$0xe] =	wrdreg s24  }
0xf: {  	s13 =	simm.s32 $0x3;
	s15 =	simm.s32 $0x80;
	[dreg:$0xf] =	wrdreg s25  }
0x10: {  	s17 =	simm.s32 $0x1;
	s19 =	simm.s32 $0x400;
	s21 =	simm.s32 $0x480  }
0x11: {  	s22 =	simm.s32 $0xC00;
	s23 =	simm.s32 $0x500;
	s24 =	simm.s32 $0xC80  }
0x12: {  	s25 =	simm.s32 $0x580;
	s26 =	sshrl.u32 s2, $0x1;
	s9 =	sshrl.u32 s9, $0x2  }
0x13: {  	s5 =	sadd.s32 s5, s0;
	s6 =	sadd.s32 s7, s6;
	s2 =	ssub.s32 s2, s26  }
0x14: {  	s10 =	sadd.s32 s9, s1;
	s26 =	simm.s32 $0xB00;
	s7 =	simm.s32 $0xF00  }
0x15: {  	s9 =	simm.s32 $0x0;
	s5 =	sadd.s32 s8, s5;
	[dreg:$0x11] =	wrdreg s10  }
0x16: {  	s0 =	sadd.s32 s6, s0;
	s2 =	smax.u32 s2, $0x1;
	[dreg:$0x10] =	wrdreg s26  }
0x17: {  	s14 =	sadd.s32 $0x4000, s10;
	s16 =	sadd.s32 $0x8000, s10;
	[dreg:$0x13] =	wrdreg s2  }
0x18: {  	s18 =	sadd.s32 $0xC000, s10;
	s20 =	sadd.s32 $0x10000, s10;
	[dreg:$0x14] =	wrdreg s14  }
0x19: {  	s26 =	simm.s32 $0xD00;
	s6 =	simm.s32 $0x780;
	[dreg:$0x15] =	wrdreg s16  }
0x1a: {  	s8 =	sadd.s32 $0xE000, s5;
	s5 =	sadd.s32 $0x4000, s5;
	[dreg:$0x16] =	wrdreg s18  }
0x1b: {  	s0 =	sadd.s32 $0x40000, s0;
	[dreg:$0x17] =	wrdreg s20;
	s14 =	simm.s32 $0x800  }
0x1c: {  	s16 =	simm.s32 $0x5000;
	s18 =	simm.s32 $0x2;
	[dreg:$0x3] =	wrdreg s8  }
0x1d: {  	s20 =	simm.s32 $0xB80;
	s2 =	simm.s32 $0xE80;
	[dreg:$0x4] =	wrdreg s5  }
0x1e: {  	v0 =	vimm.f32 $0.0e+00;
	[dreg:$0x12] =	wrdreg s0;
	s0 =	simm.s32 $0x700;
	s8 =	simm.s32 $0xF80  }
.LBB2_1:
0x1f: {  	s5 =	sand.u32 $0xFE00, s3  }
0x20: {  	[dreg:$0x18] =	wrdreg s9;
	s11 =	sand.u32 $0x70, s3;
	s5 =	sshrl.u32 s5, $0x2  }
0x21: {  	s10 =	simm.s32 $0x40;
	s5 =	sor.u32 s11, s5;
	s11 =	simm.s32 $0x0  }
.LBB2_2:
0x22: {  	p0 =	sne.s32 s10, $0xFFC0  }
0x23: {  	[tilespmem:s5+$0x1000] =	vst v0;
	s11 =	sadd.s32 $0x10, s11;
	s5 =	smov.u32 s10;
	s10 =	sadd.s32 $0x40, s10  }
.Ltmp0:
0x24: {  	(pc) =	sbr.rel @p0 .LBB2_2-.Ltmp0, $4  }
0x25: {  	_ = 	snop  }
0x26: {  	s5 =	sand.u32 $0xFE00, s5  }
0x27: {  	s9 =	sand.u32 $0x70, s11;
	s5 =	sshrl.u32 s5, $0x2  }
0x28: {  	s5 =	sor.u32 s9, s5  }
0x29: {  	[tilespmem:s5+$0x1000] =	vst v0;
	s11 =	rddreg [dreg:$0x11]  }
0x2a: {  	[spmem:s11] =	stream.linear.scatter [tilespmem:s12], [sflag:$0x3], $0x4000, $0x38;
	[tilespmem:$0x1D000] =	vst v63  }
0x2b: {  	_ =	swait.ge [sflag:s13], $0x4000  }
0x2c: {  	[sflag:s13] =	ssyncset.done $0x0  }
0x2d: {  	s9 =	rddreg [dreg:$0x14];
	[sflag:s13] =	ssyncadd.s32 $0xFFFFC000  }
0x2e: {  	[spmem:s9] =	stream.linear.scatter [tilespmem:s12], [sflag:$0x3], $0x4000, $0x38;
	[tilespmem:$0x1D000] =	vst v63  }
0x2f: {  	_ =	swait.ge [sflag:s13], $0x4000  }
0x30: {  	[sflag:s13] =	ssyncset.done $0x0  }
0x31: {  	s10 =	rddreg [dreg:$0x15];
	[sflag:s13] =	ssyncadd.s32 $0xFFFFC000  }
0x32: {  	[spmem:s10] =	stream.linear.scatter [tilespmem:s12], [sflag:$0x3], $0x4000, $0x38;
	[tilespmem:$0x1D000] =	vst v63  }
0x33: {  	_ =	swait.ge [sflag:s13], $0x4000  }
0x34: {  	[sflag:s13] =	ssyncset.done $0x0  }
0x35: {  	s11 =	rddreg [dreg:$0x16];
	[sflag:s13] =	ssyncadd.s32 $0xFFFFC000  }
0x36: {  	[spmem:s11] =	stream.linear.scatter [tilespmem:s12], [sflag:$0x3], $0x4000, $0x38;
	[tilespmem:$0x1D000] =	vst v63  }
0x37: {  	_ =	swait.ge [sflag:s13], $0x4000  }
0x38: {  	[sflag:s13] =	ssyncset.done $0x0  }
0x39: {  	s9 =	rddreg [dreg:$0x17];
	[sflag:s13] =	ssyncadd.s32 $0xFFFFC000  }
0x3a: {  	[spmem:s9] =	stream.linear.scatter [tilespmem:s12], [sflag:$0x3], $0x4000, $0x38;
	[tilespmem:$0x1D000] =	vst v63  }
0x3b: {  	_ =	swait.ge [sflag:s13], $0x4000  }
0x3c: {  	[sflag:s13] =	ssyncset.done $0x0  }
0x3d: {  	[sflag:s13] =	ssyncadd.s32 $0xFFFFC000  }
0x3e: {  	[bflag:$0x0] =	sbarrier.arrive $0xFFFF  }
0x3f: {  	s10 =	rddreg [dreg:$0x3]  }
0x40: {  	s5 =	sadd.s32 $0x0, s10  }
0x41: {  	[tilespmem:s3], [sflag:$0x3] =	stream.linear.gather [hbm4b:s5+s3], $0x800, $0x38;
	[tilespmem:$0x1D000] =	vst v63  }
0x42: {  	_ =	swait.ge [sflag:s13], $0x800  }
0x43: {  	s11 =	rddreg [dreg:$0x4];
	[sflag:s13] =	ssyncset.done $0x0  }
0x44: {  	[sflag:s13] =	ssyncadd.s32 $0xFFFFF800;
	s5 =	sadd.s32 $0x0, s11  }
0x45: {  	[tilespmem:s14], [sflag:$0x3] =	stream.linear.gather [hbm4b:s5+s3], $0x800, $0x38;
	[tilespmem:$0x1D000] =	vst v63  }
0x46: {  	_ =	swait.ge [sflag:s13], $0x800  }
0x47: {  	[sflag:s13] =	ssyncset.done $0x0  }
0x48: {  	[sflag:s13] =	ssyncadd.s32 $0xFFFFF800  }
0x49: {  	[tilespmem:s12], [sflag:$0x1] =	stream.indirect.gather [hbm4b:s4+s15], $0x80, s3, s15, $0xb8;
	[tilespmem:$0x1D000] =	vst v63  }
0x4a: {  	_ = 	snop  }
0x4b: {  	[tilespmem:s16], [sflag:$0x2] =	stream.indirect.gather [hbm4b:s4+s15], $0x80, s15, s15, $0xb8;
	[tilespmem:$0x1D000] =	vst v63  }
0x4c: {  	_ =	swait.ge [sflag:s17], $0x4000  }
0x4d: {  	[sflag:s17] =	ssyncset.done $0x0  }
0x4e: {  	[sflag:s17] =	ssyncadd.s32 $0xFFFFC000  }
0x4f: {  	[spmem:s1] =	stream.indirect.scatter.add.f32 [tilespmem:s12], [sflag:$0x3], $0x80, s14, s15, $0xb8;
	[tilespmem:$0x1D000] =	vst v63  }
0x50: {  	_ =	swait.ge [sflag:s13], $0x4000  }
0x51: {  	[sflag:s13] =	ssyncset.done $0x0  }
0x52: {  	s9 =	rddreg [dreg:$0x5];
	[sflag:s13] =	ssyncadd.s32 $0xFFFFC000  }
0x53: {  	[tilespmem:s12], [sflag:$0x1] =	stream.indirect.gather [hbm4b:s4+s15], $0x80, s9, s15, $0xb8;
	[tilespmem:$0x1D000] =	vst v63  }
0x54: {  	_ =	swait.ge [sflag:s18], $0x4000  }
0x55: {  	[sflag:s18] =	ssyncset.done $0x0  }
0x56: {  	s10 =	rddreg [dreg:$0x6];
	[sflag:s18] =	ssyncadd.s32 $0xFFFFC000  }
0x57: {  	[spmem:s1] =	stream.indirect.scatter.add.f32 [tilespmem:s16], [sflag:$0x3], $0x80, s10, s15, $0xb8;
	[tilespmem:$0x1D000] =	vst v63  }
0x58: {  	_ =	swait.ge [sflag:s13], $0x4000  }
0x59: {  	[sflag:s13] =	ssyncset.done $0x0  }
0x5a: {  	s11 =	rddreg [dreg:$0x7];
	[sflag:s13] =	ssyncadd.s32 $0xFFFFC000  }
0x5b: {  	[tilespmem:s16], [sflag:$0x2] =	stream.indirect.gather [hbm4b:s4+s15], $0x80, s11, s15, $0xb8;
	[tilespmem:$0x1D000] =	vst v63  }
0x5c: {  	_ =	swait.ge [sflag:s17], $0x4000  }
0x5d: {  	[sflag:s17] =	ssyncset.done $0x0  }
0x5e: {  	s9 =	rddreg [dreg:$0x8];
	[sflag:s17] =	ssyncadd.s32 $0xFFFFC000  }
0x5f: {  	[spmem:s1] =	stream.indirect.scatter.add.f32 [tilespmem:s12], [sflag:$0x3], $0x80, s9, s15, $0xb8;
	[tilespmem:$0x1D000] =	vst v63  }
0x60: {  	_ =	swait.ge [sflag:s13], $0x4000  }
0x61: {  	[sflag:s13] =	ssyncset.done $0x0  }
0x62: {  	s10 =	rddreg [dreg:$0x9];
	[sflag:s13] =	ssyncadd.s32 $0xFFFFC000  }
0x63: {  	[tilespmem:s12], [sflag:$0x1] =	stream.indirect.gather [hbm4b:s4+s15], $0x80, s10, s15, $0xb8;
	[tilespmem:$0x1D000] =	vst v63  }
0x64: {  	_ =	swait.ge [sflag:s18], $0x4000  }
0x65: {  	[sflag:s18] =	ssyncset.done $0x0  }
0x66: {  	s11 =	rddreg [dreg:$0xa];
	[sflag:s18] =	ssyncadd.s32 $0xFFFFC000  }
0x67: {  	[spmem:s1] =	stream.indirect.scatter.add.f32 [tilespmem:s16], [sflag:$0x3], $0x80, s11, s15, $0xb8;
	[tilespmem:$0x1D000] =	vst v63  }
0x68: {  	_ =	swait.ge [sflag:s13], $0x4000  }
0x69: {  	[sflag:s13] =	ssyncset.done $0x0  }
0x6a: {  	s9 =	rddreg [dreg:$0xb];
	[sflag:s13] =	ssyncadd.s32 $0xFFFFC000  }
0x6b: {  	[tilespmem:s16], [sflag:$0x2] =	stream.indirect.gather [hbm4b:s4+s15], $0x80, s9, s15, $0xb8;
	[tilespmem:$0x1D000] =	vst v63  }
0x6c: {  	_ =	swait.ge [sflag:s17], $0x4000  }
0x6d: {  	[sflag:s17] =	ssyncset.done $0x0  }
0x6e: {  	s10 =	rddreg [dreg:$0xc];
	[sflag:s17] =	ssyncadd.s32 $0xFFFFC000  }
0x6f: {  	[spmem:s1] =	stream.indirect.scatter.add.f32 [tilespmem:s12], [sflag:$0x3], $0x80, s10, s15, $0xb8;
	[tilespmem:$0x1D000] =	vst v63  }
0x70: {  	_ =	swait.ge [sflag:s13], $0x4000  }
0x71: {  	[sflag:s13] =	ssyncset.done $0x0  }
0x72: {  	s11 =	rddreg [dreg:$0xd];
	[sflag:s13] =	ssyncadd.s32 $0xFFFFC000  }
0x73: {  	[tilespmem:s12], [sflag:$0x1] =	stream.indirect.gather [hbm4b:s4+s15], $0x80, s11, s15, $0xb8;
	[tilespmem:$0x1D000] =	vst v63  }
0x74: {  	_ =	swait.ge [sflag:s18], $0x4000  }
0x75: {  	[sflag:s18] =	ssyncset.done $0x0  }
0x76: {  	s9 =	rddreg [dreg:$0xe];
	[sflag:s18] =	ssyncadd.s32 $0xFFFFC000  }
0x77: {  	[spmem:s1] =	stream.indirect.scatter.add.f32 [tilespmem:s16], [sflag:$0x3], $0x80, s9, s15, $0xb8;
	[tilespmem:$0x1D000] =	vst v63  }
0x78: {  	_ =	swait.ge [sflag:s13], $0x4000  }
0x79: {  	[sflag:s13] =	ssyncset.done $0x0  }
0x7a: {  	s10 =	rddreg [dreg:$0xf];
	[sflag:s13] =	ssyncadd.s32 $0xFFFFC000  }
0x7b: {  	[tilespmem:s16], [sflag:$0x2] =	stream.indirect.gather [hbm4b:s4+s15], $0x80, s10, s15, $0xb8;
	[tilespmem:$0x1D000] =	vst v63  }
0x7c: {  	_ =	swait.ge [sflag:s17], $0x4000  }
0x7d: {  	[sflag:s17] =	ssyncset.done $0x0  }
0x7e: {  	s11 =	rddreg [dreg:$0x10];
	[sflag:s17] =	ssyncadd.s32 $0xFFFFC000  }
0x7f: {  	[spmem:s1] =	stream.indirect.scatter.add.f32 [tilespmem:s12], [sflag:$0x3], $0x80, s11, s15, $0xb8;
	[tilespmem:$0x1D000] =	vst v63  }
0x80: {  	_ =	swait.ge [sflag:s13], $0x4000  }
0x81: {  	[sflag:s13] =	ssyncset.done $0x0  }
0x82: {  	[sflag:s13] =	ssyncadd.s32 $0xFFFFC000  }
0x83: {  	[tilespmem:s12], [sflag:$0x1] =	stream.indirect.gather [hbm4b:s4+s15], $0x80, s19, s15, $0xb8;
	[tilespmem:$0x1D000] =	vst v63  }
0x84: {  	_ =	swait.ge [sflag:s18], $0x4000  }
0x85: {  	[sflag:s18] =	ssyncset.done $0x0  }
0x86: {  	[sflag:s18] =	ssyncadd.s32 $0xFFFFC000  }
0x87: {  	[spmem:s1] =	stream.indirect.scatter.add.f32 [tilespmem:s16], [sflag:$0x3], $0x80, s20, s15, $0xb8;
	[tilespmem:$0x1D000] =	vst v63  }
0x88: {  	_ =	swait.ge [sflag:s13], $0x4000  }
0x89: {  	[sflag:s13] =	ssyncset.done $0x0  }
0x8a: {  	[sflag:s13] =	ssyncadd.s32 $0xFFFFC000  }
0x8b: {  	[tilespmem:s16], [sflag:$0x2] =	stream.indirect.gather [hbm4b:s4+s15], $0x80, s21, s15, $0xb8;
	[tilespmem:$0x1D000] =	vst v63  }
0x8c: {  	_ =	swait.ge [sflag:s17], $0x4000  }
0x8d: {  	[sflag:s17] =	ssyncset.done $0x0  }
0x8e: {  	[sflag:s17] =	ssyncadd.s32 $0xFFFFC000  }
0x8f: {  	[spmem:s1] =	stream.indirect.scatter.add.f32 [tilespmem:s12], [sflag:$0x3], $0x80, s22, s15, $0xb8;
	[tilespmem:$0x1D000] =	vst v63  }
0x90: {  	_ =	swait.ge [sflag:s13], $0x4000  }
0x91: {  	[sflag:s13] =	ssyncset.done $0x0  }
0x92: {  	[sflag:s13] =	ssyncadd.s32 $0xFFFFC000  }
0x93: {  	[tilespmem:s12], [sflag:$0x1] =	stream.indirect.gather [hbm4b:s4+s15], $0x80, s23, s15, $0xb8;
	[tilespmem:$0x1D000] =	vst v63  }
0x94: {  	_ =	swait.ge [sflag:s18], $0x4000  }
0x95: {  	[sflag:s18] =	ssyncset.done $0x0  }
0x96: {  	[sflag:s18] =	ssyncadd.s32 $0xFFFFC000  }
0x97: {  	[spmem:s1] =	stream.indirect.scatter.add.f32 [tilespmem:s16], [sflag:$0x3], $0x80, s24, s15, $0xb8;
	[tilespmem:$0x1D000] =	vst v63  }
0x98: {  	_ =	swait.ge [sflag:s13], $0x4000  }
0x99: {  	[sflag:s13] =	ssyncset.done $0x0  }
0x9a: {  	[sflag:s13] =	ssyncadd.s32 $0xFFFFC000  }
0x9b: {  	[tilespmem:s16], [sflag:$0x2] =	stream.indirect.gather [hbm4b:s4+s15], $0x80, s25, s15, $0xb8;
	[tilespmem:$0x1D000] =	vst v63  }
0x9c: {  	_ =	swait.ge [sflag:s17], $0x4000  }
0x9d: {  	[sflag:s17] =	ssyncset.done $0x0  }
0x9e: {  	[sflag:s17] =	ssyncadd.s32 $0xFFFFC000  }
0x9f: {  	[spmem:s1] =	stream.indirect.scatter.add.f32 [tilespmem:s12], [sflag:$0x3], $0x80, s26, s15, $0xb8;
	[tilespmem:$0x1D000] =	vst v63  }
0xa0: {  	_ =	swait.ge [sflag:s13], $0x4000  }
0xa1: {  	[sflag:s13] =	ssyncset.done $0x0  }
0xa2: {  	[sflag:s13] =	ssyncadd.s32 $0xFFFFC000  }
0xa3: {  	[tilespmem:s12], [sflag:$0x1] =	stream.indirect.gather [hbm4b:s4+s15], $0x80, s28, s15, $0xb8;
	[tilespmem:$0x1D000] =	vst v63  }
0xa4: {  	_ =	swait.ge [sflag:s18], $0x4000  }
0xa5: {  	[sflag:s18] =	ssyncset.done $0x0  }
0xa6: {  	[sflag:s18] =	ssyncadd.s32 $0xFFFFC000  }
0xa7: {  	[spmem:s1] =	stream.indirect.scatter.add.f32 [tilespmem:s16], [sflag:$0x3], $0x80, s29, s15, $0xb8;
	[tilespmem:$0x1D000] =	vst v63  }
0xa8: {  	_ =	swait.ge [sflag:s13], $0x4000  }
0xa9: {  	[sflag:s13] =	ssyncset.done $0x0  }
0xaa: {  	[sflag:s13] =	ssyncadd.s32 $0xFFFFC000  }
0xab: {  	[tilespmem:s16], [sflag:$0x2] =	stream.indirect.gather [hbm4b:s4+s15], $0x80, s30, s15, $0xb8;
	[tilespmem:$0x1D000] =	vst v63  }
0xac: {  	_ =	swait.ge [sflag:s17], $0x4000  }
0xad: {  	[sflag:s17] =	ssyncset.done $0x0  }
0xae: {  	[sflag:s17] =	ssyncadd.s32 $0xFFFFC000  }
0xaf: {  	[spmem:s1] =	stream.indirect.scatter.add.f32 [tilespmem:s12], [sflag:$0x3], $0x80, s31, s15, $0xb8;
	[tilespmem:$0x1D000] =	vst v63  }
0xb0: {  	_ =	swait.ge [sflag:s13], $0x4000  }
0xb1: {  	[sflag:s13] =	ssyncset.done $0x0  }
0xb2: {  	[sflag:s13] =	ssyncadd.s32 $0xFFFFC000  }
0xb3: {  	[tilespmem:s12], [sflag:$0x1] =	stream.indirect.gather [hbm4b:s4+s15], $0x80, s0, s15, $0xb8;
	[tilespmem:$0x1D000] =	vst v63  }
0xb4: {  	_ =	swait.ge [sflag:s18], $0x4000  }
0xb5: {  	[sflag:s18] =	ssyncset.done $0x0  }
0xb6: {  	[sflag:s18] =	ssyncadd.s32 $0xFFFFC000  }
0xb7: {  	[spmem:s1] =	stream.indirect.scatter.add.f32 [tilespmem:s16], [sflag:$0x3], $0x80, s2, s15, $0xb8;
	[tilespmem:$0x1D000] =	vst v63  }
0xb8: {  	_ =	swait.ge [sflag:s13], $0x4000  }
0xb9: {  	[sflag:s13] =	ssyncset.done $0x0  }
0xba: {  	[sflag:s13] =	ssyncadd.s32 $0xFFFFC000  }
0xbb: {  	[tilespmem:s16], [sflag:$0x2] =	stream.indirect.gather [hbm4b:s4+s15], $0x80, s6, s15, $0xb8;
	[tilespmem:$0x1D000] =	vst v63  }
0xbc: {  	_ =	swait.ge [sflag:s17], $0x4000  }
0xbd: {  	[sflag:s17] =	ssyncset.done $0x0  }
0xbe: {  	[sflag:s17] =	ssyncadd.s32 $0xFFFFC000  }
0xbf: {  	[spmem:s1] =	stream.indirect.scatter.add.f32 [tilespmem:s12], [sflag:$0x3], $0x80, s7, s15, $0xb8;
	[tilespmem:$0x1D000] =	vst v63  }
0xc0: {  	_ =	swait.ge [sflag:s13], $0x4000  }
0xc1: {  	[sflag:s13] =	ssyncset.done $0x0  }
0xc2: {  	[sflag:s13] =	ssyncadd.s32 $0xFFFFC000  }
0xc3: {  	_ =	swait.ge [sflag:s18], $0x4000  }
0xc4: {  	[sflag:s18] =	ssyncset.done $0x0  }
0xc5: {  	[sflag:s18] =	ssyncadd.s32 $0xFFFFC000  }
0xc6: {  	[spmem:s1] =	stream.indirect.scatter.add.f32 [tilespmem:s16], [sflag:$0x3], $0x80, s8, s15, $0xb8;
	[tilespmem:$0x1D000] =	vst v63  }
0xc7: {  	s10 =	simm.s32 $0x100;
	_ =	swait.ge [sflag:s13], $0x4000  }
0xc8: {  	s11 =	simm.s32 $0x200;
	s5 =	rddreg [dreg:$0x3];
	[sflag:s13] =	ssyncset.done $0x0  }
.LBB2_4:
0xc9: {  	[sflag:s13] =	ssyncadd.s32 $0xFFFFC000;
	s5 =	sadd.s32 s10, s5  }
0xca: {  	[tilespmem:s3], [sflag:$0x3] =	stream.linear.gather [hbm4b:s5+s3], $0x800, $0x38;
	[tilespmem:$0x1D000] =	vst v63  }
0xcb: {  	_ =	swait.ge [sflag:s13], $0x800  }
0xcc: {  	s5 =	rddreg [dreg:$0x4];
	[sflag:s13] =	ssyncset.done $0x0  }
0xcd: {  	[sflag:s13] =	ssyncadd.s32 $0xFFFFF800;
	s5 =	sadd.s32 s10, s5  }
0xce: {  	[tilespmem:s14], [sflag:$0x3] =	stream.linear.gather [hbm4b:s5+s3], $0x800, $0x38;
	[tilespmem:$0x1D000] =	vst v63  }
0xcf: {  	_ =	swait.ge [sflag:s13], $0x800  }
0xd0: {  	[sflag:s13] =	ssyncset.done $0x0  }
0xd1: {  	[sflag:s13] =	ssyncadd.s32 $0xFFFFF800  }
0xd2: {  	[tilespmem:s12], [sflag:$0x1] =	stream.indirect.gather [hbm4b:s4+s15], $0x80, s3, s15, $0xb8;
	[tilespmem:$0x1D000] =	vst v63  }
0xd3: {  	_ = 	snop  }
0xd4: {  	[tilespmem:s16], [sflag:$0x2] =	stream.indirect.gather [hbm4b:s4+s15], $0x80, s15, s15, $0xb8;
	[tilespmem:$0x1D000] =	vst v63  }
0xd5: {  	_ =	swait.ge [sflag:s17], $0x4000  }
0xd6: {  	[sflag:s17] =	ssyncset.done $0x0  }
0xd7: {  	[sflag:s17] =	ssyncadd.s32 $0xFFFFC000  }
0xd8: {  	[spmem:s1] =	stream.indirect.scatter.add.f32 [tilespmem:s12], [sflag:$0x3], $0x80, s14, s15, $0xb8;
	[tilespmem:$0x1D000] =	vst v63  }
0xd9: {  	_ =	swait.ge [sflag:s13], $0x4000  }
0xda: {  	s9 =	smov.u32 s11;
	[sflag:s13] =	ssyncset.done $0x0  }
0xdb: {  	s10 =	smov.u32 s9;
	s9 =	rddreg [dreg:$0x5];
	[sflag:s13] =	ssyncadd.s32 $0xFFFFC000  }
0xdc: {  	[tilespmem:s12], [sflag:$0x1] =	stream.indirect.gather [hbm4b:s4+s15], $0x80, s9, s15, $0xb8;
	[tilespmem:$0x1D000] =	vst v63  }
0xdd: {  	_ =	swait.ge [sflag:s18], $0x4000  }
0xde: {  	[sflag:s18] =	ssyncset.done $0x0  }
0xdf: {  	s9 =	rddreg [dreg:$0x6];
	[sflag:s18] =	ssyncadd.s32 $0xFFFFC000  }
0xe0: {  	[spmem:s1] =	stream.indirect.scatter.add.f32 [tilespmem:s16], [sflag:$0x3], $0x80, s9, s15, $0xb8;
	[tilespmem:$0x1D000] =	vst v63  }
0xe1: {  	_ =	swait.ge [sflag:s13], $0x4000  }
0xe2: {  	[sflag:s13] =	ssyncset.done $0x0  }
0xe3: {  	s9 =	rddreg [dreg:$0x7];
	[sflag:s13] =	ssyncadd.s32 $0xFFFFC000  }
0xe4: {  	[tilespmem:s16], [sflag:$0x2] =	stream.indirect.gather [hbm4b:s4+s15], $0x80, s9, s15, $0xb8;
	[tilespmem:$0x1D000] =	vst v63  }
0xe5: {  	_ =	swait.ge [sflag:s17], $0x4000  }
0xe6: {  	[sflag:s17] =	ssyncset.done $0x0  }
0xe7: {  	s9 =	rddreg [dreg:$0x8];
	[sflag:s17] =	ssyncadd.s32 $0xFFFFC000  }
0xe8: {  	[spmem:s1] =	stream.indirect.scatter.add.f32 [tilespmem:s12], [sflag:$0x3], $0x80, s9, s15, $0xb8;
	[tilespmem:$0x1D000] =	vst v63  }
0xe9: {  	_ =	swait.ge [sflag:s13], $0x4000  }
0xea: {  	[sflag:s13] =	ssyncset.done $0x0  }
0xeb: {  	s9 =	rddreg [dreg:$0x9];
	[sflag:s13] =	ssyncadd.s32 $0xFFFFC000  }
0xec: {  	[tilespmem:s12], [sflag:$0x1] =	stream.indirect.gather [hbm4b:s4+s15], $0x80, s9, s15, $0xb8;
	[tilespmem:$0x1D000] =	vst v63  }
0xed: {  	_ =	swait.ge [sflag:s18], $0x4000  }
0xee: {  	[sflag:s18] =	ssyncset.done $0x0  }
0xef: {  	s9 =	rddreg [dreg:$0xa];
	[sflag:s18] =	ssyncadd.s32 $0xFFFFC000  }
0xf0: {  	[spmem:s1] =	stream.indirect.scatter.add.f32 [tilespmem:s16], [sflag:$0x3], $0x80, s9, s15, $0xb8;
	[tilespmem:$0x1D000] =	vst v63  }
0xf1: {  	_ =	swait.ge [sflag:s13], $0x4000  }
0xf2: {  	[sflag:s13] =	ssyncset.done $0x0  }
0xf3: {  	s9 =	rddreg [dreg:$0xb];
	[sflag:s13] =	ssyncadd.s32 $0xFFFFC000  }
0xf4: {  	[tilespmem:s16], [sflag:$0x2] =	stream.indirect.gather [hbm4b:s4+s15], $0x80, s9, s15, $0xb8;
	[tilespmem:$0x1D000] =	vst v63  }
0xf5: {  	_ =	swait.ge [sflag:s17], $0x4000  }
0xf6: {  	[sflag:s17] =	ssyncset.done $0x0  }
0xf7: {  	s9 =	rddreg [dreg:$0xc];
	[sflag:s17] =	ssyncadd.s32 $0xFFFFC000  }
0xf8: {  	[spmem:s1] =	stream.indirect.scatter.add.f32 [tilespmem:s12], [sflag:$0x3], $0x80, s9, s15, $0xb8;
	[tilespmem:$0x1D000] =	vst v63  }
0xf9: {  	_ =	swait.ge [sflag:s13], $0x4000  }
0xfa: {  	[sflag:s13] =	ssyncset.done $0x0  }
0xfb: {  	s9 =	rddreg [dreg:$0xd];
	[sflag:s13] =	ssyncadd.s32 $0xFFFFC000  }
0xfc: {  	[tilespmem:s12], [sflag:$0x1] =	stream.indirect.gather [hbm4b:s4+s15], $0x80, s9, s15, $0xb8;
	[tilespmem:$0x1D000] =	vst v63  }
0xfd: {  	_ =	swait.ge [sflag:s18], $0x4000  }
0xfe: {  	[sflag:s18] =	ssyncset.done $0x0  }
0xff: {  	s9 =	rddreg [dreg:$0xe];
	[sflag:s18] =	ssyncadd.s32 $0xFFFFC000  }
0x100: {  	[spmem:s1] =	stream.indirect.scatter.add.f32 [tilespmem:s16], [sflag:$0x3], $0x80, s9, s15, $0xb8;
	[tilespmem:$0x1D000] =	vst v63  }
0x101: {  	_ =	swait.ge [sflag:s13], $0x4000  }
0x102: {  	[sflag:s13] =	ssyncset.done $0x0  }
0x103: {  	s9 =	rddreg [dreg:$0xf];
	[sflag:s13] =	ssyncadd.s32 $0xFFFFC000  }
0x104: {  	[tilespmem:s16], [sflag:$0x2] =	stream.indirect.gather [hbm4b:s4+s15], $0x80, s9, s15, $0xb8;
	[tilespmem:$0x1D000] =	vst v63  }
0x105: {  	_ =	swait.ge [sflag:s17], $0x4000  }
0x106: {  	[sflag:s17] =	ssyncset.done $0x0  }
0x107: {  	s9 =	rddreg [dreg:$0x10];
	[sflag:s17] =	ssyncadd.s32 $0xFFFFC000  }
0x108: {  	[spmem:s1] =	stream.indirect.scatter.add.f32 [tilespmem:s12], [sflag:$0x3], $0x80, s9, s15, $0xb8;
	[tilespmem:$0x1D000] =	vst v63  }
0x109: {  	_ =	swait.ge [sflag:s13], $0x4000  }
0x10a: {  	[sflag:s13] =	ssyncset.done $0x0  }
0x10b: {  	[sflag:s13] =	ssyncadd.s32 $0xFFFFC000  }
0x10c: {  	[tilespmem:s12], [sflag:$0x1] =	stream.indirect.gather [hbm4b:s4+s15], $0x80, s19, s15, $0xb8;
	[tilespmem:$0x1D000] =	vst v63  }
0x10d: {  	_ =	swait.ge [sflag:s18], $0x4000  }
0x10e: {  	[sflag:s18] =	ssyncset.done $0x0  }
0x10f: {  	[sflag:s18] =	ssyncadd.s32 $0xFFFFC000  }
0x110: {  	[spmem:s1] =	stream.indirect.scatter.add.f32 [tilespmem:s16], [sflag:$0x3], $0x80, s20, s15, $0xb8;
	[tilespmem:$0x1D000] =	vst v63  }
0x111: {  	_ =	swait.ge [sflag:s13], $0x4000  }
0x112: {  	[sflag:s13] =	ssyncset.done $0x0  }
0x113: {  	[sflag:s13] =	ssyncadd.s32 $0xFFFFC000  }
0x114: {  	[tilespmem:s16], [sflag:$0x2] =	stream.indirect.gather [hbm4b:s4+s15], $0x80, s21, s15, $0xb8;
	[tilespmem:$0x1D000] =	vst v63  }
0x115: {  	_ =	swait.ge [sflag:s17], $0x4000  }
0x116: {  	[sflag:s17] =	ssyncset.done $0x0  }
0x117: {  	[sflag:s17] =	ssyncadd.s32 $0xFFFFC000  }
0x118: {  	[spmem:s1] =	stream.indirect.scatter.add.f32 [tilespmem:s12], [sflag:$0x3], $0x80, s22, s15, $0xb8;
	[tilespmem:$0x1D000] =	vst v63  }
0x119: {  	_ =	swait.ge [sflag:s13], $0x4000  }
0x11a: {  	[sflag:s13] =	ssyncset.done $0x0  }
0x11b: {  	[sflag:s13] =	ssyncadd.s32 $0xFFFFC000  }
0x11c: {  	[tilespmem:s12], [sflag:$0x1] =	stream.indirect.gather [hbm4b:s4+s15], $0x80, s23, s15, $0xb8;
	[tilespmem:$0x1D000] =	vst v63  }
0x11d: {  	_ =	swait.ge [sflag:s18], $0x4000  }
0x11e: {  	[sflag:s18] =	ssyncset.done $0x0  }
0x11f: {  	[sflag:s18] =	ssyncadd.s32 $0xFFFFC000  }
0x120: {  	[spmem:s1] =	stream.indirect.scatter.add.f32 [tilespmem:s16], [sflag:$0x3], $0x80, s24, s15, $0xb8;
	[tilespmem:$0x1D000] =	vst v63  }
0x121: {  	_ =	swait.ge [sflag:s13], $0x4000  }
0x122: {  	[sflag:s13] =	ssyncset.done $0x0  }
0x123: {  	[sflag:s13] =	ssyncadd.s32 $0xFFFFC000  }
0x124: {  	[tilespmem:s16], [sflag:$0x2] =	stream.indirect.gather [hbm4b:s4+s15], $0x80, s25, s15, $0xb8;
	[tilespmem:$0x1D000] =	vst v63  }
0x125: {  	_ =	swait.ge [sflag:s17], $0x4000  }
0x126: {  	[sflag:s17] =	ssyncset.done $0x0  }
0x127: {  	[sflag:s17] =	ssyncadd.s32 $0xFFFFC000  }
0x128: {  	[spmem:s1] =	stream.indirect.scatter.add.f32 [tilespmem:s12], [sflag:$0x3], $0x80, s26, s15, $0xb8;
	[tilespmem:$0x1D000] =	vst v63  }
0x129: {  	_ =	swait.ge [sflag:s13], $0x4000  }
0x12a: {  	[sflag:s13] =	ssyncset.done $0x0  }
0x12b: {  	[sflag:s13] =	ssyncadd.s32 $0xFFFFC000  }
0x12c: {  	[tilespmem:s12], [sflag:$0x1] =	stream.indirect.gather [hbm4b:s4+s15], $0x80, s28, s15, $0xb8;
	[tilespmem:$0x1D000] =	vst v63  }
0x12d: {  	_ =	swait.ge [sflag:s18], $0x4000  }
0x12e: {  	[sflag:s18] =	ssyncset.done $0x0  }
0x12f: {  	[sflag:s18] =	ssyncadd.s32 $0xFFFFC000  }
0x130: {  	[spmem:s1] =	stream.indirect.scatter.add.f32 [tilespmem:s16], [sflag:$0x3], $0x80, s29, s15, $0xb8;
	[tilespmem:$0x1D000] =	vst v63  }
0x131: {  	_ =	swait.ge [sflag:s13], $0x4000  }
0x132: {  	[sflag:s13] =	ssyncset.done $0x0  }
0x133: {  	[sflag:s13] =	ssyncadd.s32 $0xFFFFC000  }
0x134: {  	[tilespmem:s16], [sflag:$0x2] =	stream.indirect.gather [hbm4b:s4+s15], $0x80, s30, s15, $0xb8;
	[tilespmem:$0x1D000] =	vst v63  }
0x135: {  	_ =	swait.ge [sflag:s17], $0x4000  }
0x136: {  	[sflag:s17] =	ssyncset.done $0x0  }
0x137: {  	[sflag:s17] =	ssyncadd.s32 $0xFFFFC000  }
0x138: {  	[spmem:s1] =	stream.indirect.scatter.add.f32 [tilespmem:s12], [sflag:$0x3], $0x80, s31, s15, $0xb8;
	[tilespmem:$0x1D000] =	vst v63  }
0x139: {  	_ =	swait.ge [sflag:s13], $0x4000  }
0x13a: {  	[sflag:s13] =	ssyncset.done $0x0  }
0x13b: {  	[sflag:s13] =	ssyncadd.s32 $0xFFFFC000  }
0x13c: {  	[tilespmem:s12], [sflag:$0x1] =	stream.indirect.gather [hbm4b:s4+s15], $0x80, s0, s15, $0xb8;
	[tilespmem:$0x1D000] =	vst v63  }
0x13d: {  	_ =	swait.ge [sflag:s18], $0x4000  }
0x13e: {  	[sflag:s18] =	ssyncset.done $0x0  }
0x13f: {  	[sflag:s18] =	ssyncadd.s32 $0xFFFFC000  }
0x140: {  	[spmem:s1] =	stream.indirect.scatter.add.f32 [tilespmem:s16], [sflag:$0x3], $0x80, s2, s15, $0xb8;
	[tilespmem:$0x1D000] =	vst v63  }
0x141: {  	_ =	swait.ge [sflag:s13], $0x4000  }
0x142: {  	[sflag:s13] =	ssyncset.done $0x0  }
0x143: {  	[sflag:s13] =	ssyncadd.s32 $0xFFFFC000  }
0x144: {  	[tilespmem:s16], [sflag:$0x2] =	stream.indirect.gather [hbm4b:s4+s15], $0x80, s6, s15, $0xb8;
	[tilespmem:$0x1D000] =	vst v63  }
0x145: {  	_ =	swait.ge [sflag:s17], $0x4000  }
0x146: {  	[sflag:s17] =	ssyncset.done $0x0  }
0x147: {  	[sflag:s17] =	ssyncadd.s32 $0xFFFFC000  }
0x148: {  	[spmem:s1] =	stream.indirect.scatter.add.f32 [tilespmem:s12], [sflag:$0x3], $0x80, s7, s15, $0xb8;
	[tilespmem:$0x1D000] =	vst v63  }
0x149: {  	_ =	swait.ge [sflag:s13], $0x4000  }
0x14a: {  	[sflag:s13] =	ssyncset.done $0x0  }
0x14b: {  	[sflag:s13] =	ssyncadd.s32 $0xFFFFC000  }
0x14c: {  	p0 =	sne.s32 s11, $0x400;
	_ =	swait.ge [sflag:s18], $0x4000  }
.Ltmp1:
0x14d: {  	[sflag:s18] =	ssyncset.done $0x0;
	(pc) =	sbr.rel @p0 .LBB2_4-.Ltmp1, $4  }
0x14e: {  	[sflag:s18] =	ssyncadd.s32 $0xFFFFC000  }
0x14f: {  	[spmem:s1] =	stream.indirect.scatter.add.f32 [tilespmem:s16], [sflag:$0x3], $0x80, s8, s15, $0xb8;
	[tilespmem:$0x1D000] =	vst v63  }
0x150: {  	_ =	swait.ge [sflag:s13], $0x4000  }
0x151: {  	s11 =	sadd.s32 $0x100, s11;
	s5 =	rddreg [dreg:$0x3];
	[sflag:s13] =	ssyncset.done $0x0  }
0x152: {  	[sflag:s13] =	ssyncadd.s32 $0xFFFFC000;
	s5 =	sadd.s32 s10, s5  }
0x153: {  	[tilespmem:s3], [sflag:$0x3] =	stream.linear.gather [hbm4b:s5+s3], $0x800, $0x38;
	[tilespmem:$0x1D000] =	vst v63  }
0x154: {  	_ =	swait.ge [sflag:s13], $0x800  }
0x155: {  	s9 =	rddreg [dreg:$0x4];
	[sflag:s13] =	ssyncset.done $0x0  }
0x156: {  	[sflag:s13] =	ssyncadd.s32 $0xFFFFF800;
	s5 =	sadd.s32 s10, s9  }
0x157: {  	[tilespmem:s14], [sflag:$0x3] =	stream.linear.gather [hbm4b:s5+s3], $0x800, $0x38;
	[tilespmem:$0x1D000] =	vst v63  }
0x158: {  	_ =	swait.ge [sflag:s13], $0x800  }
0x159: {  	[sflag:s13] =	ssyncset.done $0x0  }
0x15a: {  	[sflag:s13] =	ssyncadd.s32 $0xFFFFF800  }
0x15b: {  	[tilespmem:s12], [sflag:$0x1] =	stream.indirect.gather [hbm4b:s4+s15], $0x80, s3, s15, $0xb8;
	[tilespmem:$0x1D000] =	vst v63  }
0x15c: {  	_ = 	snop  }
0x15d: {  	[tilespmem:s16], [sflag:$0x2] =	stream.indirect.gather [hbm4b:s4+s15], $0x80, s15, s15, $0xb8;
	[tilespmem:$0x1D000] =	vst v63  }
0x15e: {  	_ =	swait.ge [sflag:s17], $0x4000  }
0x15f: {  	[sflag:s17] =	ssyncset.done $0x0  }
0x160: {  	[sflag:s17] =	ssyncadd.s32 $0xFFFFC000  }
0x161: {  	[spmem:s1] =	stream.indirect.scatter.add.f32 [tilespmem:s12], [sflag:$0x3], $0x80, s14, s15, $0xb8;
	[tilespmem:$0x1D000] =	vst v63  }
0x162: {  	_ =	swait.ge [sflag:s13], $0x4000  }
0x163: {  	[sflag:s13] =	ssyncset.done $0x0  }
0x164: {  	s10 =	rddreg [dreg:$0x5];
	[sflag:s13] =	ssyncadd.s32 $0xFFFFC000  }
0x165: {  	[tilespmem:s12], [sflag:$0x1] =	stream.indirect.gather [hbm4b:s4+s15], $0x80, s10, s15, $0xb8;
	[tilespmem:$0x1D000] =	vst v63  }
0x166: {  	_ =	swait.ge [sflag:s18], $0x4000  }
0x167: {  	[sflag:s18] =	ssyncset.done $0x0  }
0x168: {  	s11 =	rddreg [dreg:$0x6];
	[sflag:s18] =	ssyncadd.s32 $0xFFFFC000  }
0x169: {  	[spmem:s1] =	stream.indirect.scatter.add.f32 [tilespmem:s16], [sflag:$0x3], $0x80, s11, s15, $0xb8;
	[tilespmem:$0x1D000] =	vst v63  }
0x16a: {  	_ =	swait.ge [sflag:s13], $0x4000  }
0x16b: {  	[sflag:s13] =	ssyncset.done $0x0  }
0x16c: {  	s9 =	rddreg [dreg:$0x7];
	[sflag:s13] =	ssyncadd.s32 $0xFFFFC000  }
0x16d: {  	[tilespmem:s16], [sflag:$0x2] =	stream.indirect.gather [hbm4b:s4+s15], $0x80, s9, s15, $0xb8;
	[tilespmem:$0x1D000] =	vst v63  }
0x16e: {  	_ =	swait.ge [sflag:s17], $0x4000  }
0x16f: {  	[sflag:s17] =	ssyncset.done $0x0  }
0x170: {  	s10 =	rddreg [dreg:$0x8];
	[sflag:s17] =	ssyncadd.s32 $0xFFFFC000  }
0x171: {  	[spmem:s1] =	stream.indirect.scatter.add.f32 [tilespmem:s12], [sflag:$0x3], $0x80, s10, s15, $0xb8;
	[tilespmem:$0x1D000] =	vst v63  }
0x172: {  	_ =	swait.ge [sflag:s13], $0x4000  }
0x173: {  	[sflag:s13] =	ssyncset.done $0x0  }
0x174: {  	s11 =	rddreg [dreg:$0x9];
	[sflag:s13] =	ssyncadd.s32 $0xFFFFC000  }
0x175: {  	[tilespmem:s12], [sflag:$0x1] =	stream.indirect.gather [hbm4b:s4+s15], $0x80, s11, s15, $0xb8;
	[tilespmem:$0x1D000] =	vst v63  }
0x176: {  	_ =	swait.ge [sflag:s18], $0x4000  }
0x177: {  	[sflag:s18] =	ssyncset.done $0x0  }
0x178: {  	s9 =	rddreg [dreg:$0xa];
	[sflag:s18] =	ssyncadd.s32 $0xFFFFC000  }
0x179: {  	[spmem:s1] =	stream.indirect.scatter.add.f32 [tilespmem:s16], [sflag:$0x3], $0x80, s9, s15, $0xb8;
	[tilespmem:$0x1D000] =	vst v63  }
0x17a: {  	_ =	swait.ge [sflag:s13], $0x4000  }
0x17b: {  	[sflag:s13] =	ssyncset.done $0x0  }
0x17c: {  	s10 =	rddreg [dreg:$0xb];
	[sflag:s13] =	ssyncadd.s32 $0xFFFFC000  }
0x17d: {  	[tilespmem:s16], [sflag:$0x2] =	stream.indirect.gather [hbm4b:s4+s15], $0x80, s10, s15, $0xb8;
	[tilespmem:$0x1D000] =	vst v63  }
0x17e: {  	_ =	swait.ge [sflag:s17], $0x4000  }
0x17f: {  	[sflag:s17] =	ssyncset.done $0x0  }
0x180: {  	s11 =	rddreg [dreg:$0xc];
	[sflag:s17] =	ssyncadd.s32 $0xFFFFC000  }
0x181: {  	[spmem:s1] =	stream.indirect.scatter.add.f32 [tilespmem:s12], [sflag:$0x3], $0x80, s11, s15, $0xb8;
	[tilespmem:$0x1D000] =	vst v63  }
0x182: {  	_ =	swait.ge [sflag:s13], $0x4000  }
0x183: {  	[sflag:s13] =	ssyncset.done $0x0  }
0x184: {  	s9 =	rddreg [dreg:$0xd];
	[sflag:s13] =	ssyncadd.s32 $0xFFFFC000  }
0x185: {  	[tilespmem:s12], [sflag:$0x1] =	stream.indirect.gather [hbm4b:s4+s15], $0x80, s9, s15, $0xb8;
	[tilespmem:$0x1D000] =	vst v63  }
0x186: {  	_ =	swait.ge [sflag:s18], $0x4000  }
0x187: {  	[sflag:s18] =	ssyncset.done $0x0  }
0x188: {  	s10 =	rddreg [dreg:$0xe];
	[sflag:s18] =	ssyncadd.s32 $0xFFFFC000  }
0x189: {  	[spmem:s1] =	stream.indirect.scatter.add.f32 [tilespmem:s16], [sflag:$0x3], $0x80, s10, s15, $0xb8;
	[tilespmem:$0x1D000] =	vst v63  }
0x18a: {  	_ =	swait.ge [sflag:s13], $0x4000  }
0x18b: {  	[sflag:s13] =	ssyncset.done $0x0  }
0x18c: {  	s11 =	rddreg [dreg:$0xf];
	[sflag:s13] =	ssyncadd.s32 $0xFFFFC000  }
0x18d: {  	[tilespmem:s16], [sflag:$0x2] =	stream.indirect.gather [hbm4b:s4+s15], $0x80, s11, s15, $0xb8;
	[tilespmem:$0x1D000] =	vst v63  }
0x18e: {  	_ =	swait.ge [sflag:s17], $0x4000  }
0x18f: {  	[sflag:s17] =	ssyncset.done $0x0  }
0x190: {  	s9 =	rddreg [dreg:$0x10];
	[sflag:s17] =	ssyncadd.s32 $0xFFFFC000  }
0x191: {  	[spmem:s1] =	stream.indirect.scatter.add.f32 [tilespmem:s12], [sflag:$0x3], $0x80, s9, s15, $0xb8;
	[tilespmem:$0x1D000] =	vst v63  }
0x192: {  	_ =	swait.ge [sflag:s13], $0x4000  }
0x193: {  	[sflag:s13] =	ssyncset.done $0x0  }
0x194: {  	[sflag:s13] =	ssyncadd.s32 $0xFFFFC000  }
0x195: {  	[tilespmem:s12], [sflag:$0x1] =	stream.indirect.gather [hbm4b:s4+s15], $0x80, s19, s15, $0xb8;
	[tilespmem:$0x1D000] =	vst v63  }
0x196: {  	_ =	swait.ge [sflag:s18], $0x4000  }
0x197: {  	[sflag:s18] =	ssyncset.done $0x0  }
0x198: {  	[sflag:s18] =	ssyncadd.s32 $0xFFFFC000  }
0x199: {  	[spmem:s1] =	stream.indirect.scatter.add.f32 [tilespmem:s16], [sflag:$0x3], $0x80, s20, s15, $0xb8;
	[tilespmem:$0x1D000] =	vst v63  }
0x19a: {  	_ =	swait.ge [sflag:s13], $0x4000  }
0x19b: {  	[sflag:s13] =	ssyncset.done $0x0  }
0x19c: {  	[sflag:s13] =	ssyncadd.s32 $0xFFFFC000  }
0x19d: {  	[tilespmem:s16], [sflag:$0x2] =	stream.indirect.gather [hbm4b:s4+s15], $0x80, s21, s15, $0xb8;
	[tilespmem:$0x1D000] =	vst v63  }
0x19e: {  	_ =	swait.ge [sflag:s17], $0x4000  }
0x19f: {  	[sflag:s17] =	ssyncset.done $0x0  }
0x1a0: {  	[sflag:s17] =	ssyncadd.s32 $0xFFFFC000  }
0x1a1: {  	[spmem:s1] =	stream.indirect.scatter.add.f32 [tilespmem:s12], [sflag:$0x3], $0x80, s22, s15, $0xb8;
	[tilespmem:$0x1D000] =	vst v63  }
0x1a2: {  	_ =	swait.ge [sflag:s13], $0x4000  }
0x1a3: {  	[sflag:s13] =	ssyncset.done $0x0  }
0x1a4: {  	[sflag:s13] =	ssyncadd.s32 $0xFFFFC000  }
0x1a5: {  	[tilespmem:s12], [sflag:$0x1] =	stream.indirect.gather [hbm4b:s4+s15], $0x80, s23, s15, $0xb8;
	[tilespmem:$0x1D000] =	vst v63  }
0x1a6: {  	_ =	swait.ge [sflag:s18], $0x4000  }
0x1a7: {  	[sflag:s18] =	ssyncset.done $0x0  }
0x1a8: {  	[sflag:s18] =	ssyncadd.s32 $0xFFFFC000  }
0x1a9: {  	[spmem:s1] =	stream.indirect.scatter.add.f32 [tilespmem:s16], [sflag:$0x3], $0x80, s24, s15, $0xb8;
	[tilespmem:$0x1D000] =	vst v63  }
0x1aa: {  	_ =	swait.ge [sflag:s13], $0x4000  }
0x1ab: {  	[sflag:s13] =	ssyncset.done $0x0  }
0x1ac: {  	[sflag:s13] =	ssyncadd.s32 $0xFFFFC000  }
0x1ad: {  	[tilespmem:s16], [sflag:$0x2] =	stream.indirect.gather [hbm4b:s4+s15], $0x80, s25, s15, $0xb8;
	[tilespmem:$0x1D000] =	vst v63  }
0x1ae: {  	_ =	swait.ge [sflag:s17], $0x4000  }
0x1af: {  	[sflag:s17] =	ssyncset.done $0x0  }
0x1b0: {  	[sflag:s17] =	ssyncadd.s32 $0xFFFFC000  }
0x1b1: {  	[spmem:s1] =	stream.indirect.scatter.add.f32 [tilespmem:s12], [sflag:$0x3], $0x80, s26, s15, $0xb8;
	[tilespmem:$0x1D000] =	vst v63  }
0x1b2: {  	_ =	swait.ge [sflag:s13], $0x4000  }
0x1b3: {  	[sflag:s13] =	ssyncset.done $0x0  }
0x1b4: {  	[sflag:s13] =	ssyncadd.s32 $0xFFFFC000  }
0x1b5: {  	[tilespmem:s12], [sflag:$0x1] =	stream.indirect.gather [hbm4b:s4+s15], $0x80, s28, s15, $0xb8;
	[tilespmem:$0x1D000] =	vst v63  }
0x1b6: {  	_ =	swait.ge [sflag:s18], $0x4000  }
0x1b7: {  	[sflag:s18] =	ssyncset.done $0x0  }
0x1b8: {  	[sflag:s18] =	ssyncadd.s32 $0xFFFFC000  }
0x1b9: {  	[spmem:s1] =	stream.indirect.scatter.add.f32 [tilespmem:s16], [sflag:$0x3], $0x80, s29, s15, $0xb8;
	[tilespmem:$0x1D000] =	vst v63  }
0x1ba: {  	_ =	swait.ge [sflag:s13], $0x4000  }
0x1bb: {  	[sflag:s13] =	ssyncset.done $0x0  }
0x1bc: {  	[sflag:s13] =	ssyncadd.s32 $0xFFFFC000  }
0x1bd: {  	[tilespmem:s16], [sflag:$0x2] =	stream.indirect.gather [hbm4b:s4+s15], $0x80, s30, s15, $0xb8;
	[tilespmem:$0x1D000] =	vst v63  }
0x1be: {  	_ =	swait.ge [sflag:s17], $0x4000  }
0x1bf: {  	[sflag:s17] =	ssyncset.done $0x0  }
0x1c0: {  	[sflag:s17] =	ssyncadd.s32 $0xFFFFC000  }
0x1c1: {  	[spmem:s1] =	stream.indirect.scatter.add.f32 [tilespmem:s12], [sflag:$0x3], $0x80, s31, s15, $0xb8;
	[tilespmem:$0x1D000] =	vst v63  }
0x1c2: {  	_ =	swait.ge [sflag:s13], $0x4000  }
0x1c3: {  	[sflag:s13] =	ssyncset.done $0x0  }
0x1c4: {  	[sflag:s13] =	ssyncadd.s32 $0xFFFFC000  }
0x1c5: {  	[tilespmem:s12], [sflag:$0x1] =	stream.indirect.gather [hbm4b:s4+s15], $0x80, s0, s15, $0xb8;
	[tilespmem:$0x1D000] =	vst v63  }
0x1c6: {  	_ =	swait.ge [sflag:s18], $0x4000  }
0x1c7: {  	[sflag:s18] =	ssyncset.done $0x0  }
0x1c8: {  	[sflag:s18] =	ssyncadd.s32 $0xFFFFC000  }
0x1c9: {  	[spmem:s1] =	stream.indirect.scatter.add.f32 [tilespmem:s16], [sflag:$0x3], $0x80, s2, s15, $0xb8;
	[tilespmem:$0x1D000] =	vst v63  }
0x1ca: {  	_ =	swait.ge [sflag:s13], $0x4000  }
0x1cb: {  	[sflag:s13] =	ssyncset.done $0x0  }
0x1cc: {  	[sflag:s13] =	ssyncadd.s32 $0xFFFFC000  }
0x1cd: {  	[tilespmem:s16], [sflag:$0x2] =	stream.indirect.gather [hbm4b:s4+s15], $0x80, s6, s15, $0xb8;
	[tilespmem:$0x1D000] =	vst v63  }
0x1ce: {  	_ =	swait.ge [sflag:s17], $0x4000  }
0x1cf: {  	[sflag:s17] =	ssyncset.done $0x0  }
0x1d0: {  	[sflag:s17] =	ssyncadd.s32 $0xFFFFC000  }
0x1d1: {  	[spmem:s1] =	stream.indirect.scatter.add.f32 [tilespmem:s12], [sflag:$0x3], $0x80, s7, s15, $0xb8;
	[tilespmem:$0x1D000] =	vst v63  }
0x1d2: {  	_ =	swait.ge [sflag:s13], $0x4000  }
0x1d3: {  	[sflag:s13] =	ssyncset.done $0x0  }
0x1d4: {  	[sflag:s13] =	ssyncadd.s32 $0xFFFFC000  }
0x1d5: {  	_ =	swait.ge [sflag:s18], $0x4000  }
0x1d6: {  	[sflag:s18] =	ssyncset.done $0x0  }
0x1d7: {  	[sflag:s18] =	ssyncadd.s32 $0xFFFFC000  }
0x1d8: {  	[spmem:s1] =	stream.indirect.scatter.add.f32 [tilespmem:s16], [sflag:$0x3], $0x80, s8, s15, $0xb8;
	[tilespmem:$0x1D000] =	vst v63  }
0x1d9: {  	_ =	swait.ge [sflag:s13], $0x4000  }
0x1da: {  	[sflag:s13] =	ssyncset.done $0x0  }
0x1db: {  	[sflag:s13] =	ssyncadd.s32 $0xFFFFC000  }
0x1dc: {  	s10 =	stileid.u32;
	[bflag:$0x0] =	sbarrier.arrive $0xFFFF  }
0x1dd: {  	s5 =	sshll.u32 s10, $0x6;
	s9 =	rddreg [dreg:$0x11]  }
0x1de: {  	s5 =	sor.u32 $0x1C03, s5;
	s11 =	rddreg [dreg:$0x12];
	s9 =	sshrl.u32 s9, $0x3  }
0x1df: {  	[hbm:s11], [sflag:s5] =	dma.local [spmem:s9], $0x2800  }
0x1e0: {  	_ =	swait.ge [sflag:s13], $0x2800  }
0x1e1: {  	s10 =	rddreg [dreg:$0x18]  }
0x1e2: {  	s11 =	rddreg [dreg:$0x13];
	s9 =	sadd.s32 $0x1, s10  }
0x1e3: {  	p0 =	sne.s32 s9, s11  }
.Ltmp2:
0x1e4: {  	_ = 	snop;
	(pc) =	sbr.rel @p0 .LBB2_1-.Ltmp2, $3  }
0x1e5: {  	_ =	sdelay $0x1  }
0x1e6: {  	[sflag:s13] =	ssyncset.done $0x0  }
0x1e7: {  	[sflag:s13] =	ssyncadd.s32 $0xFFFFD800  }
0x1e8: {  	_ =	sfence.sel $0x180000  }
0x1e9: {  	[bflag:$0x0] =	sbarrier.arrive $0xFFFF  }
0x1ea: {  	_ =	strace $0x9000004D  }
0x1eb: {  	s0 =	stileid.u32;
	[bflag:$0x2] =	sbarrier.arrive $0xFFFF  }
0x1ec: {  	p0 =	sne.s32 s0, $0x0;
	s0 =	rddreg [dreg:$0x2]  }
0x1ed: {  	s0 =	sadd.s32 @!p0 $0x100000, s0  }
0x1ee: {  	[sflag:s0] =	ssyncadd.tile.s32 @!p0 $0x1;
	_ =	shalt  }
.Lfunc_end2:
_tile_overlayer_lowered:
.L_overlay_start_2:
0x1ef: {  	(tag) =	ssettag $0x2  }
0x1f0: {  	s0 =	rddreg [dreg:$0x0];
	s2 =	stileid.u32  }
0x1f1: {  	s1 =	rddreg [dreg:$0x1];
	p0 =	sne.s32 s2, $0x0  }
0x1f2: {  	s3 =	rddreg [dreg:$0x2];
	[bflag:$0x3] =	sbarrier.arrive $0xFFFF;
	s2 =	simm.s32 @!p0 $0x1C03  }
0x1f3: {  	[timem:s3], [sflag:s2] =	dma.local @!p0 [hbm:s0], s1  }
0x1f4: {  	s0 =	simm.s32 @!p0 $0x3  }
0x1f5: {  	_ =	swait.ge @!p0 [sflag:s0], s1  }
0x1f6: {  	s1 =	ssub.s32 @!p0 $0x0, s1;
	[sflag:s0] =	ssyncset.done @!p0 $0x0  }
0x1f7: {  	[sflag:s0] =	ssyncadd.s32 @!p0 s1  }
0x1f8: {  	[bflag:$0x3] =	sbarrier.arrive $0xFFFF  }
0x1f9: {  	_ =	shalt  }

// kernel: kernel.19.cloned.1.call-start
scs
__scs_entry_jumppad:
0x0: {  	(pc) =	sbr.rel $0x88, $3  }
0x1: {  	(tag) =	ssettag $0x0;
	lr =	simm.s32 $0x1  }
0x2: {  	[smem:$0x3F93] =	sst lr;
	_ =	strace $0xD0000000  }
0x3: {  	_ = 	snop  }
0x4: {  	_ = 	snop  }
0x5: {  	_ = 	snop  }
0x6: {  	_ = 	snop  }
0x7: {  	_ = 	snop  }
__scs_overlays_trampoline_lowered:
0x8: {  	[smem:$0x3FA2] =	sst s0  }
0x9: {  	[smem:$0x3FA3] =	sst s1  }
0xa: {  	[smem:$0x3FA4] =	sst s2  }
0xb: {  	[smem:$0x3FA5] =	sst s3  }
0xc: {  	[smem:$0x3FA6] =	sst s4  }
0xd: {  	[smem:$0x3FA7] =	sst s5  }
0xe: {  	[smem:$0x3FA8] =	sst s6  }
0xf: {  	[smem:$0x3FA9] =	sst s7  }
0x10: {  	[smem:$0x3FAA] =	sst s8  }
0x11: {  	[smem:$0x3FAB] =	sst s9;
	s0 =	simm.s32 @!p0 $0x0  }
0x12: {  	s1 =	sld [smem:$0x3F91];
	s0 =	simm.s32 @p0 $0x1  }
0x13: {  	[smem:$0x3FAC] =	sst s0;
	s0 =	simm.s32 @!p1 $0x0  }
0x14: {  	s2 =	sld [smem:$0x3F90];
	s0 =	simm.s32 @p1 $0x1  }
0x15: {  	[smem:$0x3FAD] =	sst s0;
	s0 =	simm.s32 @!p2 $0x0  }
0x16: {  	s3 =	sld [smem:$0x3FDB];
	s0 =	simm.s32 @p2 $0x1  }
0x17: {  	s4 =	simm.s32 $0x1BF5;
	[smem:$0x3FAF] =	sst s0  }
0x18: {  	s0 =	sld [smem:$0x3F92];
	_ =	swait.ge [sflag:s4], $0x0  }
0x19: {  	s7 =	sld [smem:$0x3F93]  }
0x1a: {  	s8 =	sadd.s32 $0xFFFFE003, lr  }
0x1b: {  	s9 =	sadd.s32 $0xFFFFFEF7, lr;
	s5 =	simm.s32 $0xFFFFFFFF;
	p2 =	slt.u32 s8, $0xFFFFF086  }
0x1c: {  	p1 =	slt.u32 s9, $0xF7A;
	s5 =	simm.s32 @!p2 $0x0  }
0x1d: {  	s5 =	simm.s32 @p1 $0x1;
	p0 =	seq.s32 s7, s2  }
0x1e: {  	s7 =	smul.u32 @!p0 $0xF7A, s2;
	p2 =	seq.s32 @!p0 s5, $0x0  }
0x1f: {  	s9 =	smul.u32 $0xF7A, s1;
	s8 =	simm.s32 @!p0 $0x1BF5;
	p2 =	por !p2, p0  }
0x20: {  	[sflag:s8] =	ssyncset.s32 @!p0 $0xFFFFF086;
	s6 =	sadd.s32 @!p0 s3, s7;
	s7 =	simm.s32 @!p0 $0x108  }
0x21: {  	s3 =	sadd.s32 s3, s9;
	s6 =	sadd.s32 @!p0 $0x88, s6;
	s7 =	simm.s32 @p2 $0x1082  }
0x22: {  	[simem:s7], [sflag:s8] =	dma.local @!p0 [hbm:s6], $0xF7A  }
0x23: {  	s9 =	sor.u32 $0xD0000000, s2;
	s6 =	simm.s32 $0x108;
	_ =	swait.ge @!p0 [sflag:s8], $0x0  }
0x24: {  	s3 =	sadd.s32 $0x88, s3;
	s6 =	simm.s32 @!p1 $0x1082;
	[sflag:s4] =	ssyncset.s32 $0xFFFFF086  }
0x25: {  	[simem:s6], [sflag:s4] =	dma.local [hbm:s3], $0xF7A  }
0x26: {  	[smem:$0x3F93] =	sst s1;
	(tag) =	ssettag s2;
	_ =	strace s9  }
0x27: {  	s1 =	sld [smem:$0x3FA3]  }
0x28: {  	s2 =	sld [smem:$0x3FA4]  }
0x29: {  	s4 =	sld [smem:$0x3FA6]  }
0x2a: {  	p0 =	seq.s32 s5, $0x0;
	s5 =	sld [smem:$0x3FA7]  }
0x2b: {  	s6 =	sld [smem:$0x3FA8]  }
0x2c: {  	s7 =	sld [smem:$0x3FA9]  }
0x2d: {  	s3 =	simm.s32 $0x108;
	s8 =	sld [smem:$0x3FAA]  }
0x2e: {  	s3 =	simm.s32 @!p0 $0x1082;
	s9 =	sld [smem:$0x3FAB]  }
0x2f: {  	lr =	sadd.s32 s0, s3;
	s0 =	sld [smem:$0x3FA2]  }
0x30: {  	s3 =	sld [smem:$0x3FA5]  }
0x31: {  	[smem:$0x3FAE] =	sst s10  }
0x32: {  	s10 =	sld [smem:$0x3FAC];
	_ =	sdelay $0x3  }
0x33: {  	p0 =	seq.s32 s10, $0x1;
	s10 =	sld [smem:$0x3FAE];
	_ =	sdelay $0x3  }
0x34: {  	[smem:$0x3FAE] =	sst s10  }
0x35: {  	s10 =	sld [smem:$0x3FAD];
	_ =	sdelay $0x3  }
0x36: {  	p1 =	seq.s32 s10, $0x1;
	s10 =	sld [smem:$0x3FAE];
	_ =	sdelay $0x3  }
0x37: {  	[smem:$0x3FAE] =	sst s10  }
0x38: {  	s10 =	sld [smem:$0x3FAF]  }
0x39: {  	_ = 	snop;
	(pc) =	sbr.ind lr, $3  }
0x3a: {  	_ = 	snop  }
0x3b: {  	_ = 	snop  }
0x3c: {  	p2 =	seq.s32 s10, $0x1;
	s10 =	sld [smem:$0x3FAE]  }
0x3d: {  	_ =	shalt  }
0x3e: {  	_ =	shalt  }
0x3f: {  	_ =	shalt  }
0x40: {  	_ =	shalt  }
0x41: {  	_ =	shalt  }
0x42: {  	_ =	shalt  }
0x43: {  	_ =	shalt  }
0x44: {  	_ =	shalt  }
0x45: {  	_ =	shalt  }
0x46: {  	_ =	shalt  }
0x47: {  	_ =	shalt  }
0x48: {  	_ =	shalt  }
0x49: {  	_ =	shalt  }
0x4a: {  	_ =	shalt  }
0x4b: {  	_ =	shalt  }
0x4c: {  	_ =	shalt  }
0x4d: {  	_ =	shalt  }
0x4e: {  	_ =	shalt  }
0x4f: {  	_ =	shalt  }
0x50: {  	_ =	shalt  }
0x51: {  	_ =	shalt  }
0x52: {  	_ =	shalt  }
0x53: {  	_ =	shalt  }
0x54: {  	_ =	shalt  }
0x55: {  	_ =	shalt  }
0x56: {  	_ =	shalt  }
0x57: {  	_ =	shalt  }
0x58: {  	_ =	shalt  }
0x59: {  	_ =	shalt  }
0x5a: {  	_ =	shalt  }
0x5b: {  	_ =	shalt  }
0x5c: {  	_ =	shalt  }
0x5d: {  	_ =	shalt  }
0x5e: {  	_ =	shalt  }
0x5f: {  	_ =	shalt  }
0x60: {  	_ =	shalt  }
0x61: {  	_ =	shalt  }
0x62: {  	_ =	shalt  }
0x63: {  	_ =	shalt  }
0x64: {  	_ =	shalt  }
0x65: {  	_ =	shalt  }
0x66: {  	_ =	shalt  }
0x67: {  	_ =	shalt  }
0x68: {  	_ =	shalt  }
0x69: {  	_ =	shalt  }
0x6a: {  	_ =	shalt  }
0x6b: {  	_ =	shalt  }
0x6c: {  	_ =	shalt  }
0x6d: {  	_ =	shalt  }
0x6e: {  	_ =	shalt  }
0x6f: {  	_ =	shalt  }
0x70: {  	_ =	shalt  }
0x71: {  	_ =	shalt  }
0x72: {  	_ =	shalt  }
0x73: {  	_ =	shalt  }
0x74: {  	_ =	shalt  }
0x75: {  	_ =	shalt  }
0x76: {  	_ =	shalt  }
0x77: {  	_ =	shalt  }
0x78: {  	_ =	shalt  }
0x79: {  	_ =	shalt  }
0x7a: {  	_ =	shalt  }
0x7b: {  	_ =	shalt  }
0x7c: {  	_ =	shalt  }
0x7d: {  	_ =	shalt  }
0x7e: {  	_ =	shalt  }
0x7f: {  	_ =	shalt  }
0x80: {  	_ =	shalt  }
0x81: {  	_ =	shalt  }
0x82: {  	_ =	shalt  }
0x83: {  	_ =	shalt  }
0x84: {  	_ =	shalt  }
0x85: {  	_ =	shalt  }
0x86: {  	_ =	shalt  }
0x87: {  	_ =	shalt  }
.Lfunc_end0:
.L_simem_size_0:
called_computation.3_lowered:
.L_overlay_start_0:
0x88: {  	s2 =	sld [smem:$0x3FD9]  }
0x89: {  	s3 =	sld [smem:$0x3FFE];
	_ =	sdelay $0x1  }
0x8a: {  	s1 =	srdreg.scid  }
0x8b: {  	s0 =	sand.u32 $0x1, s1  }
0x8c: {  	s16 =	sshll.u32 s0, $0xA;
	s2 =	sadd.s32 s3, s2  }
0x8d: {  	s2 =	sadd.s32 s2, s16  }
0x8e: {  	[smem:$0x3FBA] =	sst s2  }
0x8f: {  	_ = 	snop  }
0x90: {  	(tm) =	ssettm $0x1  }
0x91: {  	s17 =	sld [smem:$0x3FFB];
	_ =	sdelay $0x3  }
0x92: {  	_ =	strace s17  }
0x93: {  	s2 =	sld [smem:$0x3FFC];
	_ =	sdelay $0x3  }
0x94: {  	_ =	strace s2  }
0x95: {  	s2 =	sld [smem:$0x3FFD];
	_ =	sdelay $0x3  }
0x96: {  	_ =	strace s2  }
0x97: {  	_ =	strace $0x8FFFFFFF  }
0x98: {  	s18 =	sld [smem:$0x3FDB];
	_ =	sdelay $0x1  }
0x99: {  	s19 =	simm.s32 $_scs_section_size  }
0x9a: {  	s4 =	simm.s32 $_size__tile_overlayer_lowered;
	s5 =	simm.s32 $_tile_overlayer_lowered  }
0x9b: {  	s22 =	simm.s32 $0x1BFF;
	s21 =	sshll.u32 s5, $0x1;
	s2 =	sadd.s32 s19, s18  }
0x9c: {  	s6 =	simm.s32 $0x0;
	s20 =	sshll.u32 s4, $0x1;
	s4 =	sadd.s32 s21, s2  }
0x9d: {  	[timem:s6], [sflag:s22] =	dma.local [hbm:s4], s20  }
0x9e: {  	_ =	swait.ge [sflag:s22], s20  }
0x9f: {  	s3 =	ssub.s32 $0x0, s20;
	[sflag:s22] =	ssyncset.done $0x0  }
0xa0: {  	[sflag:s22] =	ssyncadd.s32 s3;
	_ =	sdelay $0x1  }
0xa1: {  	s23 =	simm.s32 $0x1B8B  }
0xa2: {  	_ =	swait.ge [sflag:s23], $0x1  }
0xa3: {  	[sflag:s23] =	ssyncset.done $0x0  }
0xa4: {  	s25 =	simm.s32 $0x1B8E;
	s24 =	sld [smem:$0x3FFE];
	[sflag:s23] =	ssyncadd.s32 $0xFFFFFFFF  }
0xa5: {  	s26 =	simm.s32 $execute0_lowered;
	[smem:$0x3FD2] =	sst s25  }
0xa6: {  	s4 =	sshll.u32 s26, $0x1;
	_ =	strace $0x8000004F;
	[dreg:$0x1] =	wrdreg $0xFFFFFFFF  }
0xa7: {  	s28 =	simm.s32 $_size_execute0_lowered;
	s2 =	sadd.s32 s2, s4;
	[dreg:$0x0] =	wrdreg $0x0  }
0xa8: {  	s4 =	sshll.u32 s28, $0x1;
	[dreg:$0x2] =	wrdreg s2  }
0xa9: {  	[dreg:$0x3] =	wrdreg s4  }
0xaa: {  	[dreg:$0x4] =	wrdreg $0xC0  }
0xab: {  	_ =	task [dreg:s6], $0x5FFFF  }
0xac: {  	[dreg:$0x1] =	wrdreg $0xFFFFFFFF  }
0xad: {  	[dreg:$0x0] =	wrdreg $0x60  }
0xae: {  	[dreg:$0x2] =	wrdreg s24  }
0xaf: {  	[dreg:$0x3] =	wrdreg $0x90000  }
0xb0: {  	[dreg:$0x4] =	wrdreg $0x9  }
0xb1: {  	_ =	task.clear_ibuf [dreg:s6], $0x5FFFF;
	_ =	strace $0x9000004F  }
0xb2: {  	s29 =	simm.s32 $0x9;
	_ =	strace $0x80000051  }
0xb3: {  	_ =	swait.ge [sflag:s29], $0x1  }
0xb4: {  	[sflag:s29] =	ssyncadd.s32 $0xFFFFFFFF  }
0xb5: {  	_ =	strace $0x90000051  }
0xb6: {  	_ =	sfence  }
0xb7: {  	s30 =	sld [smem:$0x0];
	_ =	sdelay $0x2  }
0xb8: {  	s31 =	sshll.u32 s1, $0xD;
	s1 =	sshrl.u32 s1, $0x2  }
0xb9: {  	s3 =	sand.u32 $0x4000, s31;
	s1 =	sadd.s32 s1, s30  }
0xba: {  	s0 =	sor.u32 s3, s0;
	s1 =	sshll.u32 s1, $0x11  }
0xbb: {  	s0 =	sor.u32 s1, s0  }
0xbc: {  	s0 =	sadd.s32 $0x8F2B, s0  }
0xbd: {  	[sflag:s0] =	ssyncadd.remote.s32 $0x1  }
0xbe: {  	_ =	sfence.sel $0xFFFF  }
0xbf: {  	[dreg:$0x0] =	wrdreg $0xFFFFFFFF;
	(pc) =	sbr.abs _section_cstart, $3  }
0xc0: {  	[dreg:$0x1] =	wrdreg $0xFFFFFFFF  }
0xc1: {  	_ =	task.clear_ibuf [dreg:s6], $0x2FFFF;
	_ =	strace $0x9FFFFFFF  }
0xc2: {  	(tm) =	ssettm $0x7FFFFFFF  }
0xc3: {  	_ =	shalt  }
tec
execute0_lowered:
.L_overlay_start_1:
0x0: {  	(tag) =	ssettag $0x1  }
0x1: {  	s0 =	rddreg [dreg:$0x0];
	s2 =	srdreg.scid  }
0x2: {  	s1 =	rddreg [dreg:$0x1];
	s3 =	simm.s32 $0x0;
	s9 =	stileid.u32  }
0x3: {  	s11 =	simm.s32 $0x100;
	s12 =	simm.s32 $0x880;
	s13 =	simm.s32 $0x180  }
0x4: {  	s15 =	simm.s32 $0x900;
	s17 =	simm.s32 $0x200;
	[smem:$0x7FF] =	sst s3  }
0x5: {  	s19 =	simm.s32 $0x980;
	_ =	strace $0x80000050;
	[dreg:$0x5] =	wrdreg s11  }
0x6: {  	s21 =	simm.s32 $0x280;
	s22 =	simm.s32 $0xA00;
	[dreg:$0x6] =	wrdreg s12  }
0x7: {  	s23 =	simm.s32 $0x300;
	s24 =	simm.s32 $0xA80;
	[dreg:$0x7] =	wrdreg s13  }
0x8: {  	s25 =	simm.s32 $0x380;
	s28 =	simm.s32 $0x600;
	[dreg:$0x8] =	wrdreg s15  }
0x9: {  	s29 =	simm.s32 $0xD80;
	s7 =	smul.u32 $0x2800, s9;
	[dreg:$0x9] =	wrdreg s17  }
0xa: {  	s30 =	simm.s32 $0x680;
	s8 =	smul.u32 $0x500, s9;
	[dreg:$0xa] =	wrdreg s19  }
0xb: {  	s2 =	sand.u32 $0x1, s2;
	s9 =	smul.u32 $0x50000, s9;
	[dreg:$0xb] =	wrdreg s21  }
0xc: {  	s31 =	simm.s32 $0xE00;
	s5 =	smul.u32 $0x5000, s2;
	[dreg:$0xc] =	wrdreg s22  }
0xd: {  	s4 =	sadd.s32 $0x18000, s0;
	s6 =	smul.u32 $0x28000, s2;
	[dreg:$0xd] =	wrdreg s23  }
0xe: {  	s2 =	ssub.s32 $0x2, s2;
	s12 =	simm.s32 $0x1000;
	[dreg:$0xe] =	wrdreg s24  }
0xf: {  	s13 =	simm.s32 $0x3;
	s15 =	simm.s32 $0x80;
	[dreg:$0xf] =	wrdreg s25  }
0x10: {  	s17 =	simm.s32 $0x1;
	s19 =	simm.s32 $0x400;
	s21 =	simm.s32 $0x480  }
0x11: {  	s22 =	simm.s32 $0xC00;
	s23 =	simm.s32 $0x500;
	s24 =	simm.s32 $0xC80  }
0x12: {  	s25 =	simm.s32 $0x580;
	s26 =	sshrl.u32 s2, $0x1;
	s9 =	sshrl.u32 s9, $0x2  }
0x13: {  	s5 =	sadd.s32 s5, s0;
	s6 =	sadd.s32 s7, s6;
	s2 =	ssub.s32 s2, s26  }
0x14: {  	s10 =	sadd.s32 s9, s1;
	s26 =	simm.s32 $0xB00;
	s7 =	simm.s32 $0xF00  }
0x15: {  	s9 =	simm.s32 $0x0;
	s5 =	sadd.s32 s8, s5;
	[dreg:$0x11] =	wrdreg s10  }
0x16: {  	s0 =	sadd.s32 s6, s0;
	s2 =	smax.u32 s2, $0x1;
	[dreg:$0x10] =	wrdreg s26  }
0x17: {  	s14 =	sadd.s32 $0x4000, s10;
	s16 =	sadd.s32 $0x8000, s10;
	[dreg:$0x13] =	wrdreg s2  }
0x18: {  	s18 =	sadd.s32 $0xC000, s10;
	s20 =	sadd.s32 $0x10000, s10;
	[dreg:$0x14] =	wrdreg s14  }
0x19: {  	s26 =	simm.s32 $0xD00;
	s6 =	simm.s32 $0x780;
	[dreg:$0x15] =	wrdreg s16  }
0x1a: {  	s8 =	sadd.s32 $0xE000, s5;
	s5 =	sadd.s32 $0x4000, s5;
	[dreg:$0x16] =	wrdreg s18  }
0x1b: {  	s0 =	sadd.s32 $0x40000, s0;
	[dreg:$0x17] =	wrdreg s20;
	s14 =	simm.s32 $0x800  }
0x1c: {  	s16 =	simm.s32 $0x5000;
	s18 =	simm.s32 $0x2;
	[dreg:$0x3] =	wrdreg s8  }
0x1d: {  	s20 =	simm.s32 $0xB80;
	s2 =	simm.s32 $0xE80;
	[dreg:$0x4] =	wrdreg s5  }
0x1e: {  	v0 =	vimm.f32 $0.0e+00;
	[dreg:$0x12] =	wrdreg s0;
	s0 =	simm.s32 $0x700;
	s8 =	simm.s32 $0xF80  }
.LBB2_1:
0x1f: {  	s5 =	sand.u32 $0xFE00, s3  }
0x20: {  	[dreg:$0x18] =	wrdreg s9;
	s11 =	sand.u32 $0x70, s3;
	s5 =	sshrl.u32 s5, $0x2  }
0x21: {  	s10 =	simm.s32 $0x40;
	s5 =	sor.u32 s11, s5;
	s11 =	simm.s32 $0x0  }
.LBB2_2:
0x22: {  	p0 =	sne.s32 s10, $0xFFC0  }
0x23: {  	[tilespmem:s5+$0x1000] =	vst v0;
	s11 =	sadd.s32 $0x10, s11;
	s5 =	smov.u32 s10;
	s10 =	sadd.s32 $0x40, s10  }
.Ltmp0:
0x24: {  	(pc) =	sbr.rel @p0 .LBB2_2-.Ltmp0, $4  }
0x25: {  	_ = 	snop  }
0x26: {  	s5 =	sand.u32 $0xFE00, s5  }
0x27: {  	s9 =	sand.u32 $0x70, s11;
	s5 =	sshrl.u32 s5, $0x2  }
0x28: {  	s5 =	sor.u32 s9, s5  }
0x29: {  	[tilespmem:s5+$0x1000] =	vst v0;
	s11 =	rddreg [dreg:$0x11]  }
0x2a: {  	[spmem:s11] =	stream.linear.scatter [tilespmem:s12], [sflag:$0x3], $0x4000, $0x38;
	[tilespmem:$0x1D000] =	vst v63  }
0x2b: {  	_ =	swait.ge [sflag:s13], $0x4000  }
0x2c: {  	[sflag:s13] =	ssyncset.done $0x0  }
0x2d: {  	s9 =	rddreg [dreg:$0x14];
	[sflag:s13] =	ssyncadd.s32 $0xFFFFC000  }
0x2e: {  	[spmem:s9] =	stream.linear.scatter [tilespmem:s12], [sflag:$0x3], $0x4000, $0x38;
	[tilespmem:$0x1D000] =	vst v63  }
0x2f: {  	_ =	swait.ge [sflag:s13], $0x4000  }
0x30: {  	[sflag:s13] =	ssyncset.done $0x0  }
0x31: {  	s10 =	rddreg [dreg:$0x15];
	[sflag:s13] =	ssyncadd.s32 $0xFFFFC000  }
0x32: {  	[spmem:s10] =	stream.linear.scatter [tilespmem:s12], [sflag:$0x3], $0x4000, $0x38;
	[tilespmem:$0x1D000] =	vst v63  }
0x33: {  	_ =	swait.ge [sflag:s13], $0x4000  }
0x34: {  	[sflag:s13] =	ssyncset.done $0x0  }
0x35: {  	s11 =	rddreg [dreg:$0x16];
	[sflag:s13] =	ssyncadd.s32 $0xFFFFC000  }
0x36: {  	[spmem:s11] =	stream.linear.scatter [tilespmem:s12], [sflag:$0x3], $0x4000, $0x38;
	[tilespmem:$0x1D000] =	vst v63  }
0x37: {  	_ =	swait.ge [sflag:s13], $0x4000  }
0x38: {  	[sflag:s13] =	ssyncset.done $0x0  }
0x39: {  	s9 =	rddreg [dreg:$0x17];
	[sflag:s13] =	ssyncadd.s32 $0xFFFFC000  }
0x3a: {  	[spmem:s9] =	stream.linear.scatter [tilespmem:s12], [sflag:$0x3], $0x4000, $0x38;
	[tilespmem:$0x1D000] =	vst v63  }
0x3b: {  	_ =	swait.ge [sflag:s13], $0x4000  }
0x3c: {  	[sflag:s13] =	ssyncset.done $0x0  }
0x3d: {  	[sflag:s13] =	ssyncadd.s32 $0xFFFFC000  }
0x3e: {  	[bflag:$0x0] =	sbarrier.arrive $0xFFFF  }
0x3f: {  	s10 =	rddreg [dreg:$0x3]  }
0x40: {  	s5 =	sadd.s32 $0x0, s10  }
0x41: {  	[tilespmem:s3], [sflag:$0x3] =	stream.linear.gather [hbm4b:s5+s3], $0x800, $0x38;
	[tilespmem:$0x1D000] =	vst v63  }
0x42: {  	_ =	swait.ge [sflag:s13], $0x800  }
0x43: {  	s11 =	rddreg [dreg:$0x4];
	[sflag:s13] =	ssyncset.done $0x0  }
0x44: {  	[sflag:s13] =	ssyncadd.s32 $0xFFFFF800;
	s5 =	sadd.s32 $0x0, s11  }
0x45: {  	[tilespmem:s14], [sflag:$0x3] =	stream.linear.gather [hbm4b:s5+s3], $0x800, $0x38;
	[tilespmem:$0x1D000] =	vst v63  }
0x46: {  	_ =	swait.ge [sflag:s13], $0x800  }
0x47: {  	[sflag:s13] =	ssyncset.done $0x0  }
0x48: {  	[sflag:s13] =	ssyncadd.s32 $0xFFFFF800  }
0x49: {  	[tilespmem:s12], [sflag:$0x1] =	stream.indirect.gather [hbm4b:s4+s15], $0x80, s3, s15, $0xb8;
	[tilespmem:$0x1D000] =	vst v63  }
0x4a: {  	_ = 	snop  }
0x4b: {  	[tilespmem:s16], [sflag:$0x2] =	stream.indirect.gather [hbm4b:s4+s15], $0x80, s15, s15, $0xb8;
	[tilespmem:$0x1D000] =	vst v63  }
0x4c: {  	_ =	swait.ge [sflag:s17], $0x4000  }
0x4d: {  	[sflag:s17] =	ssyncset.done $0x0  }
0x4e: {  	[sflag:s17] =	ssyncadd.s32 $0xFFFFC000  }
0x4f: {  	[spmem:s1] =	stream.indirect.scatter.add.f32 [tilespmem:s12], [sflag:$0x3], $0x80, s14, s15, $0xb8;
	[tilespmem:$0x1D000] =	vst v63  }
0x50: {  	_ =	swait.ge [sflag:s13], $0x4000  }
0x51: {  	[sflag:s13] =	ssyncset.done $0x0  }
0x52: {  	s9 =	rddreg [dreg:$0x5];
	[sflag:s13] =	ssyncadd.s32 $0xFFFFC000  }
0x53: {  	[tilespmem:s12], [sflag:$0x1] =	stream.indirect.gather [hbm4b:s4+s15], $0x80, s9, s15, $0xb8;
	[tilespmem:$0x1D000] =	vst v63  }
0x54: {  	_ =	swait.ge [sflag:s18], $0x4000  }
0x55: {  	[sflag:s18] =	ssyncset.done $0x0  }
0x56: {  	s10 =	rddreg [dreg:$0x6];
	[sflag:s18] =	ssyncadd.s32 $0xFFFFC000  }
0x57: {  	[spmem:s1] =	stream.indirect.scatter.add.f32 [tilespmem:s16], [sflag:$0x3], $0x80, s10, s15, $0xb8;
	[tilespmem:$0x1D000] =	vst v63  }
0x58: {  	_ =	swait.ge [sflag:s13], $0x4000  }
0x59: {  	[sflag:s13] =	ssyncset.done $0x0  }
0x5a: {  	s11 =	rddreg [dreg:$0x7];
	[sflag:s13] =	ssyncadd.s32 $0xFFFFC000  }
0x5b: {  	[tilespmem:s16], [sflag:$0x2] =	stream.indirect.gather [hbm4b:s4+s15], $0x80, s11, s15, $0xb8;
	[tilespmem:$0x1D000] =	vst v63  }
0x5c: {  	_ =	swait.ge [sflag:s17], $0x4000  }
0x5d: {  	[sflag:s17] =	ssyncset.done $0x0  }
0x5e: {  	s9 =	rddreg [dreg:$0x8];
	[sflag:s17] =	ssyncadd.s32 $0xFFFFC000  }
0x5f: {  	[spmem:s1] =	stream.indirect.scatter.add.f32 [tilespmem:s12], [sflag:$0x3], $0x80, s9, s15, $0xb8;
	[tilespmem:$0x1D000] =	vst v63  }
0x60: {  	_ =	swait.ge [sflag:s13], $0x4000  }
0x61: {  	[sflag:s13] =	ssyncset.done $0x0  }
0x62: {  	s10 =	rddreg [dreg:$0x9];
	[sflag:s13] =	ssyncadd.s32 $0xFFFFC000  }
0x63: {  	[tilespmem:s12], [sflag:$0x1] =	stream.indirect.gather [hbm4b:s4+s15], $0x80, s10, s15, $0xb8;
	[tilespmem:$0x1D000] =	vst v63  }
0x64: {  	_ =	swait.ge [sflag:s18], $0x4000  }
0x65: {  	[sflag:s18] =	ssyncset.done $0x0  }
0x66: {  	s11 =	rddreg [dreg:$0xa];
	[sflag:s18] =	ssyncadd.s32 $0xFFFFC000  }
0x67: {  	[spmem:s1] =	stream.indirect.scatter.add.f32 [tilespmem:s16], [sflag:$0x3], $0x80, s11, s15, $0xb8;
	[tilespmem:$0x1D000] =	vst v63  }
0x68: {  	_ =	swait.ge [sflag:s13], $0x4000  }
0x69: {  	[sflag:s13] =	ssyncset.done $0x0  }
0x6a: {  	s9 =	rddreg [dreg:$0xb];
	[sflag:s13] =	ssyncadd.s32 $0xFFFFC000  }
0x6b: {  	[tilespmem:s16], [sflag:$0x2] =	stream.indirect.gather [hbm4b:s4+s15], $0x80, s9, s15, $0xb8;
	[tilespmem:$0x1D000] =	vst v63  }
0x6c: {  	_ =	swait.ge [sflag:s17], $0x4000  }
0x6d: {  	[sflag:s17] =	ssyncset.done $0x0  }
0x6e: {  	s10 =	rddreg [dreg:$0xc];
	[sflag:s17] =	ssyncadd.s32 $0xFFFFC000  }
0x6f: {  	[spmem:s1] =	stream.indirect.scatter.add.f32 [tilespmem:s12], [sflag:$0x3], $0x80, s10, s15, $0xb8;
	[tilespmem:$0x1D000] =	vst v63  }
0x70: {  	_ =	swait.ge [sflag:s13], $0x4000  }
0x71: {  	[sflag:s13] =	ssyncset.done $0x0  }
0x72: {  	s11 =	rddreg [dreg:$0xd];
	[sflag:s13] =	ssyncadd.s32 $0xFFFFC000  }
0x73: {  	[tilespmem:s12], [sflag:$0x1] =	stream.indirect.gather [hbm4b:s4+s15], $0x80, s11, s15, $0xb8;
	[tilespmem:$0x1D000] =	vst v63  }
0x74: {  	_ =	swait.ge [sflag:s18], $0x4000  }
0x75: {  	[sflag:s18] =	ssyncset.done $0x0  }
0x76: {  	s9 =	rddreg [dreg:$0xe];
	[sflag:s18] =	ssyncadd.s32 $0xFFFFC000  }
0x77: {  	[spmem:s1] =	stream.indirect.scatter.add.f32 [tilespmem:s16], [sflag:$0x3], $0x80, s9, s15, $0xb8;
	[tilespmem:$0x1D000] =	vst v63  }
0x78: {  	_ =	swait.ge [sflag:s13], $0x4000  }
0x79: {  	[sflag:s13] =	ssyncset.done $0x0  }
0x7a: {  	s10 =	rddreg [dreg:$0xf];
	[sflag:s13] =	ssyncadd.s32 $0xFFFFC000  }
0x7b: {  	[tilespmem:s16], [sflag:$0x2] =	stream.indirect.gather [hbm4b:s4+s15], $0x80, s10, s15, $0xb8;
	[tilespmem:$0x1D000] =	vst v63  }
0x7c: {  	_ =	swait.ge [sflag:s17], $0x4000  }
0x7d: {  	[sflag:s17] =	ssyncset.done $0x0  }
0x7e: {  	s11 =	rddreg [dreg:$0x10];
	[sflag:s17] =	ssyncadd.s32 $0xFFFFC000  }
0x7f: {  	[spmem:s1] =	stream.indirect.scatter.add.f32 [tilespmem:s12], [sflag:$0x3], $0x80, s11, s15, $0xb8;
	[tilespmem:$0x1D000] =	vst v63  }
0x80: {  	_ =	swait.ge [sflag:s13], $0x4000  }
0x81: {  	[sflag:s13] =	ssyncset.done $0x0  }
0x82: {  	[sflag:s13] =	ssyncadd.s32 $0xFFFFC000  }
0x83: {  	[tilespmem:s12], [sflag:$0x1] =	stream.indirect.gather [hbm4b:s4+s15], $0x80, s19, s15, $0xb8;
	[tilespmem:$0x1D000] =	vst v63  }
0x84: {  	_ =	swait.ge [sflag:s18], $0x4000  }
0x85: {  	[sflag:s18] =	ssyncset.done $0x0  }
0x86: {  	[sflag:s18] =	ssyncadd.s32 $0xFFFFC000  }
0x87: {  	[spmem:s1] =	stream.indirect.scatter.add.f32 [tilespmem:s16], [sflag:$0x3], $0x80, s20, s15, $0xb8;
	[tilespmem:$0x1D000] =	vst v63  }
0x88: {  	_ =	swait.ge [sflag:s13], $0x4000  }
0x89: {  	[sflag:s13] =	ssyncset.done $0x0  }
0x8a: {  	[sflag:s13] =	ssyncadd.s32 $0xFFFFC000  }
0x8b: {  	[tilespmem:s16], [sflag:$0x2] =	stream.indirect.gather [hbm4b:s4+s15], $0x80, s21, s15, $0xb8;
	[tilespmem:$0x1D000] =	vst v63  }
0x8c: {  	_ =	swait.ge [sflag:s17], $0x4000  }
0x8d: {  	[sflag:s17] =	ssyncset.done $0x0  }
0x8e: {  	[sflag:s17] =	ssyncadd.s32 $0xFFFFC000  }
0x8f: {  	[spmem:s1] =	stream.indirect.scatter.add.f32 [tilespmem:s12], [sflag:$0x3], $0x80, s22, s15, $0xb8;
	[tilespmem:$0x1D000] =	vst v63  }
0x90: {  	_ =	swait.ge [sflag:s13], $0x4000  }
0x91: {  	[sflag:s13] =	ssyncset.done $0x0  }
0x92: {  	[sflag:s13] =	ssyncadd.s32 $0xFFFFC000  }
0x93: {  	[tilespmem:s12], [sflag:$0x1] =	stream.indirect.gather [hbm4b:s4+s15], $0x80, s23, s15, $0xb8;
	[tilespmem:$0x1D000] =	vst v63  }
0x94: {  	_ =	swait.ge [sflag:s18], $0x4000  }
0x95: {  	[sflag:s18] =	ssyncset.done $0x0  }
0x96: {  	[sflag:s18] =	ssyncadd.s32 $0xFFFFC000  }
0x97: {  	[spmem:s1] =	stream.indirect.scatter.add.f32 [tilespmem:s16], [sflag:$0x3], $0x80, s24, s15, $0xb8;
	[tilespmem:$0x1D000] =	vst v63  }
0x98: {  	_ =	swait.ge [sflag:s13], $0x4000  }
0x99: {  	[sflag:s13] =	ssyncset.done $0x0  }
0x9a: {  	[sflag:s13] =	ssyncadd.s32 $0xFFFFC000  }
0x9b: {  	[tilespmem:s16], [sflag:$0x2] =	stream.indirect.gather [hbm4b:s4+s15], $0x80, s25, s15, $0xb8;
	[tilespmem:$0x1D000] =	vst v63  }
0x9c: {  	_ =	swait.ge [sflag:s17], $0x4000  }
0x9d: {  	[sflag:s17] =	ssyncset.done $0x0  }
0x9e: {  	[sflag:s17] =	ssyncadd.s32 $0xFFFFC000  }
0x9f: {  	[spmem:s1] =	stream.indirect.scatter.add.f32 [tilespmem:s12], [sflag:$0x3], $0x80, s26, s15, $0xb8;
	[tilespmem:$0x1D000] =	vst v63  }
0xa0: {  	_ =	swait.ge [sflag:s13], $0x4000  }
0xa1: {  	[sflag:s13] =	ssyncset.done $0x0  }
0xa2: {  	[sflag:s13] =	ssyncadd.s32 $0xFFFFC000  }
0xa3: {  	[tilespmem:s12], [sflag:$0x1] =	stream.indirect.gather [hbm4b:s4+s15], $0x80, s28, s15, $0xb8;
	[tilespmem:$0x1D000] =	vst v63  }
0xa4: {  	_ =	swait.ge [sflag:s18], $0x4000  }
0xa5: {  	[sflag:s18] =	ssyncset.done $0x0  }
0xa6: {  	[sflag:s18] =	ssyncadd.s32 $0xFFFFC000  }
0xa7: {  	[spmem:s1] =	stream.indirect.scatter.add.f32 [tilespmem:s16], [sflag:$0x3], $0x80, s29, s15, $0xb8;
	[tilespmem:$0x1D000] =	vst v63  }
0xa8: {  	_ =	swait.ge [sflag:s13], $0x4000  }
0xa9: {  	[sflag:s13] =	ssyncset.done $0x0  }
0xaa: {  	[sflag:s13] =	ssyncadd.s32 $0xFFFFC000  }
0xab: {  	[tilespmem:s16], [sflag:$0x2] =	stream.indirect.gather [hbm4b:s4+s15], $0x80, s30, s15, $0xb8;
	[tilespmem:$0x1D000] =	vst v63  }
0xac: {  	_ =	swait.ge [sflag:s17], $0x4000  }
0xad: {  	[sflag:s17] =	ssyncset.done $0x0  }
0xae: {  	[sflag:s17] =	ssyncadd.s32 $0xFFFFC000  }
0xaf: {  	[spmem:s1] =	stream.indirect.scatter.add.f32 [tilespmem:s12], [sflag:$0x3], $0x80, s31, s15, $0xb8;
	[tilespmem:$0x1D000] =	vst v63  }
0xb0: {  	_ =	swait.ge [sflag:s13], $0x4000  }
0xb1: {  	[sflag:s13] =	ssyncset.done $0x0  }
0xb2: {  	[sflag:s13] =	ssyncadd.s32 $0xFFFFC000  }
0xb3: {  	[tilespmem:s12], [sflag:$0x1] =	stream.indirect.gather [hbm4b:s4+s15], $0x80, s0, s15, $0xb8;
	[tilespmem:$0x1D000] =	vst v63  }
0xb4: {  	_ =	swait.ge [sflag:s18], $0x4000  }
0xb5: {  	[sflag:s18] =	ssyncset.done $0x0  }
0xb6: {  	[sflag:s18] =	ssyncadd.s32 $0xFFFFC000  }
0xb7: {  	[spmem:s1] =	stream.indirect.scatter.add.f32 [tilespmem:s16], [sflag:$0x3], $0x80, s2, s15, $0xb8;
	[tilespmem:$0x1D000] =	vst v63  }
0xb8: {  	_ =	swait.ge [sflag:s13], $0x4000  }
0xb9: {  	[sflag:s13] =	ssyncset.done $0x0  }
0xba: {  	[sflag:s13] =	ssyncadd.s32 $0xFFFFC000  }
0xbb: {  	[tilespmem:s16], [sflag:$0x2] =	stream.indirect.gather [hbm4b:s4+s15], $0x80, s6, s15, $0xb8;
	[tilespmem:$0x1D000] =	vst v63  }
0xbc: {  	_ =	swait.ge [sflag:s17], $0x4000  }
0xbd: {  	[sflag:s17] =	ssyncset.done $0x0  }
0xbe: {  	[sflag:s17] =	ssyncadd.s32 $0xFFFFC000  }
0xbf: {  	[spmem:s1] =	stream.indirect.scatter.add.f32 [tilespmem:s12], [sflag:$0x3], $0x80, s7, s15, $0xb8;
	[tilespmem:$0x1D000] =	vst v63  }
0xc0: {  	_ =	swait.ge [sflag:s13], $0x4000  }
0xc1: {  	[sflag:s13] =	ssyncset.done $0x0  }
0xc2: {  	[sflag:s13] =	ssyncadd.s32 $0xFFFFC000  }
0xc3: {  	_ =	swait.ge [sflag:s18], $0x4000  }
0xc4: {  	[sflag:s18] =	ssyncset.done $0x0  }
0xc5: {  	[sflag:s18] =	ssyncadd.s32 $0xFFFFC000  }
0xc6: {  	[spmem:s1] =	stream.indirect.scatter.add.f32 [tilespmem:s16], [sflag:$0x3], $0x80, s8, s15, $0xb8;
	[tilespmem:$0x1D000] =	vst v63  }
0xc7: {  	s10 =	simm.s32 $0x100;
	_ =	swait.ge [sflag:s13], $0x4000  }
0xc8: {  	s11 =	simm.s32 $0x200;
	s5 =	rddreg [dreg:$0x3];
	[sflag:s13] =	ssyncset.done $0x0  }
.LBB2_4:
0xc9: {  	[sflag:s13] =	ssyncadd.s32 $0xFFFFC000;
	s5 =	sadd.s32 s10, s5  }
0xca: {  	[tilespmem:s3], [sflag:$0x3] =	stream.linear.gather [hbm4b:s5+s3], $0x800, $0x38;
	[tilespmem:$0x1D000] =	vst v63  }
0xcb: {  	_ =	swait.ge [sflag:s13], $0x800  }
0xcc: {  	s5 =	rddreg [dreg:$0x4];
	[sflag:s13] =	ssyncset.done $0x0  }
0xcd: {  	[sflag:s13] =	ssyncadd.s32 $0xFFFFF800;
	s5 =	sadd.s32 s10, s5  }
0xce: {  	[tilespmem:s14], [sflag:$0x3] =	stream.linear.gather [hbm4b:s5+s3], $0x800, $0x38;
	[tilespmem:$0x1D000] =	vst v63  }
0xcf: {  	_ =	swait.ge [sflag:s13], $0x800  }
0xd0: {  	[sflag:s13] =	ssyncset.done $0x0  }
0xd1: {  	[sflag:s13] =	ssyncadd.s32 $0xFFFFF800  }
0xd2: {  	[tilespmem:s12], [sflag:$0x1] =	stream.indirect.gather [hbm4b:s4+s15], $0x80, s3, s15, $0xb8;
	[tilespmem:$0x1D000] =	vst v63  }
0xd3: {  	_ = 	snop  }
0xd4: {  	[tilespmem:s16], [sflag:$0x2] =	stream.indirect.gather [hbm4b:s4+s15], $0x80, s15, s15, $0xb8;
	[tilespmem:$0x1D000] =	vst v63  }
0xd5: {  	_ =	swait.ge [sflag:s17], $0x4000  }
0xd6: {  	[sflag:s17] =	ssyncset.done $0x0  }
0xd7: {  	[sflag:s17] =	ssyncadd.s32 $0xFFFFC000  }
0xd8: {  	[spmem:s1] =	stream.indirect.scatter.add.f32 [tilespmem:s12], [sflag:$0x3], $0x80, s14, s15, $0xb8;
	[tilespmem:$0x1D000] =	vst v63  }
0xd9: {  	_ =	swait.ge [sflag:s13], $0x4000  }
0xda: {  	s9 =	smov.u32 s11;
	[sflag:s13] =	ssyncset.done $0x0  }
0xdb: {  	s10 =	smov.u32 s9;
	s9 =	rddreg [dreg:$0x5];
	[sflag:s13] =	ssyncadd.s32 $0xFFFFC000  }
0xdc: {  	[tilespmem:s12], [sflag:$0x1] =	stream.indirect.gather [hbm4b:s4+s15], $0x80, s9, s15, $0xb8;
	[tilespmem:$0x1D000] =	vst v63  }
0xdd: {  	_ =	swait.ge [sflag:s18], $0x4000  }
0xde: {  	[sflag:s18] =	ssyncset.done $0x0  }
0xdf: {  	s9 =	rddreg [dreg:$0x6];
	[sflag:s18] =	ssyncadd.s32 $0xFFFFC000  }
0xe0: {  	[spmem:s1] =	stream.indirect.scatter.add.f32 [tilespmem:s16], [sflag:$0x3], $0x80, s9, s15, $0xb8;
	[tilespmem:$0x1D000] =	vst v63  }
0xe1: {  	_ =	swait.ge [sflag:s13], $0x4000  }
0xe2: {  	[sflag:s13] =	ssyncset.done $0x0  }
0xe3: {  	s9 =	rddreg [dreg:$0x7];
	[sflag:s13] =	ssyncadd.s32 $0xFFFFC000  }
0xe4: {  	[tilespmem:s16], [sflag:$0x2] =	stream.indirect.gather [hbm4b:s4+s15], $0x80, s9, s15, $0xb8;
	[tilespmem:$0x1D000] =	vst v63  }
0xe5: {  	_ =	swait.ge [sflag:s17], $0x4000  }
0xe6: {  	[sflag:s17] =	ssyncset.done $0x0  }
0xe7: {  	s9 =	rddreg [dreg:$0x8];
	[sflag:s17] =	ssyncadd.s32 $0xFFFFC000  }
0xe8: {  	[spmem:s1] =	stream.indirect.scatter.add.f32 [tilespmem:s12], [sflag:$0x3], $0x80, s9, s15, $0xb8;
	[tilespmem:$0x1D000] =	vst v63  }
0xe9: {  	_ =	swait.ge [sflag:s13], $0x4000  }
0xea: {  	[sflag:s13] =	ssyncset.done $0x0  }
0xeb: {  	s9 =	rddreg [dreg:$0x9];
	[sflag:s13] =	ssyncadd.s32 $0xFFFFC000  }
0xec: {  	[tilespmem:s12], [sflag:$0x1] =	stream.indirect.gather [hbm4b:s4+s15], $0x80, s9, s15, $0xb8;
	[tilespmem:$0x1D000] =	vst v63  }
0xed: {  	_ =	swait.ge [sflag:s18], $0x4000  }
0xee: {  	[sflag:s18] =	ssyncset.done $0x0  }
0xef: {  	s9 =	rddreg [dreg:$0xa];
	[sflag:s18] =	ssyncadd.s32 $0xFFFFC000  }
0xf0: {  	[spmem:s1] =	stream.indirect.scatter.add.f32 [tilespmem:s16], [sflag:$0x3], $0x80, s9, s15, $0xb8;
	[tilespmem:$0x1D000] =	vst v63  }
0xf1: {  	_ =	swait.ge [sflag:s13], $0x4000  }
0xf2: {  	[sflag:s13] =	ssyncset.done $0x0  }
0xf3: {  	s9 =	rddreg [dreg:$0xb];
	[sflag:s13] =	ssyncadd.s32 $0xFFFFC000  }
0xf4: {  	[tilespmem:s16], [sflag:$0x2] =	stream.indirect.gather [hbm4b:s4+s15], $0x80, s9, s15, $0xb8;
	[tilespmem:$0x1D000] =	vst v63  }
0xf5: {  	_ =	swait.ge [sflag:s17], $0x4000  }
0xf6: {  	[sflag:s17] =	ssyncset.done $0x0  }
0xf7: {  	s9 =	rddreg [dreg:$0xc];
	[sflag:s17] =	ssyncadd.s32 $0xFFFFC000  }
0xf8: {  	[spmem:s1] =	stream.indirect.scatter.add.f32 [tilespmem:s12], [sflag:$0x3], $0x80, s9, s15, $0xb8;
	[tilespmem:$0x1D000] =	vst v63  }
0xf9: {  	_ =	swait.ge [sflag:s13], $0x4000  }
0xfa: {  	[sflag:s13] =	ssyncset.done $0x0  }
0xfb: {  	s9 =	rddreg [dreg:$0xd];
	[sflag:s13] =	ssyncadd.s32 $0xFFFFC000  }
0xfc: {  	[tilespmem:s12], [sflag:$0x1] =	stream.indirect.gather [hbm4b:s4+s15], $0x80, s9, s15, $0xb8;
	[tilespmem:$0x1D000] =	vst v63  }
0xfd: {  	_ =	swait.ge [sflag:s18], $0x4000  }
0xfe: {  	[sflag:s18] =	ssyncset.done $0x0  }
0xff: {  	s9 =	rddreg [dreg:$0xe];
	[sflag:s18] =	ssyncadd.s32 $0xFFFFC000  }
0x100: {  	[spmem:s1] =	stream.indirect.scatter.add.f32 [tilespmem:s16], [sflag:$0x3], $0x80, s9, s15, $0xb8;
	[tilespmem:$0x1D000] =	vst v63  }
0x101: {  	_ =	swait.ge [sflag:s13], $0x4000  }
0x102: {  	[sflag:s13] =	ssyncset.done $0x0  }
0x103: {  	s9 =	rddreg [dreg:$0xf];
	[sflag:s13] =	ssyncadd.s32 $0xFFFFC000  }
0x104: {  	[tilespmem:s16], [sflag:$0x2] =	stream.indirect.gather [hbm4b:s4+s15], $0x80, s9, s15, $0xb8;
	[tilespmem:$0x1D000] =	vst v63  }
0x105: {  	_ =	swait.ge [sflag:s17], $0x4000  }
0x106: {  	[sflag:s17] =	ssyncset.done $0x0  }
0x107: {  	s9 =	rddreg [dreg:$0x10];
	[sflag:s17] =	ssyncadd.s32 $0xFFFFC000  }
0x108: {  	[spmem:s1] =	stream.indirect.scatter.add.f32 [tilespmem:s12], [sflag:$0x3], $0x80, s9, s15, $0xb8;
	[tilespmem:$0x1D000] =	vst v63  }
0x109: {  	_ =	swait.ge [sflag:s13], $0x4000  }
0x10a: {  	[sflag:s13] =	ssyncset.done $0x0  }
0x10b: {  	[sflag:s13] =	ssyncadd.s32 $0xFFFFC000  }
0x10c: {  	[tilespmem:s12], [sflag:$0x1] =	stream.indirect.gather [hbm4b:s4+s15], $0x80, s19, s15, $0xb8;
	[tilespmem:$0x1D000] =	vst v63  }
0x10d: {  	_ =	swait.ge [sflag:s18], $0x4000  }
0x10e: {  	[sflag:s18] =	ssyncset.done $0x0  }
0x10f: {  	[sflag:s18] =	ssyncadd.s32 $0xFFFFC000  }
0x110: {  	[spmem:s1] =	stream.indirect.scatter.add.f32 [tilespmem:s16], [sflag:$0x3], $0x80, s20, s15, $0xb8;
	[tilespmem:$0x1D000] =	vst v63  }
0x111: {  	_ =	swait.ge [sflag:s13], $0x4000  }
0x112: {  	[sflag:s13] =	ssyncset.done $0x0  }
0x113: {  	[sflag:s13] =	ssyncadd.s32 $0xFFFFC000  }
0x114: {  	[tilespmem:s16], [sflag:$0x2] =	stream.indirect.gather [hbm4b:s4+s15], $0x80, s21, s15, $0xb8;
	[tilespmem:$0x1D000] =	vst v63  }
0x115: {  	_ =	swait.ge [sflag:s17], $0x4000  }
0x116: {  	[sflag:s17] =	ssyncset.done $0x0  }
0x117: {  	[sflag:s17] =	ssyncadd.s32 $0xFFFFC000  }
0x118: {  	[spmem:s1] =	stream.indirect.scatter.add.f32 [tilespmem:s12], [sflag:$0x3], $0x80, s22, s15, $0xb8;
	[tilespmem:$0x1D000] =	vst v63  }
0x119: {  	_ =	swait.ge [sflag:s13], $0x4000  }
0x11a: {  	[sflag:s13] =	ssyncset.done $0x0  }
0x11b: {  	[sflag:s13] =	ssyncadd.s32 $0xFFFFC000  }
0x11c: {  	[tilespmem:s12], [sflag:$0x1] =	stream.indirect.gather [hbm4b:s4+s15], $0x80, s23, s15, $0xb8;
	[tilespmem:$0x1D000] =	vst v63  }
0x11d: {  	_ =	swait.ge [sflag:s18], $0x4000  }
0x11e: {  	[sflag:s18] =	ssyncset.done $0x0  }
0x11f: {  	[sflag:s18] =	ssyncadd.s32 $0xFFFFC000  }
0x120: {  	[spmem:s1] =	stream.indirect.scatter.add.f32 [tilespmem:s16], [sflag:$0x3], $0x80, s24, s15, $0xb8;
	[tilespmem:$0x1D000] =	vst v63  }
0x121: {  	_ =	swait.ge [sflag:s13], $0x4000  }
0x122: {  	[sflag:s13] =	ssyncset.done $0x0  }
0x123: {  	[sflag:s13] =	ssyncadd.s32 $0xFFFFC000  }
0x124: {  	[tilespmem:s16], [sflag:$0x2] =	stream.indirect.gather [hbm4b:s4+s15], $0x80, s25, s15, $0xb8;
	[tilespmem:$0x1D000] =	vst v63  }
0x125: {  	_ =	swait.ge [sflag:s17], $0x4000  }
0x126: {  	[sflag:s17] =	ssyncset.done $0x0  }
0x127: {  	[sflag:s17] =	ssyncadd.s32 $0xFFFFC000  }
0x128: {  	[spmem:s1] =	stream.indirect.scatter.add.f32 [tilespmem:s12], [sflag:$0x3], $0x80, s26, s15, $0xb8;
	[tilespmem:$0x1D000] =	vst v63  }
0x129: {  	_ =	swait.ge [sflag:s13], $0x4000  }
0x12a: {  	[sflag:s13] =	ssyncset.done $0x0  }
0x12b: {  	[sflag:s13] =	ssyncadd.s32 $0xFFFFC000  }
0x12c: {  	[tilespmem:s12], [sflag:$0x1] =	stream.indirect.gather [hbm4b:s4+s15], $0x80, s28, s15, $0xb8;
	[tilespmem:$0x1D000] =	vst v63  }
0x12d: {  	_ =	swait.ge [sflag:s18], $0x4000  }
0x12e: {  	[sflag:s18] =	ssyncset.done $0x0  }
0x12f: {  	[sflag:s18] =	ssyncadd.s32 $0xFFFFC000  }
0x130: {  	[spmem:s1] =	stream.indirect.scatter.add.f32 [tilespmem:s16], [sflag:$0x3], $0x80, s29, s15, $0xb8;
	[tilespmem:$0x1D000] =	vst v63  }
0x131: {  	_ =	swait.ge [sflag:s13], $0x4000  }
0x132: {  	[sflag:s13] =	ssyncset.done $0x0  }
0x133: {  	[sflag:s13] =	ssyncadd.s32 $0xFFFFC000  }
0x134: {  	[tilespmem:s16], [sflag:$0x2] =	stream.indirect.gather [hbm4b:s4+s15], $0x80, s30, s15, $0xb8;
	[tilespmem:$0x1D000] =	vst v63  }
0x135: {  	_ =	swait.ge [sflag:s17], $0x4000  }
0x136: {  	[sflag:s17] =	ssyncset.done $0x0  }
0x137: {  	[sflag:s17] =	ssyncadd.s32 $0xFFFFC000  }
0x138: {  	[spmem:s1] =	stream.indirect.scatter.add.f32 [tilespmem:s12], [sflag:$0x3], $0x80, s31, s15, $0xb8;
	[tilespmem:$0x1D000] =	vst v63  }
0x139: {  	_ =	swait.ge [sflag:s13], $0x4000  }
0x13a: {  	[sflag:s13] =	ssyncset.done $0x0  }
0x13b: {  	[sflag:s13] =	ssyncadd.s32 $0xFFFFC000  }
0x13c: {  	[tilespmem:s12], [sflag:$0x1] =	stream.indirect.gather [hbm4b:s4+s15], $0x80, s0, s15, $0xb8;
	[tilespmem:$0x1D000] =	vst v63  }
0x13d: {  	_ =	swait.ge [sflag:s18], $0x4000  }
0x13e: {  	[sflag:s18] =	ssyncset.done $0x0  }
0x13f: {  	[sflag:s18] =	ssyncadd.s32 $0xFFFFC000  }
0x140: {  	[spmem:s1] =	stream.indirect.scatter.add.f32 [tilespmem:s16], [sflag:$0x3], $0x80, s2, s15, $0xb8;
	[tilespmem:$0x1D000] =	vst v63  }
0x141: {  	_ =	swait.ge [sflag:s13], $0x4000  }
0x142: {  	[sflag:s13] =	ssyncset.done $0x0  }
0x143: {  	[sflag:s13] =	ssyncadd.s32 $0xFFFFC000  }
0x144: {  	[tilespmem:s16], [sflag:$0x2] =	stream.indirect.gather [hbm4b:s4+s15], $0x80, s6, s15, $0xb8;
	[tilespmem:$0x1D000] =	vst v63  }
0x145: {  	_ =	swait.ge [sflag:s17], $0x4000  }
0x146: {  	[sflag:s17] =	ssyncset.done $0x0  }
0x147: {  	[sflag:s17] =	ssyncadd.s32 $0xFFFFC000  }
0x148: {  	[spmem:s1] =	stream.indirect.scatter.add.f32 [tilespmem:s12], [sflag:$0x3], $0x80, s7, s15, $0xb8;
	[tilespmem:$0x1D000] =	vst v63  }
0x149: {  	_ =	swait.ge [sflag:s13], $0x4000  }
0x14a: {  	[sflag:s13] =	ssyncset.done $0x0  }
0x14b: {  	[sflag:s13] =	ssyncadd.s32 $0xFFFFC000  }
0x14c: {  	p0 =	sne.s32 s11, $0x400;
	_ =	swait.ge [sflag:s18], $0x4000  }
.Ltmp1:
0x14d: {  	[sflag:s18] =	ssyncset.done $0x0;
	(pc) =	sbr.rel @p0 .LBB2_4-.Ltmp1, $4  }
0x14e: {  	[sflag:s18] =	ssyncadd.s32 $0xFFFFC000  }
0x14f: {  	[spmem:s1] =	stream.indirect.scatter.add.f32 [tilespmem:s16], [sflag:$0x3], $0x80, s8, s15, $0xb8;
	[tilespmem:$0x1D000] =	vst v63  }
0x150: {  	_ =	swait.ge [sflag:s13], $0x4000  }
0x151: {  	s11 =	sadd.s32 $0x100, s11;
	s5 =	rddreg [dreg:$0x3];
	[sflag:s13] =	ssyncset.done $0x0  }
0x152: {  	[sflag:s13] =	ssyncadd.s32 $0xFFFFC000;
	s5 =	sadd.s32 s10, s5  }
0x153: {  	[tilespmem:s3], [sflag:$0x3] =	stream.linear.gather [hbm4b:s5+s3], $0x800, $0x38;
	[tilespmem:$0x1D000] =	vst v63  }
0x154: {  	_ =	swait.ge [sflag:s13], $0x800  }
0x155: {  	s9 =	rddreg [dreg:$0x4];
	[sflag:s13] =	ssyncset.done $0x0  }
0x156: {  	[sflag:s13] =	ssyncadd.s32 $0xFFFFF800;
	s5 =	sadd.s32 s10, s9  }
0x157: {  	[tilespmem:s14], [sflag:$0x3] =	stream.linear.gather [hbm4b:s5+s3], $0x800, $0x38;
	[tilespmem:$0x1D000] =	vst v63  }
0x158: {  	_ =	swait.ge [sflag:s13], $0x800  }
0x159: {  	[sflag:s13] =	ssyncset.done $0x0  }
0x15a: {  	[sflag:s13] =	ssyncadd.s32 $0xFFFFF800  }
0x15b: {  	[tilespmem:s12], [sflag:$0x1] =	stream.indirect.gather [hbm4b:s4+s15], $0x80, s3, s15, $0xb8;
	[tilespmem:$0x1D000] =	vst v63  }
0x15c: {  	_ = 	snop  }
0x15d: {  	[tilespmem:s16], [sflag:$0x2] =	stream.indirect.gather [hbm4b:s4+s15], $0x80, s15, s15, $0xb8;
	[tilespmem:$0x1D000] =	vst v63  }
0x15e: {  	_ =	swait.ge [sflag:s17], $0x4000  }
0x15f: {  	[sflag:s17] =	ssyncset.done $0x0  }
0x160: {  	[sflag:s17] =	ssyncadd.s32 $0xFFFFC000  }
0x161: {  	[spmem:s1] =	stream.indirect.scatter.add.f32 [tilespmem:s12], [sflag:$0x3], $0x80, s14, s15, $0xb8;
	[tilespmem:$0x1D000] =	vst v63  }
0x162: {  	_ =	swait.ge [sflag:s13], $0x4000  }
0x163: {  	[sflag:s13] =	ssyncset.done $0x0  }
0x164: {  	s10 =	rddreg [dreg:$0x5];
	[sflag:s13] =	ssyncadd.s32 $0xFFFFC000  }
0x165: {  	[tilespmem:s12], [sflag:$0x1] =	stream.indirect.gather [hbm4b:s4+s15], $0x80, s10, s15, $0xb8;
	[tilespmem:$0x1D000] =	vst v63  }
0x166: {  	_ =	swait.ge [sflag:s18], $0x4000  }
0x167: {  	[sflag:s18] =	ssyncset.done $0x0  }
0x168: {  	s11 =	rddreg [dreg:$0x6];
	[sflag:s18] =	ssyncadd.s32 $0xFFFFC000  }
0x169: {  	[spmem:s1] =	stream.indirect.scatter.add.f32 [tilespmem:s16], [sflag:$0x3], $0x80, s11, s15, $0xb8;
	[tilespmem:$0x1D000] =	vst v63  }
0x16a: {  	_ =	swait.ge [sflag:s13], $0x4000  }
0x16b: {  	[sflag:s13] =	ssyncset.done $0x0  }
0x16c: {  	s9 =	rddreg [dreg:$0x7];
	[sflag:s13] =	ssyncadd.s32 $0xFFFFC000  }
0x16d: {  	[tilespmem:s16], [sflag:$0x2] =	stream.indirect.gather [hbm4b:s4+s15], $0x80, s9, s15, $0xb8;
	[tilespmem:$0x1D000] =	vst v63  }
0x16e: {  	_ =	swait.ge [sflag:s17], $0x4000  }
0x16f: {  	[sflag:s17] =	ssyncset.done $0x0  }
0x170: {  	s10 =	rddreg [dreg:$0x8];
	[sflag:s17] =	ssyncadd.s32 $0xFFFFC000  }
0x171: {  	[spmem:s1] =	stream.indirect.scatter.add.f32 [tilespmem:s12], [sflag:$0x3], $0x80, s10, s15, $0xb8;
	[tilespmem:$0x1D000] =	vst v63  }
0x172: {  	_ =	swait.ge [sflag:s13], $0x4000  }
0x173: {  	[sflag:s13] =	ssyncset.done $0x0  }
0x174: {  	s11 =	rddreg [dreg:$0x9];
	[sflag:s13] =	ssyncadd.s32 $0xFFFFC000  }
0x175: {  	[tilespmem:s12], [sflag:$0x1] =	stream.indirect.gather [hbm4b:s4+s15], $0x80, s11, s15, $0xb8;
	[tilespmem:$0x1D000] =	vst v63  }
0x176: {  	_ =	swait.ge [sflag:s18], $0x4000  }
0x177: {  	[sflag:s18] =	ssyncset.done $0x0  }
0x178: {  	s9 =	rddreg [dreg:$0xa];
	[sflag:s18] =	ssyncadd.s32 $0xFFFFC000  }
0x179: {  	[spmem:s1] =	stream.indirect.scatter.add.f32 [tilespmem:s16], [sflag:$0x3], $0x80, s9, s15, $0xb8;
	[tilespmem:$0x1D000] =	vst v63  }
0x17a: {  	_ =	swait.ge [sflag:s13], $0x4000  }
0x17b: {  	[sflag:s13] =	ssyncset.done $0x0  }
0x17c: {  	s10 =	rddreg [dreg:$0xb];
	[sflag:s13] =	ssyncadd.s32 $0xFFFFC000  }
0x17d: {  	[tilespmem:s16], [sflag:$0x2] =	stream.indirect.gather [hbm4b:s4+s15], $0x80, s10, s15, $0xb8;
	[tilespmem:$0x1D000] =	vst v63  }
0x17e: {  	_ =	swait.ge [sflag:s17], $0x4000  }
0x17f: {  	[sflag:s17] =	ssyncset.done $0x0  }
0x180: {  	s11 =	rddreg [dreg:$0xc];
	[sflag:s17] =	ssyncadd.s32 $0xFFFFC000  }
0x181: {  	[spmem:s1] =	stream.indirect.scatter.add.f32 [tilespmem:s12], [sflag:$0x3], $0x80, s11, s15, $0xb8;
	[tilespmem:$0x1D000] =	vst v63  }
0x182: {  	_ =	swait.ge [sflag:s13], $0x4000  }
0x183: {  	[sflag:s13] =	ssyncset.done $0x0  }
0x184: {  	s9 =	rddreg [dreg:$0xd];
	[sflag:s13] =	ssyncadd.s32 $0xFFFFC000  }
0x185: {  	[tilespmem:s12], [sflag:$0x1] =	stream.indirect.gather [hbm4b:s4+s15], $0x80, s9, s15, $0xb8;
	[tilespmem:$0x1D000] =	vst v63  }
0x186: {  	_ =	swait.ge [sflag:s18], $0x4000  }
0x187: {  	[sflag:s18] =	ssyncset.done $0x0  }
0x188: {  	s10 =	rddreg [dreg:$0xe];
	[sflag:s18] =	ssyncadd.s32 $0xFFFFC000  }
0x189: {  	[spmem:s1] =	stream.indirect.scatter.add.f32 [tilespmem:s16], [sflag:$0x3], $0x80, s10, s15, $0xb8;
	[tilespmem:$0x1D000] =	vst v63  }
0x18a: {  	_ =	swait.ge [sflag:s13], $0x4000  }
0x18b: {  	[sflag:s13] =	ssyncset.done $0x0  }
0x18c: {  	s11 =	rddreg [dreg:$0xf];
	[sflag:s13] =	ssyncadd.s32 $0xFFFFC000  }
0x18d: {  	[tilespmem:s16], [sflag:$0x2] =	stream.indirect.gather [hbm4b:s4+s15], $0x80, s11, s15, $0xb8;
	[tilespmem:$0x1D000] =	vst v63  }
0x18e: {  	_ =	swait.ge [sflag:s17], $0x4000  }
0x18f: {  	[sflag:s17] =	ssyncset.done $0x0  }
0x190: {  	s9 =	rddreg [dreg:$0x10];
	[sflag:s17] =	ssyncadd.s32 $0xFFFFC000  }
0x191: {  	[spmem:s1] =	stream.indirect.scatter.add.f32 [tilespmem:s12], [sflag:$0x3], $0x80, s9, s15, $0xb8;
	[tilespmem:$0x1D000] =	vst v63  }
0x192: {  	_ =	swait.ge [sflag:s13], $0x4000  }
0x193: {  	[sflag:s13] =	ssyncset.done $0x0  }
0x194: {  	[sflag:s13] =	ssyncadd.s32 $0xFFFFC000  }
0x195: {  	[tilespmem:s12], [sflag:$0x1] =	stream.indirect.gather [hbm4b:s4+s15], $0x80, s19, s15, $0xb8;
	[tilespmem:$0x1D000] =	vst v63  }
0x196: {  	_ =	swait.ge [sflag:s18], $0x4000  }
0x197: {  	[sflag:s18] =	ssyncset.done $0x0  }
0x198: {  	[sflag:s18] =	ssyncadd.s32 $0xFFFFC000  }
0x199: {  	[spmem:s1] =	stream.indirect.scatter.add.f32 [tilespmem:s16], [sflag:$0x3], $0x80, s20, s15, $0xb8;
	[tilespmem:$0x1D000] =	vst v63  }
0x19a: {  	_ =	swait.ge [sflag:s13], $0x4000  }
0x19b: {  	[sflag:s13] =	ssyncset.done $0x0  }
0x19c: {  	[sflag:s13] =	ssyncadd.s32 $0xFFFFC000  }
0x19d: {  	[tilespmem:s16], [sflag:$0x2] =	stream.indirect.gather [hbm4b:s4+s15], $0x80, s21, s15, $0xb8;
	[tilespmem:$0x1D000] =	vst v63  }
0x19e: {  	_ =	swait.ge [sflag:s17], $0x4000  }
0x19f: {  	[sflag:s17] =	ssyncset.done $0x0  }
0x1a0: {  	[sflag:s17] =	ssyncadd.s32 $0xFFFFC000  }
0x1a1: {  	[spmem:s1] =	stream.indirect.scatter.add.f32 [tilespmem:s12], [sflag:$0x3], $0x80, s22, s15, $0xb8;
	[tilespmem:$0x1D000] =	vst v63  }
0x1a2: {  	_ =	swait.ge [sflag:s13], $0x4000  }
0x1a3: {  	[sflag:s13] =	ssyncset.done $0x0  }
0x1a4: {  	[sflag:s13] =	ssyncadd.s32 $0xFFFFC000  }
0x1a5: {  	[tilespmem:s12], [sflag:$0x1] =	stream.indirect.gather [hbm4b:s4+s15], $0x80, s23, s15, $0xb8;
	[tilespmem:$0x1D000] =	vst v63  }
0x1a6: {  	_ =	swait.ge [sflag:s18], $0x4000  }
0x1a7: {  	[sflag:s18] =	ssyncset.done $0x0  }
0x1a8: {  	[sflag:s18] =	ssyncadd.s32 $0xFFFFC000  }
0x1a9: {  	[spmem:s1] =	stream.indirect.scatter.add.f32 [tilespmem:s16], [sflag:$0x3], $0x80, s24, s15, $0xb8;
	[tilespmem:$0x1D000] =	vst v63  }
0x1aa: {  	_ =	swait.ge [sflag:s13], $0x4000  }
0x1ab: {  	[sflag:s13] =	ssyncset.done $0x0  }
0x1ac: {  	[sflag:s13] =	ssyncadd.s32 $0xFFFFC000  }
0x1ad: {  	[tilespmem:s16], [sflag:$0x2] =	stream.indirect.gather [hbm4b:s4+s15], $0x80, s25, s15, $0xb8;
	[tilespmem:$0x1D000] =	vst v63  }
0x1ae: {  	_ =	swait.ge [sflag:s17], $0x4000  }
0x1af: {  	[sflag:s17] =	ssyncset.done $0x0  }
0x1b0: {  	[sflag:s17] =	ssyncadd.s32 $0xFFFFC000  }
0x1b1: {  	[spmem:s1] =	stream.indirect.scatter.add.f32 [tilespmem:s12], [sflag:$0x3], $0x80, s26, s15, $0xb8;
	[tilespmem:$0x1D000] =	vst v63  }
0x1b2: {  	_ =	swait.ge [sflag:s13], $0x4000  }
0x1b3: {  	[sflag:s13] =	ssyncset.done $0x0  }
0x1b4: {  	[sflag:s13] =	ssyncadd.s32 $0xFFFFC000  }
0x1b5: {  	[tilespmem:s12], [sflag:$0x1] =	stream.indirect.gather [hbm4b:s4+s15], $0x80, s28, s15, $0xb8;
	[tilespmem:$0x1D000] =	vst v63  }
0x1b6: {  	_ =	swait.ge [sflag:s18], $0x4000  }
0x1b7: {  	[sflag:s18] =	ssyncset.done $0x0  }
0x1b8: {  	[sflag:s18] =	ssyncadd.s32 $0xFFFFC000  }
0x1b9: {  	[spmem:s1] =	stream.indirect.scatter.add.f32 [tilespmem:s16], [sflag:$0x3], $0x80, s29, s15, $0xb8;
	[tilespmem:$0x1D000] =	vst v63  }
0x1ba: {  	_ =	swait.ge [sflag:s13], $0x4000  }
0x1bb: {  	[sflag:s13] =	ssyncset.done $0x0  }
0x1bc: {  	[sflag:s13] =	ssyncadd.s32 $0xFFFFC000  }
0x1bd: {  	[tilespmem:s16], [sflag:$0x2] =	stream.indirect.gather [hbm4b:s4+s15], $0x80, s30, s15, $0xb8;
	[tilespmem:$0x1D000] =	vst v63  }
0x1be: {  	_ =	swait.ge [sflag:s17], $0x4000  }
0x1bf: {  	[sflag:s17] =	ssyncset.done $0x0  }
0x1c0: {  	[sflag:s17] =	ssyncadd.s32 $0xFFFFC000  }
0x1c1: {  	[spmem:s1] =	stream.indirect.scatter.add.f32 [tilespmem:s12], [sflag:$0x3], $0x80, s31, s15, $0xb8;
	[tilespmem:$0x1D000] =	vst v63  }
0x1c2: {  	_ =	swait.ge [sflag:s13], $0x4000  }
0x1c3: {  	[sflag:s13] =	ssyncset.done $0x0  }
0x1c4: {  	[sflag:s13] =	ssyncadd.s32 $0xFFFFC000  }
0x1c5: {  	[tilespmem:s12], [sflag:$0x1] =	stream.indirect.gather [hbm4b:s4+s15], $0x80, s0, s15, $0xb8;
	[tilespmem:$0x1D000] =	vst v63  }
0x1c6: {  	_ =	swait.ge [sflag:s18], $0x4000  }
0x1c7: {  	[sflag:s18] =	ssyncset.done $0x0  }
0x1c8: {  	[sflag:s18] =	ssyncadd.s32 $0xFFFFC000  }
0x1c9: {  	[spmem:s1] =	stream.indirect.scatter.add.f32 [tilespmem:s16], [sflag:$0x3], $0x80, s2, s15, $0xb8;
	[tilespmem:$0x1D000] =	vst v63  }
0x1ca: {  	_ =	swait.ge [sflag:s13], $0x4000  }
0x1cb: {  	[sflag:s13] =	ssyncset.done $0x0  }
0x1cc: {  	[sflag:s13] =	ssyncadd.s32 $0xFFFFC000  }
0x1cd: {  	[tilespmem:s16], [sflag:$0x2] =	stream.indirect.gather [hbm4b:s4+s15], $0x80, s6, s15, $0xb8;
	[tilespmem:$0x1D000] =	vst v63  }
0x1ce: {  	_ =	swait.ge [sflag:s17], $0x4000  }
0x1cf: {  	[sflag:s17] =	ssyncset.done $0x0  }
0x1d0: {  	[sflag:s17] =	ssyncadd.s32 $0xFFFFC000  }
0x1d1: {  	[spmem:s1] =	stream.indirect.scatter.add.f32 [tilespmem:s12], [sflag:$0x3], $0x80, s7, s15, $0xb8;
	[tilespmem:$0x1D000] =	vst v63  }
0x1d2: {  	_ =	swait.ge [sflag:s13], $0x4000  }
0x1d3: {  	[sflag:s13] =	ssyncset.done $0x0  }
0x1d4: {  	[sflag:s13] =	ssyncadd.s32 $0xFFFFC000  }
0x1d5: {  	_ =	swait.ge [sflag:s18], $0x4000  }
0x1d6: {  	[sflag:s18] =	ssyncset.done $0x0  }
0x1d7: {  	[sflag:s18] =	ssyncadd.s32 $0xFFFFC000  }
0x1d8: {  	[spmem:s1] =	stream.indirect.scatter.add.f32 [tilespmem:s16], [sflag:$0x3], $0x80, s8, s15, $0xb8;
	[tilespmem:$0x1D000] =	vst v63  }
0x1d9: {  	_ =	swait.ge [sflag:s13], $0x4000  }
0x1da: {  	[sflag:s13] =	ssyncset.done $0x0  }
0x1db: {  	[sflag:s13] =	ssyncadd.s32 $0xFFFFC000  }
0x1dc: {  	s10 =	stileid.u32;
	[bflag:$0x0] =	sbarrier.arrive $0xFFFF  }
0x1dd: {  	s5 =	sshll.u32 s10, $0x6;
	s9 =	rddreg [dreg:$0x11]  }
0x1de: {  	s5 =	sor.u32 $0x1C03, s5;
	s11 =	rddreg [dreg:$0x12];
	s9 =	sshrl.u32 s9, $0x3  }
0x1df: {  	[hbm:s11], [sflag:s5] =	dma.local [spmem:s9], $0x2800  }
0x1e0: {  	_ =	swait.ge [sflag:s13], $0x2800  }
0x1e1: {  	s10 =	rddreg [dreg:$0x18]  }
0x1e2: {  	s11 =	rddreg [dreg:$0x13];
	s9 =	sadd.s32 $0x1, s10  }
0x1e3: {  	p0 =	sne.s32 s9, s11  }
.Ltmp2:
0x1e4: {  	_ = 	snop;
	(pc) =	sbr.rel @p0 .LBB2_1-.Ltmp2, $3  }
0x1e5: {  	_ =	sdelay $0x1  }
0x1e6: {  	[sflag:s13] =	ssyncset.done $0x0  }
0x1e7: {  	[sflag:s13] =	ssyncadd.s32 $0xFFFFD800  }
0x1e8: {  	_ =	sfence.sel $0x180000  }
0x1e9: {  	[bflag:$0x0] =	sbarrier.arrive $0xFFFF  }
0x1ea: {  	_ =	strace $0x90000050  }
0x1eb: {  	s0 =	stileid.u32;
	[bflag:$0x2] =	sbarrier.arrive $0xFFFF  }
0x1ec: {  	p0 =	sne.s32 s0, $0x0;
	s0 =	rddreg [dreg:$0x2]  }
0x1ed: {  	s0 =	sadd.s32 @!p0 $0x100000, s0  }
0x1ee: {  	[sflag:s0] =	ssyncadd.tile.s32 @!p0 $0x1;
	_ =	shalt  }
.Lfunc_end2:
_tile_overlayer_lowered:
.L_overlay_start_2:
0x1ef: {  	(tag) =	ssettag $0x2  }
0x1f0: {  	s0 =	rddreg [dreg:$0x0];
	s2 =	stileid.u32  }
0x1f1: {  	s1 =	rddreg [dreg:$0x1];
	p0 =	sne.s32 s2, $0x0  }
0x1f2: {  	s3 =	rddreg [dreg:$0x2];
	[bflag:$0x3] =	sbarrier.arrive $0xFFFF;
	s2 =	simm.s32 @!p0 $0x1C03  }
0x1f3: {  	[timem:s3], [sflag:s2] =	dma.local @!p0 [hbm:s0], s1  }
0x1f4: {  	s0 =	simm.s32 @!p0 $0x3  }
0x1f5: {  	_ =	swait.ge @!p0 [sflag:s0], s1  }
0x1f6: {  	s1 =	ssub.s32 @!p0 $0x0, s1;
	[sflag:s0] =	ssyncset.done @!p0 $0x0  }
0x1f7: {  	[sflag:s0] =	ssyncadd.s32 @!p0 s1  }
0x1f8: {  	[bflag:$0x3] =	sbarrier.arrive $0xFFFF  }
0x1f9: {  	_ =	shalt  }

</sc_bundles>
